<compile_context>
chip_gen: v7x
topology: tpu7x:2x2x1
jax: 0.10.2.dev20260603
libtpu: 0.0.44.dev20260713+nightly
codegen_flags: <defaults>
</compile_context>

<pallas_src>
import functools

import jax
import jax.numpy as jnp
from jax import lax
from jax.experimental import pallas as pl
from jax.experimental.pallas import tpu as pltpu
from jax.experimental.pallas import tpu_sc as plsc

N = 10000
E = 320000
H = 128
EPS = 1e-5

NC = 2
NS = 16
NW = NC * NS
NP = 10240
RPS = NP // NS
DW = 128
EPW = E // NW
C = 40
K = EPW // C
KG = 50
G = K // KG
ZT = RPS // C

_mesh = plsc.VectorSubcoreMesh(core_axis_name="c", subcore_axis_name="s")



def _zero_stripe(buf, acc, si):
    zv = jnp.zeros((16,), jnp.float32)
    width = buf.shape[1]

    def zrow(r, c2):
        for q in range(width // 16):
            buf[r, pl.ds(q * 16, 16)] = zv
        return c2

    lax.fori_loop(0, C, zrow, 0)
    for t in range(ZT):
        pltpu.sync_copy(buf, acc.at[pl.ds(si * RPS + t * C, C)])

@functools.partial(
    pl.kernel,
    out_type=jax.ShapeDtypeStruct((NC, NP, DW), jnp.float32),
    mesh=_mesh,
    scratch_types=[
        pltpu.VMEM((KG, C), jnp.int32),
        pltpu.VMEM((C, DW), jnp.float32),
        pltpu.VMEM_SHARED((NP, DW), jnp.float32),
    ],
)
def _sc_degree(dst_hbm, ones_hbm, out_hbm, dst_v, ones_v, acc):
    ci = lax.axis_index("c")
    si = lax.axis_index("s")
    wid = si * NC + ci
    _zero_stripe(ones_v, acc, si)
    pltpu.sync_copy(ones_hbm, ones_v)
    plsc.subcore_barrier()

    def group(gr, carry):
        pltpu.sync_copy(dst_hbm.at[wid].at[gr], dst_v)

        def body(j, c2):
            pltpu.sync_copy(ones_v, acc.at[dst_v.at[j]], add=True)
            return c2

        lax.fori_loop(0, KG, body, 0)
        return carry

    lax.fori_loop(0, G, group, 0)
    plsc.subcore_barrier()
    pltpu.sync_copy(acc.at[pl.ds(si * RPS, RPS)],
                    out_hbm.at[ci].at[pl.ds(si * RPS, RPS)])


@functools.partial(
    pl.kernel,
    out_type=jax.ShapeDtypeStruct((NC, NP, H), jnp.float32),
    mesh=_mesh,
    scratch_types=[
        pltpu.VMEM((KG, C), jnp.int32),
        pltpu.VMEM((KG, C), jnp.int32),
        pltpu.VMEM((C, H), jnp.float32),
        pltpu.VMEM((C, H), jnp.float32),
        pltpu.VMEM((C, H), jnp.float32),
        pltpu.VMEM((C, H), jnp.float32),
        pltpu.VMEM((C, H), jnp.float32),
        pltpu.VMEM_SHARED((NP, H), jnp.float32),
        pltpu.SemaphoreType.DMA,
        pltpu.SemaphoreType.DMA,
        pltpu.SemaphoreType.DMA,
        pltpu.SemaphoreType.DMA,
        pltpu.SemaphoreType.DMA,
    ],
)
def _sc_segsum(g_hbm, src_hbm, dst_hbm, out_hbm,
               src_v, dst_v, buf0, buf1, buf2, buf3, buf4, acc,
               sem0, sem1, sem2, sem3, sem4):
    ci = lax.axis_index("c")
    si = lax.axis_index("s")
    wid = si * NC + ci
    _zero_stripe(buf0, acc, si)
    plsc.subcore_barrier()

    def group(gr, carry):
        pltpu.sync_copy(src_hbm.at[wid].at[gr], src_v)
        pltpu.sync_copy(dst_hbm.at[wid].at[gr], dst_v)

        pltpu.make_async_copy(g_hbm.at[src_v.at[0]], buf0, sem0).start()
        pltpu.make_async_copy(g_hbm.at[src_v.at[1]], buf1, sem1).start()
        pltpu.make_async_copy(g_hbm.at[src_v.at[2]], buf2, sem2).start()
        pltpu.make_async_copy(g_hbm.at[src_v.at[3]], buf3, sem3).start()

        bufs = (buf0, buf1, buf2, buf3, buf4)
        sems = (sem0, sem1, sem2, sem3, sem4)

        def body(j, c2):
            for p in range(5):
                @pl.when(j % 5 == p)
                def _(p=p):
                    pltpu.make_async_copy(g_hbm.at[src_v.at[j]], bufs[p],
                                          sems[p]).wait()

                    @pl.when(j + 4 < KG)
                    def _():
                        q = (p + 4) % 5
                        pltpu.make_async_copy(g_hbm.at[src_v.at[j + 4]],
                                              bufs[q], sems[q]).start()

                    pltpu.sync_copy(bufs[p], acc.at[dst_v.at[j]], add=True)

            return c2

        lax.fori_loop(0, KG, body, 0)
        return carry

    lax.fori_loop(0, G, group, 0)
    plsc.subcore_barrier()
    pltpu.sync_copy(acc.at[pl.ds(si * RPS, RPS)],
                    out_hbm.at[ci].at[pl.ds(si * RPS, RPS)])



def _tc0_body(x_ref, w_ref, degp_ref, g_ref, dinv_ref):
    deg = 1.0 + degp_ref[0, :N, 0:1] + degp_ref[1, :N, 0:1]
    dinv = lax.rsqrt(deg)
    dinv_ref[...] = dinv
    z = jnp.dot(x_ref[...], w_ref[...], preferred_element_type=jnp.float32)
    g_ref[...] = z * dinv


def _tc_mid_body(p_ref, g_ref, dinv_ref, b_ref, lnw_ref, lnb_ref, wn_ref,
                 h_ref, gn_ref):
    dinv = dinv_ref[...]
    u = (p_ref[0, :N] + p_ref[1, :N] + g_ref[...]) * dinv + b_ref[...]
    mean = jnp.mean(u)
    var = jnp.mean((u - mean) ** 2)
    t = (u - mean) * lax.rsqrt(var + EPS) * lnw_ref[...] + lnb_ref[...]
    h = jnp.maximum(t, 0.0)
    h_ref[...] = h
    z = jnp.dot(h, wn_ref[...], preferred_element_type=jnp.float32)
    gn_ref[...] = z * dinv


def _tc_last_body(p_ref, g_ref, dinv_ref, b_ref, lnw_ref, lnb_ref, h_ref):
    u = (p_ref[0, :N] + p_ref[1, :N] + g_ref[...]) * dinv_ref[...] + b_ref[...]
    mean = jnp.mean(u)
    var = jnp.mean((u - mean) ** 2)
    t = (u - mean) * lax.rsqrt(var + EPS) * lnw_ref[...] + lnb_ref[...]
    h_ref[...] = jnp.maximum(t, 0.0)


def _tc_head_body(h1_ref, h2_ref, h3_ref, mask_ref, wjk_ref, bjk_ref,
                  wfc1_ref, bfc1_ref, wfc2_ref, bfc2_ref, out_ref):
    f = (jnp.dot(h1_ref[...], wjk_ref[0:H], preferred_element_type=jnp.float32)
         + jnp.dot(h2_ref[...], wjk_ref[H:2 * H], preferred_element_type=jnp.float32)
         + jnp.dot(h3_ref[...], wjk_ref[2 * H:3 * H], preferred_element_type=jnp.float32)
         + bjk_ref[...])
    t = jnp.tanh(jnp.dot(f, wfc1_ref[...], preferred_element_type=jnp.float32)
                 + bfc1_ref[...])
    s = jnp.dot(t, wfc2_ref[...], preferred_element_type=jnp.float32) + bfc2_ref[...]
    s = s + mask_ref[...] * -1000000000.0
    m = jnp.max(s)
    e = jnp.exp(s - m)
    out_ref[...] = e / jnp.sum(e)


def _tc_call(body, out_shapes, *args):
    return pl.pallas_call(
        body,
        out_shape=out_shapes,
    )(*args)



def kernel(x, edge_index, mask, W1, b1, W2, b2, W3, b3, ln_w1, ln_b1,
           ln_w2, ln_b2, ln_w3, ln_b3, Wjk, bjk, Wfc1, bfc1, Wfc2, bfc2):
    src = edge_index[0].reshape(NW, G, KG, C)
    dst = edge_index[1].reshape(NW, G, KG, C)
    ones_d = jnp.ones((C, DW), jnp.float32)

    degp = _sc_degree(dst, ones_d)

    f32 = jnp.float32
    g1, dinv = _tc_call(
        _tc0_body,
        (jax.ShapeDtypeStruct((N, H), f32), jax.ShapeDtypeStruct((N, 1), f32)),
        x, W1, degp)

    nh = jax.ShapeDtypeStruct((N, H), f32)
    p1 = _sc_segsum(g1, src, dst)
    h1, g2 = _tc_call(
        _tc_mid_body, (nh, nh),
        p1, g1, dinv, b1.reshape(1, H), ln_w1.reshape(1, H),
        ln_b1.reshape(1, H), W2)

    p2 = _sc_segsum(g2, src, dst)
    h2, g3 = _tc_call(
        _tc_mid_body, (nh, nh),
        p2, g2, dinv, b2.reshape(1, H), ln_w2.reshape(1, H),
        ln_b2.reshape(1, H), W3)

    p3 = _sc_segsum(g3, src, dst)
    h3 = _tc_call(
        _tc_last_body, nh,
        p3, g3, dinv, b3.reshape(1, H), ln_w3.reshape(1, H),
        ln_b3.reshape(1, H))

    prob = _tc_call(
        _tc_head_body, jax.ShapeDtypeStruct((N, 1), f32),
        h1, h2, h3, mask.astype(f32), Wjk, bjk.reshape(1, H),
        Wfc1, bfc1.reshape(1, H // 2), Wfc2, bfc2.reshape(1, 1))

    return prob.reshape(N)

# --- scband reference (transcript-rebuilt; emitter-appended) ---
"""Pipeline reference for scband-actor-6786048328271 (READ-ONLY COPY).

The authoritative reference and input builder live on the scoring server;
editing this copy changes nothing except your own understanding.
"""

import jax, jax.numpy as jnp
import numpy as np

N = 10000
E = 320000
D = 128
H = 128
NUM_LAYERS = 3
EPS = 1e-5

def setup_inputs(seed: int = 0):
    key = jax.random.key(seed)
    ks = jax.random.split(key, 24)
    inp = {}
    inp["x"] = jax.random.normal(ks[0], (N, D), dtype=jnp.float32)
    inp["edge_index"] = jax.random.randint(ks[1], (2, E), 0, N, dtype=jnp.int32)
    inp["mask"] = jnp.zeros((N, 1), dtype=jnp.bool_)
    def lin(k, fan_in, fan_out):
        s = 1.0 / np.sqrt(fan_in)
        return jax.random.uniform(k, (fan_in, fan_out), jnp.float32, -s, s)
    inp["W1"] = lin(ks[2], D, H); inp["b1"] = jnp.zeros((H,), jnp.float32)
    inp["W2"] = lin(ks[3], H, H); inp["b2"] = jnp.zeros((H,), jnp.float32)
    inp["W3"] = lin(ks[4], H, H); inp["b3"] = jnp.zeros((H,), jnp.float32)
    inp["ln_w1"] = jnp.ones((H,), jnp.float32); inp["ln_b1"] = jnp.zeros((H,), jnp.float32)
    inp["ln_w2"] = jnp.ones((H,), jnp.float32); inp["ln_b2"] = jnp.zeros((H,), jnp.float32)
    inp["ln_w3"] = jnp.ones((H,), jnp.float32); inp["ln_b3"] = jnp.zeros((H,), jnp.float32)
    inp["Wjk"] = lin(ks[5], NUM_LAYERS * H, H); inp["bjk"] = jnp.zeros((H,), jnp.float32)
    inp["Wfc1"] = lin(ks[6], H, H // 2); inp["bfc1"] = jnp.zeros((H // 2,), jnp.float32)
    inp["Wfc2"] = lin(ks[7], H // 2, 1); inp["bfc2"] = jnp.zeros((1,), jnp.float32)
    return inp

def gcn_conv(x, src, dst, W, b):
    n = x.shape[0]
    loop = jnp.arange(n, dtype=src.dtype)
    s = jnp.concatenate([src, loop])
    d = jnp.concatenate([dst, loop])
    deg = jax.ops.segment_sum(jnp.ones(s.shape, dtype=x.dtype), d, num_segments=n)
    dinv = jnp.where(deg > 0, 1.0 / jnp.sqrt(deg), 0.0)
    norm = dinv[s] * dinv[d]
    h = x @ W
    msg = h[s] * norm[:, None]
    out = jax.ops.segment_sum(msg, d, num_segments=n)
    return out + b

def graph_layernorm(x, w, b):
    mean = jnp.mean(x)
    var = jnp.mean((x - mean) ** 2)
    out = (x - mean) / jnp.sqrt(var + EPS)
    return out * w + b

def reference(x, edge_index, mask, W1, b1, W2, b2, W3, b3, ln_w1, ln_b1, ln_w2, ln_b2, ln_w3, ln_b3, Wjk, bjk, Wfc1, bfc1, Wfc2, bfc2):
    src = edge_index[0]
    dst = edge_index[1]
    xs = []
    h = x
    for (W, b, lw, lb) in ((W1, b1, ln_w1, ln_b1), (W2, b2, ln_w2, ln_b2), (W3, b3, ln_w3, ln_b3)):
        h = gcn_conv(h, src, dst, W, b)
        h = graph_layernorm(h, lw, lb)
        h = jax.nn.relu(h)
        xs.append(h)
    h = jnp.concatenate(xs, axis=-1) @ Wjk + bjk
    h = jnp.tanh(h @ Wfc1 + bfc1)
    h = h @ Wfc2 + bfc2
    h = h + mask.astype(jnp.float32) * -1000000000.0
    prob = jax.nn.softmax(h, axis=0)[:, 0]
    return prob

if __name__ == "__main__":
    import jax
    _d = setup_inputs()
    print(jax.jit(kernel)(*tuple(_d.values())))

</pallas_src>

<mosaic_0001>
#map = affine_map<(d0, d1) -> (0, 0)>
#map1 = affine_map<(d0, d1) -> (0, 0, 0, 0)>
#map2 = affine_map<(d0, d1) -> (0, 0, 0)>
module attributes {stable_mosaic.version = 14 : i64} {
  func.func @_sc_segsum(%arg0: i32, %arg1: i32, %arg2: memref<10000x128xf32, #tpu.memory_space<hbm>>, %arg3: memref<32x5x50x40xi32, #tpu.memory_space<hbm>>, %arg4: memref<32x5x50x40xi32, #tpu.memory_space<hbm>>, %arg5: memref<2x10240x128xf32, #tpu.memory_space<hbm>>, %arg6: memref<50x40xi32, #tpu.memory_space<vmem>>, %arg7: memref<50x40xi32, #tpu.memory_space<vmem>>, %arg8: memref<40x128xf32, #tpu.memory_space<vmem>>, %arg9: memref<40x128xf32, #tpu.memory_space<vmem>>, %arg10: memref<40x128xf32, #tpu.memory_space<vmem>>, %arg11: memref<40x128xf32, #tpu.memory_space<vmem>>, %arg12: memref<40x128xf32, #tpu.memory_space<vmem>>, %arg13: memref<10240x128xf32, #tpu.memory_space<vmem_shared>>, %arg14: memref<!tpu.dma_semaphore, #tpu.memory_space<semaphore_mem>>, %arg15: memref<!tpu.dma_semaphore, #tpu.memory_space<semaphore_mem>>, %arg16: memref<!tpu.dma_semaphore, #tpu.memory_space<semaphore_mem>>, %arg17: memref<!tpu.dma_semaphore, #tpu.memory_space<semaphore_mem>>, %arg18: memref<!tpu.dma_semaphore, #tpu.memory_space<semaphore_mem>>) attributes {dimension_semantics = [#tpu.dimension_semantics<core_parallel>, #tpu.dimension_semantics<subcore_parallel>], iteration_bounds = array<i64: 2, 16>, scalar_prefetch = 0 : i64, scratch_operands = 13 : i64, tpu.core_type = #tpu.core_type<sc_vector_subcore>, window_params = [{transform_indices = #map}, {transform_indices = #map1}, {transform_indices = #map1}, {transform_indices = #map2}]} {
    %mul3A = arith.constant 2 : i32
    %mul3A_0 = arith.muli %arg1, %mul3A : i32
    %add3A = arith.addi %mul3A_0, %arg0 : i32
    %broadcast_in_dim3A = arith.constant 0.000000e+00 : f32
    %broadcast_in_dim3A_1 = vector.broadcast %broadcast_in_dim3A : f32 to vector<16xf32>
    %scan3A = arith.constant 0 : i32
    %scan3A_2 = arith.constant 0 : i32
    %scan3A_3 = arith.constant 40 : i32
    %scan3A_4 = arith.addi %scan3A_2, %scan3A_3 : i32
    %scan3A_5 = arith.constant 1 : i32
    scf.for %scan3A_82 = %scan3A_2 to %scan3A_4 step %scan3A_5  : i32 {
      %swap3A = arith.index_cast %scan3A_82 : i32 to index
      %swap3A_83 = arith.constant 0 : index
      %swap3A_84 = tpu.vector_load %arg8[%swap3A, %swap3A_83] {strides = array<i32>} : memref<40x128xf32, #tpu.memory_space<vmem>>, vector<1x16xf32>,
      %swap3A_85 = vector.shape_cast %swap3A_84 : vector<1x16xf32> to vector<16xf32>
      %swap3A_86 = vector.shape_cast %broadcast_in_dim3A_1 : vector<16xf32> to vector<1x16xf32>
      tpu.vector_store %arg8[%swap3A, %swap3A_83], %swap3A_86 {strides = array<i32>} : memref<40x128xf32, #tpu.memory_space<vmem>>, vector<1x16xf32>,
      %swap3A_87 = arith.index_cast %scan3A_82 : i32 to index
      %swap3A_88 = arith.constant 16 : index
      %swap3A_89 = tpu.vector_load %arg8[%swap3A_87, %swap3A_88] {strides = array<i32>} : memref<40x128xf32, #tpu.memory_space<vmem>>, vector<1x16xf32>,
      %swap3A_90 = vector.shape_cast %swap3A_89 : vector<1x16xf32> to vector<16xf32>
      %swap3A_91 = vector.shape_cast %broadcast_in_dim3A_1 : vector<16xf32> to vector<1x16xf32>
      tpu.vector_store %arg8[%swap3A_87, %swap3A_88], %swap3A_91 {strides = array<i32>} : memref<40x128xf32, #tpu.memory_space<vmem>>, vector<1x16xf32>,
      %swap3A_92 = arith.index_cast %scan3A_82 : i32 to index
      %swap3A_93 = arith.constant 32 : index
      %swap3A_94 = tpu.vector_load %arg8[%swap3A_92, %swap3A_93] {strides = array<i32>} : memref<40x128xf32, #tpu.memory_space<vmem>>, vector<1x16xf32>,
      %swap3A_95 = vector.shape_cast %swap3A_94 : vector<1x16xf32> to vector<16xf32>
      %swap3A_96 = vector.shape_cast %broadcast_in_dim3A_1 : vector<16xf32> to vector<1x16xf32>
      tpu.vector_store %arg8[%swap3A_92, %swap3A_93], %swap3A_96 {strides = array<i32>} : memref<40x128xf32, #tpu.memory_space<vmem>>, vector<1x16xf32>,
      %swap3A_97 = arith.index_cast %scan3A_82 : i32 to index
      %swap3A_98 = arith.constant 48 : index
      %swap3A_99 = tpu.vector_load %arg8[%swap3A_97, %swap3A_98] {strides = array<i32>} : memref<40x128xf32, #tpu.memory_space<vmem>>, vector<1x16xf32>,
      %swap3A_100 = vector.shape_cast %swap3A_99 : vector<1x16xf32> to vector<16xf32>
      %swap3A_101 = vector.shape_cast %broadcast_in_dim3A_1 : vector<16xf32> to vector<1x16xf32>
      tpu.vector_store %arg8[%swap3A_97, %swap3A_98], %swap3A_101 {strides = array<i32>} : memref<40x128xf32, #tpu.memory_space<vmem>>, vector<1x16xf32>,
      %swap3A_102 = arith.index_cast %scan3A_82 : i32 to index
      %swap3A_103 = arith.constant 64 : index
      %swap3A_104 = tpu.vector_load %arg8[%swap3A_102, %swap3A_103] {strides = array<i32>} : memref<40x128xf32, #tpu.memory_space<vmem>>, vector<1x16xf32>,
      %swap3A_105 = vector.shape_cast %swap3A_104 : vector<1x16xf32> to vector<16xf32>
      %swap3A_106 = vector.shape_cast %broadcast_in_dim3A_1 : vector<16xf32> to vector<1x16xf32>
      tpu.vector_store %arg8[%swap3A_102, %swap3A_103], %swap3A_106 {strides = array<i32>} : memref<40x128xf32, #tpu.memory_space<vmem>>, vector<1x16xf32>,
      %swap3A_107 = arith.index_cast %scan3A_82 : i32 to index
      %swap3A_108 = arith.constant 80 : index
      %swap3A_109 = tpu.vector_load %arg8[%swap3A_107, %swap3A_108] {strides = array<i32>} : memref<40x128xf32, #tpu.memory_space<vmem>>, vector<1x16xf32>,
      %swap3A_110 = vector.shape_cast %swap3A_109 : vector<1x16xf32> to vector<16xf32>
      %swap3A_111 = vector.shape_cast %broadcast_in_dim3A_1 : vector<16xf32> to vector<1x16xf32>
      tpu.vector_store %arg8[%swap3A_107, %swap3A_108], %swap3A_111 {strides = array<i32>} : memref<40x128xf32, #tpu.memory_space<vmem>>, vector<1x16xf32>,
      %swap3A_112 = arith.index_cast %scan3A_82 : i32 to index
      %swap3A_113 = arith.constant 96 : index
      %swap3A_114 = tpu.vector_load %arg8[%swap3A_112, %swap3A_113] {strides = array<i32>} : memref<40x128xf32, #tpu.memory_space<vmem>>, vector<1x16xf32>,
      %swap3A_115 = vector.shape_cast %swap3A_114 : vector<1x16xf32> to vector<16xf32>
      %swap3A_116 = vector.shape_cast %broadcast_in_dim3A_1 : vector<16xf32> to vector<1x16xf32>
      tpu.vector_store %arg8[%swap3A_112, %swap3A_113], %swap3A_116 {strides = array<i32>} : memref<40x128xf32, #tpu.memory_space<vmem>>, vector<1x16xf32>,
      %swap3A_117 = arith.index_cast %scan3A_82 : i32 to index
      %swap3A_118 = arith.constant 112 : index
      %swap3A_119 = tpu.vector_load %arg8[%swap3A_117, %swap3A_118] {strides = array<i32>} : memref<40x128xf32, #tpu.memory_space<vmem>>, vector<1x16xf32>,
      %swap3A_120 = vector.shape_cast %swap3A_119 : vector<1x16xf32> to vector<16xf32>
      %swap3A_121 = vector.shape_cast %broadcast_in_dim3A_1 : vector<16xf32> to vector<1x16xf32>
      tpu.vector_store %arg8[%swap3A_117, %swap3A_118], %swap3A_121 {strides = array<i32>} : memref<40x128xf32, #tpu.memory_space<vmem>>, vector<1x16xf32>,
    }
    %scan3A_6 = arith.constant 40 : i32
    %mul3A_7 = arith.constant 640 : i32
    %mul3A_8 = arith.muli %arg1, %mul3A_7 : i32
    %add3A_9 = arith.constant 0 : i32
    %add3A_10 = arith.addi %mul3A_8, %add3A_9 : i32
    "tpu.region"() ({
      %run_scoped3A = tpu.sem_alloc : memref<!tpu.dma_semaphore, #tpu.memory_space<semaphore_mem>>
      %dma_start3A = arith.constant 0 : i32
      %dma_start3A_82 = tpu.memref_slice %arg13[%add3A_10, %dma_start3A] : memref<10240x128xf32, #tpu.memory_space<vmem_shared>> -> memref<40x128xf32, #tpu.memory_space<vmem_shared>>
      %dma_start3A_83 = arith.constant 0 : i32
      %dma_start3A_84 = tpu.memref_slice %arg13[%add3A_10, %dma_start3A_83] : memref<10240x128xf32, #tpu.memory_space<vmem_shared>> -> memref<40x128xf32, #tpu.memory_space<vmem_shared>>
      tpu.enqueue_dma source(%arg8 : memref<40x128xf32, #tpu.memory_space<vmem>>) target(%dma_start3A_84 : memref<40x128xf32, #tpu.memory_space<vmem_shared>>) target_semaphore(%run_scoped3A : memref<!tpu.dma_semaphore, #tpu.memory_space<semaphore_mem>>)
      %dma_wait3A = arith.constant 0 : i32
      %dma_wait3A_85 = tpu.memref_slice %arg13[%add3A_10, %dma_wait3A] : memref<10240x128xf32, #tpu.memory_space<vmem_shared>> -> memref<40x128xf32, #tpu.memory_space<vmem_shared>>
      %dma_wait3A_86 = arith.constant 0 : i32
      %dma_wait3A_87 = tpu.memref_slice %arg13[%add3A_10, %dma_wait3A_86] : memref<10240x128xf32, #tpu.memory_space<vmem_shared>> -> memref<40x128xf32, #tpu.memory_space<vmem_shared>>
      tpu.wait_dma2 semaphore(%run_scoped3A : memref<!tpu.dma_semaphore, #tpu.memory_space<semaphore_mem>>) src(%arg8 : memref<40x128xf32, #tpu.memory_space<vmem>>) dst(%dma_wait3A_87 : memref<40x128xf32, #tpu.memory_space<vmem_shared>>)
      tpu.yield
    }) : () -> ()
    %mul3A_11 = arith.constant 640 : i32
    %mul3A_12 = arith.muli %arg1, %mul3A_11 : i32
    %add3A_13 = arith.constant 40 : i32
    %add3A_14 = arith.addi %mul3A_12, %add3A_13 : i32
    "tpu.region"() ({
      %run_scoped3A = tpu.sem_alloc : memref<!tpu.dma_semaphore, #tpu.memory_space<semaphore_mem>>
      %dma_start3A = arith.constant 0 : i32
      %dma_start3A_82 = tpu.memref_slice %arg13[%add3A_14, %dma_start3A] : memref<10240x128xf32, #tpu.memory_space<vmem_shared>> -> memref<40x128xf32, #tpu.memory_space<vmem_shared>>
      %dma_start3A_83 = arith.constant 0 : i32
      %dma_start3A_84 = tpu.memref_slice %arg13[%add3A_14, %dma_start3A_83] : memref<10240x128xf32, #tpu.memory_space<vmem_shared>> -> memref<40x128xf32, #tpu.memory_space<vmem_shared>>
      tpu.enqueue_dma source(%arg8 : memref<40x128xf32, #tpu.memory_space<vmem>>) target(%dma_start3A_84 : memref<40x128xf32, #tpu.memory_space<vmem_shared>>) target_semaphore(%run_scoped3A : memref<!tpu.dma_semaphore, #tpu.memory_space<semaphore_mem>>)
      %dma_wait3A = arith.constant 0 : i32
      %dma_wait3A_85 = tpu.memref_slice %arg13[%add3A_14, %dma_wait3A] : memref<10240x128xf32, #tpu.memory_space<vmem_shared>> -> memref<40x128xf32, #tpu.memory_space<vmem_shared>>
      %dma_wait3A_86 = arith.constant 0 : i32
      %dma_wait3A_87 = tpu.memref_slice %arg13[%add3A_14, %dma_wait3A_86] : memref<10240x128xf32, #tpu.memory_space<vmem_shared>> -> memref<40x128xf32, #tpu.memory_space<vmem_shared>>
      tpu.wait_dma2 semaphore(%run_scoped3A : memref<!tpu.dma_semaphore, #tpu.memory_space<semaphore_mem>>) src(%arg8 : memref<40x128xf32, #tpu.memory_space<vmem>>) dst(%dma_wait3A_87 : memref<40x128xf32, #tpu.memory_space<vmem_shared>>)
      tpu.yield
    }) : () -> ()
    %mul3A_15 = arith.constant 640 : i32
    %mul3A_16 = arith.muli %arg1, %mul3A_15 : i32
    %add3A_17 = arith.constant 80 : i32
    %add3A_18 = arith.addi %mul3A_16, %add3A_17 : i32
    "tpu.region"() ({
      %run_scoped3A = tpu.sem_alloc : memref<!tpu.dma_semaphore, #tpu.memory_space<semaphore_mem>>
      %dma_start3A = arith.constant 0 : i32
      %dma_start3A_82 = tpu.memref_slice %arg13[%add3A_18, %dma_start3A] : memref<10240x128xf32, #tpu.memory_space<vmem_shared>> -> memref<40x128xf32, #tpu.memory_space<vmem_shared>>
      %dma_start3A_83 = arith.constant 0 : i32
      %dma_start3A_84 = tpu.memref_slice %arg13[%add3A_18, %dma_start3A_83] : memref<10240x128xf32, #tpu.memory_space<vmem_shared>> -> memref<40x128xf32, #tpu.memory_space<vmem_shared>>
      tpu.enqueue_dma source(%arg8 : memref<40x128xf32, #tpu.memory_space<vmem>>) target(%dma_start3A_84 : memref<40x128xf32, #tpu.memory_space<vmem_shared>>) target_semaphore(%run_scoped3A : memref<!tpu.dma_semaphore, #tpu.memory_space<semaphore_mem>>)
      %dma_wait3A = arith.constant 0 : i32
      %dma_wait3A_85 = tpu.memref_slice %arg13[%add3A_18, %dma_wait3A] : memref<10240x128xf32, #tpu.memory_space<vmem_shared>> -> memref<40x128xf32, #tpu.memory_space<vmem_shared>>
      %dma_wait3A_86 = arith.constant 0 : i32
      %dma_wait3A_87 = tpu.memref_slice %arg13[%add3A_18, %dma_wait3A_86] : memref<10240x128xf32, #tpu.memory_space<vmem_shared>> -> memref<40x128xf32, #tpu.memory_space<vmem_shared>>
      tpu.wait_dma2 semaphore(%run_scoped3A : memref<!tpu.dma_semaphore, #tpu.memory_space<semaphore_mem>>) src(%arg8 : memref<40x128xf32, #tpu.memory_space<vmem>>) dst(%dma_wait3A_87 : memref<40x128xf32, #tpu.memory_space<vmem_shared>>)
      tpu.yield
    }) : () -> ()
    %mul3A_19 = arith.constant 640 : i32
    %mul3A_20 = arith.muli %arg1, %mul3A_19 : i32
    %add3A_21 = arith.constant 120 : i32
    %add3A_22 = arith.addi %mul3A_20, %add3A_21 : i32
    "tpu.region"() ({
      %run_scoped3A = tpu.sem_alloc : memref<!tpu.dma_semaphore, #tpu.memory_space<semaphore_mem>>
      %dma_start3A = arith.constant 0 : i32
      %dma_start3A_82 = tpu.memref_slice %arg13[%add3A_22, %dma_start3A] : memref<10240x128xf32, #tpu.memory_space<vmem_shared>> -> memref<40x128xf32, #tpu.memory_space<vmem_shared>>
      %dma_start3A_83 = arith.constant 0 : i32
      %dma_start3A_84 = tpu.memref_slice %arg13[%add3A_22, %dma_start3A_83] : memref<10240x128xf32, #tpu.memory_space<vmem_shared>> -> memref<40x128xf32, #tpu.memory_space<vmem_shared>>
      tpu.enqueue_dma source(%arg8 : memref<40x128xf32, #tpu.memory_space<vmem>>) target(%dma_start3A_84 : memref<40x128xf32, #tpu.memory_space<vmem_shared>>) target_semaphore(%run_scoped3A : memref<!tpu.dma_semaphore, #tpu.memory_space<semaphore_mem>>)
      %dma_wait3A = arith.constant 0 : i32
      %dma_wait3A_85 = tpu.memref_slice %arg13[%add3A_22, %dma_wait3A] : memref<10240x128xf32, #tpu.memory_space<vmem_shared>> -> memref<40x128xf32, #tpu.memory_space<vmem_shared>>
      %dma_wait3A_86 = arith.constant 0 : i32
      %dma_wait3A_87 = tpu.memref_slice %arg13[%add3A_22, %dma_wait3A_86] : memref<10240x128xf32, #tpu.memory_space<vmem_shared>> -> memref<40x128xf32, #tpu.memory_space<vmem_shared>>
      tpu.wait_dma2 semaphore(%run_scoped3A : memref<!tpu.dma_semaphore, #tpu.memory_space<semaphore_mem>>) src(%arg8 : memref<40x128xf32, #tpu.memory_space<vmem>>) dst(%dma_wait3A_87 : memref<40x128xf32, #tpu.memory_space<vmem_shared>>)
      tpu.yield
    }) : () -> ()
    %mul3A_23 = arith.constant 640 : i32
    %mul3A_24 = arith.muli %arg1, %mul3A_23 : i32
    %add3A_25 = arith.constant 160 : i32
    %add3A_26 = arith.addi %mul3A_24, %add3A_25 : i32
    "tpu.region"() ({
      %run_scoped3A = tpu.sem_alloc : memref<!tpu.dma_semaphore, #tpu.memory_space<semaphore_mem>>
      %dma_start3A = arith.constant 0 : i32
      %dma_start3A_82 = tpu.memref_slice %arg13[%add3A_26, %dma_start3A] : memref<10240x128xf32, #tpu.memory_space<vmem_shared>> -> memref<40x128xf32, #tpu.memory_space<vmem_shared>>
      %dma_start3A_83 = arith.constant 0 : i32
      %dma_start3A_84 = tpu.memref_slice %arg13[%add3A_26, %dma_start3A_83] : memref<10240x128xf32, #tpu.memory_space<vmem_shared>> -> memref<40x128xf32, #tpu.memory_space<vmem_shared>>
      tpu.enqueue_dma source(%arg8 : memref<40x128xf32, #tpu.memory_space<vmem>>) target(%dma_start3A_84 : memref<40x128xf32, #tpu.memory_space<vmem_shared>>) target_semaphore(%run_scoped3A : memref<!tpu.dma_semaphore, #tpu.memory_space<semaphore_mem>>)
      %dma_wait3A = arith.constant 0 : i32
      %dma_wait3A_85 = tpu.memref_slice %arg13[%add3A_26, %dma_wait3A] : memref<10240x128xf32, #tpu.memory_space<vmem_shared>> -> memref<40x128xf32, #tpu.memory_space<vmem_shared>>
      %dma_wait3A_86 = arith.constant 0 : i32
      %dma_wait3A_87 = tpu.memref_slice %arg13[%add3A_26, %dma_wait3A_86] : memref<10240x128xf32, #tpu.memory_space<vmem_shared>> -> memref<40x128xf32, #tpu.memory_space<vmem_shared>>
      tpu.wait_dma2 semaphore(%run_scoped3A : memref<!tpu.dma_semaphore, #tpu.memory_space<semaphore_mem>>) src(%arg8 : memref<40x128xf32, #tpu.memory_space<vmem>>) dst(%dma_wait3A_87 : memref<40x128xf32, #tpu.memory_space<vmem_shared>>)
      tpu.yield
    }) : () -> ()
    %mul3A_27 = arith.constant 640 : i32
    %mul3A_28 = arith.muli %arg1, %mul3A_27 : i32
    %add3A_29 = arith.constant 200 : i32
    %add3A_30 = arith.addi %mul3A_28, %add3A_29 : i32
    "tpu.region"() ({
      %run_scoped3A = tpu.sem_alloc : memref<!tpu.dma_semaphore, #tpu.memory_space<semaphore_mem>>
      %dma_start3A = arith.constant 0 : i32
      %dma_start3A_82 = tpu.memref_slice %arg13[%add3A_30, %dma_start3A] : memref<10240x128xf32, #tpu.memory_space<vmem_shared>> -> memref<40x128xf32, #tpu.memory_space<vmem_shared>>
      %dma_start3A_83 = arith.constant 0 : i32
      %dma_start3A_84 = tpu.memref_slice %arg13[%add3A_30, %dma_start3A_83] : memref<10240x128xf32, #tpu.memory_space<vmem_shared>> -> memref<40x128xf32, #tpu.memory_space<vmem_shared>>
      tpu.enqueue_dma source(%arg8 : memref<40x128xf32, #tpu.memory_space<vmem>>) target(%dma_start3A_84 : memref<40x128xf32, #tpu.memory_space<vmem_shared>>) target_semaphore(%run_scoped3A : memref<!tpu.dma_semaphore, #tpu.memory_space<semaphore_mem>>)
      %dma_wait3A = arith.constant 0 : i32
      %dma_wait3A_85 = tpu.memref_slice %arg13[%add3A_30, %dma_wait3A] : memref<10240x128xf32, #tpu.memory_space<vmem_shared>> -> memref<40x128xf32, #tpu.memory_space<vmem_shared>>
      %dma_wait3A_86 = arith.constant 0 : i32
      %dma_wait3A_87 = tpu.memref_slice %arg13[%add3A_30, %dma_wait3A_86] : memref<10240x128xf32, #tpu.memory_space<vmem_shared>> -> memref<40x128xf32, #tpu.memory_space<vmem_shared>>
      tpu.wait_dma2 semaphore(%run_scoped3A : memref<!tpu.dma_semaphore, #tpu.memory_space<semaphore_mem>>) src(%arg8 : memref<40x128xf32, #tpu.memory_space<vmem>>) dst(%dma_wait3A_87 : memref<40x128xf32, #tpu.memory_space<vmem_shared>>)
      tpu.yield
    }) : () -> ()
    %mul3A_31 = arith.constant 640 : i32
    %mul3A_32 = arith.muli %arg1, %mul3A_31 : i32
    %add3A_33 = arith.constant 240 : i32
    %add3A_34 = arith.addi %mul3A_32, %add3A_33 : i32
    "tpu.region"() ({
      %run_scoped3A = tpu.sem_alloc : memref<!tpu.dma_semaphore, #tpu.memory_space<semaphore_mem>>
      %dma_start3A = arith.constant 0 : i32
      %dma_start3A_82 = tpu.memref_slice %arg13[%add3A_34, %dma_start3A] : memref<10240x128xf32, #tpu.memory_space<vmem_shared>> -> memref<40x128xf32, #tpu.memory_space<vmem_shared>>
      %dma_start3A_83 = arith.constant 0 : i32
      %dma_start3A_84 = tpu.memref_slice %arg13[%add3A_34, %dma_start3A_83] : memref<10240x128xf32, #tpu.memory_space<vmem_shared>> -> memref<40x128xf32, #tpu.memory_space<vmem_shared>>
      tpu.enqueue_dma source(%arg8 : memref<40x128xf32, #tpu.memory_space<vmem>>) target(%dma_start3A_84 : memref<40x128xf32, #tpu.memory_space<vmem_shared>>) target_semaphore(%run_scoped3A : memref<!tpu.dma_semaphore, #tpu.memory_space<semaphore_mem>>)
      %dma_wait3A = arith.constant 0 : i32
      %dma_wait3A_85 = tpu.memref_slice %arg13[%add3A_34, %dma_wait3A] : memref<10240x128xf32, #tpu.memory_space<vmem_shared>> -> memref<40x128xf32, #tpu.memory_space<vmem_shared>>
      %dma_wait3A_86 = arith.constant 0 : i32
      %dma_wait3A_87 = tpu.memref_slice %arg13[%add3A_34, %dma_wait3A_86] : memref<10240x128xf32, #tpu.memory_space<vmem_shared>> -> memref<40x128xf32, #tpu.memory_space<vmem_shared>>
      tpu.wait_dma2 semaphore(%run_scoped3A : memref<!tpu.dma_semaphore, #tpu.memory_space<semaphore_mem>>) src(%arg8 : memref<40x128xf32, #tpu.memory_space<vmem>>) dst(%dma_wait3A_87 : memref<40x128xf32, #tpu.memory_space<vmem_shared>>)
      tpu.yield
    }) : () -> ()
    %mul3A_35 = arith.constant 640 : i32
    %mul3A_36 = arith.muli %arg1, %mul3A_35 : i32
    %add3A_37 = arith.constant 280 : i32
    %add3A_38 = arith.addi %mul3A_36, %add3A_37 : i32
    "tpu.region"() ({
      %run_scoped3A = tpu.sem_alloc : memref<!tpu.dma_semaphore, #tpu.memory_space<semaphore_mem>>
      %dma_start3A = arith.constant 0 : i32
      %dma_start3A_82 = tpu.memref_slice %arg13[%add3A_38, %dma_start3A] : memref<10240x128xf32, #tpu.memory_space<vmem_shared>> -> memref<40x128xf32, #tpu.memory_space<vmem_shared>>
      %dma_start3A_83 = arith.constant 0 : i32
      %dma_start3A_84 = tpu.memref_slice %arg13[%add3A_38, %dma_start3A_83] : memref<10240x128xf32, #tpu.memory_space<vmem_shared>> -> memref<40x128xf32, #tpu.memory_space<vmem_shared>>
      tpu.enqueue_dma source(%arg8 : memref<40x128xf32, #tpu.memory_space<vmem>>) target(%dma_start3A_84 : memref<40x128xf32, #tpu.memory_space<vmem_shared>>) target_semaphore(%run_scoped3A : memref<!tpu.dma_semaphore, #tpu.memory_space<semaphore_mem>>)
      %dma_wait3A = arith.constant 0 : i32
      %dma_wait3A_85 = tpu.memref_slice %arg13[%add3A_38, %dma_wait3A] : memref<10240x128xf32, #tpu.memory_space<vmem_shared>> -> memref<40x128xf32, #tpu.memory_space<vmem_shared>>
      %dma_wait3A_86 = arith.constant 0 : i32
      %dma_wait3A_87 = tpu.memref_slice %arg13[%add3A_38, %dma_wait3A_86] : memref<10240x128xf32, #tpu.memory_space<vmem_shared>> -> memref<40x128xf32, #tpu.memory_space<vmem_shared>>
      tpu.wait_dma2 semaphore(%run_scoped3A : memref<!tpu.dma_semaphore, #tpu.memory_space<semaphore_mem>>) src(%arg8 : memref<40x128xf32, #tpu.memory_space<vmem>>) dst(%dma_wait3A_87 : memref<40x128xf32, #tpu.memory_space<vmem_shared>>)
      tpu.yield
    }) : () -> ()
    %mul3A_39 = arith.constant 640 : i32
    %mul3A_40 = arith.muli %arg1, %mul3A_39 : i32
    %add3A_41 = arith.constant 320 : i32
    %add3A_42 = arith.addi %mul3A_40, %add3A_41 : i32
    "tpu.region"() ({
      %run_scoped3A = tpu.sem_alloc : memref<!tpu.dma_semaphore, #tpu.memory_space<semaphore_mem>>
      %dma_start3A = arith.constant 0 : i32
      %dma_start3A_82 = tpu.memref_slice %arg13[%add3A_42, %dma_start3A] : memref<10240x128xf32, #tpu.memory_space<vmem_shared>> -> memref<40x128xf32, #tpu.memory_space<vmem_shared>>
      %dma_start3A_83 = arith.constant 0 : i32
      %dma_start3A_84 = tpu.memref_slice %arg13[%add3A_42, %dma_start3A_83] : memref<10240x128xf32, #tpu.memory_space<vmem_shared>> -> memref<40x128xf32, #tpu.memory_space<vmem_shared>>
      tpu.enqueue_dma source(%arg8 : memref<40x128xf32, #tpu.memory_space<vmem>>) target(%dma_start3A_84 : memref<40x128xf32, #tpu.memory_space<vmem_shared>>) target_semaphore(%run_scoped3A : memref<!tpu.dma_semaphore, #tpu.memory_space<semaphore_mem>>)
      %dma_wait3A = arith.constant 0 : i32
      %dma_wait3A_85 = tpu.memref_slice %arg13[%add3A_42, %dma_wait3A] : memref<10240x128xf32, #tpu.memory_space<vmem_shared>> -> memref<40x128xf32, #tpu.memory_space<vmem_shared>>
      %dma_wait3A_86 = arith.constant 0 : i32
      %dma_wait3A_87 = tpu.memref_slice %arg13[%add3A_42, %dma_wait3A_86] : memref<10240x128xf32, #tpu.memory_space<vmem_shared>> -> memref<40x128xf32, #tpu.memory_space<vmem_shared>>
      tpu.wait_dma2 semaphore(%run_scoped3A : memref<!tpu.dma_semaphore, #tpu.memory_space<semaphore_mem>>) src(%arg8 : memref<40x128xf32, #tpu.memory_space<vmem>>) dst(%dma_wait3A_87 : memref<40x128xf32, #tpu.memory_space<vmem_shared>>)
      tpu.yield
    }) : () -> ()
    %mul3A_43 = arith.constant 640 : i32
    %mul3A_44 = arith.muli %arg1, %mul3A_43 : i32
    %add3A_45 = arith.constant 360 : i32
    %add3A_46 = arith.addi %mul3A_44, %add3A_45 : i32
    "tpu.region"() ({
      %run_scoped3A = tpu.sem_alloc : memref<!tpu.dma_semaphore, #tpu.memory_space<semaphore_mem>>
      %dma_start3A = arith.constant 0 : i32
      %dma_start3A_82 = tpu.memref_slice %arg13[%add3A_46, %dma_start3A] : memref<10240x128xf32, #tpu.memory_space<vmem_shared>> -> memref<40x128xf32, #tpu.memory_space<vmem_shared>>
      %dma_start3A_83 = arith.constant 0 : i32
      %dma_start3A_84 = tpu.memref_slice %arg13[%add3A_46, %dma_start3A_83] : memref<10240x128xf32, #tpu.memory_space<vmem_shared>> -> memref<40x128xf32, #tpu.memory_space<vmem_shared>>
      tpu.enqueue_dma source(%arg8 : memref<40x128xf32, #tpu.memory_space<vmem>>) target(%dma_start3A_84 : memref<40x128xf32, #tpu.memory_space<vmem_shared>>) target_semaphore(%run_scoped3A : memref<!tpu.dma_semaphore, #tpu.memory_space<semaphore_mem>>)
      %dma_wait3A = arith.constant 0 : i32
      %dma_wait3A_85 = tpu.memref_slice %arg13[%add3A_46, %dma_wait3A] : memref<10240x128xf32, #tpu.memory_space<vmem_shared>> -> memref<40x128xf32, #tpu.memory_space<vmem_shared>>
      %dma_wait3A_86 = arith.constant 0 : i32
      %dma_wait3A_87 = tpu.memref_slice %arg13[%add3A_46, %dma_wait3A_86] : memref<10240x128xf32, #tpu.memory_space<vmem_shared>> -> memref<40x128xf32, #tpu.memory_space<vmem_shared>>
      tpu.wait_dma2 semaphore(%run_scoped3A : memref<!tpu.dma_semaphore, #tpu.memory_space<semaphore_mem>>) src(%arg8 : memref<40x128xf32, #tpu.memory_space<vmem>>) dst(%dma_wait3A_87 : memref<40x128xf32, #tpu.memory_space<vmem_shared>>)
      tpu.yield
    }) : () -> ()
    %mul3A_47 = arith.constant 640 : i32
    %mul3A_48 = arith.muli %arg1, %mul3A_47 : i32
    %add3A_49 = arith.constant 400 : i32
    %add3A_50 = arith.addi %mul3A_48, %add3A_49 : i32
    "tpu.region"() ({
      %run_scoped3A = tpu.sem_alloc : memref<!tpu.dma_semaphore, #tpu.memory_space<semaphore_mem>>
      %dma_start3A = arith.constant 0 : i32
      %dma_start3A_82 = tpu.memref_slice %arg13[%add3A_50, %dma_start3A] : memref<10240x128xf32, #tpu.memory_space<vmem_shared>> -> memref<40x128xf32, #tpu.memory_space<vmem_shared>>
      %dma_start3A_83 = arith.constant 0 : i32
      %dma_start3A_84 = tpu.memref_slice %arg13[%add3A_50, %dma_start3A_83] : memref<10240x128xf32, #tpu.memory_space<vmem_shared>> -> memref<40x128xf32, #tpu.memory_space<vmem_shared>>
      tpu.enqueue_dma source(%arg8 : memref<40x128xf32, #tpu.memory_space<vmem>>) target(%dma_start3A_84 : memref<40x128xf32, #tpu.memory_space<vmem_shared>>) target_semaphore(%run_scoped3A : memref<!tpu.dma_semaphore, #tpu.memory_space<semaphore_mem>>)
      %dma_wait3A = arith.constant 0 : i32
      %dma_wait3A_85 = tpu.memref_slice %arg13[%add3A_50, %dma_wait3A] : memref<10240x128xf32, #tpu.memory_space<vmem_shared>> -> memref<40x128xf32, #tpu.memory_space<vmem_shared>>
      %dma_wait3A_86 = arith.constant 0 : i32
      %dma_wait3A_87 = tpu.memref_slice %arg13[%add3A_50, %dma_wait3A_86] : memref<10240x128xf32, #tpu.memory_space<vmem_shared>> -> memref<40x128xf32, #tpu.memory_space<vmem_shared>>
      tpu.wait_dma2 semaphore(%run_scoped3A : memref<!tpu.dma_semaphore, #tpu.memory_space<semaphore_mem>>) src(%arg8 : memref<40x128xf32, #tpu.memory_space<vmem>>) dst(%dma_wait3A_87 : memref<40x128xf32, #tpu.memory_space<vmem_shared>>)
      tpu.yield
    }) : () -> ()
    %mul3A_51 = arith.constant 640 : i32
    %mul3A_52 = arith.muli %arg1, %mul3A_51 : i32
    %add3A_53 = arith.constant 440 : i32
    %add3A_54 = arith.addi %mul3A_52, %add3A_53 : i32
    "tpu.region"() ({
      %run_scoped3A = tpu.sem_alloc : memref<!tpu.dma_semaphore, #tpu.memory_space<semaphore_mem>>
      %dma_start3A = arith.constant 0 : i32
      %dma_start3A_82 = tpu.memref_slice %arg13[%add3A_54, %dma_start3A] : memref<10240x128xf32, #tpu.memory_space<vmem_shared>> -> memref<40x128xf32, #tpu.memory_space<vmem_shared>>
      %dma_start3A_83 = arith.constant 0 : i32
      %dma_start3A_84 = tpu.memref_slice %arg13[%add3A_54, %dma_start3A_83] : memref<10240x128xf32, #tpu.memory_space<vmem_shared>> -> memref<40x128xf32, #tpu.memory_space<vmem_shared>>
      tpu.enqueue_dma source(%arg8 : memref<40x128xf32, #tpu.memory_space<vmem>>) target(%dma_start3A_84 : memref<40x128xf32, #tpu.memory_space<vmem_shared>>) target_semaphore(%run_scoped3A : memref<!tpu.dma_semaphore, #tpu.memory_space<semaphore_mem>>)
      %dma_wait3A = arith.constant 0 : i32
      %dma_wait3A_85 = tpu.memref_slice %arg13[%add3A_54, %dma_wait3A] : memref<10240x128xf32, #tpu.memory_space<vmem_shared>> -> memref<40x128xf32, #tpu.memory_space<vmem_shared>>
      %dma_wait3A_86 = arith.constant 0 : i32
      %dma_wait3A_87 = tpu.memref_slice %arg13[%add3A_54, %dma_wait3A_86] : memref<10240x128xf32, #tpu.memory_space<vmem_shared>> -> memref<40x128xf32, #tpu.memory_space<vmem_shared>>
      tpu.wait_dma2 semaphore(%run_scoped3A : memref<!tpu.dma_semaphore, #tpu.memory_space<semaphore_mem>>) src(%arg8 : memref<40x128xf32, #tpu.memory_space<vmem>>) dst(%dma_wait3A_87 : memref<40x128xf32, #tpu.memory_space<vmem_shared>>)
      tpu.yield
    }) : () -> ()
    %mul3A_55 = arith.constant 640 : i32
    %mul3A_56 = arith.muli %arg1, %mul3A_55 : i32
    %add3A_57 = arith.constant 480 : i32
    %add3A_58 = arith.addi %mul3A_56, %add3A_57 : i32
    "tpu.region"() ({
      %run_scoped3A = tpu.sem_alloc : memref<!tpu.dma_semaphore, #tpu.memory_space<semaphore_mem>>
      %dma_start3A = arith.constant 0 : i32
      %dma_start3A_82 = tpu.memref_slice %arg13[%add3A_58, %dma_start3A] : memref<10240x128xf32, #tpu.memory_space<vmem_shared>> -> memref<40x128xf32, #tpu.memory_space<vmem_shared>>
      %dma_start3A_83 = arith.constant 0 : i32
      %dma_start3A_84 = tpu.memref_slice %arg13[%add3A_58, %dma_start3A_83] : memref<10240x128xf32, #tpu.memory_space<vmem_shared>> -> memref<40x128xf32, #tpu.memory_space<vmem_shared>>
      tpu.enqueue_dma source(%arg8 : memref<40x128xf32, #tpu.memory_space<vmem>>) target(%dma_start3A_84 : memref<40x128xf32, #tpu.memory_space<vmem_shared>>) target_semaphore(%run_scoped3A : memref<!tpu.dma_semaphore, #tpu.memory_space<semaphore_mem>>)
      %dma_wait3A = arith.constant 0 : i32
      %dma_wait3A_85 = tpu.memref_slice %arg13[%add3A_58, %dma_wait3A] : memref<10240x128xf32, #tpu.memory_space<vmem_shared>> -> memref<40x128xf32, #tpu.memory_space<vmem_shared>>
      %dma_wait3A_86 = arith.constant 0 : i32
      %dma_wait3A_87 = tpu.memref_slice %arg13[%add3A_58, %dma_wait3A_86] : memref<10240x128xf32, #tpu.memory_space<vmem_shared>> -> memref<40x128xf32, #tpu.memory_space<vmem_shared>>
      tpu.wait_dma2 semaphore(%run_scoped3A : memref<!tpu.dma_semaphore, #tpu.memory_space<semaphore_mem>>) src(%arg8 : memref<40x128xf32, #tpu.memory_space<vmem>>) dst(%dma_wait3A_87 : memref<40x128xf32, #tpu.memory_space<vmem_shared>>)
      tpu.yield
    }) : () -> ()
    %mul3A_59 = arith.constant 640 : i32
    %mul3A_60 = arith.muli %arg1, %mul3A_59 : i32
    %add3A_61 = arith.constant 520 : i32
    %add3A_62 = arith.addi %mul3A_60, %add3A_61 : i32
    "tpu.region"() ({
      %run_scoped3A = tpu.sem_alloc : memref<!tpu.dma_semaphore, #tpu.memory_space<semaphore_mem>>
      %dma_start3A = arith.constant 0 : i32
      %dma_start3A_82 = tpu.memref_slice %arg13[%add3A_62, %dma_start3A] : memref<10240x128xf32, #tpu.memory_space<vmem_shared>> -> memref<40x128xf32, #tpu.memory_space<vmem_shared>>
      %dma_start3A_83 = arith.constant 0 : i32
      %dma_start3A_84 = tpu.memref_slice %arg13[%add3A_62, %dma_start3A_83] : memref<10240x128xf32, #tpu.memory_space<vmem_shared>> -> memref<40x128xf32, #tpu.memory_space<vmem_shared>>
      tpu.enqueue_dma source(%arg8 : memref<40x128xf32, #tpu.memory_space<vmem>>) target(%dma_start3A_84 : memref<40x128xf32, #tpu.memory_space<vmem_shared>>) target_semaphore(%run_scoped3A : memref<!tpu.dma_semaphore, #tpu.memory_space<semaphore_mem>>)
      %dma_wait3A = arith.constant 0 : i32
      %dma_wait3A_85 = tpu.memref_slice %arg13[%add3A_62, %dma_wait3A] : memref<10240x128xf32, #tpu.memory_space<vmem_shared>> -> memref<40x128xf32, #tpu.memory_space<vmem_shared>>
      %dma_wait3A_86 = arith.constant 0 : i32
      %dma_wait3A_87 = tpu.memref_slice %arg13[%add3A_62, %dma_wait3A_86] : memref<10240x128xf32, #tpu.memory_space<vmem_shared>> -> memref<40x128xf32, #tpu.memory_space<vmem_shared>>
      tpu.wait_dma2 semaphore(%run_scoped3A : memref<!tpu.dma_semaphore, #tpu.memory_space<semaphore_mem>>) src(%arg8 : memref<40x128xf32, #tpu.memory_space<vmem>>) dst(%dma_wait3A_87 : memref<40x128xf32, #tpu.memory_space<vmem_shared>>)
      tpu.yield
    }) : () -> ()
    %mul3A_63 = arith.constant 640 : i32
    %mul3A_64 = arith.muli %arg1, %mul3A_63 : i32
    %add3A_65 = arith.constant 560 : i32
    %add3A_66 = arith.addi %mul3A_64, %add3A_65 : i32
    "tpu.region"() ({
      %run_scoped3A = tpu.sem_alloc : memref<!tpu.dma_semaphore, #tpu.memory_space<semaphore_mem>>
      %dma_start3A = arith.constant 0 : i32
      %dma_start3A_82 = tpu.memref_slice %arg13[%add3A_66, %dma_start3A] : memref<10240x128xf32, #tpu.memory_space<vmem_shared>> -> memref<40x128xf32, #tpu.memory_space<vmem_shared>>
      %dma_start3A_83 = arith.constant 0 : i32
      %dma_start3A_84 = tpu.memref_slice %arg13[%add3A_66, %dma_start3A_83] : memref<10240x128xf32, #tpu.memory_space<vmem_shared>> -> memref<40x128xf32, #tpu.memory_space<vmem_shared>>
      tpu.enqueue_dma source(%arg8 : memref<40x128xf32, #tpu.memory_space<vmem>>) target(%dma_start3A_84 : memref<40x128xf32, #tpu.memory_space<vmem_shared>>) target_semaphore(%run_scoped3A : memref<!tpu.dma_semaphore, #tpu.memory_space<semaphore_mem>>)
      %dma_wait3A = arith.constant 0 : i32
      %dma_wait3A_85 = tpu.memref_slice %arg13[%add3A_66, %dma_wait3A] : memref<10240x128xf32, #tpu.memory_space<vmem_shared>> -> memref<40x128xf32, #tpu.memory_space<vmem_shared>>
      %dma_wait3A_86 = arith.constant 0 : i32
      %dma_wait3A_87 = tpu.memref_slice %arg13[%add3A_66, %dma_wait3A_86] : memref<10240x128xf32, #tpu.memory_space<vmem_shared>> -> memref<40x128xf32, #tpu.memory_space<vmem_shared>>
      tpu.wait_dma2 semaphore(%run_scoped3A : memref<!tpu.dma_semaphore, #tpu.memory_space<semaphore_mem>>) src(%arg8 : memref<40x128xf32, #tpu.memory_space<vmem>>) dst(%dma_wait3A_87 : memref<40x128xf32, #tpu.memory_space<vmem_shared>>)
      tpu.yield
    }) : () -> ()
    %mul3A_67 = arith.constant 640 : i32
    %mul3A_68 = arith.muli %arg1, %mul3A_67 : i32
    %add3A_69 = arith.constant 600 : i32
    %add3A_70 = arith.addi %mul3A_68, %add3A_69 : i32
    "tpu.region"() ({
      %run_scoped3A = tpu.sem_alloc : memref<!tpu.dma_semaphore, #tpu.memory_space<semaphore_mem>>
      %dma_start3A = arith.constant 0 : i32
      %dma_start3A_82 = tpu.memref_slice %arg13[%add3A_70, %dma_start3A] : memref<10240x128xf32, #tpu.memory_space<vmem_shared>> -> memref<40x128xf32, #tpu.memory_space<vmem_shared>>
      %dma_start3A_83 = arith.constant 0 : i32
      %dma_start3A_84 = tpu.memref_slice %arg13[%add3A_70, %dma_start3A_83] : memref<10240x128xf32, #tpu.memory_space<vmem_shared>> -> memref<40x128xf32, #tpu.memory_space<vmem_shared>>
      tpu.enqueue_dma source(%arg8 : memref<40x128xf32, #tpu.memory_space<vmem>>) target(%dma_start3A_84 : memref<40x128xf32, #tpu.memory_space<vmem_shared>>) target_semaphore(%run_scoped3A : memref<!tpu.dma_semaphore, #tpu.memory_space<semaphore_mem>>)
      %dma_wait3A = arith.constant 0 : i32
      %dma_wait3A_85 = tpu.memref_slice %arg13[%add3A_70, %dma_wait3A] : memref<10240x128xf32, #tpu.memory_space<vmem_shared>> -> memref<40x128xf32, #tpu.memory_space<vmem_shared>>
      %dma_wait3A_86 = arith.constant 0 : i32
      %dma_wait3A_87 = tpu.memref_slice %arg13[%add3A_70, %dma_wait3A_86] : memref<10240x128xf32, #tpu.memory_space<vmem_shared>> -> memref<40x128xf32, #tpu.memory_space<vmem_shared>>
      tpu.wait_dma2 semaphore(%run_scoped3A : memref<!tpu.dma_semaphore, #tpu.memory_space<semaphore_mem>>) src(%arg8 : memref<40x128xf32, #tpu.memory_space<vmem>>) dst(%dma_wait3A_87 : memref<40x128xf32, #tpu.memory_space<vmem_shared>>)
      tpu.yield
    }) : () -> ()
    %barrier3A = arith.constant 0 : index
    tpu.barrier barrier_id(%barrier3A)
    %scan3A_71 = arith.constant 0 : i32
    %scan3A_72 = arith.constant 0 : i32
    %scan3A_73 = arith.constant 5 : i32
    %scan3A_74 = arith.addi %scan3A_72, %scan3A_73 : i32
    %scan3A_75 = arith.constant 1 : i32
    scf.for %scan3A_82 = %scan3A_72 to %scan3A_74 step %scan3A_75  : i32 {
      "tpu.region"() ({
        %run_scoped3A = tpu.sem_alloc : memref<!tpu.dma_semaphore, #tpu.memory_space<semaphore_mem>>
        %dma_start3A_116 = arith.constant 0 : i32
        %dma_start3A_117 = arith.constant 0 : i32
        %dma_start3A_118 = arith.constant 0 : i32
        %dma_start3A_119 = tpu.memref_slice %arg3[%add3A, %dma_start3A_116, %dma_start3A_117, %dma_start3A_118] : memref<32x5x50x40xi32, #tpu.memory_space<hbm>> -> memref<1x5x50x40xi32, #tpu.memory_space<hbm>>
        %dma_start3A_120 = tpu.memref_squeeze %dma_start3A_119 : memref<1x5x50x40xi32, #tpu.memory_space<hbm>> -> memref<5x50x40xi32, #tpu.memory_space<hbm>>
        %dma_start3A_121 = arith.constant 0 : i32
        %dma_start3A_122 = arith.constant 0 : i32
        %dma_start3A_123 = tpu.memref_slice %dma_start3A_120[%scan3A_82, %dma_start3A_121, %dma_start3A_122] : memref<5x50x40xi32, #tpu.memory_space<hbm>> -> memref<1x50x40xi32, #tpu.memory_space<hbm>>
        %dma_start3A_124 = tpu.memref_squeeze %dma_start3A_123 : memref<1x50x40xi32, #tpu.memory_space<hbm>> -> memref<50x40xi32, #tpu.memory_space<hbm>>
        %dma_start3A_125 = arith.constant 0 : i32
        %dma_start3A_126 = arith.constant 0 : i32
        %dma_start3A_127 = arith.constant 0 : i32
        %dma_start3A_128 = tpu.memref_slice %arg3[%add3A, %dma_start3A_125, %dma_start3A_126, %dma_start3A_127] : memref<32x5x50x40xi32, #tpu.memory_space<hbm>> -> memref<1x5x50x40xi32, #tpu.memory_space<hbm>>
        %dma_start3A_129 = tpu.memref_squeeze %dma_start3A_128 : memref<1x5x50x40xi32, #tpu.memory_space<hbm>> -> memref<5x50x40xi32, #tpu.memory_space<hbm>>
        %dma_start3A_130 = arith.constant 0 : i32
        %dma_start3A_131 = arith.constant 0 : i32
        %dma_start3A_132 = tpu.memref_slice %dma_start3A_129[%scan3A_82, %dma_start3A_130, %dma_start3A_131] : memref<5x50x40xi32, #tpu.memory_space<hbm>> -> memref<1x50x40xi32, #tpu.memory_space<hbm>>
        %dma_start3A_133 = tpu.memref_squeeze %dma_start3A_132 : memref<1x50x40xi32, #tpu.memory_space<hbm>> -> memref<50x40xi32, #tpu.memory_space<hbm>>
        tpu.enqueue_dma source(%dma_start3A_133 : memref<50x40xi32, #tpu.memory_space<hbm>>) target(%arg6 : memref<50x40xi32, #tpu.memory_space<vmem>>) target_semaphore(%run_scoped3A : memref<!tpu.dma_semaphore, #tpu.memory_space<semaphore_mem>>)
        %dma_wait3A = arith.constant 0 : i32
        %dma_wait3A_134 = arith.constant 0 : i32
        %dma_wait3A_135 = arith.constant 0 : i32
        %dma_wait3A_136 = tpu.memref_slice %arg3[%add3A, %dma_wait3A, %dma_wait3A_134, %dma_wait3A_135] : memref<32x5x50x40xi32, #tpu.memory_space<hbm>> -> memref<1x5x50x40xi32, #tpu.memory_space<hbm>>
        %dma_wait3A_137 = tpu.memref_squeeze %dma_wait3A_136 : memref<1x5x50x40xi32, #tpu.memory_space<hbm>> -> memref<5x50x40xi32, #tpu.memory_space<hbm>>
        %dma_wait3A_138 = arith.constant 0 : i32
        %dma_wait3A_139 = arith.constant 0 : i32
        %dma_wait3A_140 = tpu.memref_slice %dma_wait3A_137[%scan3A_82, %dma_wait3A_138, %dma_wait3A_139] : memref<5x50x40xi32, #tpu.memory_space<hbm>> -> memref<1x50x40xi32, #tpu.memory_space<hbm>>
        %dma_wait3A_141 = tpu.memref_squeeze %dma_wait3A_140 : memref<1x50x40xi32, #tpu.memory_space<hbm>> -> memref<50x40xi32, #tpu.memory_space<hbm>>
        %dma_wait3A_142 = arith.constant 0 : i32
        %dma_wait3A_143 = arith.constant 0 : i32
        %dma_wait3A_144 = arith.constant 0 : i32
        %dma_wait3A_145 = tpu.memref_slice %arg3[%add3A, %dma_wait3A_142, %dma_wait3A_143, %dma_wait3A_144] : memref<32x5x50x40xi32, #tpu.memory_space<hbm>> -> memref<1x5x50x40xi32, #tpu.memory_space<hbm>>
        %dma_wait3A_146 = tpu.memref_squeeze %dma_wait3A_145 : memref<1x5x50x40xi32, #tpu.memory_space<hbm>> -> memref<5x50x40xi32, #tpu.memory_space<hbm>>
        %dma_wait3A_147 = arith.constant 0 : i32
        %dma_wait3A_148 = arith.constant 0 : i32
        %dma_wait3A_149 = tpu.memref_slice %dma_wait3A_146[%scan3A_82, %dma_wait3A_147, %dma_wait3A_148] : memref<5x50x40xi32, #tpu.memory_space<hbm>> -> memref<1x50x40xi32, #tpu.memory_space<hbm>>
        %dma_wait3A_150 = tpu.memref_squeeze %dma_wait3A_149 : memref<1x50x40xi32, #tpu.memory_space<hbm>> -> memref<50x40xi32, #tpu.memory_space<hbm>>
        tpu.wait_dma2 semaphore(%run_scoped3A : memref<!tpu.dma_semaphore, #tpu.memory_space<semaphore_mem>>) src(%dma_wait3A_150 : memref<50x40xi32, #tpu.memory_space<hbm>>) dst(%arg6 : memref<50x40xi32, #tpu.memory_space<vmem>>)
        tpu.yield
      }) : () -> ()
      "tpu.region"() ({
        %run_scoped3A = tpu.sem_alloc : memref<!tpu.dma_semaphore, #tpu.memory_space<semaphore_mem>>
        %dma_start3A_116 = arith.constant 0 : i32
        %dma_start3A_117 = arith.constant 0 : i32
        %dma_start3A_118 = arith.constant 0 : i32
        %dma_start3A_119 = tpu.memref_slice %arg4[%add3A, %dma_start3A_116, %dma_start3A_117, %dma_start3A_118] : memref<32x5x50x40xi32, #tpu.memory_space<hbm>> -> memref<1x5x50x40xi32, #tpu.memory_space<hbm>>
        %dma_start3A_120 = tpu.memref_squeeze %dma_start3A_119 : memref<1x5x50x40xi32, #tpu.memory_space<hbm>> -> memref<5x50x40xi32, #tpu.memory_space<hbm>>
        %dma_start3A_121 = arith.constant 0 : i32
        %dma_start3A_122 = arith.constant 0 : i32
        %dma_start3A_123 = tpu.memref_slice %dma_start3A_120[%scan3A_82, %dma_start3A_121, %dma_start3A_122] : memref<5x50x40xi32, #tpu.memory_space<hbm>> -> memref<1x50x40xi32, #tpu.memory_space<hbm>>
        %dma_start3A_124 = tpu.memref_squeeze %dma_start3A_123 : memref<1x50x40xi32, #tpu.memory_space<hbm>> -> memref<50x40xi32, #tpu.memory_space<hbm>>
        %dma_start3A_125 = arith.constant 0 : i32
        %dma_start3A_126 = arith.constant 0 : i32
        %dma_start3A_127 = arith.constant 0 : i32
        %dma_start3A_128 = tpu.memref_slice %arg4[%add3A, %dma_start3A_125, %dma_start3A_126, %dma_start3A_127] : memref<32x5x50x40xi32, #tpu.memory_space<hbm>> -> memref<1x5x50x40xi32, #tpu.memory_space<hbm>>
        %dma_start3A_129 = tpu.memref_squeeze %dma_start3A_128 : memref<1x5x50x40xi32, #tpu.memory_space<hbm>> -> memref<5x50x40xi32, #tpu.memory_space<hbm>>
        %dma_start3A_130 = arith.constant 0 : i32
        %dma_start3A_131 = arith.constant 0 : i32
        %dma_start3A_132 = tpu.memref_slice %dma_start3A_129[%scan3A_82, %dma_start3A_130, %dma_start3A_131] : memref<5x50x40xi32, #tpu.memory_space<hbm>> -> memref<1x50x40xi32, #tpu.memory_space<hbm>>
        %dma_start3A_133 = tpu.memref_squeeze %dma_start3A_132 : memref<1x50x40xi32, #tpu.memory_space<hbm>> -> memref<50x40xi32, #tpu.memory_space<hbm>>
        tpu.enqueue_dma source(%dma_start3A_133 : memref<50x40xi32, #tpu.memory_space<hbm>>) target(%arg7 : memref<50x40xi32, #tpu.memory_space<vmem>>) target_semaphore(%run_scoped3A : memref<!tpu.dma_semaphore, #tpu.memory_space<semaphore_mem>>)
        %dma_wait3A = arith.constant 0 : i32
        %dma_wait3A_134 = arith.constant 0 : i32
        %dma_wait3A_135 = arith.constant 0 : i32
        %dma_wait3A_136 = tpu.memref_slice %arg4[%add3A, %dma_wait3A, %dma_wait3A_134, %dma_wait3A_135] : memref<32x5x50x40xi32, #tpu.memory_space<hbm>> -> memref<1x5x50x40xi32, #tpu.memory_space<hbm>>
        %dma_wait3A_137 = tpu.memref_squeeze %dma_wait3A_136 : memref<1x5x50x40xi32, #tpu.memory_space<hbm>> -> memref<5x50x40xi32, #tpu.memory_space<hbm>>
        %dma_wait3A_138 = arith.constant 0 : i32
        %dma_wait3A_139 = arith.constant 0 : i32
        %dma_wait3A_140 = tpu.memref_slice %dma_wait3A_137[%scan3A_82, %dma_wait3A_138, %dma_wait3A_139] : memref<5x50x40xi32, #tpu.memory_space<hbm>> -> memref<1x50x40xi32, #tpu.memory_space<hbm>>
        %dma_wait3A_141 = tpu.memref_squeeze %dma_wait3A_140 : memref<1x50x40xi32, #tpu.memory_space<hbm>> -> memref<50x40xi32, #tpu.memory_space<hbm>>
        %dma_wait3A_142 = arith.constant 0 : i32
        %dma_wait3A_143 = arith.constant 0 : i32
        %dma_wait3A_144 = arith.constant 0 : i32
        %dma_wait3A_145 = tpu.memref_slice %arg4[%add3A, %dma_wait3A_142, %dma_wait3A_143, %dma_wait3A_144] : memref<32x5x50x40xi32, #tpu.memory_space<hbm>> -> memref<1x5x50x40xi32, #tpu.memory_space<hbm>>
        %dma_wait3A_146 = tpu.memref_squeeze %dma_wait3A_145 : memref<1x5x50x40xi32, #tpu.memory_space<hbm>> -> memref<5x50x40xi32, #tpu.memory_space<hbm>>
        %dma_wait3A_147 = arith.constant 0 : i32
        %dma_wait3A_148 = arith.constant 0 : i32
        %dma_wait3A_149 = tpu.memref_slice %dma_wait3A_146[%scan3A_82, %dma_wait3A_147, %dma_wait3A_148] : memref<5x50x40xi32, #tpu.memory_space<hbm>> -> memref<1x50x40xi32, #tpu.memory_space<hbm>>
        %dma_wait3A_150 = tpu.memref_squeeze %dma_wait3A_149 : memref<1x50x40xi32, #tpu.memory_space<hbm>> -> memref<50x40xi32, #tpu.memory_space<hbm>>
        tpu.wait_dma2 semaphore(%run_scoped3A : memref<!tpu.dma_semaphore, #tpu.memory_space<semaphore_mem>>) src(%dma_wait3A_150 : memref<50x40xi32, #tpu.memory_space<hbm>>) dst(%arg7 : memref<50x40xi32, #tpu.memory_space<vmem>>)
        tpu.yield
      }) : () -> ()
      %dma_start3A = arith.constant 0 : i32
      %dma_start3A_83 = arith.constant 0 : i32
      %dma_start3A_84 = tpu.memref_slice %arg6[%dma_start3A, %dma_start3A_83] : memref<50x40xi32, #tpu.memory_space<vmem>> -> memref<1x40xi32, #tpu.memory_space<vmem>>
      %dma_start3A_85 = tpu.memref_squeeze %dma_start3A_84 : memref<1x40xi32, #tpu.memory_space<vmem>> -> memref<40xi32, #tpu.memory_space<vmem>>
      %dma_start3A_86 = arith.constant 0 : i32
      %dma_start3A_87 = arith.constant 0 : i32
      %dma_start3A_88 = tpu.memref_slice %arg2[%dma_start3A_86, %dma_start3A_87] : memref<10000x128xf32, #tpu.memory_space<hbm>> -> memref<10000x128xf32, #tpu.memory_space<hbm>>
      tpu.enqueue_indirect_dma source(%dma_start3A_88 : memref<10000x128xf32, #tpu.memory_space<hbm>>) target(%arg8 : memref<40x128xf32, #tpu.memory_space<vmem>>) offsets(%dma_start3A_85 : memref<40xi32, #tpu.memory_space<vmem>>) semaphore(%arg14 : memref<!tpu.dma_semaphore, #tpu.memory_space<semaphore_mem>>)
      %dma_start3A_89 = arith.constant 1 : i32
      %dma_start3A_90 = arith.constant 0 : i32
      %dma_start3A_91 = tpu.memref_slice %arg6[%dma_start3A_89, %dma_start3A_90] : memref<50x40xi32, #tpu.memory_space<vmem>> -> memref<1x40xi32, #tpu.memory_space<vmem>>
      %dma_start3A_92 = tpu.memref_squeeze %dma_start3A_91 : memref<1x40xi32, #tpu.memory_space<vmem>> -> memref<40xi32, #tpu.memory_space<vmem>>
      %dma_start3A_93 = arith.constant 0 : i32
      %dma_start3A_94 = arith.constant 0 : i32
      %dma_start3A_95 = tpu.memref_slice %arg2[%dma_start3A_93, %dma_start3A_94] : memref<10000x128xf32, #tpu.memory_space<hbm>> -> memref<10000x128xf32, #tpu.memory_space<hbm>>
      tpu.enqueue_indirect_dma source(%dma_start3A_95 : memref<10000x128xf32, #tpu.memory_space<hbm>>) target(%arg9 : memref<40x128xf32, #tpu.memory_space<vmem>>) offsets(%dma_start3A_92 : memref<40xi32, #tpu.memory_space<vmem>>) semaphore(%arg15 : memref<!tpu.dma_semaphore, #tpu.memory_space<semaphore_mem>>)
      %dma_start3A_96 = arith.constant 2 : i32
      %dma_start3A_97 = arith.constant 0 : i32
      %dma_start3A_98 = tpu.memref_slice %arg6[%dma_start3A_96, %dma_start3A_97] : memref<50x40xi32, #tpu.memory_space<vmem>> -> memref<1x40xi32, #tpu.memory_space<vmem>>
      %dma_start3A_99 = tpu.memref_squeeze %dma_start3A_98 : memref<1x40xi32, #tpu.memory_space<vmem>> -> memref<40xi32, #tpu.memory_space<vmem>>
      %dma_start3A_100 = arith.constant 0 : i32
      %dma_start3A_101 = arith.constant 0 : i32
      %dma_start3A_102 = tpu.memref_slice %arg2[%dma_start3A_100, %dma_start3A_101] : memref<10000x128xf32, #tpu.memory_space<hbm>> -> memref<10000x128xf32, #tpu.memory_space<hbm>>
      tpu.enqueue_indirect_dma source(%dma_start3A_102 : memref<10000x128xf32, #tpu.memory_space<hbm>>) target(%arg10 : memref<40x128xf32, #tpu.memory_space<vmem>>) offsets(%dma_start3A_99 : memref<40xi32, #tpu.memory_space<vmem>>) semaphore(%arg16 : memref<!tpu.dma_semaphore, #tpu.memory_space<semaphore_mem>>)
      %dma_start3A_103 = arith.constant 3 : i32
      %dma_start3A_104 = arith.constant 0 : i32
      %dma_start3A_105 = tpu.memref_slice %arg6[%dma_start3A_103, %dma_start3A_104] : memref<50x40xi32, #tpu.memory_space<vmem>> -> memref<1x40xi32, #tpu.memory_space<vmem>>
      %dma_start3A_106 = tpu.memref_squeeze %dma_start3A_105 : memref<1x40xi32, #tpu.memory_space<vmem>> -> memref<40xi32, #tpu.memory_space<vmem>>
      %dma_start3A_107 = arith.constant 0 : i32
      %dma_start3A_108 = arith.constant 0 : i32
      %dma_start3A_109 = tpu.memref_slice %arg2[%dma_start3A_107, %dma_start3A_108] : memref<10000x128xf32, #tpu.memory_space<hbm>> -> memref<10000x128xf32, #tpu.memory_space<hbm>>
      tpu.enqueue_indirect_dma source(%dma_start3A_109 : memref<10000x128xf32, #tpu.memory_space<hbm>>) target(%arg11 : memref<40x128xf32, #tpu.memory_space<vmem>>) offsets(%dma_start3A_106 : memref<40xi32, #tpu.memory_space<vmem>>) semaphore(%arg17 : memref<!tpu.dma_semaphore, #tpu.memory_space<semaphore_mem>>)
      %scan3A_110 = arith.constant 0 : i32
      %scan3A_111 = arith.constant 0 : i32
      %scan3A_112 = arith.constant 50 : i32
      %scan3A_113 = arith.addi %scan3A_111, %scan3A_112 : i32
      %scan3A_114 = arith.constant 1 : i32
      scf.for %scan3A_116 = %scan3A_111 to %scan3A_113 step %scan3A_114  : i32 {
        %jit3A = arith.constant 5 : i32
        %eq3A = arith.constant 0 : i32
        %eq3A_117 = arith.cmpi eq, %jit3A, %eq3A : i32
        %jit3A_118 = arith.constant 1 : i32
        %select_n3A = arith.select %eq3A_117, %jit3A_118, %jit3A : i32
        %rem3A = arith.remsi %scan3A_116, %select_n3A : i32
        %ne3A = arith.constant 0 : i32
        %ne3A_119 = arith.cmpi ne, %rem3A, %ne3A : i32
        %lt3A = arith.constant 0 : i32
        %lt3A_120 = arith.cmpi slt, %rem3A, %lt3A : i32
        %lt3A_121 = arith.constant 0 : i32
        %lt3A_122 = arith.cmpi slt, %select_n3A, %lt3A_121 : i32
        %ne3A_123 = arith.xori %lt3A_120, %lt3A_122 : i1
        %and3A = arith.andi %ne3A_123, %ne3A_119 : i1
        %add3A_124 = arith.addi %rem3A, %select_n3A : i32
        %select_n3A_125 = arith.select %and3A, %add3A_124, %rem3A : i32
        %eq3A_126 = arith.constant 0 : i32
        %eq3A_127 = arith.cmpi eq, %select_n3A_125, %eq3A_126 : i32
        %convert_element_type3A = arith.extui %eq3A_127 : i1 to i32
        %cond3A = arith.constant 0 : i32
        %cond3A_128 = arith.cmpi ne, %convert_element_type3A, %cond3A : i32
        scf.if %cond3A_128 {
          %dma_wait3A = arith.constant 0 : i32
          %dma_wait3A_213 = tpu.memref_slice %arg6[%scan3A_116, %dma_wait3A] : memref<50x40xi32, #tpu.memory_space<vmem>> -> memref<1x40xi32, #tpu.memory_space<vmem>>
          %dma_wait3A_214 = tpu.memref_squeeze %dma_wait3A_213 : memref<1x40xi32, #tpu.memory_space<vmem>> -> memref<40xi32, #tpu.memory_space<vmem>>
          %dma_wait3A_215 = arith.constant 0 : i32
          %dma_wait3A_216 = arith.constant 0 : i32
          %dma_wait3A_217 = tpu.memref_slice %arg2[%dma_wait3A_215, %dma_wait3A_216] : memref<10000x128xf32, #tpu.memory_space<hbm>> -> memref<10000x128xf32, #tpu.memory_space<hbm>>
          tpu.wait_indirect_dma semaphore(%arg14 : memref<!tpu.dma_semaphore, #tpu.memory_space<semaphore_mem>>) src(%dma_wait3A_217 : memref<10000x128xf32, #tpu.memory_space<hbm>>) dst(%arg8 : memref<40x128xf32, #tpu.memory_space<vmem>>)
          %add3A_218 = arith.constant 4 : i32
          %add3A_219 = arith.addi %scan3A_116, %add3A_218 : i32
          %lt3A_220 = arith.constant 50 : i32
          %lt3A_221 = arith.cmpi slt, %add3A_219, %lt3A_220 : i32
          %convert_element_type3A_222 = arith.extui %lt3A_221 : i1 to i32
          %cond3A_223 = arith.constant 0 : i32
          %cond3A_224 = arith.cmpi ne, %convert_element_type3A_222, %cond3A_223 : i32
          scf.if %cond3A_224 {
            %add3A_225 = arith.constant 4 : i32
            %add3A_226 = arith.addi %scan3A_116, %add3A_225 : i32
            %dma_start3A_227 = arith.constant 0 : i32
            %dma_start3A_228 = tpu.memref_slice %arg6[%add3A_226, %dma_start3A_227] : memref<50x40xi32, #tpu.memory_space<vmem>> -> memref<1x40xi32, #tpu.memory_space<vmem>>
            %dma_start3A_229 = tpu.memref_squeeze %dma_start3A_228 : memref<1x40xi32, #tpu.memory_space<vmem>> -> memref<40xi32, #tpu.memory_space<vmem>>
            %dma_start3A_230 = arith.constant 0 : i32
            %dma_start3A_231 = arith.constant 0 : i32
            %dma_start3A_232 = tpu.memref_slice %arg2[%dma_start3A_230, %dma_start3A_231] : memref<10000x128xf32, #tpu.memory_space<hbm>> -> memref<10000x128xf32, #tpu.memory_space<hbm>>
            tpu.enqueue_indirect_dma source(%dma_start3A_232 : memref<10000x128xf32, #tpu.memory_space<hbm>>) target(%arg12 : memref<40x128xf32, #tpu.memory_space<vmem>>) offsets(%dma_start3A_229 : memref<40xi32, #tpu.memory_space<vmem>>) semaphore(%arg18 : memref<!tpu.dma_semaphore, #tpu.memory_space<semaphore_mem>>)
          } else {
          }
          "tpu.region"() ({
            %run_scoped3A = tpu.sem_alloc : memref<!tpu.dma_semaphore, #tpu.memory_space<semaphore_mem>>
            %dma_start3A_225 = arith.constant 0 : i32
            %dma_start3A_226 = tpu.memref_slice %arg7[%scan3A_116, %dma_start3A_225] : memref<50x40xi32, #tpu.memory_space<vmem>> -> memref<1x40xi32, #tpu.memory_space<vmem>>
            %dma_start3A_227 = tpu.memref_squeeze %dma_start3A_226 : memref<1x40xi32, #tpu.memory_space<vmem>> -> memref<40xi32, #tpu.memory_space<vmem>>
            %dma_start3A_228 = arith.constant 0 : i32
            %dma_start3A_229 = arith.constant 0 : i32
            %dma_start3A_230 = tpu.memref_slice %arg13[%dma_start3A_228, %dma_start3A_229] : memref<10240x128xf32, #tpu.memory_space<vmem_shared>> -> memref<10240x128xf32, #tpu.memory_space<vmem_shared>>
            tpu.enqueue_indirect_dma source(%arg8 : memref<40x128xf32, #tpu.memory_space<vmem>>) target(%dma_start3A_230 : memref<10240x128xf32, #tpu.memory_space<vmem_shared>>) offsets(%dma_start3A_227 : memref<40xi32, #tpu.memory_space<vmem>>) semaphore(%run_scoped3A : memref<!tpu.dma_semaphore, #tpu.memory_space<semaphore_mem>>) {add = true}
            %dma_wait3A_231 = arith.constant 0 : i32
            %dma_wait3A_232 = tpu.memref_slice %arg7[%scan3A_116, %dma_wait3A_231] : memref<50x40xi32, #tpu.memory_space<vmem>> -> memref<1x40xi32, #tpu.memory_space<vmem>>
            %dma_wait3A_233 = tpu.memref_squeeze %dma_wait3A_232 : memref<1x40xi32, #tpu.memory_space<vmem>> -> memref<40xi32, #tpu.memory_space<vmem>>
            %dma_wait3A_234 = arith.constant 0 : i32
            %dma_wait3A_235 = arith.constant 0 : i32
            %dma_wait3A_236 = tpu.memref_slice %arg13[%dma_wait3A_234, %dma_wait3A_235] : memref<10240x128xf32, #tpu.memory_space<vmem_shared>> -> memref<10240x128xf32, #tpu.memory_space<vmem_shared>>
            tpu.wait_indirect_dma semaphore(%run_scoped3A : memref<!tpu.dma_semaphore, #tpu.memory_space<semaphore_mem>>) src(%arg8 : memref<40x128xf32, #tpu.memory_space<vmem>>) dst(%dma_wait3A_236 : memref<10240x128xf32, #tpu.memory_space<vmem_shared>>)
            tpu.yield
          }) : () -> ()
        } else {
        }
        %jit3A_129 = arith.constant 5 : i32
        %eq3A_130 = arith.constant 0 : i32
        %eq3A_131 = arith.cmpi eq, %jit3A_129, %eq3A_130 : i32
        %jit3A_132 = arith.constant 1 : i32
        %select_n3A_133 = arith.select %eq3A_131, %jit3A_132, %jit3A_129 : i32
        %rem3A_134 = arith.remsi %scan3A_116, %select_n3A_133 : i32
        %ne3A_135 = arith.constant 0 : i32
        %ne3A_136 = arith.cmpi ne, %rem3A_134, %ne3A_135 : i32
        %lt3A_137 = arith.constant 0 : i32
        %lt3A_138 = arith.cmpi slt, %rem3A_134, %lt3A_137 : i32
        %lt3A_139 = arith.constant 0 : i32
        %lt3A_140 = arith.cmpi slt, %select_n3A_133, %lt3A_139 : i32
        %ne3A_141 = arith.xori %lt3A_138, %lt3A_140 : i1
        %and3A_142 = arith.andi %ne3A_141, %ne3A_136 : i1
        %add3A_143 = arith.addi %rem3A_134, %select_n3A_133 : i32
        %select_n3A_144 = arith.select %and3A_142, %add3A_143, %rem3A_134 : i32
        %eq3A_145 = arith.constant 1 : i32
        %eq3A_146 = arith.cmpi eq, %select_n3A_144, %eq3A_145 : i32
        %convert_element_type3A_147 = arith.extui %eq3A_146 : i1 to i32
        %cond3A_148 = arith.constant 0 : i32
        %cond3A_149 = arith.cmpi ne, %convert_element_type3A_147, %cond3A_148 : i32
        scf.if %cond3A_149 {
          %dma_wait3A = arith.constant 0 : i32
          %dma_wait3A_213 = tpu.memref_slice %arg6[%scan3A_116, %dma_wait3A] : memref<50x40xi32, #tpu.memory_space<vmem>> -> memref<1x40xi32, #tpu.memory_space<vmem>>
          %dma_wait3A_214 = tpu.memref_squeeze %dma_wait3A_213 : memref<1x40xi32, #tpu.memory_space<vmem>> -> memref<40xi32, #tpu.memory_space<vmem>>
          %dma_wait3A_215 = arith.constant 0 : i32
          %dma_wait3A_216 = arith.constant 0 : i32
          %dma_wait3A_217 = tpu.memref_slice %arg2[%dma_wait3A_215, %dma_wait3A_216] : memref<10000x128xf32, #tpu.memory_space<hbm>> -> memref<10000x128xf32, #tpu.memory_space<hbm>>
          tpu.wait_indirect_dma semaphore(%arg15 : memref<!tpu.dma_semaphore, #tpu.memory_space<semaphore_mem>>) src(%dma_wait3A_217 : memref<10000x128xf32, #tpu.memory_space<hbm>>) dst(%arg9 : memref<40x128xf32, #tpu.memory_space<vmem>>)
          %add3A_218 = arith.constant 4 : i32
          %add3A_219 = arith.addi %scan3A_116, %add3A_218 : i32
          %lt3A_220 = arith.constant 50 : i32
          %lt3A_221 = arith.cmpi slt, %add3A_219, %lt3A_220 : i32
          %convert_element_type3A_222 = arith.extui %lt3A_221 : i1 to i32
          %cond3A_223 = arith.constant 0 : i32
          %cond3A_224 = arith.cmpi ne, %convert_element_type3A_222, %cond3A_223 : i32
          scf.if %cond3A_224 {
            %add3A_225 = arith.constant 4 : i32
            %add3A_226 = arith.addi %scan3A_116, %add3A_225 : i32
            %dma_start3A_227 = arith.constant 0 : i32
            %dma_start3A_228 = tpu.memref_slice %arg6[%add3A_226, %dma_start3A_227] : memref<50x40xi32, #tpu.memory_space<vmem>> -> memref<1x40xi32, #tpu.memory_space<vmem>>
            %dma_start3A_229 = tpu.memref_squeeze %dma_start3A_228 : memref<1x40xi32, #tpu.memory_space<vmem>> -> memref<40xi32, #tpu.memory_space<vmem>>
            %dma_start3A_230 = arith.constant 0 : i32
            %dma_start3A_231 = arith.constant 0 : i32
            %dma_start3A_232 = tpu.memref_slice %arg2[%dma_start3A_230, %dma_start3A_231] : memref<10000x128xf32, #tpu.memory_space<hbm>> -> memref<10000x128xf32, #tpu.memory_space<hbm>>
            tpu.enqueue_indirect_dma source(%dma_start3A_232 : memref<10000x128xf32, #tpu.memory_space<hbm>>) target(%arg8 : memref<40x128xf32, #tpu.memory_space<vmem>>) offsets(%dma_start3A_229 : memref<40xi32, #tpu.memory_space<vmem>>) semaphore(%arg14 : memref<!tpu.dma_semaphore, #tpu.memory_space<semaphore_mem>>)
          } else {
          }
          "tpu.region"() ({
            %run_scoped3A = tpu.sem_alloc : memref<!tpu.dma_semaphore, #tpu.memory_space<semaphore_mem>>
            %dma_start3A_225 = arith.constant 0 : i32
            %dma_start3A_226 = tpu.memref_slice %arg7[%scan3A_116, %dma_start3A_225] : memref<50x40xi32, #tpu.memory_space<vmem>> -> memref<1x40xi32, #tpu.memory_space<vmem>>
            %dma_start3A_227 = tpu.memref_squeeze %dma_start3A_226 : memref<1x40xi32, #tpu.memory_space<vmem>> -> memref<40xi32, #tpu.memory_space<vmem>>
            %dma_start3A_228 = arith.constant 0 : i32
            %dma_start3A_229 = arith.constant 0 : i32
            %dma_start3A_230 = tpu.memref_slice %arg13[%dma_start3A_228, %dma_start3A_229] : memref<10240x128xf32, #tpu.memory_space<vmem_shared>> -> memref<10240x128xf32, #tpu.memory_space<vmem_shared>>
            tpu.enqueue_indirect_dma source(%arg9 : memref<40x128xf32, #tpu.memory_space<vmem>>) target(%dma_start3A_230 : memref<10240x128xf32, #tpu.memory_space<vmem_shared>>) offsets(%dma_start3A_227 : memref<40xi32, #tpu.memory_space<vmem>>) semaphore(%run_scoped3A : memref<!tpu.dma_semaphore, #tpu.memory_space<semaphore_mem>>) {add = true}
            %dma_wait3A_231 = arith.constant 0 : i32
            %dma_wait3A_232 = tpu.memref_slice %arg7[%scan3A_116, %dma_wait3A_231] : memref<50x40xi32, #tpu.memory_space<vmem>> -> memref<1x40xi32, #tpu.memory_space<vmem>>
            %dma_wait3A_233 = tpu.memref_squeeze %dma_wait3A_232 : memref<1x40xi32, #tpu.memory_space<vmem>> -> memref<40xi32, #tpu.memory_space<vmem>>
            %dma_wait3A_234 = arith.constant 0 : i32
            %dma_wait3A_235 = arith.constant 0 : i32
            %dma_wait3A_236 = tpu.memref_slice %arg13[%dma_wait3A_234, %dma_wait3A_235] : memref<10240x128xf32, #tpu.memory_space<vmem_shared>> -> memref<10240x128xf32, #tpu.memory_space<vmem_shared>>
            tpu.wait_indirect_dma semaphore(%run_scoped3A : memref<!tpu.dma_semaphore, #tpu.memory_space<semaphore_mem>>) src(%arg9 : memref<40x128xf32, #tpu.memory_space<vmem>>) dst(%dma_wait3A_236 : memref<10240x128xf32, #tpu.memory_space<vmem_shared>>)
            tpu.yield
          }) : () -> ()
        } else {
        }
        %jit3A_150 = arith.constant 5 : i32
        %eq3A_151 = arith.constant 0 : i32
        %eq3A_152 = arith.cmpi eq, %jit3A_150, %eq3A_151 : i32
        %jit3A_153 = arith.constant 1 : i32
        %select_n3A_154 = arith.select %eq3A_152, %jit3A_153, %jit3A_150 : i32
        %rem3A_155 = arith.remsi %scan3A_116, %select_n3A_154 : i32
        %ne3A_156 = arith.constant 0 : i32
        %ne3A_157 = arith.cmpi ne, %rem3A_155, %ne3A_156 : i32
        %lt3A_158 = arith.constant 0 : i32
        %lt3A_159 = arith.cmpi slt, %rem3A_155, %lt3A_158 : i32
        %lt3A_160 = arith.constant 0 : i32
        %lt3A_161 = arith.cmpi slt, %select_n3A_154, %lt3A_160 : i32
        %ne3A_162 = arith.xori %lt3A_159, %lt3A_161 : i1
        %and3A_163 = arith.andi %ne3A_162, %ne3A_157 : i1
        %add3A_164 = arith.addi %rem3A_155, %select_n3A_154 : i32
        %select_n3A_165 = arith.select %and3A_163, %add3A_164, %rem3A_155 : i32
        %eq3A_166 = arith.constant 2 : i32
        %eq3A_167 = arith.cmpi eq, %select_n3A_165, %eq3A_166 : i32
        %convert_element_type3A_168 = arith.extui %eq3A_167 : i1 to i32
        %cond3A_169 = arith.constant 0 : i32
        %cond3A_170 = arith.cmpi ne, %convert_element_type3A_168, %cond3A_169 : i32
        scf.if %cond3A_170 {
          %dma_wait3A = arith.constant 0 : i32
          %dma_wait3A_213 = tpu.memref_slice %arg6[%scan3A_116, %dma_wait3A] : memref<50x40xi32, #tpu.memory_space<vmem>> -> memref<1x40xi32, #tpu.memory_space<vmem>>
          %dma_wait3A_214 = tpu.memref_squeeze %dma_wait3A_213 : memref<1x40xi32, #tpu.memory_space<vmem>> -> memref<40xi32, #tpu.memory_space<vmem>>
          %dma_wait3A_215 = arith.constant 0 : i32
          %dma_wait3A_216 = arith.constant 0 : i32
          %dma_wait3A_217 = tpu.memref_slice %arg2[%dma_wait3A_215, %dma_wait3A_216] : memref<10000x128xf32, #tpu.memory_space<hbm>> -> memref<10000x128xf32, #tpu.memory_space<hbm>>
          tpu.wait_indirect_dma semaphore(%arg16 : memref<!tpu.dma_semaphore, #tpu.memory_space<semaphore_mem>>) src(%dma_wait3A_217 : memref<10000x128xf32, #tpu.memory_space<hbm>>) dst(%arg10 : memref<40x128xf32, #tpu.memory_space<vmem>>)
          %add3A_218 = arith.constant 4 : i32
          %add3A_219 = arith.addi %scan3A_116, %add3A_218 : i32
          %lt3A_220 = arith.constant 50 : i32
          %lt3A_221 = arith.cmpi slt, %add3A_219, %lt3A_220 : i32
          %convert_element_type3A_222 = arith.extui %lt3A_221 : i1 to i32
          %cond3A_223 = arith.constant 0 : i32
          %cond3A_224 = arith.cmpi ne, %convert_element_type3A_222, %cond3A_223 : i32
          scf.if %cond3A_224 {
            %add3A_225 = arith.constant 4 : i32
            %add3A_226 = arith.addi %scan3A_116, %add3A_225 : i32
            %dma_start3A_227 = arith.constant 0 : i32
            %dma_start3A_228 = tpu.memref_slice %arg6[%add3A_226, %dma_start3A_227] : memref<50x40xi32, #tpu.memory_space<vmem>> -> memref<1x40xi32, #tpu.memory_space<vmem>>
            %dma_start3A_229 = tpu.memref_squeeze %dma_start3A_228 : memref<1x40xi32, #tpu.memory_space<vmem>> -> memref<40xi32, #tpu.memory_space<vmem>>
            %dma_start3A_230 = arith.constant 0 : i32
            %dma_start3A_231 = arith.constant 0 : i32
            %dma_start3A_232 = tpu.memref_slice %arg2[%dma_start3A_230, %dma_start3A_231] : memref<10000x128xf32, #tpu.memory_space<hbm>> -> memref<10000x128xf32, #tpu.memory_space<hbm>>
            tpu.enqueue_indirect_dma source(%dma_start3A_232 : memref<10000x128xf32, #tpu.memory_space<hbm>>) target(%arg9 : memref<40x128xf32, #tpu.memory_space<vmem>>) offsets(%dma_start3A_229 : memref<40xi32, #tpu.memory_space<vmem>>) semaphore(%arg15 : memref<!tpu.dma_semaphore, #tpu.memory_space<semaphore_mem>>)
          } else {
          }
          "tpu.region"() ({
            %run_scoped3A = tpu.sem_alloc : memref<!tpu.dma_semaphore, #tpu.memory_space<semaphore_mem>>
            %dma_start3A_225 = arith.constant 0 : i32
            %dma_start3A_226 = tpu.memref_slice %arg7[%scan3A_116, %dma_start3A_225] : memref<50x40xi32, #tpu.memory_space<vmem>> -> memref<1x40xi32, #tpu.memory_space<vmem>>
            %dma_start3A_227 = tpu.memref_squeeze %dma_start3A_226 : memref<1x40xi32, #tpu.memory_space<vmem>> -> memref<40xi32, #tpu.memory_space<vmem>>
            %dma_start3A_228 = arith.constant 0 : i32
            %dma_start3A_229 = arith.constant 0 : i32
            %dma_start3A_230 = tpu.memref_slice %arg13[%dma_start3A_228, %dma_start3A_229] : memref<10240x128xf32, #tpu.memory_space<vmem_shared>> -> memref<10240x128xf32, #tpu.memory_space<vmem_shared>>
            tpu.enqueue_indirect_dma source(%arg10 : memref<40x128xf32, #tpu.memory_space<vmem>>) target(%dma_start3A_230 : memref<10240x128xf32, #tpu.memory_space<vmem_shared>>) offsets(%dma_start3A_227 : memref<40xi32, #tpu.memory_space<vmem>>) semaphore(%run_scoped3A : memref<!tpu.dma_semaphore, #tpu.memory_space<semaphore_mem>>) {add = true}
            %dma_wait3A_231 = arith.constant 0 : i32
            %dma_wait3A_232 = tpu.memref_slice %arg7[%scan3A_116, %dma_wait3A_231] : memref<50x40xi32, #tpu.memory_space<vmem>> -> memref<1x40xi32, #tpu.memory_space<vmem>>
            %dma_wait3A_233 = tpu.memref_squeeze %dma_wait3A_232 : memref<1x40xi32, #tpu.memory_space<vmem>> -> memref<40xi32, #tpu.memory_space<vmem>>
            %dma_wait3A_234 = arith.constant 0 : i32
            %dma_wait3A_235 = arith.constant 0 : i32
            %dma_wait3A_236 = tpu.memref_slice %arg13[%dma_wait3A_234, %dma_wait3A_235] : memref<10240x128xf32, #tpu.memory_space<vmem_shared>> -> memref<10240x128xf32, #tpu.memory_space<vmem_shared>>
            tpu.wait_indirect_dma semaphore(%run_scoped3A : memref<!tpu.dma_semaphore, #tpu.memory_space<semaphore_mem>>) src(%arg10 : memref<40x128xf32, #tpu.memory_space<vmem>>) dst(%dma_wait3A_236 : memref<10240x128xf32, #tpu.memory_space<vmem_shared>>)
            tpu.yield
          }) : () -> ()
        } else {
        }
        %jit3A_171 = arith.constant 5 : i32
        %eq3A_172 = arith.constant 0 : i32
        %eq3A_173 = arith.cmpi eq, %jit3A_171, %eq3A_172 : i32
        %jit3A_174 = arith.constant 1 : i32
        %select_n3A_175 = arith.select %eq3A_173, %jit3A_174, %jit3A_171 : i32
        %rem3A_176 = arith.remsi %scan3A_116, %select_n3A_175 : i32
        %ne3A_177 = arith.constant 0 : i32
        %ne3A_178 = arith.cmpi ne, %rem3A_176, %ne3A_177 : i32
        %lt3A_179 = arith.constant 0 : i32
        %lt3A_180 = arith.cmpi slt, %rem3A_176, %lt3A_179 : i32
        %lt3A_181 = arith.constant 0 : i32
        %lt3A_182 = arith.cmpi slt, %select_n3A_175, %lt3A_181 : i32
        %ne3A_183 = arith.xori %lt3A_180, %lt3A_182 : i1
        %and3A_184 = arith.andi %ne3A_183, %ne3A_178 : i1
        %add3A_185 = arith.addi %rem3A_176, %select_n3A_175 : i32
        %select_n3A_186 = arith.select %and3A_184, %add3A_185, %rem3A_176 : i32
        %eq3A_187 = arith.constant 3 : i32
        %eq3A_188 = arith.cmpi eq, %select_n3A_186, %eq3A_187 : i32
        %convert_element_type3A_189 = arith.extui %eq3A_188 : i1 to i32
        %cond3A_190 = arith.constant 0 : i32
        %cond3A_191 = arith.cmpi ne, %convert_element_type3A_189, %cond3A_190 : i32
        scf.if %cond3A_191 {
          %dma_wait3A = arith.constant 0 : i32
          %dma_wait3A_213 = tpu.memref_slice %arg6[%scan3A_116, %dma_wait3A] : memref<50x40xi32, #tpu.memory_space<vmem>> -> memref<1x40xi32, #tpu.memory_space<vmem>>
          %dma_wait3A_214 = tpu.memref_squeeze %dma_wait3A_213 : memref<1x40xi32, #tpu.memory_space<vmem>> -> memref<40xi32, #tpu.memory_space<vmem>>
          %dma_wait3A_215 = arith.constant 0 : i32
          %dma_wait3A_216 = arith.constant 0 : i32
          %dma_wait3A_217 = tpu.memref_slice %arg2[%dma_wait3A_215, %dma_wait3A_216] : memref<10000x128xf32, #tpu.memory_space<hbm>> -> memref<10000x128xf32, #tpu.memory_space<hbm>>
          tpu.wait_indirect_dma semaphore(%arg17 : memref<!tpu.dma_semaphore, #tpu.memory_space<semaphore_mem>>) src(%dma_wait3A_217 : memref<10000x128xf32, #tpu.memory_space<hbm>>) dst(%arg11 : memref<40x128xf32, #tpu.memory_space<vmem>>)
          %add3A_218 = arith.constant 4 : i32
          %add3A_219 = arith.addi %scan3A_116, %add3A_218 : i32
          %lt3A_220 = arith.constant 50 : i32
          %lt3A_221 = arith.cmpi slt, %add3A_219, %lt3A_220 : i32
          %convert_element_type3A_222 = arith.extui %lt3A_221 : i1 to i32
          %cond3A_223 = arith.constant 0 : i32
          %cond3A_224 = arith.cmpi ne, %convert_element_type3A_222, %cond3A_223 : i32
          scf.if %cond3A_224 {
            %add3A_225 = arith.constant 4 : i32
            %add3A_226 = arith.addi %scan3A_116, %add3A_225 : i32
            %dma_start3A_227 = arith.constant 0 : i32
            %dma_start3A_228 = tpu.memref_slice %arg6[%add3A_226, %dma_start3A_227] : memref<50x40xi32, #tpu.memory_space<vmem>> -> memref<1x40xi32, #tpu.memory_space<vmem>>
            %dma_start3A_229 = tpu.memref_squeeze %dma_start3A_228 : memref<1x40xi32, #tpu.memory_space<vmem>> -> memref<40xi32, #tpu.memory_space<vmem>>
            %dma_start3A_230 = arith.constant 0 : i32
            %dma_start3A_231 = arith.constant 0 : i32
            %dma_start3A_232 = tpu.memref_slice %arg2[%dma_start3A_230, %dma_start3A_231] : memref<10000x128xf32, #tpu.memory_space<hbm>> -> memref<10000x128xf32, #tpu.memory_space<hbm>>
            tpu.enqueue_indirect_dma source(%dma_start3A_232 : memref<10000x128xf32, #tpu.memory_space<hbm>>) target(%arg10 : memref<40x128xf32, #tpu.memory_space<vmem>>) offsets(%dma_start3A_229 : memref<40xi32, #tpu.memory_space<vmem>>) semaphore(%arg16 : memref<!tpu.dma_semaphore, #tpu.memory_space<semaphore_mem>>)
          } else {
          }
          "tpu.region"() ({
            %run_scoped3A = tpu.sem_alloc : memref<!tpu.dma_semaphore, #tpu.memory_space<semaphore_mem>>
            %dma_start3A_225 = arith.constant 0 : i32
            %dma_start3A_226 = tpu.memref_slice %arg7[%scan3A_116, %dma_start3A_225] : memref<50x40xi32, #tpu.memory_space<vmem>> -> memref<1x40xi32, #tpu.memory_space<vmem>>
            %dma_start3A_227 = tpu.memref_squeeze %dma_start3A_226 : memref<1x40xi32, #tpu.memory_space<vmem>> -> memref<40xi32, #tpu.memory_space<vmem>>
            %dma_start3A_228 = arith.constant 0 : i32
            %dma_start3A_229 = arith.constant 0 : i32
            %dma_start3A_230 = tpu.memref_slice %arg13[%dma_start3A_228, %dma_start3A_229] : memref<10240x128xf32, #tpu.memory_space<vmem_shared>> -> memref<10240x128xf32, #tpu.memory_space<vmem_shared>>
            tpu.enqueue_indirect_dma source(%arg11 : memref<40x128xf32, #tpu.memory_space<vmem>>) target(%dma_start3A_230 : memref<10240x128xf32, #tpu.memory_space<vmem_shared>>) offsets(%dma_start3A_227 : memref<40xi32, #tpu.memory_space<vmem>>) semaphore(%run_scoped3A : memref<!tpu.dma_semaphore, #tpu.memory_space<semaphore_mem>>) {add = true}
            %dma_wait3A_231 = arith.constant 0 : i32
            %dma_wait3A_232 = tpu.memref_slice %arg7[%scan3A_116, %dma_wait3A_231] : memref<50x40xi32, #tpu.memory_space<vmem>> -> memref<1x40xi32, #tpu.memory_space<vmem>>
            %dma_wait3A_233 = tpu.memref_squeeze %dma_wait3A_232 : memref<1x40xi32, #tpu.memory_space<vmem>> -> memref<40xi32, #tpu.memory_space<vmem>>
            %dma_wait3A_234 = arith.constant 0 : i32
            %dma_wait3A_235 = arith.constant 0 : i32
            %dma_wait3A_236 = tpu.memref_slice %arg13[%dma_wait3A_234, %dma_wait3A_235] : memref<10240x128xf32, #tpu.memory_space<vmem_shared>> -> memref<10240x128xf32, #tpu.memory_space<vmem_shared>>
            tpu.wait_indirect_dma semaphore(%run_scoped3A : memref<!tpu.dma_semaphore, #tpu.memory_space<semaphore_mem>>) src(%arg11 : memref<40x128xf32, #tpu.memory_space<vmem>>) dst(%dma_wait3A_236 : memref<10240x128xf32, #tpu.memory_space<vmem_shared>>)
            tpu.yield
          }) : () -> ()
        } else {
        }
        %jit3A_192 = arith.constant 5 : i32
        %eq3A_193 = arith.constant 0 : i32
        %eq3A_194 = arith.cmpi eq, %jit3A_192, %eq3A_193 : i32
        %jit3A_195 = arith.constant 1 : i32
        %select_n3A_196 = arith.select %eq3A_194, %jit3A_195, %jit3A_192 : i32
        %rem3A_197 = arith.remsi %scan3A_116, %select_n3A_196 : i32
        %ne3A_198 = arith.constant 0 : i32
        %ne3A_199 = arith.cmpi ne, %rem3A_197, %ne3A_198 : i32
        %lt3A_200 = arith.constant 0 : i32
        %lt3A_201 = arith.cmpi slt, %rem3A_197, %lt3A_200 : i32
        %lt3A_202 = arith.constant 0 : i32
        %lt3A_203 = arith.cmpi slt, %select_n3A_196, %lt3A_202 : i32
        %ne3A_204 = arith.xori %lt3A_201, %lt3A_203 : i1
        %and3A_205 = arith.andi %ne3A_204, %ne3A_199 : i1
        %add3A_206 = arith.addi %rem3A_197, %select_n3A_196 : i32
        %select_n3A_207 = arith.select %and3A_205, %add3A_206, %rem3A_197 : i32
        %eq3A_208 = arith.constant 4 : i32
        %eq3A_209 = arith.cmpi eq, %select_n3A_207, %eq3A_208 : i32
        %convert_element_type3A_210 = arith.extui %eq3A_209 : i1 to i32
        %cond3A_211 = arith.constant 0 : i32
        %cond3A_212 = arith.cmpi ne, %convert_element_type3A_210, %cond3A_211 : i32
        scf.if %cond3A_212 {
          %dma_wait3A = arith.constant 0 : i32
          %dma_wait3A_213 = tpu.memref_slice %arg6[%scan3A_116, %dma_wait3A] : memref<50x40xi32, #tpu.memory_space<vmem>> -> memref<1x40xi32, #tpu.memory_space<vmem>>
          %dma_wait3A_214 = tpu.memref_squeeze %dma_wait3A_213 : memref<1x40xi32, #tpu.memory_space<vmem>> -> memref<40xi32, #tpu.memory_space<vmem>>
          %dma_wait3A_215 = arith.constant 0 : i32
          %dma_wait3A_216 = arith.constant 0 : i32
          %dma_wait3A_217 = tpu.memref_slice %arg2[%dma_wait3A_215, %dma_wait3A_216] : memref<10000x128xf32, #tpu.memory_space<hbm>> -> memref<10000x128xf32, #tpu.memory_space<hbm>>
          tpu.wait_indirect_dma semaphore(%arg18 : memref<!tpu.dma_semaphore, #tpu.memory_space<semaphore_mem>>) src(%dma_wait3A_217 : memref<10000x128xf32, #tpu.memory_space<hbm>>) dst(%arg12 : memref<40x128xf32, #tpu.memory_space<vmem>>)
          %add3A_218 = arith.constant 4 : i32
          %add3A_219 = arith.addi %scan3A_116, %add3A_218 : i32
          %lt3A_220 = arith.constant 50 : i32
          %lt3A_221 = arith.cmpi slt, %add3A_219, %lt3A_220 : i32
          %convert_element_type3A_222 = arith.extui %lt3A_221 : i1 to i32
          %cond3A_223 = arith.constant 0 : i32
          %cond3A_224 = arith.cmpi ne, %convert_element_type3A_222, %cond3A_223 : i32
          scf.if %cond3A_224 {
            %add3A_225 = arith.constant 4 : i32
            %add3A_226 = arith.addi %scan3A_116, %add3A_225 : i32
            %dma_start3A_227 = arith.constant 0 : i32
            %dma_start3A_228 = tpu.memref_slice %arg6[%add3A_226, %dma_start3A_227] : memref<50x40xi32, #tpu.memory_space<vmem>> -> memref<1x40xi32, #tpu.memory_space<vmem>>
            %dma_start3A_229 = tpu.memref_squeeze %dma_start3A_228 : memref<1x40xi32, #tpu.memory_space<vmem>> -> memref<40xi32, #tpu.memory_space<vmem>>
            %dma_start3A_230 = arith.constant 0 : i32
            %dma_start3A_231 = arith.constant 0 : i32
            %dma_start3A_232 = tpu.memref_slice %arg2[%dma_start3A_230, %dma_start3A_231] : memref<10000x128xf32, #tpu.memory_space<hbm>> -> memref<10000x128xf32, #tpu.memory_space<hbm>>
            tpu.enqueue_indirect_dma source(%dma_start3A_232 : memref<10000x128xf32, #tpu.memory_space<hbm>>) target(%arg11 : memref<40x128xf32, #tpu.memory_space<vmem>>) offsets(%dma_start3A_229 : memref<40xi32, #tpu.memory_space<vmem>>) semaphore(%arg17 : memref<!tpu.dma_semaphore, #tpu.memory_space<semaphore_mem>>)
          } else {
          }
          "tpu.region"() ({
            %run_scoped3A = tpu.sem_alloc : memref<!tpu.dma_semaphore, #tpu.memory_space<semaphore_mem>>
            %dma_start3A_225 = arith.constant 0 : i32
            %dma_start3A_226 = tpu.memref_slice %arg7[%scan3A_116, %dma_start3A_225] : memref<50x40xi32, #tpu.memory_space<vmem>> -> memref<1x40xi32, #tpu.memory_space<vmem>>
            %dma_start3A_227 = tpu.memref_squeeze %dma_start3A_226 : memref<1x40xi32, #tpu.memory_space<vmem>> -> memref<40xi32, #tpu.memory_space<vmem>>
            %dma_start3A_228 = arith.constant 0 : i32
            %dma_start3A_229 = arith.constant 0 : i32
            %dma_start3A_230 = tpu.memref_slice %arg13[%dma_start3A_228, %dma_start3A_229] : memref<10240x128xf32, #tpu.memory_space<vmem_shared>> -> memref<10240x128xf32, #tpu.memory_space<vmem_shared>>
            tpu.enqueue_indirect_dma source(%arg12 : memref<40x128xf32, #tpu.memory_space<vmem>>) target(%dma_start3A_230 : memref<10240x128xf32, #tpu.memory_space<vmem_shared>>) offsets(%dma_start3A_227 : memref<40xi32, #tpu.memory_space<vmem>>) semaphore(%run_scoped3A : memref<!tpu.dma_semaphore, #tpu.memory_space<semaphore_mem>>) {add = true}
            %dma_wait3A_231 = arith.constant 0 : i32
            %dma_wait3A_232 = tpu.memref_slice %arg7[%scan3A_116, %dma_wait3A_231] : memref<50x40xi32, #tpu.memory_space<vmem>> -> memref<1x40xi32, #tpu.memory_space<vmem>>
            %dma_wait3A_233 = tpu.memref_squeeze %dma_wait3A_232 : memref<1x40xi32, #tpu.memory_space<vmem>> -> memref<40xi32, #tpu.memory_space<vmem>>
            %dma_wait3A_234 = arith.constant 0 : i32
            %dma_wait3A_235 = arith.constant 0 : i32
            %dma_wait3A_236 = tpu.memref_slice %arg13[%dma_wait3A_234, %dma_wait3A_235] : memref<10240x128xf32, #tpu.memory_space<vmem_shared>> -> memref<10240x128xf32, #tpu.memory_space<vmem_shared>>
            tpu.wait_indirect_dma semaphore(%run_scoped3A : memref<!tpu.dma_semaphore, #tpu.memory_space<semaphore_mem>>) src(%arg12 : memref<40x128xf32, #tpu.memory_space<vmem>>) dst(%dma_wait3A_236 : memref<10240x128xf32, #tpu.memory_space<vmem_shared>>)
            tpu.yield
          }) : () -> ()
        } else {
        }
      }
      %scan3A_115 = arith.constant 50 : i32
    }
    %scan3A_76 = arith.constant 5 : i32
    %barrier3A_77 = arith.constant 0 : index
    tpu.barrier barrier_id(%barrier3A_77)
    %mul3A_78 = arith.constant 640 : i32
    %mul3A_79 = arith.muli %arg1, %mul3A_78 : i32
    %mul3A_80 = arith.constant 640 : i32
    %mul3A_81 = arith.muli %arg1, %mul3A_80 : i32
    "tpu.region"() ({
      %run_scoped3A = tpu.sem_alloc : memref<!tpu.dma_semaphore, #tpu.memory_space<semaphore_mem>>
      %dma_start3A = arith.constant 0 : i32
      %dma_start3A_82 = arith.constant 0 : i32
      %dma_start3A_83 = tpu.memref_slice %arg5[%arg0, %dma_start3A, %dma_start3A_82] : memref<2x10240x128xf32, #tpu.memory_space<hbm>> -> memref<1x10240x128xf32, #tpu.memory_space<hbm>>
      %dma_start3A_84 = tpu.memref_squeeze %dma_start3A_83 : memref<1x10240x128xf32, #tpu.memory_space<hbm>> -> memref<10240x128xf32, #tpu.memory_space<hbm>>
      %dma_start3A_85 = arith.constant 0 : i32
      %dma_start3A_86 = tpu.memref_slice %dma_start3A_84[%mul3A_81, %dma_start3A_85] : memref<10240x128xf32, #tpu.memory_space<hbm>> -> memref<640x128xf32, #tpu.memory_space<hbm>>
      %dma_start3A_87 = arith.constant 0 : i32
      %dma_start3A_88 = tpu.memref_slice %arg13[%mul3A_79, %dma_start3A_87] : memref<10240x128xf32, #tpu.memory_space<vmem_shared>> -> memref<640x128xf32, #tpu.memory_space<vmem_shared>>
      tpu.enqueue_dma source(%dma_start3A_88 : memref<640x128xf32, #tpu.memory_space<vmem_shared>>) target(%dma_start3A_86 : memref<640x128xf32, #tpu.memory_space<hbm>>) target_semaphore(%run_scoped3A : memref<!tpu.dma_semaphore, #tpu.memory_space<semaphore_mem>>)
      %dma_wait3A = arith.constant 0 : i32
      %dma_wait3A_89 = arith.constant 0 : i32
      %dma_wait3A_90 = tpu.memref_slice %arg5[%arg0, %dma_wait3A, %dma_wait3A_89] : memref<2x10240x128xf32, #tpu.memory_space<hbm>> -> memref<1x10240x128xf32, #tpu.memory_space<hbm>>
      %dma_wait3A_91 = tpu.memref_squeeze %dma_wait3A_90 : memref<1x10240x128xf32, #tpu.memory_space<hbm>> -> memref<10240x128xf32, #tpu.memory_space<hbm>>
      %dma_wait3A_92 = arith.constant 0 : i32
      %dma_wait3A_93 = tpu.memref_slice %dma_wait3A_91[%mul3A_81, %dma_wait3A_92] : memref<10240x128xf32, #tpu.memory_space<hbm>> -> memref<640x128xf32, #tpu.memory_space<hbm>>
      %dma_wait3A_94 = arith.constant 0 : i32
      %dma_wait3A_95 = tpu.memref_slice %arg13[%mul3A_79, %dma_wait3A_94] : memref<10240x128xf32, #tpu.memory_space<vmem_shared>> -> memref<640x128xf32, #tpu.memory_space<vmem_shared>>
      tpu.wait_dma2 semaphore(%run_scoped3A : memref<!tpu.dma_semaphore, #tpu.memory_space<semaphore_mem>>) src(%dma_wait3A_95 : memref<640x128xf32, #tpu.memory_space<vmem_shared>>) dst(%dma_wait3A_93 : memref<640x128xf32, #tpu.memory_space<hbm>>)
      tpu.yield
    }) : () -> ()
    return
  }
}

#map = affine_map<(d0, d1) -> (0, 0, 0, 0)>
#map1 = affine_map<(d0, d1) -> (0, 0)>
#map2 = affine_map<(d0, d1) -> (0, 0, 0)>
module attributes {stable_mosaic.version = 14 : i64} {
  func.func @_sc_degree(%arg0: i32, %arg1: i32, %arg2: memref<32x5x50x40xi32, #tpu.memory_space<hbm>>, %arg3: memref<40x128xf32, #tpu.memory_space<hbm>>, %arg4: memref<2x10240x128xf32, #tpu.memory_space<hbm>>, %arg5: memref<50x40xi32, #tpu.memory_space<vmem>>, %arg6: memref<40x128xf32, #tpu.memory_space<vmem>>, %arg7: memref<10240x128xf32, #tpu.memory_space<vmem_shared>>) attributes {dimension_semantics = [#tpu.dimension_semantics<core_parallel>, #tpu.dimension_semantics<subcore_parallel>], iteration_bounds = array<i64: 2, 16>, scalar_prefetch = 0 : i64, scratch_operands = 3 : i64, tpu.core_type = #tpu.core_type<sc_vector_subcore>, window_params = [{transform_indices = #map}, {transform_indices = #map1}, {transform_indices = #map2}]} {
    %mul3A = arith.constant 2 : i32
    %mul3A_0 = arith.muli %arg1, %mul3A : i32
    %add3A = arith.addi %mul3A_0, %arg0 : i32
    %broadcast_in_dim3A = arith.constant 0.000000e+00 : f32
    %broadcast_in_dim3A_1 = vector.broadcast %broadcast_in_dim3A : f32 to vector<16xf32>
    %scan3A = arith.constant 0 : i32
    %scan3A_2 = arith.constant 0 : i32
    %scan3A_3 = arith.constant 40 : i32
    %scan3A_4 = arith.addi %scan3A_2, %scan3A_3 : i32
    %scan3A_5 = arith.constant 1 : i32
    scf.for %scan3A_82 = %scan3A_2 to %scan3A_4 step %scan3A_5  : i32 {
      %swap3A = arith.index_cast %scan3A_82 : i32 to index
      %swap3A_83 = arith.constant 0 : index
      %swap3A_84 = tpu.vector_load %arg6[%swap3A, %swap3A_83] {strides = array<i32>} : memref<40x128xf32, #tpu.memory_space<vmem>>, vector<1x16xf32>,
      %swap3A_85 = vector.shape_cast %swap3A_84 : vector<1x16xf32> to vector<16xf32>
      %swap3A_86 = vector.shape_cast %broadcast_in_dim3A_1 : vector<16xf32> to vector<1x16xf32>
      tpu.vector_store %arg6[%swap3A, %swap3A_83], %swap3A_86 {strides = array<i32>} : memref<40x128xf32, #tpu.memory_space<vmem>>, vector<1x16xf32>,
      %swap3A_87 = arith.index_cast %scan3A_82 : i32 to index
      %swap3A_88 = arith.constant 16 : index
      %swap3A_89 = tpu.vector_load %arg6[%swap3A_87, %swap3A_88] {strides = array<i32>} : memref<40x128xf32, #tpu.memory_space<vmem>>, vector<1x16xf32>,
      %swap3A_90 = vector.shape_cast %swap3A_89 : vector<1x16xf32> to vector<16xf32>
      %swap3A_91 = vector.shape_cast %broadcast_in_dim3A_1 : vector<16xf32> to vector<1x16xf32>
      tpu.vector_store %arg6[%swap3A_87, %swap3A_88], %swap3A_91 {strides = array<i32>} : memref<40x128xf32, #tpu.memory_space<vmem>>, vector<1x16xf32>,
      %swap3A_92 = arith.index_cast %scan3A_82 : i32 to index
      %swap3A_93 = arith.constant 32 : index
      %swap3A_94 = tpu.vector_load %arg6[%swap3A_92, %swap3A_93] {strides = array<i32>} : memref<40x128xf32, #tpu.memory_space<vmem>>, vector<1x16xf32>,
      %swap3A_95 = vector.shape_cast %swap3A_94 : vector<1x16xf32> to vector<16xf32>
      %swap3A_96 = vector.shape_cast %broadcast_in_dim3A_1 : vector<16xf32> to vector<1x16xf32>
      tpu.vector_store %arg6[%swap3A_92, %swap3A_93], %swap3A_96 {strides = array<i32>} : memref<40x128xf32, #tpu.memory_space<vmem>>, vector<1x16xf32>,
      %swap3A_97 = arith.index_cast %scan3A_82 : i32 to index
      %swap3A_98 = arith.constant 48 : index
      %swap3A_99 = tpu.vector_load %arg6[%swap3A_97, %swap3A_98] {strides = array<i32>} : memref<40x128xf32, #tpu.memory_space<vmem>>, vector<1x16xf32>,
      %swap3A_100 = vector.shape_cast %swap3A_99 : vector<1x16xf32> to vector<16xf32>
      %swap3A_101 = vector.shape_cast %broadcast_in_dim3A_1 : vector<16xf32> to vector<1x16xf32>
      tpu.vector_store %arg6[%swap3A_97, %swap3A_98], %swap3A_101 {strides = array<i32>} : memref<40x128xf32, #tpu.memory_space<vmem>>, vector<1x16xf32>,
      %swap3A_102 = arith.index_cast %scan3A_82 : i32 to index
      %swap3A_103 = arith.constant 64 : index
      %swap3A_104 = tpu.vector_load %arg6[%swap3A_102, %swap3A_103] {strides = array<i32>} : memref<40x128xf32, #tpu.memory_space<vmem>>, vector<1x16xf32>,
      %swap3A_105 = vector.shape_cast %swap3A_104 : vector<1x16xf32> to vector<16xf32>
      %swap3A_106 = vector.shape_cast %broadcast_in_dim3A_1 : vector<16xf32> to vector<1x16xf32>
      tpu.vector_store %arg6[%swap3A_102, %swap3A_103], %swap3A_106 {strides = array<i32>} : memref<40x128xf32, #tpu.memory_space<vmem>>, vector<1x16xf32>,
      %swap3A_107 = arith.index_cast %scan3A_82 : i32 to index
      %swap3A_108 = arith.constant 80 : index
      %swap3A_109 = tpu.vector_load %arg6[%swap3A_107, %swap3A_108] {strides = array<i32>} : memref<40x128xf32, #tpu.memory_space<vmem>>, vector<1x16xf32>,
      %swap3A_110 = vector.shape_cast %swap3A_109 : vector<1x16xf32> to vector<16xf32>
      %swap3A_111 = vector.shape_cast %broadcast_in_dim3A_1 : vector<16xf32> to vector<1x16xf32>
      tpu.vector_store %arg6[%swap3A_107, %swap3A_108], %swap3A_111 {strides = array<i32>} : memref<40x128xf32, #tpu.memory_space<vmem>>, vector<1x16xf32>,
      %swap3A_112 = arith.index_cast %scan3A_82 : i32 to index
      %swap3A_113 = arith.constant 96 : index
      %swap3A_114 = tpu.vector_load %arg6[%swap3A_112, %swap3A_113] {strides = array<i32>} : memref<40x128xf32, #tpu.memory_space<vmem>>, vector<1x16xf32>,
      %swap3A_115 = vector.shape_cast %swap3A_114 : vector<1x16xf32> to vector<16xf32>
      %swap3A_116 = vector.shape_cast %broadcast_in_dim3A_1 : vector<16xf32> to vector<1x16xf32>
      tpu.vector_store %arg6[%swap3A_112, %swap3A_113], %swap3A_116 {strides = array<i32>} : memref<40x128xf32, #tpu.memory_space<vmem>>, vector<1x16xf32>,
      %swap3A_117 = arith.index_cast %scan3A_82 : i32 to index
      %swap3A_118 = arith.constant 112 : index
      %swap3A_119 = tpu.vector_load %arg6[%swap3A_117, %swap3A_118] {strides = array<i32>} : memref<40x128xf32, #tpu.memory_space<vmem>>, vector<1x16xf32>,
      %swap3A_120 = vector.shape_cast %swap3A_119 : vector<1x16xf32> to vector<16xf32>
      %swap3A_121 = vector.shape_cast %broadcast_in_dim3A_1 : vector<16xf32> to vector<1x16xf32>
      tpu.vector_store %arg6[%swap3A_117, %swap3A_118], %swap3A_121 {strides = array<i32>} : memref<40x128xf32, #tpu.memory_space<vmem>>, vector<1x16xf32>,
    }
    %scan3A_6 = arith.constant 40 : i32
    %mul3A_7 = arith.constant 640 : i32
    %mul3A_8 = arith.muli %arg1, %mul3A_7 : i32
    %add3A_9 = arith.constant 0 : i32
    %add3A_10 = arith.addi %mul3A_8, %add3A_9 : i32
    "tpu.region"() ({
      %run_scoped3A = tpu.sem_alloc : memref<!tpu.dma_semaphore, #tpu.memory_space<semaphore_mem>>
      %dma_start3A = arith.constant 0 : i32
      %dma_start3A_82 = tpu.memref_slice %arg7[%add3A_10, %dma_start3A] : memref<10240x128xf32, #tpu.memory_space<vmem_shared>> -> memref<40x128xf32, #tpu.memory_space<vmem_shared>>
      %dma_start3A_83 = arith.constant 0 : i32
      %dma_start3A_84 = tpu.memref_slice %arg7[%add3A_10, %dma_start3A_83] : memref<10240x128xf32, #tpu.memory_space<vmem_shared>> -> memref<40x128xf32, #tpu.memory_space<vmem_shared>>
      tpu.enqueue_dma source(%arg6 : memref<40x128xf32, #tpu.memory_space<vmem>>) target(%dma_start3A_84 : memref<40x128xf32, #tpu.memory_space<vmem_shared>>) target_semaphore(%run_scoped3A : memref<!tpu.dma_semaphore, #tpu.memory_space<semaphore_mem>>)
      %dma_wait3A = arith.constant 0 : i32
      %dma_wait3A_85 = tpu.memref_slice %arg7[%add3A_10, %dma_wait3A] : memref<10240x128xf32, #tpu.memory_space<vmem_shared>> -> memref<40x128xf32, #tpu.memory_space<vmem_shared>>
      %dma_wait3A_86 = arith.constant 0 : i32
      %dma_wait3A_87 = tpu.memref_slice %arg7[%add3A_10, %dma_wait3A_86] : memref<10240x128xf32, #tpu.memory_space<vmem_shared>> -> memref<40x128xf32, #tpu.memory_space<vmem_shared>>
      tpu.wait_dma2 semaphore(%run_scoped3A : memref<!tpu.dma_semaphore, #tpu.memory_space<semaphore_mem>>) src(%arg6 : memref<40x128xf32, #tpu.memory_space<vmem>>) dst(%dma_wait3A_87 : memref<40x128xf32, #tpu.memory_space<vmem_shared>>)
      tpu.yield
    }) : () -> ()
    %mul3A_11 = arith.constant 640 : i32
    %mul3A_12 = arith.muli %arg1, %mul3A_11 : i32
    %add3A_13 = arith.constant 40 : i32
    %add3A_14 = arith.addi %mul3A_12, %add3A_13 : i32
    "tpu.region"() ({
      %run_scoped3A = tpu.sem_alloc : memref<!tpu.dma_semaphore, #tpu.memory_space<semaphore_mem>>
      %dma_start3A = arith.constant 0 : i32
      %dma_start3A_82 = tpu.memref_slice %arg7[%add3A_14, %dma_start3A] : memref<10240x128xf32, #tpu.memory_space<vmem_shared>> -> memref<40x128xf32, #tpu.memory_space<vmem_shared>>
      %dma_start3A_83 = arith.constant 0 : i32
      %dma_start3A_84 = tpu.memref_slice %arg7[%add3A_14, %dma_start3A_83] : memref<10240x128xf32, #tpu.memory_space<vmem_shared>> -> memref<40x128xf32, #tpu.memory_space<vmem_shared>>
      tpu.enqueue_dma source(%arg6 : memref<40x128xf32, #tpu.memory_space<vmem>>) target(%dma_start3A_84 : memref<40x128xf32, #tpu.memory_space<vmem_shared>>) target_semaphore(%run_scoped3A : memref<!tpu.dma_semaphore, #tpu.memory_space<semaphore_mem>>)
      %dma_wait3A = arith.constant 0 : i32
      %dma_wait3A_85 = tpu.memref_slice %arg7[%add3A_14, %dma_wait3A] : memref<10240x128xf32, #tpu.memory_space<vmem_shared>> -> memref<40x128xf32, #tpu.memory_space<vmem_shared>>
      %dma_wait3A_86 = arith.constant 0 : i32
      %dma_wait3A_87 = tpu.memref_slice %arg7[%add3A_14, %dma_wait3A_86] : memref<10240x128xf32, #tpu.memory_space<vmem_shared>> -> memref<40x128xf32, #tpu.memory_space<vmem_shared>>
      tpu.wait_dma2 semaphore(%run_scoped3A : memref<!tpu.dma_semaphore, #tpu.memory_space<semaphore_mem>>) src(%arg6 : memref<40x128xf32, #tpu.memory_space<vmem>>) dst(%dma_wait3A_87 : memref<40x128xf32, #tpu.memory_space<vmem_shared>>)
      tpu.yield
    }) : () -> ()
    %mul3A_15 = arith.constant 640 : i32
    %mul3A_16 = arith.muli %arg1, %mul3A_15 : i32
    %add3A_17 = arith.constant 80 : i32
    %add3A_18 = arith.addi %mul3A_16, %add3A_17 : i32
    "tpu.region"() ({
      %run_scoped3A = tpu.sem_alloc : memref<!tpu.dma_semaphore, #tpu.memory_space<semaphore_mem>>
      %dma_start3A = arith.constant 0 : i32
      %dma_start3A_82 = tpu.memref_slice %arg7[%add3A_18, %dma_start3A] : memref<10240x128xf32, #tpu.memory_space<vmem_shared>> -> memref<40x128xf32, #tpu.memory_space<vmem_shared>>
      %dma_start3A_83 = arith.constant 0 : i32
      %dma_start3A_84 = tpu.memref_slice %arg7[%add3A_18, %dma_start3A_83] : memref<10240x128xf32, #tpu.memory_space<vmem_shared>> -> memref<40x128xf32, #tpu.memory_space<vmem_shared>>
      tpu.enqueue_dma source(%arg6 : memref<40x128xf32, #tpu.memory_space<vmem>>) target(%dma_start3A_84 : memref<40x128xf32, #tpu.memory_space<vmem_shared>>) target_semaphore(%run_scoped3A : memref<!tpu.dma_semaphore, #tpu.memory_space<semaphore_mem>>)
      %dma_wait3A = arith.constant 0 : i32
      %dma_wait3A_85 = tpu.memref_slice %arg7[%add3A_18, %dma_wait3A] : memref<10240x128xf32, #tpu.memory_space<vmem_shared>> -> memref<40x128xf32, #tpu.memory_space<vmem_shared>>
      %dma_wait3A_86 = arith.constant 0 : i32
      %dma_wait3A_87 = tpu.memref_slice %arg7[%add3A_18, %dma_wait3A_86] : memref<10240x128xf32, #tpu.memory_space<vmem_shared>> -> memref<40x128xf32, #tpu.memory_space<vmem_shared>>
      tpu.wait_dma2 semaphore(%run_scoped3A : memref<!tpu.dma_semaphore, #tpu.memory_space<semaphore_mem>>) src(%arg6 : memref<40x128xf32, #tpu.memory_space<vmem>>) dst(%dma_wait3A_87 : memref<40x128xf32, #tpu.memory_space<vmem_shared>>)
      tpu.yield
    }) : () -> ()
    %mul3A_19 = arith.constant 640 : i32
    %mul3A_20 = arith.muli %arg1, %mul3A_19 : i32
    %add3A_21 = arith.constant 120 : i32
    %add3A_22 = arith.addi %mul3A_20, %add3A_21 : i32
    "tpu.region"() ({
      %run_scoped3A = tpu.sem_alloc : memref<!tpu.dma_semaphore, #tpu.memory_space<semaphore_mem>>
      %dma_start3A = arith.constant 0 : i32
      %dma_start3A_82 = tpu.memref_slice %arg7[%add3A_22, %dma_start3A] : memref<10240x128xf32, #tpu.memory_space<vmem_shared>> -> memref<40x128xf32, #tpu.memory_space<vmem_shared>>
      %dma_start3A_83 = arith.constant 0 : i32
      %dma_start3A_84 = tpu.memref_slice %arg7[%add3A_22, %dma_start3A_83] : memref<10240x128xf32, #tpu.memory_space<vmem_shared>> -> memref<40x128xf32, #tpu.memory_space<vmem_shared>>
      tpu.enqueue_dma source(%arg6 : memref<40x128xf32, #tpu.memory_space<vmem>>) target(%dma_start3A_84 : memref<40x128xf32, #tpu.memory_space<vmem_shared>>) target_semaphore(%run_scoped3A : memref<!tpu.dma_semaphore, #tpu.memory_space<semaphore_mem>>)
      %dma_wait3A = arith.constant 0 : i32
      %dma_wait3A_85 = tpu.memref_slice %arg7[%add3A_22, %dma_wait3A] : memref<10240x128xf32, #tpu.memory_space<vmem_shared>> -> memref<40x128xf32, #tpu.memory_space<vmem_shared>>
      %dma_wait3A_86 = arith.constant 0 : i32
      %dma_wait3A_87 = tpu.memref_slice %arg7[%add3A_22, %dma_wait3A_86] : memref<10240x128xf32, #tpu.memory_space<vmem_shared>> -> memref<40x128xf32, #tpu.memory_space<vmem_shared>>
      tpu.wait_dma2 semaphore(%run_scoped3A : memref<!tpu.dma_semaphore, #tpu.memory_space<semaphore_mem>>) src(%arg6 : memref<40x128xf32, #tpu.memory_space<vmem>>) dst(%dma_wait3A_87 : memref<40x128xf32, #tpu.memory_space<vmem_shared>>)
      tpu.yield
    }) : () -> ()
    %mul3A_23 = arith.constant 640 : i32
    %mul3A_24 = arith.muli %arg1, %mul3A_23 : i32
    %add3A_25 = arith.constant 160 : i32
    %add3A_26 = arith.addi %mul3A_24, %add3A_25 : i32
    "tpu.region"() ({
      %run_scoped3A = tpu.sem_alloc : memref<!tpu.dma_semaphore, #tpu.memory_space<semaphore_mem>>
      %dma_start3A = arith.constant 0 : i32
      %dma_start3A_82 = tpu.memref_slice %arg7[%add3A_26, %dma_start3A] : memref<10240x128xf32, #tpu.memory_space<vmem_shared>> -> memref<40x128xf32, #tpu.memory_space<vmem_shared>>
      %dma_start3A_83 = arith.constant 0 : i32
      %dma_start3A_84 = tpu.memref_slice %arg7[%add3A_26, %dma_start3A_83] : memref<10240x128xf32, #tpu.memory_space<vmem_shared>> -> memref<40x128xf32, #tpu.memory_space<vmem_shared>>
      tpu.enqueue_dma source(%arg6 : memref<40x128xf32, #tpu.memory_space<vmem>>) target(%dma_start3A_84 : memref<40x128xf32, #tpu.memory_space<vmem_shared>>) target_semaphore(%run_scoped3A : memref<!tpu.dma_semaphore, #tpu.memory_space<semaphore_mem>>)
      %dma_wait3A = arith.constant 0 : i32
      %dma_wait3A_85 = tpu.memref_slice %arg7[%add3A_26, %dma_wait3A] : memref<10240x128xf32, #tpu.memory_space<vmem_shared>> -> memref<40x128xf32, #tpu.memory_space<vmem_shared>>
      %dma_wait3A_86 = arith.constant 0 : i32
      %dma_wait3A_87 = tpu.memref_slice %arg7[%add3A_26, %dma_wait3A_86] : memref<10240x128xf32, #tpu.memory_space<vmem_shared>> -> memref<40x128xf32, #tpu.memory_space<vmem_shared>>
      tpu.wait_dma2 semaphore(%run_scoped3A : memref<!tpu.dma_semaphore, #tpu.memory_space<semaphore_mem>>) src(%arg6 : memref<40x128xf32, #tpu.memory_space<vmem>>) dst(%dma_wait3A_87 : memref<40x128xf32, #tpu.memory_space<vmem_shared>>)
      tpu.yield
    }) : () -> ()
    %mul3A_27 = arith.constant 640 : i32
    %mul3A_28 = arith.muli %arg1, %mul3A_27 : i32
    %add3A_29 = arith.constant 200 : i32
    %add3A_30 = arith.addi %mul3A_28, %add3A_29 : i32
    "tpu.region"() ({
      %run_scoped3A = tpu.sem_alloc : memref<!tpu.dma_semaphore, #tpu.memory_space<semaphore_mem>>
      %dma_start3A = arith.constant 0 : i32
      %dma_start3A_82 = tpu.memref_slice %arg7[%add3A_30, %dma_start3A] : memref<10240x128xf32, #tpu.memory_space<vmem_shared>> -> memref<40x128xf32, #tpu.memory_space<vmem_shared>>
      %dma_start3A_83 = arith.constant 0 : i32
      %dma_start3A_84 = tpu.memref_slice %arg7[%add3A_30, %dma_start3A_83] : memref<10240x128xf32, #tpu.memory_space<vmem_shared>> -> memref<40x128xf32, #tpu.memory_space<vmem_shared>>
      tpu.enqueue_dma source(%arg6 : memref<40x128xf32, #tpu.memory_space<vmem>>) target(%dma_start3A_84 : memref<40x128xf32, #tpu.memory_space<vmem_shared>>) target_semaphore(%run_scoped3A : memref<!tpu.dma_semaphore, #tpu.memory_space<semaphore_mem>>)
      %dma_wait3A = arith.constant 0 : i32
      %dma_wait3A_85 = tpu.memref_slice %arg7[%add3A_30, %dma_wait3A] : memref<10240x128xf32, #tpu.memory_space<vmem_shared>> -> memref<40x128xf32, #tpu.memory_space<vmem_shared>>
      %dma_wait3A_86 = arith.constant 0 : i32
      %dma_wait3A_87 = tpu.memref_slice %arg7[%add3A_30, %dma_wait3A_86] : memref<10240x128xf32, #tpu.memory_space<vmem_shared>> -> memref<40x128xf32, #tpu.memory_space<vmem_shared>>
      tpu.wait_dma2 semaphore(%run_scoped3A : memref<!tpu.dma_semaphore, #tpu.memory_space<semaphore_mem>>) src(%arg6 : memref<40x128xf32, #tpu.memory_space<vmem>>) dst(%dma_wait3A_87 : memref<40x128xf32, #tpu.memory_space<vmem_shared>>)
      tpu.yield
    }) : () -> ()
    %mul3A_31 = arith.constant 640 : i32
    %mul3A_32 = arith.muli %arg1, %mul3A_31 : i32
    %add3A_33 = arith.constant 240 : i32
    %add3A_34 = arith.addi %mul3A_32, %add3A_33 : i32
    "tpu.region"() ({
      %run_scoped3A = tpu.sem_alloc : memref<!tpu.dma_semaphore, #tpu.memory_space<semaphore_mem>>
      %dma_start3A = arith.constant 0 : i32
      %dma_start3A_82 = tpu.memref_slice %arg7[%add3A_34, %dma_start3A] : memref<10240x128xf32, #tpu.memory_space<vmem_shared>> -> memref<40x128xf32, #tpu.memory_space<vmem_shared>>
      %dma_start3A_83 = arith.constant 0 : i32
      %dma_start3A_84 = tpu.memref_slice %arg7[%add3A_34, %dma_start3A_83] : memref<10240x128xf32, #tpu.memory_space<vmem_shared>> -> memref<40x128xf32, #tpu.memory_space<vmem_shared>>
      tpu.enqueue_dma source(%arg6 : memref<40x128xf32, #tpu.memory_space<vmem>>) target(%dma_start3A_84 : memref<40x128xf32, #tpu.memory_space<vmem_shared>>) target_semaphore(%run_scoped3A : memref<!tpu.dma_semaphore, #tpu.memory_space<semaphore_mem>>)
      %dma_wait3A = arith.constant 0 : i32
      %dma_wait3A_85 = tpu.memref_slice %arg7[%add3A_34, %dma_wait3A] : memref<10240x128xf32, #tpu.memory_space<vmem_shared>> -> memref<40x128xf32, #tpu.memory_space<vmem_shared>>
      %dma_wait3A_86 = arith.constant 0 : i32
      %dma_wait3A_87 = tpu.memref_slice %arg7[%add3A_34, %dma_wait3A_86] : memref<10240x128xf32, #tpu.memory_space<vmem_shared>> -> memref<40x128xf32, #tpu.memory_space<vmem_shared>>
      tpu.wait_dma2 semaphore(%run_scoped3A : memref<!tpu.dma_semaphore, #tpu.memory_space<semaphore_mem>>) src(%arg6 : memref<40x128xf32, #tpu.memory_space<vmem>>) dst(%dma_wait3A_87 : memref<40x128xf32, #tpu.memory_space<vmem_shared>>)
      tpu.yield
    }) : () -> ()
    %mul3A_35 = arith.constant 640 : i32
    %mul3A_36 = arith.muli %arg1, %mul3A_35 : i32
    %add3A_37 = arith.constant 280 : i32
    %add3A_38 = arith.addi %mul3A_36, %add3A_37 : i32
    "tpu.region"() ({
      %run_scoped3A = tpu.sem_alloc : memref<!tpu.dma_semaphore, #tpu.memory_space<semaphore_mem>>
      %dma_start3A = arith.constant 0 : i32
      %dma_start3A_82 = tpu.memref_slice %arg7[%add3A_38, %dma_start3A] : memref<10240x128xf32, #tpu.memory_space<vmem_shared>> -> memref<40x128xf32, #tpu.memory_space<vmem_shared>>
      %dma_start3A_83 = arith.constant 0 : i32
      %dma_start3A_84 = tpu.memref_slice %arg7[%add3A_38, %dma_start3A_83] : memref<10240x128xf32, #tpu.memory_space<vmem_shared>> -> memref<40x128xf32, #tpu.memory_space<vmem_shared>>
      tpu.enqueue_dma source(%arg6 : memref<40x128xf32, #tpu.memory_space<vmem>>) target(%dma_start3A_84 : memref<40x128xf32, #tpu.memory_space<vmem_shared>>) target_semaphore(%run_scoped3A : memref<!tpu.dma_semaphore, #tpu.memory_space<semaphore_mem>>)
      %dma_wait3A = arith.constant 0 : i32
      %dma_wait3A_85 = tpu.memref_slice %arg7[%add3A_38, %dma_wait3A] : memref<10240x128xf32, #tpu.memory_space<vmem_shared>> -> memref<40x128xf32, #tpu.memory_space<vmem_shared>>
      %dma_wait3A_86 = arith.constant 0 : i32
      %dma_wait3A_87 = tpu.memref_slice %arg7[%add3A_38, %dma_wait3A_86] : memref<10240x128xf32, #tpu.memory_space<vmem_shared>> -> memref<40x128xf32, #tpu.memory_space<vmem_shared>>
      tpu.wait_dma2 semaphore(%run_scoped3A : memref<!tpu.dma_semaphore, #tpu.memory_space<semaphore_mem>>) src(%arg6 : memref<40x128xf32, #tpu.memory_space<vmem>>) dst(%dma_wait3A_87 : memref<40x128xf32, #tpu.memory_space<vmem_shared>>)
      tpu.yield
    }) : () -> ()
    %mul3A_39 = arith.constant 640 : i32
    %mul3A_40 = arith.muli %arg1, %mul3A_39 : i32
    %add3A_41 = arith.constant 320 : i32
    %add3A_42 = arith.addi %mul3A_40, %add3A_41 : i32
    "tpu.region"() ({
      %run_scoped3A = tpu.sem_alloc : memref<!tpu.dma_semaphore, #tpu.memory_space<semaphore_mem>>
      %dma_start3A = arith.constant 0 : i32
      %dma_start3A_82 = tpu.memref_slice %arg7[%add3A_42, %dma_start3A] : memref<10240x128xf32, #tpu.memory_space<vmem_shared>> -> memref<40x128xf32, #tpu.memory_space<vmem_shared>>
      %dma_start3A_83 = arith.constant 0 : i32
      %dma_start3A_84 = tpu.memref_slice %arg7[%add3A_42, %dma_start3A_83] : memref<10240x128xf32, #tpu.memory_space<vmem_shared>> -> memref<40x128xf32, #tpu.memory_space<vmem_shared>>
      tpu.enqueue_dma source(%arg6 : memref<40x128xf32, #tpu.memory_space<vmem>>) target(%dma_start3A_84 : memref<40x128xf32, #tpu.memory_space<vmem_shared>>) target_semaphore(%run_scoped3A : memref<!tpu.dma_semaphore, #tpu.memory_space<semaphore_mem>>)
      %dma_wait3A = arith.constant 0 : i32
      %dma_wait3A_85 = tpu.memref_slice %arg7[%add3A_42, %dma_wait3A] : memref<10240x128xf32, #tpu.memory_space<vmem_shared>> -> memref<40x128xf32, #tpu.memory_space<vmem_shared>>
      %dma_wait3A_86 = arith.constant 0 : i32
      %dma_wait3A_87 = tpu.memref_slice %arg7[%add3A_42, %dma_wait3A_86] : memref<10240x128xf32, #tpu.memory_space<vmem_shared>> -> memref<40x128xf32, #tpu.memory_space<vmem_shared>>
      tpu.wait_dma2 semaphore(%run_scoped3A : memref<!tpu.dma_semaphore, #tpu.memory_space<semaphore_mem>>) src(%arg6 : memref<40x128xf32, #tpu.memory_space<vmem>>) dst(%dma_wait3A_87 : memref<40x128xf32, #tpu.memory_space<vmem_shared>>)
      tpu.yield
    }) : () -> ()
    %mul3A_43 = arith.constant 640 : i32
    %mul3A_44 = arith.muli %arg1, %mul3A_43 : i32
    %add3A_45 = arith.constant 360 : i32
    %add3A_46 = arith.addi %mul3A_44, %add3A_45 : i32
    "tpu.region"() ({
      %run_scoped3A = tpu.sem_alloc : memref<!tpu.dma_semaphore, #tpu.memory_space<semaphore_mem>>
      %dma_start3A = arith.constant 0 : i32
      %dma_start3A_82 = tpu.memref_slice %arg7[%add3A_46, %dma_start3A] : memref<10240x128xf32, #tpu.memory_space<vmem_shared>> -> memref<40x128xf32, #tpu.memory_space<vmem_shared>>
      %dma_start3A_83 = arith.constant 0 : i32
      %dma_start3A_84 = tpu.memref_slice %arg7[%add3A_46, %dma_start3A_83] : memref<10240x128xf32, #tpu.memory_space<vmem_shared>> -> memref<40x128xf32, #tpu.memory_space<vmem_shared>>
      tpu.enqueue_dma source(%arg6 : memref<40x128xf32, #tpu.memory_space<vmem>>) target(%dma_start3A_84 : memref<40x128xf32, #tpu.memory_space<vmem_shared>>) target_semaphore(%run_scoped3A : memref<!tpu.dma_semaphore, #tpu.memory_space<semaphore_mem>>)
      %dma_wait3A = arith.constant 0 : i32
      %dma_wait3A_85 = tpu.memref_slice %arg7[%add3A_46, %dma_wait3A] : memref<10240x128xf32, #tpu.memory_space<vmem_shared>> -> memref<40x128xf32, #tpu.memory_space<vmem_shared>>
      %dma_wait3A_86 = arith.constant 0 : i32
      %dma_wait3A_87 = tpu.memref_slice %arg7[%add3A_46, %dma_wait3A_86] : memref<10240x128xf32, #tpu.memory_space<vmem_shared>> -> memref<40x128xf32, #tpu.memory_space<vmem_shared>>
      tpu.wait_dma2 semaphore(%run_scoped3A : memref<!tpu.dma_semaphore, #tpu.memory_space<semaphore_mem>>) src(%arg6 : memref<40x128xf32, #tpu.memory_space<vmem>>) dst(%dma_wait3A_87 : memref<40x128xf32, #tpu.memory_space<vmem_shared>>)
      tpu.yield
    }) : () -> ()
    %mul3A_47 = arith.constant 640 : i32
    %mul3A_48 = arith.muli %arg1, %mul3A_47 : i32
    %add3A_49 = arith.constant 400 : i32
    %add3A_50 = arith.addi %mul3A_48, %add3A_49 : i32
    "tpu.region"() ({
      %run_scoped3A = tpu.sem_alloc : memref<!tpu.dma_semaphore, #tpu.memory_space<semaphore_mem>>
      %dma_start3A = arith.constant 0 : i32
      %dma_start3A_82 = tpu.memref_slice %arg7[%add3A_50, %dma_start3A] : memref<10240x128xf32, #tpu.memory_space<vmem_shared>> -> memref<40x128xf32, #tpu.memory_space<vmem_shared>>
      %dma_start3A_83 = arith.constant 0 : i32
      %dma_start3A_84 = tpu.memref_slice %arg7[%add3A_50, %dma_start3A_83] : memref<10240x128xf32, #tpu.memory_space<vmem_shared>> -> memref<40x128xf32, #tpu.memory_space<vmem_shared>>
      tpu.enqueue_dma source(%arg6 : memref<40x128xf32, #tpu.memory_space<vmem>>) target(%dma_start3A_84 : memref<40x128xf32, #tpu.memory_space<vmem_shared>>) target_semaphore(%run_scoped3A : memref<!tpu.dma_semaphore, #tpu.memory_space<semaphore_mem>>)
      %dma_wait3A = arith.constant 0 : i32
      %dma_wait3A_85 = tpu.memref_slice %arg7[%add3A_50, %dma_wait3A] : memref<10240x128xf32, #tpu.memory_space<vmem_shared>> -> memref<40x128xf32, #tpu.memory_space<vmem_shared>>
      %dma_wait3A_86 = arith.constant 0 : i32
      %dma_wait3A_87 = tpu.memref_slice %arg7[%add3A_50, %dma_wait3A_86] : memref<10240x128xf32, #tpu.memory_space<vmem_shared>> -> memref<40x128xf32, #tpu.memory_space<vmem_shared>>
      tpu.wait_dma2 semaphore(%run_scoped3A : memref<!tpu.dma_semaphore, #tpu.memory_space<semaphore_mem>>) src(%arg6 : memref<40x128xf32, #tpu.memory_space<vmem>>) dst(%dma_wait3A_87 : memref<40x128xf32, #tpu.memory_space<vmem_shared>>)
      tpu.yield
    }) : () -> ()
    %mul3A_51 = arith.constant 640 : i32
    %mul3A_52 = arith.muli %arg1, %mul3A_51 : i32
    %add3A_53 = arith.constant 440 : i32
    %add3A_54 = arith.addi %mul3A_52, %add3A_53 : i32
    "tpu.region"() ({
      %run_scoped3A = tpu.sem_alloc : memref<!tpu.dma_semaphore, #tpu.memory_space<semaphore_mem>>
      %dma_start3A = arith.constant 0 : i32
      %dma_start3A_82 = tpu.memref_slice %arg7[%add3A_54, %dma_start3A] : memref<10240x128xf32, #tpu.memory_space<vmem_shared>> -> memref<40x128xf32, #tpu.memory_space<vmem_shared>>
      %dma_start3A_83 = arith.constant 0 : i32
      %dma_start3A_84 = tpu.memref_slice %arg7[%add3A_54, %dma_start3A_83] : memref<10240x128xf32, #tpu.memory_space<vmem_shared>> -> memref<40x128xf32, #tpu.memory_space<vmem_shared>>
      tpu.enqueue_dma source(%arg6 : memref<40x128xf32, #tpu.memory_space<vmem>>) target(%dma_start3A_84 : memref<40x128xf32, #tpu.memory_space<vmem_shared>>) target_semaphore(%run_scoped3A : memref<!tpu.dma_semaphore, #tpu.memory_space<semaphore_mem>>)
      %dma_wait3A = arith.constant 0 : i32
      %dma_wait3A_85 = tpu.memref_slice %arg7[%add3A_54, %dma_wait3A] : memref<10240x128xf32, #tpu.memory_space<vmem_shared>> -> memref<40x128xf32, #tpu.memory_space<vmem_shared>>
      %dma_wait3A_86 = arith.constant 0 : i32
      %dma_wait3A_87 = tpu.memref_slice %arg7[%add3A_54, %dma_wait3A_86] : memref<10240x128xf32, #tpu.memory_space<vmem_shared>> -> memref<40x128xf32, #tpu.memory_space<vmem_shared>>
      tpu.wait_dma2 semaphore(%run_scoped3A : memref<!tpu.dma_semaphore, #tpu.memory_space<semaphore_mem>>) src(%arg6 : memref<40x128xf32, #tpu.memory_space<vmem>>) dst(%dma_wait3A_87 : memref<40x128xf32, #tpu.memory_space<vmem_shared>>)
      tpu.yield
    }) : () -> ()
    %mul3A_55 = arith.constant 640 : i32
    %mul3A_56 = arith.muli %arg1, %mul3A_55 : i32
    %add3A_57 = arith.constant 480 : i32
    %add3A_58 = arith.addi %mul3A_56, %add3A_57 : i32
    "tpu.region"() ({
      %run_scoped3A = tpu.sem_alloc : memref<!tpu.dma_semaphore, #tpu.memory_space<semaphore_mem>>
      %dma_start3A = arith.constant 0 : i32
      %dma_start3A_82 = tpu.memref_slice %arg7[%add3A_58, %dma_start3A] : memref<10240x128xf32, #tpu.memory_space<vmem_shared>> -> memref<40x128xf32, #tpu.memory_space<vmem_shared>>
      %dma_start3A_83 = arith.constant 0 : i32
      %dma_start3A_84 = tpu.memref_slice %arg7[%add3A_58, %dma_start3A_83] : memref<10240x128xf32, #tpu.memory_space<vmem_shared>> -> memref<40x128xf32, #tpu.memory_space<vmem_shared>>
      tpu.enqueue_dma source(%arg6 : memref<40x128xf32, #tpu.memory_space<vmem>>) target(%dma_start3A_84 : memref<40x128xf32, #tpu.memory_space<vmem_shared>>) target_semaphore(%run_scoped3A : memref<!tpu.dma_semaphore, #tpu.memory_space<semaphore_mem>>)
      %dma_wait3A = arith.constant 0 : i32
      %dma_wait3A_85 = tpu.memref_slice %arg7[%add3A_58, %dma_wait3A] : memref<10240x128xf32, #tpu.memory_space<vmem_shared>> -> memref<40x128xf32, #tpu.memory_space<vmem_shared>>
      %dma_wait3A_86 = arith.constant 0 : i32
      %dma_wait3A_87 = tpu.memref_slice %arg7[%add3A_58, %dma_wait3A_86] : memref<10240x128xf32, #tpu.memory_space<vmem_shared>> -> memref<40x128xf32, #tpu.memory_space<vmem_shared>>
      tpu.wait_dma2 semaphore(%run_scoped3A : memref<!tpu.dma_semaphore, #tpu.memory_space<semaphore_mem>>) src(%arg6 : memref<40x128xf32, #tpu.memory_space<vmem>>) dst(%dma_wait3A_87 : memref<40x128xf32, #tpu.memory_space<vmem_shared>>)
      tpu.yield
    }) : () -> ()
    %mul3A_59 = arith.constant 640 : i32
    %mul3A_60 = arith.muli %arg1, %mul3A_59 : i32
    %add3A_61 = arith.constant 520 : i32
    %add3A_62 = arith.addi %mul3A_60, %add3A_61 : i32
    "tpu.region"() ({
      %run_scoped3A = tpu.sem_alloc : memref<!tpu.dma_semaphore, #tpu.memory_space<semaphore_mem>>
      %dma_start3A = arith.constant 0 : i32
      %dma_start3A_82 = tpu.memref_slice %arg7[%add3A_62, %dma_start3A] : memref<10240x128xf32, #tpu.memory_space<vmem_shared>> -> memref<40x128xf32, #tpu.memory_space<vmem_shared>>
      %dma_start3A_83 = arith.constant 0 : i32
      %dma_start3A_84 = tpu.memref_slice %arg7[%add3A_62, %dma_start3A_83] : memref<10240x128xf32, #tpu.memory_space<vmem_shared>> -> memref<40x128xf32, #tpu.memory_space<vmem_shared>>
      tpu.enqueue_dma source(%arg6 : memref<40x128xf32, #tpu.memory_space<vmem>>) target(%dma_start3A_84 : memref<40x128xf32, #tpu.memory_space<vmem_shared>>) target_semaphore(%run_scoped3A : memref<!tpu.dma_semaphore, #tpu.memory_space<semaphore_mem>>)
      %dma_wait3A = arith.constant 0 : i32
      %dma_wait3A_85 = tpu.memref_slice %arg7[%add3A_62, %dma_wait3A] : memref<10240x128xf32, #tpu.memory_space<vmem_shared>> -> memref<40x128xf32, #tpu.memory_space<vmem_shared>>
      %dma_wait3A_86 = arith.constant 0 : i32
      %dma_wait3A_87 = tpu.memref_slice %arg7[%add3A_62, %dma_wait3A_86] : memref<10240x128xf32, #tpu.memory_space<vmem_shared>> -> memref<40x128xf32, #tpu.memory_space<vmem_shared>>
      tpu.wait_dma2 semaphore(%run_scoped3A : memref<!tpu.dma_semaphore, #tpu.memory_space<semaphore_mem>>) src(%arg6 : memref<40x128xf32, #tpu.memory_space<vmem>>) dst(%dma_wait3A_87 : memref<40x128xf32, #tpu.memory_space<vmem_shared>>)
      tpu.yield
    }) : () -> ()
    %mul3A_63 = arith.constant 640 : i32
    %mul3A_64 = arith.muli %arg1, %mul3A_63 : i32
    %add3A_65 = arith.constant 560 : i32
    %add3A_66 = arith.addi %mul3A_64, %add3A_65 : i32
    "tpu.region"() ({
      %run_scoped3A = tpu.sem_alloc : memref<!tpu.dma_semaphore, #tpu.memory_space<semaphore_mem>>
      %dma_start3A = arith.constant 0 : i32
      %dma_start3A_82 = tpu.memref_slice %arg7[%add3A_66, %dma_start3A] : memref<10240x128xf32, #tpu.memory_space<vmem_shared>> -> memref<40x128xf32, #tpu.memory_space<vmem_shared>>
      %dma_start3A_83 = arith.constant 0 : i32
      %dma_start3A_84 = tpu.memref_slice %arg7[%add3A_66, %dma_start3A_83] : memref<10240x128xf32, #tpu.memory_space<vmem_shared>> -> memref<40x128xf32, #tpu.memory_space<vmem_shared>>
      tpu.enqueue_dma source(%arg6 : memref<40x128xf32, #tpu.memory_space<vmem>>) target(%dma_start3A_84 : memref<40x128xf32, #tpu.memory_space<vmem_shared>>) target_semaphore(%run_scoped3A : memref<!tpu.dma_semaphore, #tpu.memory_space<semaphore_mem>>)
      %dma_wait3A = arith.constant 0 : i32
      %dma_wait3A_85 = tpu.memref_slice %arg7[%add3A_66, %dma_wait3A] : memref<10240x128xf32, #tpu.memory_space<vmem_shared>> -> memref<40x128xf32, #tpu.memory_space<vmem_shared>>
      %dma_wait3A_86 = arith.constant 0 : i32
      %dma_wait3A_87 = tpu.memref_slice %arg7[%add3A_66, %dma_wait3A_86] : memref<10240x128xf32, #tpu.memory_space<vmem_shared>> -> memref<40x128xf32, #tpu.memory_space<vmem_shared>>
      tpu.wait_dma2 semaphore(%run_scoped3A : memref<!tpu.dma_semaphore, #tpu.memory_space<semaphore_mem>>) src(%arg6 : memref<40x128xf32, #tpu.memory_space<vmem>>) dst(%dma_wait3A_87 : memref<40x128xf32, #tpu.memory_space<vmem_shared>>)
      tpu.yield
    }) : () -> ()
    %mul3A_67 = arith.constant 640 : i32
    %mul3A_68 = arith.muli %arg1, %mul3A_67 : i32
    %add3A_69 = arith.constant 600 : i32
    %add3A_70 = arith.addi %mul3A_68, %add3A_69 : i32
    "tpu.region"() ({
      %run_scoped3A = tpu.sem_alloc : memref<!tpu.dma_semaphore, #tpu.memory_space<semaphore_mem>>
      %dma_start3A = arith.constant 0 : i32
      %dma_start3A_82 = tpu.memref_slice %arg7[%add3A_70, %dma_start3A] : memref<10240x128xf32, #tpu.memory_space<vmem_shared>> -> memref<40x128xf32, #tpu.memory_space<vmem_shared>>
      %dma_start3A_83 = arith.constant 0 : i32
      %dma_start3A_84 = tpu.memref_slice %arg7[%add3A_70, %dma_start3A_83] : memref<10240x128xf32, #tpu.memory_space<vmem_shared>> -> memref<40x128xf32, #tpu.memory_space<vmem_shared>>
      tpu.enqueue_dma source(%arg6 : memref<40x128xf32, #tpu.memory_space<vmem>>) target(%dma_start3A_84 : memref<40x128xf32, #tpu.memory_space<vmem_shared>>) target_semaphore(%run_scoped3A : memref<!tpu.dma_semaphore, #tpu.memory_space<semaphore_mem>>)
      %dma_wait3A = arith.constant 0 : i32
      %dma_wait3A_85 = tpu.memref_slice %arg7[%add3A_70, %dma_wait3A] : memref<10240x128xf32, #tpu.memory_space<vmem_shared>> -> memref<40x128xf32, #tpu.memory_space<vmem_shared>>
      %dma_wait3A_86 = arith.constant 0 : i32
      %dma_wait3A_87 = tpu.memref_slice %arg7[%add3A_70, %dma_wait3A_86] : memref<10240x128xf32, #tpu.memory_space<vmem_shared>> -> memref<40x128xf32, #tpu.memory_space<vmem_shared>>
      tpu.wait_dma2 semaphore(%run_scoped3A : memref<!tpu.dma_semaphore, #tpu.memory_space<semaphore_mem>>) src(%arg6 : memref<40x128xf32, #tpu.memory_space<vmem>>) dst(%dma_wait3A_87 : memref<40x128xf32, #tpu.memory_space<vmem_shared>>)
      tpu.yield
    }) : () -> ()
    "tpu.region"() ({
      %run_scoped3A = tpu.sem_alloc : memref<!tpu.dma_semaphore, #tpu.memory_space<semaphore_mem>>
      tpu.enqueue_dma source(%arg3 : memref<40x128xf32, #tpu.memory_space<hbm>>) target(%arg6 : memref<40x128xf32, #tpu.memory_space<vmem>>) target_semaphore(%run_scoped3A : memref<!tpu.dma_semaphore, #tpu.memory_space<semaphore_mem>>)
      tpu.wait_dma2 semaphore(%run_scoped3A : memref<!tpu.dma_semaphore, #tpu.memory_space<semaphore_mem>>) src(%arg3 : memref<40x128xf32, #tpu.memory_space<hbm>>) dst(%arg6 : memref<40x128xf32, #tpu.memory_space<vmem>>)
      tpu.yield
    }) : () -> ()
    %barrier3A = arith.constant 0 : index
    tpu.barrier barrier_id(%barrier3A)
    %scan3A_71 = arith.constant 0 : i32
    %scan3A_72 = arith.constant 0 : i32
    %scan3A_73 = arith.constant 5 : i32
    %scan3A_74 = arith.addi %scan3A_72, %scan3A_73 : i32
    %scan3A_75 = arith.constant 1 : i32
    scf.for %scan3A_82 = %scan3A_72 to %scan3A_74 step %scan3A_75  : i32 {
      "tpu.region"() ({
        %run_scoped3A = tpu.sem_alloc : memref<!tpu.dma_semaphore, #tpu.memory_space<semaphore_mem>>
        %dma_start3A = arith.constant 0 : i32
        %dma_start3A_89 = arith.constant 0 : i32
        %dma_start3A_90 = arith.constant 0 : i32
        %dma_start3A_91 = tpu.memref_slice %arg2[%add3A, %dma_start3A, %dma_start3A_89, %dma_start3A_90] : memref<32x5x50x40xi32, #tpu.memory_space<hbm>> -> memref<1x5x50x40xi32, #tpu.memory_space<hbm>>
        %dma_start3A_92 = tpu.memref_squeeze %dma_start3A_91 : memref<1x5x50x40xi32, #tpu.memory_space<hbm>> -> memref<5x50x40xi32, #tpu.memory_space<hbm>>
        %dma_start3A_93 = arith.constant 0 : i32
        %dma_start3A_94 = arith.constant 0 : i32
        %dma_start3A_95 = tpu.memref_slice %dma_start3A_92[%scan3A_82, %dma_start3A_93, %dma_start3A_94] : memref<5x50x40xi32, #tpu.memory_space<hbm>> -> memref<1x50x40xi32, #tpu.memory_space<hbm>>
        %dma_start3A_96 = tpu.memref_squeeze %dma_start3A_95 : memref<1x50x40xi32, #tpu.memory_space<hbm>> -> memref<50x40xi32, #tpu.memory_space<hbm>>
        %dma_start3A_97 = arith.constant 0 : i32
        %dma_start3A_98 = arith.constant 0 : i32
        %dma_start3A_99 = arith.constant 0 : i32
        %dma_start3A_100 = tpu.memref_slice %arg2[%add3A, %dma_start3A_97, %dma_start3A_98, %dma_start3A_99] : memref<32x5x50x40xi32, #tpu.memory_space<hbm>> -> memref<1x5x50x40xi32, #tpu.memory_space<hbm>>
        %dma_start3A_101 = tpu.memref_squeeze %dma_start3A_100 : memref<1x5x50x40xi32, #tpu.memory_space<hbm>> -> memref<5x50x40xi32, #tpu.memory_space<hbm>>
        %dma_start3A_102 = arith.constant 0 : i32
        %dma_start3A_103 = arith.constant 0 : i32
        %dma_start3A_104 = tpu.memref_slice %dma_start3A_101[%scan3A_82, %dma_start3A_102, %dma_start3A_103] : memref<5x50x40xi32, #tpu.memory_space<hbm>> -> memref<1x50x40xi32, #tpu.memory_space<hbm>>
        %dma_start3A_105 = tpu.memref_squeeze %dma_start3A_104 : memref<1x50x40xi32, #tpu.memory_space<hbm>> -> memref<50x40xi32, #tpu.memory_space<hbm>>
        tpu.enqueue_dma source(%dma_start3A_105 : memref<50x40xi32, #tpu.memory_space<hbm>>) target(%arg5 : memref<50x40xi32, #tpu.memory_space<vmem>>) target_semaphore(%run_scoped3A : memref<!tpu.dma_semaphore, #tpu.memory_space<semaphore_mem>>)
        %dma_wait3A = arith.constant 0 : i32
        %dma_wait3A_106 = arith.constant 0 : i32
        %dma_wait3A_107 = arith.constant 0 : i32
        %dma_wait3A_108 = tpu.memref_slice %arg2[%add3A, %dma_wait3A, %dma_wait3A_106, %dma_wait3A_107] : memref<32x5x50x40xi32, #tpu.memory_space<hbm>> -> memref<1x5x50x40xi32, #tpu.memory_space<hbm>>
        %dma_wait3A_109 = tpu.memref_squeeze %dma_wait3A_108 : memref<1x5x50x40xi32, #tpu.memory_space<hbm>> -> memref<5x50x40xi32, #tpu.memory_space<hbm>>
        %dma_wait3A_110 = arith.constant 0 : i32
        %dma_wait3A_111 = arith.constant 0 : i32
        %dma_wait3A_112 = tpu.memref_slice %dma_wait3A_109[%scan3A_82, %dma_wait3A_110, %dma_wait3A_111] : memref<5x50x40xi32, #tpu.memory_space<hbm>> -> memref<1x50x40xi32, #tpu.memory_space<hbm>>
        %dma_wait3A_113 = tpu.memref_squeeze %dma_wait3A_112 : memref<1x50x40xi32, #tpu.memory_space<hbm>> -> memref<50x40xi32, #tpu.memory_space<hbm>>
        %dma_wait3A_114 = arith.constant 0 : i32
        %dma_wait3A_115 = arith.constant 0 : i32
        %dma_wait3A_116 = arith.constant 0 : i32
        %dma_wait3A_117 = tpu.memref_slice %arg2[%add3A, %dma_wait3A_114, %dma_wait3A_115, %dma_wait3A_116] : memref<32x5x50x40xi32, #tpu.memory_space<hbm>> -> memref<1x5x50x40xi32, #tpu.memory_space<hbm>>
        %dma_wait3A_118 = tpu.memref_squeeze %dma_wait3A_117 : memref<1x5x50x40xi32, #tpu.memory_space<hbm>> -> memref<5x50x40xi32, #tpu.memory_space<hbm>>
        %dma_wait3A_119 = arith.constant 0 : i32
        %dma_wait3A_120 = arith.constant 0 : i32
        %dma_wait3A_121 = tpu.memref_slice %dma_wait3A_118[%scan3A_82, %dma_wait3A_119, %dma_wait3A_120] : memref<5x50x40xi32, #tpu.memory_space<hbm>> -> memref<1x50x40xi32, #tpu.memory_space<hbm>>
        %dma_wait3A_122 = tpu.memref_squeeze %dma_wait3A_121 : memref<1x50x40xi32, #tpu.memory_space<hbm>> -> memref<50x40xi32, #tpu.memory_space<hbm>>
        tpu.wait_dma2 semaphore(%run_scoped3A : memref<!tpu.dma_semaphore, #tpu.memory_space<semaphore_mem>>) src(%dma_wait3A_122 : memref<50x40xi32, #tpu.memory_space<hbm>>) dst(%arg5 : memref<50x40xi32, #tpu.memory_space<vmem>>)
        tpu.yield
      }) : () -> ()
      %scan3A_83 = arith.constant 0 : i32
      %scan3A_84 = arith.constant 0 : i32
      %scan3A_85 = arith.constant 50 : i32
      %scan3A_86 = arith.addi %scan3A_84, %scan3A_85 : i32
      %scan3A_87 = arith.constant 1 : i32
      scf.for %scan3A_89 = %scan3A_84 to %scan3A_86 step %scan3A_87  : i32 {
        "tpu.region"() ({
          %run_scoped3A = tpu.sem_alloc : memref<!tpu.dma_semaphore, #tpu.memory_space<semaphore_mem>>
          %dma_start3A = arith.constant 0 : i32
          %dma_start3A_90 = tpu.memref_slice %arg5[%scan3A_89, %dma_start3A] : memref<50x40xi32, #tpu.memory_space<vmem>> -> memref<1x40xi32, #tpu.memory_space<vmem>>
          %dma_start3A_91 = tpu.memref_squeeze %dma_start3A_90 : memref<1x40xi32, #tpu.memory_space<vmem>> -> memref<40xi32, #tpu.memory_space<vmem>>
          %dma_start3A_92 = arith.constant 0 : i32
          %dma_start3A_93 = arith.constant 0 : i32
          %dma_start3A_94 = tpu.memref_slice %arg7[%dma_start3A_92, %dma_start3A_93] : memref<10240x128xf32, #tpu.memory_space<vmem_shared>> -> memref<10240x128xf32, #tpu.memory_space<vmem_shared>>
          tpu.enqueue_indirect_dma source(%arg6 : memref<40x128xf32, #tpu.memory_space<vmem>>) target(%dma_start3A_94 : memref<10240x128xf32, #tpu.memory_space<vmem_shared>>) offsets(%dma_start3A_91 : memref<40xi32, #tpu.memory_space<vmem>>) semaphore(%run_scoped3A : memref<!tpu.dma_semaphore, #tpu.memory_space<semaphore_mem>>) {add = true}
          %dma_wait3A = arith.constant 0 : i32
          %dma_wait3A_95 = tpu.memref_slice %arg5[%scan3A_89, %dma_wait3A] : memref<50x40xi32, #tpu.memory_space<vmem>> -> memref<1x40xi32, #tpu.memory_space<vmem>>
          %dma_wait3A_96 = tpu.memref_squeeze %dma_wait3A_95 : memref<1x40xi32, #tpu.memory_space<vmem>> -> memref<40xi32, #tpu.memory_space<vmem>>
          %dma_wait3A_97 = arith.constant 0 : i32
          %dma_wait3A_98 = arith.constant 0 : i32
          %dma_wait3A_99 = tpu.memref_slice %arg7[%dma_wait3A_97, %dma_wait3A_98] : memref<10240x128xf32, #tpu.memory_space<vmem_shared>> -> memref<10240x128xf32, #tpu.memory_space<vmem_shared>>
          tpu.wait_indirect_dma semaphore(%run_scoped3A : memref<!tpu.dma_semaphore, #tpu.memory_space<semaphore_mem>>) src(%arg6 : memref<40x128xf32, #tpu.memory_space<vmem>>) dst(%dma_wait3A_99 : memref<10240x128xf32, #tpu.memory_space<vmem_shared>>)
          tpu.yield
        }) : () -> ()
      }
      %scan3A_88 = arith.constant 50 : i32
    }
    %scan3A_76 = arith.constant 5 : i32
    %barrier3A_77 = arith.constant 0 : index
    tpu.barrier barrier_id(%barrier3A_77)
    %mul3A_78 = arith.constant 640 : i32
    %mul3A_79 = arith.muli %arg1, %mul3A_78 : i32
    %mul3A_80 = arith.constant 640 : i32
    %mul3A_81 = arith.muli %arg1, %mul3A_80 : i32
    "tpu.region"() ({
      %run_scoped3A = tpu.sem_alloc : memref<!tpu.dma_semaphore, #tpu.memory_space<semaphore_mem>>
      %dma_start3A = arith.constant 0 : i32
      %dma_start3A_82 = arith.constant 0 : i32
      %dma_start3A_83 = tpu.memref_slice %arg4[%arg0, %dma_start3A, %dma_start3A_82] : memref<2x10240x128xf32, #tpu.memory_space<hbm>> -> memref<1x10240x128xf32, #tpu.memory_space<hbm>>
      %dma_start3A_84 = tpu.memref_squeeze %dma_start3A_83 : memref<1x10240x128xf32, #tpu.memory_space<hbm>> -> memref<10240x128xf32, #tpu.memory_space<hbm>>
      %dma_start3A_85 = arith.constant 0 : i32
      %dma_start3A_86 = tpu.memref_slice %dma_start3A_84[%mul3A_81, %dma_start3A_85] : memref<10240x128xf32, #tpu.memory_space<hbm>> -> memref<640x128xf32, #tpu.memory_space<hbm>>
      %dma_start3A_87 = arith.constant 0 : i32
      %dma_start3A_88 = tpu.memref_slice %arg7[%mul3A_79, %dma_start3A_87] : memref<10240x128xf32, #tpu.memory_space<vmem_shared>> -> memref<640x128xf32, #tpu.memory_space<vmem_shared>>
      tpu.enqueue_dma source(%dma_start3A_88 : memref<640x128xf32, #tpu.memory_space<vmem_shared>>) target(%dma_start3A_86 : memref<640x128xf32, #tpu.memory_space<hbm>>) target_semaphore(%run_scoped3A : memref<!tpu.dma_semaphore, #tpu.memory_space<semaphore_mem>>)
      %dma_wait3A = arith.constant 0 : i32
      %dma_wait3A_89 = arith.constant 0 : i32
      %dma_wait3A_90 = tpu.memref_slice %arg4[%arg0, %dma_wait3A, %dma_wait3A_89] : memref<2x10240x128xf32, #tpu.memory_space<hbm>> -> memref<1x10240x128xf32, #tpu.memory_space<hbm>>
      %dma_wait3A_91 = tpu.memref_squeeze %dma_wait3A_90 : memref<1x10240x128xf32, #tpu.memory_space<hbm>> -> memref<10240x128xf32, #tpu.memory_space<hbm>>
      %dma_wait3A_92 = arith.constant 0 : i32
      %dma_wait3A_93 = tpu.memref_slice %dma_wait3A_91[%mul3A_81, %dma_wait3A_92] : memref<10240x128xf32, #tpu.memory_space<hbm>> -> memref<640x128xf32, #tpu.memory_space<hbm>>
      %dma_wait3A_94 = arith.constant 0 : i32
      %dma_wait3A_95 = tpu.memref_slice %arg7[%mul3A_79, %dma_wait3A_94] : memref<10240x128xf32, #tpu.memory_space<vmem_shared>> -> memref<640x128xf32, #tpu.memory_space<vmem_shared>>
      tpu.wait_dma2 semaphore(%run_scoped3A : memref<!tpu.dma_semaphore, #tpu.memory_space<semaphore_mem>>) src(%dma_wait3A_95 : memref<640x128xf32, #tpu.memory_space<vmem_shared>>) dst(%dma_wait3A_93 : memref<640x128xf32, #tpu.memory_space<hbm>>)
      tpu.yield
    }) : () -> ()
    return
  }
}

#map = affine_map<(d0, d1) -> (0, 0)>
#map1 = affine_map<(d0, d1) -> (0, 0, 0, 0)>
#map2 = affine_map<(d0, d1) -> (0, 0, 0)>
module attributes {stable_mosaic.version = 14 : i64} {
  func.func @_sc_segsum(%arg0: i32, %arg1: i32, %arg2: memref<10000x128xf32, #tpu.memory_space<hbm>>, %arg3: memref<32x5x50x40xi32, #tpu.memory_space<hbm>>, %arg4: memref<32x5x50x40xi32, #tpu.memory_space<hbm>>, %arg5: memref<2x10240x128xf32, #tpu.memory_space<hbm>>, %arg6: memref<50x40xi32, #tpu.memory_space<vmem>>, %arg7: memref<50x40xi32, #tpu.memory_space<vmem>>, %arg8: memref<40x128xf32, #tpu.memory_space<vmem>>, %arg9: memref<40x128xf32, #tpu.memory_space<vmem>>, %arg10: memref<40x128xf32, #tpu.memory_space<vmem>>, %arg11: memref<40x128xf32, #tpu.memory_space<vmem>>, %arg12: memref<40x128xf32, #tpu.memory_space<vmem>>, %arg13: memref<10240x128xf32, #tpu.memory_space<vmem_shared>>, %arg14: memref<!tpu.dma_semaphore, #tpu.memory_space<semaphore_mem>>, %arg15: memref<!tpu.dma_semaphore, #tpu.memory_space<semaphore_mem>>, %arg16: memref<!tpu.dma_semaphore, #tpu.memory_space<semaphore_mem>>, %arg17: memref<!tpu.dma_semaphore, #tpu.memory_space<semaphore_mem>>, %arg18: memref<!tpu.dma_semaphore, #tpu.memory_space<semaphore_mem>>) attributes {dimension_semantics = [#tpu.dimension_semantics<core_parallel>, #tpu.dimension_semantics<subcore_parallel>], iteration_bounds = array<i64: 2, 16>, scalar_prefetch = 0 : i64, scratch_operands = 13 : i64, tpu.core_type = #tpu.core_type<sc_vector_subcore>, window_params = [{transform_indices = #map}, {transform_indices = #map1}, {transform_indices = #map1}, {transform_indices = #map2}]} {
    %mul3A = arith.constant 2 : i32
    %mul3A_0 = arith.muli %arg1, %mul3A : i32
    %add3A = arith.addi %mul3A_0, %arg0 : i32
    %broadcast_in_dim3A = arith.constant 0.000000e+00 : f32
    %broadcast_in_dim3A_1 = vector.broadcast %broadcast_in_dim3A : f32 to vector<16xf32>
    %scan3A = arith.constant 0 : i32
    %scan3A_2 = arith.constant 0 : i32
    %scan3A_3 = arith.constant 40 : i32
    %scan3A_4 = arith.addi %scan3A_2, %scan3A_3 : i32
    %scan3A_5 = arith.constant 1 : i32
    scf.for %scan3A_82 = %scan3A_2 to %scan3A_4 step %scan3A_5  : i32 {
      %swap3A = arith.index_cast %scan3A_82 : i32 to index
      %swap3A_83 = arith.constant 0 : index
      %swap3A_84 = tpu.vector_load %arg8[%swap3A, %swap3A_83] {strides = array<i32>} : memref<40x128xf32, #tpu.memory_space<vmem>>, vector<1x16xf32>,
      %swap3A_85 = vector.shape_cast %swap3A_84 : vector<1x16xf32> to vector<16xf32>
      %swap3A_86 = vector.shape_cast %broadcast_in_dim3A_1 : vector<16xf32> to vector<1x16xf32>
      tpu.vector_store %arg8[%swap3A, %swap3A_83], %swap3A_86 {strides = array<i32>} : memref<40x128xf32, #tpu.memory_space<vmem>>, vector<1x16xf32>,
      %swap3A_87 = arith.index_cast %scan3A_82 : i32 to index
      %swap3A_88 = arith.constant 16 : index
      %swap3A_89 = tpu.vector_load %arg8[%swap3A_87, %swap3A_88] {strides = array<i32>} : memref<40x128xf32, #tpu.memory_space<vmem>>, vector<1x16xf32>,
      %swap3A_90 = vector.shape_cast %swap3A_89 : vector<1x16xf32> to vector<16xf32>
      %swap3A_91 = vector.shape_cast %broadcast_in_dim3A_1 : vector<16xf32> to vector<1x16xf32>
      tpu.vector_store %arg8[%swap3A_87, %swap3A_88], %swap3A_91 {strides = array<i32>} : memref<40x128xf32, #tpu.memory_space<vmem>>, vector<1x16xf32>,
      %swap3A_92 = arith.index_cast %scan3A_82 : i32 to index
      %swap3A_93 = arith.constant 32 : index
      %swap3A_94 = tpu.vector_load %arg8[%swap3A_92, %swap3A_93] {strides = array<i32>} : memref<40x128xf32, #tpu.memory_space<vmem>>, vector<1x16xf32>,
      %swap3A_95 = vector.shape_cast %swap3A_94 : vector<1x16xf32> to vector<16xf32>
      %swap3A_96 = vector.shape_cast %broadcast_in_dim3A_1 : vector<16xf32> to vector<1x16xf32>
      tpu.vector_store %arg8[%swap3A_92, %swap3A_93], %swap3A_96 {strides = array<i32>} : memref<40x128xf32, #tpu.memory_space<vmem>>, vector<1x16xf32>,
      %swap3A_97 = arith.index_cast %scan3A_82 : i32 to index
      %swap3A_98 = arith.constant 48 : index
      %swap3A_99 = tpu.vector_load %arg8[%swap3A_97, %swap3A_98] {strides = array<i32>} : memref<40x128xf32, #tpu.memory_space<vmem>>, vector<1x16xf32>,
      %swap3A_100 = vector.shape_cast %swap3A_99 : vector<1x16xf32> to vector<16xf32>
      %swap3A_101 = vector.shape_cast %broadcast_in_dim3A_1 : vector<16xf32> to vector<1x16xf32>
      tpu.vector_store %arg8[%swap3A_97, %swap3A_98], %swap3A_101 {strides = array<i32>} : memref<40x128xf32, #tpu.memory_space<vmem>>, vector<1x16xf32>,
      %swap3A_102 = arith.index_cast %scan3A_82 : i32 to index
      %swap3A_103 = arith.constant 64 : index
      %swap3A_104 = tpu.vector_load %arg8[%swap3A_102, %swap3A_103] {strides = array<i32>} : memref<40x128xf32, #tpu.memory_space<vmem>>, vector<1x16xf32>,
      %swap3A_105 = vector.shape_cast %swap3A_104 : vector<1x16xf32> to vector<16xf32>
      %swap3A_106 = vector.shape_cast %broadcast_in_dim3A_1 : vector<16xf32> to vector<1x16xf32>
      tpu.vector_store %arg8[%swap3A_102, %swap3A_103], %swap3A_106 {strides = array<i32>} : memref<40x128xf32, #tpu.memory_space<vmem>>, vector<1x16xf32>,
      %swap3A_107 = arith.index_cast %scan3A_82 : i32 to index
      %swap3A_108 = arith.constant 80 : index
      %swap3A_109 = tpu.vector_load %arg8[%swap3A_107, %swap3A_108] {strides = array<i32>} : memref<40x128xf32, #tpu.memory_space<vmem>>, vector<1x16xf32>,
      %swap3A_110 = vector.shape_cast %swap3A_109 : vector<1x16xf32> to vector<16xf32>
      %swap3A_111 = vector.shape_cast %broadcast_in_dim3A_1 : vector<16xf32> to vector<1x16xf32>
      tpu.vector_store %arg8[%swap3A_107, %swap3A_108], %swap3A_111 {strides = array<i32>} : memref<40x128xf32, #tpu.memory_space<vmem>>, vector<1x16xf32>,
      %swap3A_112 = arith.index_cast %scan3A_82 : i32 to index
      %swap3A_113 = arith.constant 96 : index
      %swap3A_114 = tpu.vector_load %arg8[%swap3A_112, %swap3A_113] {strides = array<i32>} : memref<40x128xf32, #tpu.memory_space<vmem>>, vector<1x16xf32>,
      %swap3A_115 = vector.shape_cast %swap3A_114 : vector<1x16xf32> to vector<16xf32>
      %swap3A_116 = vector.shape_cast %broadcast_in_dim3A_1 : vector<16xf32> to vector<1x16xf32>
      tpu.vector_store %arg8[%swap3A_112, %swap3A_113], %swap3A_116 {strides = array<i32>} : memref<40x128xf32, #tpu.memory_space<vmem>>, vector<1x16xf32>,
      %swap3A_117 = arith.index_cast %scan3A_82 : i32 to index
      %swap3A_118 = arith.constant 112 : index
      %swap3A_119 = tpu.vector_load %arg8[%swap3A_117, %swap3A_118] {strides = array<i32>} : memref<40x128xf32, #tpu.memory_space<vmem>>, vector<1x16xf32>,
      %swap3A_120 = vector.shape_cast %swap3A_119 : vector<1x16xf32> to vector<16xf32>
      %swap3A_121 = vector.shape_cast %broadcast_in_dim3A_1 : vector<16xf32> to vector<1x16xf32>
      tpu.vector_store %arg8[%swap3A_117, %swap3A_118], %swap3A_121 {strides = array<i32>} : memref<40x128xf32, #tpu.memory_space<vmem>>, vector<1x16xf32>,
    }
    %scan3A_6 = arith.constant 40 : i32
    %mul3A_7 = arith.constant 640 : i32
    %mul3A_8 = arith.muli %arg1, %mul3A_7 : i32
    %add3A_9 = arith.constant 0 : i32
    %add3A_10 = arith.addi %mul3A_8, %add3A_9 : i32
    "tpu.region"() ({
      %run_scoped3A = tpu.sem_alloc : memref<!tpu.dma_semaphore, #tpu.memory_space<semaphore_mem>>
      %dma_start3A = arith.constant 0 : i32
      %dma_start3A_82 = tpu.memref_slice %arg13[%add3A_10, %dma_start3A] : memref<10240x128xf32, #tpu.memory_space<vmem_shared>> -> memref<40x128xf32, #tpu.memory_space<vmem_shared>>
      %dma_start3A_83 = arith.constant 0 : i32
      %dma_start3A_84 = tpu.memref_slice %arg13[%add3A_10, %dma_start3A_83] : memref<10240x128xf32, #tpu.memory_space<vmem_shared>> -> memref<40x128xf32, #tpu.memory_space<vmem_shared>>
      tpu.enqueue_dma source(%arg8 : memref<40x128xf32, #tpu.memory_space<vmem>>) target(%dma_start3A_84 : memref<40x128xf32, #tpu.memory_space<vmem_shared>>) target_semaphore(%run_scoped3A : memref<!tpu.dma_semaphore, #tpu.memory_space<semaphore_mem>>)
      %dma_wait3A = arith.constant 0 : i32
      %dma_wait3A_85 = tpu.memref_slice %arg13[%add3A_10, %dma_wait3A] : memref<10240x128xf32, #tpu.memory_space<vmem_shared>> -> memref<40x128xf32, #tpu.memory_space<vmem_shared>>
      %dma_wait3A_86 = arith.constant 0 : i32
      %dma_wait3A_87 = tpu.memref_slice %arg13[%add3A_10, %dma_wait3A_86] : memref<10240x128xf32, #tpu.memory_space<vmem_shared>> -> memref<40x128xf32, #tpu.memory_space<vmem_shared>>
      tpu.wait_dma2 semaphore(%run_scoped3A : memref<!tpu.dma_semaphore, #tpu.memory_space<semaphore_mem>>) src(%arg8 : memref<40x128xf32, #tpu.memory_space<vmem>>) dst(%dma_wait3A_87 : memref<40x128xf32, #tpu.memory_space<vmem_shared>>)
      tpu.yield
    }) : () -> ()
    %mul3A_11 = arith.constant 640 : i32
    %mul3A_12 = arith.muli %arg1, %mul3A_11 : i32
    %add3A_13 = arith.constant 40 : i32
    %add3A_14 = arith.addi %mul3A_12, %add3A_13 : i32
    "tpu.region"() ({
      %run_scoped3A = tpu.sem_alloc : memref<!tpu.dma_semaphore, #tpu.memory_space<semaphore_mem>>
      %dma_start3A = arith.constant 0 : i32
      %dma_start3A_82 = tpu.memref_slice %arg13[%add3A_14, %dma_start3A] : memref<10240x128xf32, #tpu.memory_space<vmem_shared>> -> memref<40x128xf32, #tpu.memory_space<vmem_shared>>
      %dma_start3A_83 = arith.constant 0 : i32
      %dma_start3A_84 = tpu.memref_slice %arg13[%add3A_14, %dma_start3A_83] : memref<10240x128xf32, #tpu.memory_space<vmem_shared>> -> memref<40x128xf32, #tpu.memory_space<vmem_shared>>
      tpu.enqueue_dma source(%arg8 : memref<40x128xf32, #tpu.memory_space<vmem>>) target(%dma_start3A_84 : memref<40x128xf32, #tpu.memory_space<vmem_shared>>) target_semaphore(%run_scoped3A : memref<!tpu.dma_semaphore, #tpu.memory_space<semaphore_mem>>)
      %dma_wait3A = arith.constant 0 : i32
      %dma_wait3A_85 = tpu.memref_slice %arg13[%add3A_14, %dma_wait3A] : memref<10240x128xf32, #tpu.memory_space<vmem_shared>> -> memref<40x128xf32, #tpu.memory_space<vmem_shared>>
      %dma_wait3A_86 = arith.constant 0 : i32
      %dma_wait3A_87 = tpu.memref_slice %arg13[%add3A_14, %dma_wait3A_86] : memref<10240x128xf32, #tpu.memory_space<vmem_shared>> -> memref<40x128xf32, #tpu.memory_space<vmem_shared>>
      tpu.wait_dma2 semaphore(%run_scoped3A : memref<!tpu.dma_semaphore, #tpu.memory_space<semaphore_mem>>) src(%arg8 : memref<40x128xf32, #tpu.memory_space<vmem>>) dst(%dma_wait3A_87 : memref<40x128xf32, #tpu.memory_space<vmem_shared>>)
      tpu.yield
    }) : () -> ()
    %mul3A_15 = arith.constant 640 : i32
    %mul3A_16 = arith.muli %arg1, %mul3A_15 : i32
    %add3A_17 = arith.constant 80 : i32
    %add3A_18 = arith.addi %mul3A_16, %add3A_17 : i32
    "tpu.region"() ({
      %run_scoped3A = tpu.sem_alloc : memref<!tpu.dma_semaphore, #tpu.memory_space<semaphore_mem>>
      %dma_start3A = arith.constant 0 : i32
      %dma_start3A_82 = tpu.memref_slice %arg13[%add3A_18, %dma_start3A] : memref<10240x128xf32, #tpu.memory_space<vmem_shared>> -> memref<40x128xf32, #tpu.memory_space<vmem_shared>>
      %dma_start3A_83 = arith.constant 0 : i32
      %dma_start3A_84 = tpu.memref_slice %arg13[%add3A_18, %dma_start3A_83] : memref<10240x128xf32, #tpu.memory_space<vmem_shared>> -> memref<40x128xf32, #tpu.memory_space<vmem_shared>>
      tpu.enqueue_dma source(%arg8 : memref<40x128xf32, #tpu.memory_space<vmem>>) target(%dma_start3A_84 : memref<40x128xf32, #tpu.memory_space<vmem_shared>>) target_semaphore(%run_scoped3A : memref<!tpu.dma_semaphore, #tpu.memory_space<semaphore_mem>>)
      %dma_wait3A = arith.constant 0 : i32
      %dma_wait3A_85 = tpu.memref_slice %arg13[%add3A_18, %dma_wait3A] : memref<10240x128xf32, #tpu.memory_space<vmem_shared>> -> memref<40x128xf32, #tpu.memory_space<vmem_shared>>
      %dma_wait3A_86 = arith.constant 0 : i32
      %dma_wait3A_87 = tpu.memref_slice %arg13[%add3A_18, %dma_wait3A_86] : memref<10240x128xf32, #tpu.memory_space<vmem_shared>> -> memref<40x128xf32, #tpu.memory_space<vmem_shared>>
      tpu.wait_dma2 semaphore(%run_scoped3A : memref<!tpu.dma_semaphore, #tpu.memory_space<semaphore_mem>>) src(%arg8 : memref<40x128xf32, #tpu.memory_space<vmem>>) dst(%dma_wait3A_87 : memref<40x128xf32, #tpu.memory_space<vmem_shared>>)
      tpu.yield
    }) : () -> ()
    %mul3A_19 = arith.constant 640 : i32
    %mul3A_20 = arith.muli %arg1, %mul3A_19 : i32
    %add3A_21 = arith.constant 120 : i32
    %add3A_22 = arith.addi %mul3A_20, %add3A_21 : i32
    "tpu.region"() ({
      %run_scoped3A = tpu.sem_alloc : memref<!tpu.dma_semaphore, #tpu.memory_space<semaphore_mem>>
      %dma_start3A = arith.constant 0 : i32
      %dma_start3A_82 = tpu.memref_slice %arg13[%add3A_22, %dma_start3A] : memref<10240x128xf32, #tpu.memory_space<vmem_shared>> -> memref<40x128xf32, #tpu.memory_space<vmem_shared>>
      %dma_start3A_83 = arith.constant 0 : i32
      %dma_start3A_84 = tpu.memref_slice %arg13[%add3A_22, %dma_start3A_83] : memref<10240x128xf32, #tpu.memory_space<vmem_shared>> -> memref<40x128xf32, #tpu.memory_space<vmem_shared>>
      tpu.enqueue_dma source(%arg8 : memref<40x128xf32, #tpu.memory_space<vmem>>) target(%dma_start3A_84 : memref<40x128xf32, #tpu.memory_space<vmem_shared>>) target_semaphore(%run_scoped3A : memref<!tpu.dma_semaphore, #tpu.memory_space<semaphore_mem>>)
      %dma_wait3A = arith.constant 0 : i32
      %dma_wait3A_85 = tpu.memref_slice %arg13[%add3A_22, %dma_wait3A] : memref<10240x128xf32, #tpu.memory_space<vmem_shared>> -> memref<40x128xf32, #tpu.memory_space<vmem_shared>>
      %dma_wait3A_86 = arith.constant 0 : i32
      %dma_wait3A_87 = tpu.memref_slice %arg13[%add3A_22, %dma_wait3A_86] : memref<10240x128xf32, #tpu.memory_space<vmem_shared>> -> memref<40x128xf32, #tpu.memory_space<vmem_shared>>
      tpu.wait_dma2 semaphore(%run_scoped3A : memref<!tpu.dma_semaphore, #tpu.memory_space<semaphore_mem>>) src(%arg8 : memref<40x128xf32, #tpu.memory_space<vmem>>) dst(%dma_wait3A_87 : memref<40x128xf32, #tpu.memory_space<vmem_shared>>)
      tpu.yield
    }) : () -> ()
    %mul3A_23 = arith.constant 640 : i32
    %mul3A_24 = arith.muli %arg1, %mul3A_23 : i32
    %add3A_25 = arith.constant 160 : i32
    %add3A_26 = arith.addi %mul3A_24, %add3A_25 : i32
    "tpu.region"() ({
      %run_scoped3A = tpu.sem_alloc : memref<!tpu.dma_semaphore, #tpu.memory_space<semaphore_mem>>
      %dma_start3A = arith.constant 0 : i32
      %dma_start3A_82 = tpu.memref_slice %arg13[%add3A_26, %dma_start3A] : memref<10240x128xf32, #tpu.memory_space<vmem_shared>> -> memref<40x128xf32, #tpu.memory_space<vmem_shared>>
      %dma_start3A_83 = arith.constant 0 : i32
      %dma_start3A_84 = tpu.memref_slice %arg13[%add3A_26, %dma_start3A_83] : memref<10240x128xf32, #tpu.memory_space<vmem_shared>> -> memref<40x128xf32, #tpu.memory_space<vmem_shared>>
      tpu.enqueue_dma source(%arg8 : memref<40x128xf32, #tpu.memory_space<vmem>>) target(%dma_start3A_84 : memref<40x128xf32, #tpu.memory_space<vmem_shared>>) target_semaphore(%run_scoped3A : memref<!tpu.dma_semaphore, #tpu.memory_space<semaphore_mem>>)
      %dma_wait3A = arith.constant 0 : i32
      %dma_wait3A_85 = tpu.memref_slice %arg13[%add3A_26, %dma_wait3A] : memref<10240x128xf32, #tpu.memory_space<vmem_shared>> -> memref<40x128xf32, #tpu.memory_space<vmem_shared>>
      %dma_wait3A_86 = arith.constant 0 : i32
      %dma_wait3A_87 = tpu.memref_slice %arg13[%add3A_26, %dma_wait3A_86] : memref<10240x128xf32, #tpu.memory_space<vmem_shared>> -> memref<40x128xf32, #tpu.memory_space<vmem_shared>>
      tpu.wait_dma2 semaphore(%run_scoped3A : memref<!tpu.dma_semaphore, #tpu.memory_space<semaphore_mem>>) src(%arg8 : memref<40x128xf32, #tpu.memory_space<vmem>>) dst(%dma_wait3A_87 : memref<40x128xf32, #tpu.memory_space<vmem_shared>>)
      tpu.yield
    }) : () -> ()
    %mul3A_27 = arith.constant 640 : i32
    %mul3A_28 = arith.muli %arg1, %mul3A_27 : i32
    %add3A_29 = arith.constant 200 : i32
    %add3A_30 = arith.addi %mul3A_28, %add3A_29 : i32
    "tpu.region"() ({
      %run_scoped3A = tpu.sem_alloc : memref<!tpu.dma_semaphore, #tpu.memory_space<semaphore_mem>>
      %dma_start3A = arith.constant 0 : i32
      %dma_start3A_82 = tpu.memref_slice %arg13[%add3A_30, %dma_start3A] : memref<10240x128xf32, #tpu.memory_space<vmem_shared>> -> memref<40x128xf32, #tpu.memory_space<vmem_shared>>
      %dma_start3A_83 = arith.constant 0 : i32
      %dma_start3A_84 = tpu.memref_slice %arg13[%add3A_30, %dma_start3A_83] : memref<10240x128xf32, #tpu.memory_space<vmem_shared>> -> memref<40x128xf32, #tpu.memory_space<vmem_shared>>
      tpu.enqueue_dma source(%arg8 : memref<40x128xf32, #tpu.memory_space<vmem>>) target(%dma_start3A_84 : memref<40x128xf32, #tpu.memory_space<vmem_shared>>) target_semaphore(%run_scoped3A : memref<!tpu.dma_semaphore, #tpu.memory_space<semaphore_mem>>)
      %dma_wait3A = arith.constant 0 : i32
      %dma_wait3A_85 = tpu.memref_slice %arg13[%add3A_30, %dma_wait3A] : memref<10240x128xf32, #tpu.memory_space<vmem_shared>> -> memref<40x128xf32, #tpu.memory_space<vmem_shared>>
      %dma_wait3A_86 = arith.constant 0 : i32
      %dma_wait3A_87 = tpu.memref_slice %arg13[%add3A_30, %dma_wait3A_86] : memref<10240x128xf32, #tpu.memory_space<vmem_shared>> -> memref<40x128xf32, #tpu.memory_space<vmem_shared>>
      tpu.wait_dma2 semaphore(%run_scoped3A : memref<!tpu.dma_semaphore, #tpu.memory_space<semaphore_mem>>) src(%arg8 : memref<40x128xf32, #tpu.memory_space<vmem>>) dst(%dma_wait3A_87 : memref<40x128xf32, #tpu.memory_space<vmem_shared>>)
      tpu.yield
    }) : () -> ()
    %mul3A_31 = arith.constant 640 : i32
    %mul3A_32 = arith.muli %arg1, %mul3A_31 : i32
    %add3A_33 = arith.constant 240 : i32
    %add3A_34 = arith.addi %mul3A_32, %add3A_33 : i32
    "tpu.region"() ({
      %run_scoped3A = tpu.sem_alloc : memref<!tpu.dma_semaphore, #tpu.memory_space<semaphore_mem>>
      %dma_start3A = arith.constant 0 : i32
      %dma_start3A_82 = tpu.memref_slice %arg13[%add3A_34, %dma_start3A] : memref<10240x128xf32, #tpu.memory_space<vmem_shared>> -> memref<40x128xf32, #tpu.memory_space<vmem_shared>>
      %dma_start3A_83 = arith.constant 0 : i32
      %dma_start3A_84 = tpu.memref_slice %arg13[%add3A_34, %dma_start3A_83] : memref<10240x128xf32, #tpu.memory_space<vmem_shared>> -> memref<40x128xf32, #tpu.memory_space<vmem_shared>>
      tpu.enqueue_dma source(%arg8 : memref<40x128xf32, #tpu.memory_space<vmem>>) target(%dma_start3A_84 : memref<40x128xf32, #tpu.memory_space<vmem_shared>>) target_semaphore(%run_scoped3A : memref<!tpu.dma_semaphore, #tpu.memory_space<semaphore_mem>>)
      %dma_wait3A = arith.constant 0 : i32
      %dma_wait3A_85 = tpu.memref_slice %arg13[%add3A_34, %dma_wait3A] : memref<10240x128xf32, #tpu.memory_space<vmem_shared>> -> memref<40x128xf32, #tpu.memory_space<vmem_shared>>
      %dma_wait3A_86 = arith.constant 0 : i32
      %dma_wait3A_87 = tpu.memref_slice %arg13[%add3A_34, %dma_wait3A_86] : memref<10240x128xf32, #tpu.memory_space<vmem_shared>> -> memref<40x128xf32, #tpu.memory_space<vmem_shared>>
      tpu.wait_dma2 semaphore(%run_scoped3A : memref<!tpu.dma_semaphore, #tpu.memory_space<semaphore_mem>>) src(%arg8 : memref<40x128xf32, #tpu.memory_space<vmem>>) dst(%dma_wait3A_87 : memref<40x128xf32, #tpu.memory_space<vmem_shared>>)
      tpu.yield
    }) : () -> ()
    %mul3A_35 = arith.constant 640 : i32
    %mul3A_36 = arith.muli %arg1, %mul3A_35 : i32
    %add3A_37 = arith.constant 280 : i32
    %add3A_38 = arith.addi %mul3A_36, %add3A_37 : i32
    "tpu.region"() ({
      %run_scoped3A = tpu.sem_alloc : memref<!tpu.dma_semaphore, #tpu.memory_space<semaphore_mem>>
      %dma_start3A = arith.constant 0 : i32
      %dma_start3A_82 = tpu.memref_slice %arg13[%add3A_38, %dma_start3A] : memref<10240x128xf32, #tpu.memory_space<vmem_shared>> -> memref<40x128xf32, #tpu.memory_space<vmem_shared>>
      %dma_start3A_83 = arith.constant 0 : i32
      %dma_start3A_84 = tpu.memref_slice %arg13[%add3A_38, %dma_start3A_83] : memref<10240x128xf32, #tpu.memory_space<vmem_shared>> -> memref<40x128xf32, #tpu.memory_space<vmem_shared>>
      tpu.enqueue_dma source(%arg8 : memref<40x128xf32, #tpu.memory_space<vmem>>) target(%dma_start3A_84 : memref<40x128xf32, #tpu.memory_space<vmem_shared>>) target_semaphore(%run_scoped3A : memref<!tpu.dma_semaphore, #tpu.memory_space<semaphore_mem>>)
      %dma_wait3A = arith.constant 0 : i32
      %dma_wait3A_85 = tpu.memref_slice %arg13[%add3A_38, %dma_wait3A] : memref<10240x128xf32, #tpu.memory_space<vmem_shared>> -> memref<40x128xf32, #tpu.memory_space<vmem_shared>>
      %dma_wait3A_86 = arith.constant 0 : i32
      %dma_wait3A_87 = tpu.memref_slice %arg13[%add3A_38, %dma_wait3A_86] : memref<10240x128xf32, #tpu.memory_space<vmem_shared>> -> memref<40x128xf32, #tpu.memory_space<vmem_shared>>
      tpu.wait_dma2 semaphore(%run_scoped3A : memref<!tpu.dma_semaphore, #tpu.memory_space<semaphore_mem>>) src(%arg8 : memref<40x128xf32, #tpu.memory_space<vmem>>) dst(%dma_wait3A_87 : memref<40x128xf32, #tpu.memory_space<vmem_shared>>)
      tpu.yield
    }) : () -> ()
    %mul3A_39 = arith.constant 640 : i32
    %mul3A_40 = arith.muli %arg1, %mul3A_39 : i32
    %add3A_41 = arith.constant 320 : i32
    %add3A_42 = arith.addi %mul3A_40, %add3A_41 : i32
    "tpu.region"() ({
      %run_scoped3A = tpu.sem_alloc : memref<!tpu.dma_semaphore, #tpu.memory_space<semaphore_mem>>
      %dma_start3A = arith.constant 0 : i32
      %dma_start3A_82 = tpu.memref_slice %arg13[%add3A_42, %dma_start3A] : memref<10240x128xf32, #tpu.memory_space<vmem_shared>> -> memref<40x128xf32, #tpu.memory_space<vmem_shared>>
      %dma_start3A_83 = arith.constant 0 : i32
      %dma_start3A_84 = tpu.memref_slice %arg13[%add3A_42, %dma_start3A_83] : memref<10240x128xf32, #tpu.memory_space<vmem_shared>> -> memref<40x128xf32, #tpu.memory_space<vmem_shared>>
      tpu.enqueue_dma source(%arg8 : memref<40x128xf32, #tpu.memory_space<vmem>>) target(%dma_start3A_84 : memref<40x128xf32, #tpu.memory_space<vmem_shared>>) target_semaphore(%run_scoped3A : memref<!tpu.dma_semaphore, #tpu.memory_space<semaphore_mem>>)
      %dma_wait3A = arith.constant 0 : i32
      %dma_wait3A_85 = tpu.memref_slice %arg13[%add3A_42, %dma_wait3A] : memref<10240x128xf32, #tpu.memory_space<vmem_shared>> -> memref<40x128xf32, #tpu.memory_space<vmem_shared>>
      %dma_wait3A_86 = arith.constant 0 : i32
      %dma_wait3A_87 = tpu.memref_slice %arg13[%add3A_42, %dma_wait3A_86] : memref<10240x128xf32, #tpu.memory_space<vmem_shared>> -> memref<40x128xf32, #tpu.memory_space<vmem_shared>>
      tpu.wait_dma2 semaphore(%run_scoped3A : memref<!tpu.dma_semaphore, #tpu.memory_space<semaphore_mem>>) src(%arg8 : memref<40x128xf32, #tpu.memory_space<vmem>>) dst(%dma_wait3A_87 : memref<40x128xf32, #tpu.memory_space<vmem_shared>>)
      tpu.yield
    }) : () -> ()
    %mul3A_43 = arith.constant 640 : i32
    %mul3A_44 = arith.muli %arg1, %mul3A_43 : i32
    %add3A_45 = arith.constant 360 : i32
    %add3A_46 = arith.addi %mul3A_44, %add3A_45 : i32
    "tpu.region"() ({
      %run_scoped3A = tpu.sem_alloc : memref<!tpu.dma_semaphore, #tpu.memory_space<semaphore_mem>>
      %dma_start3A = arith.constant 0 : i32
      %dma_start3A_82 = tpu.memref_slice %arg13[%add3A_46, %dma_start3A] : memref<10240x128xf32, #tpu.memory_space<vmem_shared>> -> memref<40x128xf32, #tpu.memory_space<vmem_shared>>
      %dma_start3A_83 = arith.constant 0 : i32
      %dma_start3A_84 = tpu.memref_slice %arg13[%add3A_46, %dma_start3A_83] : memref<10240x128xf32, #tpu.memory_space<vmem_shared>> -> memref<40x128xf32, #tpu.memory_space<vmem_shared>>
      tpu.enqueue_dma source(%arg8 : memref<40x128xf32, #tpu.memory_space<vmem>>) target(%dma_start3A_84 : memref<40x128xf32, #tpu.memory_space<vmem_shared>>) target_semaphore(%run_scoped3A : memref<!tpu.dma_semaphore, #tpu.memory_space<semaphore_mem>>)
      %dma_wait3A = arith.constant 0 : i32
      %dma_wait3A_85 = tpu.memref_slice %arg13[%add3A_46, %dma_wait3A] : memref<10240x128xf32, #tpu.memory_space<vmem_shared>> -> memref<40x128xf32, #tpu.memory_space<vmem_shared>>
      %dma_wait3A_86 = arith.constant 0 : i32
      %dma_wait3A_87 = tpu.memref_slice %arg13[%add3A_46, %dma_wait3A_86] : memref<10240x128xf32, #tpu.memory_space<vmem_shared>> -> memref<40x128xf32, #tpu.memory_space<vmem_shared>>
      tpu.wait_dma2 semaphore(%run_scoped3A : memref<!tpu.dma_semaphore, #tpu.memory_space<semaphore_mem>>) src(%arg8 : memref<40x128xf32, #tpu.memory_space<vmem>>) dst(%dma_wait3A_87 : memref<40x128xf32, #tpu.memory_space<vmem_shared>>)
      tpu.yield
    }) : () -> ()
    %mul3A_47 = arith.constant 640 : i32
    %mul3A_48 = arith.muli %arg1, %mul3A_47 : i32
    %add3A_49 = arith.constant 400 : i32
    %add3A_50 = arith.addi %mul3A_48, %add3A_49 : i32
    "tpu.region"() ({
      %run_scoped3A = tpu.sem_alloc : memref<!tpu.dma_semaphore, #tpu.memory_space<semaphore_mem>>
      %dma_start3A = arith.constant 0 : i32
      %dma_start3A_82 = tpu.memref_slice %arg13[%add3A_50, %dma_start3A] : memref<10240x128xf32, #tpu.memory_space<vmem_shared>> -> memref<40x128xf32, #tpu.memory_space<vmem_shared>>
      %dma_start3A_83 = arith.constant 0 : i32
      %dma_start3A_84 = tpu.memref_slice %arg13[%add3A_50, %dma_start3A_83] : memref<10240x128xf32, #tpu.memory_space<vmem_shared>> -> memref<40x128xf32, #tpu.memory_space<vmem_shared>>
      tpu.enqueue_dma source(%arg8 : memref<40x128xf32, #tpu.memory_space<vmem>>) target(%dma_start3A_84 : memref<40x128xf32, #tpu.memory_space<vmem_shared>>) target_semaphore(%run_scoped3A : memref<!tpu.dma_semaphore, #tpu.memory_space<semaphore_mem>>)
      %dma_wait3A = arith.constant 0 : i32
      %dma_wait3A_85 = tpu.memref_slice %arg13[%add3A_50, %dma_wait3A] : memref<10240x128xf32, #tpu.memory_space<vmem_shared>> -> memref<40x128xf32, #tpu.memory_space<vmem_shared>>
      %dma_wait3A_86 = arith.constant 0 : i32
      %dma_wait3A_87 = tpu.memref_slice %arg13[%add3A_50, %dma_wait3A_86] : memref<10240x128xf32, #tpu.memory_space<vmem_shared>> -> memref<40x128xf32, #tpu.memory_space<vmem_shared>>
      tpu.wait_dma2 semaphore(%run_scoped3A : memref<!tpu.dma_semaphore, #tpu.memory_space<semaphore_mem>>) src(%arg8 : memref<40x128xf32, #tpu.memory_space<vmem>>) dst(%dma_wait3A_87 : memref<40x128xf32, #tpu.memory_space<vmem_shared>>)
      tpu.yield
    }) : () -> ()
    %mul3A_51 = arith.constant 640 : i32
    %mul3A_52 = arith.muli %arg1, %mul3A_51 : i32
    %add3A_53 = arith.constant 440 : i32
    %add3A_54 = arith.addi %mul3A_52, %add3A_53 : i32
    "tpu.region"() ({
      %run_scoped3A = tpu.sem_alloc : memref<!tpu.dma_semaphore, #tpu.memory_space<semaphore_mem>>
      %dma_start3A = arith.constant 0 : i32
      %dma_start3A_82 = tpu.memref_slice %arg13[%add3A_54, %dma_start3A] : memref<10240x128xf32, #tpu.memory_space<vmem_shared>> -> memref<40x128xf32, #tpu.memory_space<vmem_shared>>
      %dma_start3A_83 = arith.constant 0 : i32
      %dma_start3A_84 = tpu.memref_slice %arg13[%add3A_54, %dma_start3A_83] : memref<10240x128xf32, #tpu.memory_space<vmem_shared>> -> memref<40x128xf32, #tpu.memory_space<vmem_shared>>
      tpu.enqueue_dma source(%arg8 : memref<40x128xf32, #tpu.memory_space<vmem>>) target(%dma_start3A_84 : memref<40x128xf32, #tpu.memory_space<vmem_shared>>) target_semaphore(%run_scoped3A : memref<!tpu.dma_semaphore, #tpu.memory_space<semaphore_mem>>)
      %dma_wait3A = arith.constant 0 : i32
      %dma_wait3A_85 = tpu.memref_slice %arg13[%add3A_54, %dma_wait3A] : memref<10240x128xf32, #tpu.memory_space<vmem_shared>> -> memref<40x128xf32, #tpu.memory_space<vmem_shared>>
      %dma_wait3A_86 = arith.constant 0 : i32
      %dma_wait3A_87 = tpu.memref_slice %arg13[%add3A_54, %dma_wait3A_86] : memref<10240x128xf32, #tpu.memory_space<vmem_shared>> -> memref<40x128xf32, #tpu.memory_space<vmem_shared>>
      tpu.wait_dma2 semaphore(%run_scoped3A : memref<!tpu.dma_semaphore, #tpu.memory_space<semaphore_mem>>) src(%arg8 : memref<40x128xf32, #tpu.memory_space<vmem>>) dst(%dma_wait3A_87 : memref<40x128xf32, #tpu.memory_space<vmem_shared>>)
      tpu.yield
    }) : () -> ()
    %mul3A_55 = arith.constant 640 : i32
    %mul3A_56 = arith.muli %arg1, %mul3A_55 : i32
    %add3A_57 = arith.constant 480 : i32
    %add3A_58 = arith.addi %mul3A_56, %add3A_57 : i32
    "tpu.region"() ({
      %run_scoped3A = tpu.sem_alloc : memref<!tpu.dma_semaphore, #tpu.memory_space<semaphore_mem>>
      %dma_start3A = arith.constant 0 : i32
      %dma_start3A_82 = tpu.memref_slice %arg13[%add3A_58, %dma_start3A] : memref<10240x128xf32, #tpu.memory_space<vmem_shared>> -> memref<40x128xf32, #tpu.memory_space<vmem_shared>>
      %dma_start3A_83 = arith.constant 0 : i32
      %dma_start3A_84 = tpu.memref_slice %arg13[%add3A_58, %dma_start3A_83] : memref<10240x128xf32, #tpu.memory_space<vmem_shared>> -> memref<40x128xf32, #tpu.memory_space<vmem_shared>>
      tpu.enqueue_dma source(%arg8 : memref<40x128xf32, #tpu.memory_space<vmem>>) target(%dma_start3A_84 : memref<40x128xf32, #tpu.memory_space<vmem_shared>>) target_semaphore(%run_scoped3A : memref<!tpu.dma_semaphore, #tpu.memory_space<semaphore_mem>>)
      %dma_wait3A = arith.constant 0 : i32
      %dma_wait3A_85 = tpu.memref_slice %arg13[%add3A_58, %dma_wait3A] : memref<10240x128xf32, #tpu.memory_space<vmem_shared>> -> memref<40x128xf32, #tpu.memory_space<vmem_shared>>
      %dma_wait3A_86 = arith.constant 0 : i32
      %dma_wait3A_87 = tpu.memref_slice %arg13[%add3A_58, %dma_wait3A_86] : memref<10240x128xf32, #tpu.memory_space<vmem_shared>> -> memref<40x128xf32, #tpu.memory_space<vmem_shared>>
      tpu.wait_dma2 semaphore(%run_scoped3A : memref<!tpu.dma_semaphore, #tpu.memory_space<semaphore_mem>>) src(%arg8 : memref<40x128xf32, #tpu.memory_space<vmem>>) dst(%dma_wait3A_87 : memref<40x128xf32, #tpu.memory_space<vmem_shared>>)
      tpu.yield
    }) : () -> ()
    %mul3A_59 = arith.constant 640 : i32
    %mul3A_60 = arith.muli %arg1, %mul3A_59 : i32
    %add3A_61 = arith.constant 520 : i32
    %add3A_62 = arith.addi %mul3A_60, %add3A_61 : i32
    "tpu.region"() ({
      %run_scoped3A = tpu.sem_alloc : memref<!tpu.dma_semaphore, #tpu.memory_space<semaphore_mem>>
      %dma_start3A = arith.constant 0 : i32
      %dma_start3A_82 = tpu.memref_slice %arg13[%add3A_62, %dma_start3A] : memref<10240x128xf32, #tpu.memory_space<vmem_shared>> -> memref<40x128xf32, #tpu.memory_space<vmem_shared>>
      %dma_start3A_83 = arith.constant 0 : i32
      %dma_start3A_84 = tpu.memref_slice %arg13[%add3A_62, %dma_start3A_83] : memref<10240x128xf32, #tpu.memory_space<vmem_shared>> -> memref<40x128xf32, #tpu.memory_space<vmem_shared>>
      tpu.enqueue_dma source(%arg8 : memref<40x128xf32, #tpu.memory_space<vmem>>) target(%dma_start3A_84 : memref<40x128xf32, #tpu.memory_space<vmem_shared>>) target_semaphore(%run_scoped3A : memref<!tpu.dma_semaphore, #tpu.memory_space<semaphore_mem>>)
      %dma_wait3A = arith.constant 0 : i32
      %dma_wait3A_85 = tpu.memref_slice %arg13[%add3A_62, %dma_wait3A] : memref<10240x128xf32, #tpu.memory_space<vmem_shared>> -> memref<40x128xf32, #tpu.memory_space<vmem_shared>>
      %dma_wait3A_86 = arith.constant 0 : i32
      %dma_wait3A_87 = tpu.memref_slice %arg13[%add3A_62, %dma_wait3A_86] : memref<10240x128xf32, #tpu.memory_space<vmem_shared>> -> memref<40x128xf32, #tpu.memory_space<vmem_shared>>
      tpu.wait_dma2 semaphore(%run_scoped3A : memref<!tpu.dma_semaphore, #tpu.memory_space<semaphore_mem>>) src(%arg8 : memref<40x128xf32, #tpu.memory_space<vmem>>) dst(%dma_wait3A_87 : memref<40x128xf32, #tpu.memory_space<vmem_shared>>)
      tpu.yield
    }) : () -> ()
    %mul3A_63 = arith.constant 640 : i32
    %mul3A_64 = arith.muli %arg1, %mul3A_63 : i32
    %add3A_65 = arith.constant 560 : i32
    %add3A_66 = arith.addi %mul3A_64, %add3A_65 : i32
    "tpu.region"() ({
      %run_scoped3A = tpu.sem_alloc : memref<!tpu.dma_semaphore, #tpu.memory_space<semaphore_mem>>
      %dma_start3A = arith.constant 0 : i32
      %dma_start3A_82 = tpu.memref_slice %arg13[%add3A_66, %dma_start3A] : memref<10240x128xf32, #tpu.memory_space<vmem_shared>> -> memref<40x128xf32, #tpu.memory_space<vmem_shared>>
      %dma_start3A_83 = arith.constant 0 : i32
      %dma_start3A_84 = tpu.memref_slice %arg13[%add3A_66, %dma_start3A_83] : memref<10240x128xf32, #tpu.memory_space<vmem_shared>> -> memref<40x128xf32, #tpu.memory_space<vmem_shared>>
      tpu.enqueue_dma source(%arg8 : memref<40x128xf32, #tpu.memory_space<vmem>>) target(%dma_start3A_84 : memref<40x128xf32, #tpu.memory_space<vmem_shared>>) target_semaphore(%run_scoped3A : memref<!tpu.dma_semaphore, #tpu.memory_space<semaphore_mem>>)
      %dma_wait3A = arith.constant 0 : i32
      %dma_wait3A_85 = tpu.memref_slice %arg13[%add3A_66, %dma_wait3A] : memref<10240x128xf32, #tpu.memory_space<vmem_shared>> -> memref<40x128xf32, #tpu.memory_space<vmem_shared>>
      %dma_wait3A_86 = arith.constant 0 : i32
      %dma_wait3A_87 = tpu.memref_slice %arg13[%add3A_66, %dma_wait3A_86] : memref<10240x128xf32, #tpu.memory_space<vmem_shared>> -> memref<40x128xf32, #tpu.memory_space<vmem_shared>>
      tpu.wait_dma2 semaphore(%run_scoped3A : memref<!tpu.dma_semaphore, #tpu.memory_space<semaphore_mem>>) src(%arg8 : memref<40x128xf32, #tpu.memory_space<vmem>>) dst(%dma_wait3A_87 : memref<40x128xf32, #tpu.memory_space<vmem_shared>>)
      tpu.yield
    }) : () -> ()
    %mul3A_67 = arith.constant 640 : i32
    %mul3A_68 = arith.muli %arg1, %mul3A_67 : i32
    %add3A_69 = arith.constant 600 : i32
    %add3A_70 = arith.addi %mul3A_68, %add3A_69 : i32
    "tpu.region"() ({
      %run_scoped3A = tpu.sem_alloc : memref<!tpu.dma_semaphore, #tpu.memory_space<semaphore_mem>>
      %dma_start3A = arith.constant 0 : i32
      %dma_start3A_82 = tpu.memref_slice %arg13[%add3A_70, %dma_start3A] : memref<10240x128xf32, #tpu.memory_space<vmem_shared>> -> memref<40x128xf32, #tpu.memory_space<vmem_shared>>
      %dma_start3A_83 = arith.constant 0 : i32
      %dma_start3A_84 = tpu.memref_slice %arg13[%add3A_70, %dma_start3A_83] : memref<10240x128xf32, #tpu.memory_space<vmem_shared>> -> memref<40x128xf32, #tpu.memory_space<vmem_shared>>
      tpu.enqueue_dma source(%arg8 : memref<40x128xf32, #tpu.memory_space<vmem>>) target(%dma_start3A_84 : memref<40x128xf32, #tpu.memory_space<vmem_shared>>) target_semaphore(%run_scoped3A : memref<!tpu.dma_semaphore, #tpu.memory_space<semaphore_mem>>)
      %dma_wait3A = arith.constant 0 : i32
      %dma_wait3A_85 = tpu.memref_slice %arg13[%add3A_70, %dma_wait3A] : memref<10240x128xf32, #tpu.memory_space<vmem_shared>> -> memref<40x128xf32, #tpu.memory_space<vmem_shared>>
      %dma_wait3A_86 = arith.constant 0 : i32
      %dma_wait3A_87 = tpu.memref_slice %arg13[%add3A_70, %dma_wait3A_86] : memref<10240x128xf32, #tpu.memory_space<vmem_shared>> -> memref<40x128xf32, #tpu.memory_space<vmem_shared>>
      tpu.wait_dma2 semaphore(%run_scoped3A : memref<!tpu.dma_semaphore, #tpu.memory_space<semaphore_mem>>) src(%arg8 : memref<40x128xf32, #tpu.memory_space<vmem>>) dst(%dma_wait3A_87 : memref<40x128xf32, #tpu.memory_space<vmem_shared>>)
      tpu.yield
    }) : () -> ()
    %barrier3A = arith.constant 0 : index
    tpu.barrier barrier_id(%barrier3A)
    %scan3A_71 = arith.constant 0 : i32
    %scan3A_72 = arith.constant 0 : i32
    %scan3A_73 = arith.constant 5 : i32
    %scan3A_74 = arith.addi %scan3A_72, %scan3A_73 : i32
    %scan3A_75 = arith.constant 1 : i32
    scf.for %scan3A_82 = %scan3A_72 to %scan3A_74 step %scan3A_75  : i32 {
      "tpu.region"() ({
        %run_scoped3A = tpu.sem_alloc : memref<!tpu.dma_semaphore, #tpu.memory_space<semaphore_mem>>
        %dma_start3A_116 = arith.constant 0 : i32
        %dma_start3A_117 = arith.constant 0 : i32
        %dma_start3A_118 = arith.constant 0 : i32
        %dma_start3A_119 = tpu.memref_slice %arg3[%add3A, %dma_start3A_116, %dma_start3A_117, %dma_start3A_118] : memref<32x5x50x40xi32, #tpu.memory_space<hbm>> -> memref<1x5x50x40xi32, #tpu.memory_space<hbm>>
        %dma_start3A_120 = tpu.memref_squeeze %dma_start3A_119 : memref<1x5x50x40xi32, #tpu.memory_space<hbm>> -> memref<5x50x40xi32, #tpu.memory_space<hbm>>
        %dma_start3A_121 = arith.constant 0 : i32
        %dma_start3A_122 = arith.constant 0 : i32
        %dma_start3A_123 = tpu.memref_slice %dma_start3A_120[%scan3A_82, %dma_start3A_121, %dma_start3A_122] : memref<5x50x40xi32, #tpu.memory_space<hbm>> -> memref<1x50x40xi32, #tpu.memory_space<hbm>>
        %dma_start3A_124 = tpu.memref_squeeze %dma_start3A_123 : memref<1x50x40xi32, #tpu.memory_space<hbm>> -> memref<50x40xi32, #tpu.memory_space<hbm>>
        %dma_start3A_125 = arith.constant 0 : i32
        %dma_start3A_126 = arith.constant 0 : i32
        %dma_start3A_127 = arith.constant 0 : i32
        %dma_start3A_128 = tpu.memref_slice %arg3[%add3A, %dma_start3A_125, %dma_start3A_126, %dma_start3A_127] : memref<32x5x50x40xi32, #tpu.memory_space<hbm>> -> memref<1x5x50x40xi32, #tpu.memory_space<hbm>>
        %dma_start3A_129 = tpu.memref_squeeze %dma_start3A_128 : memref<1x5x50x40xi32, #tpu.memory_space<hbm>> -> memref<5x50x40xi32, #tpu.memory_space<hbm>>
        %dma_start3A_130 = arith.constant 0 : i32
        %dma_start3A_131 = arith.constant 0 : i32
        %dma_start3A_132 = tpu.memref_slice %dma_start3A_129[%scan3A_82, %dma_start3A_130, %dma_start3A_131] : memref<5x50x40xi32, #tpu.memory_space<hbm>> -> memref<1x50x40xi32, #tpu.memory_space<hbm>>
        %dma_start3A_133 = tpu.memref_squeeze %dma_start3A_132 : memref<1x50x40xi32, #tpu.memory_space<hbm>> -> memref<50x40xi32, #tpu.memory_space<hbm>>
        tpu.enqueue_dma source(%dma_start3A_133 : memref<50x40xi32, #tpu.memory_space<hbm>>) target(%arg6 : memref<50x40xi32, #tpu.memory_space<vmem>>) target_semaphore(%run_scoped3A : memref<!tpu.dma_semaphore, #tpu.memory_space<semaphore_mem>>)
        %dma_wait3A = arith.constant 0 : i32
        %dma_wait3A_134 = arith.constant 0 : i32
        %dma_wait3A_135 = arith.constant 0 : i32
        %dma_wait3A_136 = tpu.memref_slice %arg3[%add3A, %dma_wait3A, %dma_wait3A_134, %dma_wait3A_135] : memref<32x5x50x40xi32, #tpu.memory_space<hbm>> -> memref<1x5x50x40xi32, #tpu.memory_space<hbm>>
        %dma_wait3A_137 = tpu.memref_squeeze %dma_wait3A_136 : memref<1x5x50x40xi32, #tpu.memory_space<hbm>> -> memref<5x50x40xi32, #tpu.memory_space<hbm>>
        %dma_wait3A_138 = arith.constant 0 : i32
        %dma_wait3A_139 = arith.constant 0 : i32
        %dma_wait3A_140 = tpu.memref_slice %dma_wait3A_137[%scan3A_82, %dma_wait3A_138, %dma_wait3A_139] : memref<5x50x40xi32, #tpu.memory_space<hbm>> -> memref<1x50x40xi32, #tpu.memory_space<hbm>>
        %dma_wait3A_141 = tpu.memref_squeeze %dma_wait3A_140 : memref<1x50x40xi32, #tpu.memory_space<hbm>> -> memref<50x40xi32, #tpu.memory_space<hbm>>
        %dma_wait3A_142 = arith.constant 0 : i32
        %dma_wait3A_143 = arith.constant 0 : i32
        %dma_wait3A_144 = arith.constant 0 : i32
        %dma_wait3A_145 = tpu.memref_slice %arg3[%add3A, %dma_wait3A_142, %dma_wait3A_143, %dma_wait3A_144] : memref<32x5x50x40xi32, #tpu.memory_space<hbm>> -> memref<1x5x50x40xi32, #tpu.memory_space<hbm>>
        %dma_wait3A_146 = tpu.memref_squeeze %dma_wait3A_145 : memref<1x5x50x40xi32, #tpu.memory_space<hbm>> -> memref<5x50x40xi32, #tpu.memory_space<hbm>>
        %dma_wait3A_147 = arith.constant 0 : i32
        %dma_wait3A_148 = arith.constant 0 : i32
        %dma_wait3A_149 = tpu.memref_slice %dma_wait3A_146[%scan3A_82, %dma_wait3A_147, %dma_wait3A_148] : memref<5x50x40xi32, #tpu.memory_space<hbm>> -> memref<1x50x40xi32, #tpu.memory_space<hbm>>
        %dma_wait3A_150 = tpu.memref_squeeze %dma_wait3A_149 : memref<1x50x40xi32, #tpu.memory_space<hbm>> -> memref<50x40xi32, #tpu.memory_space<hbm>>
        tpu.wait_dma2 semaphore(%run_scoped3A : memref<!tpu.dma_semaphore, #tpu.memory_space<semaphore_mem>>) src(%dma_wait3A_150 : memref<50x40xi32, #tpu.memory_space<hbm>>) dst(%arg6 : memref<50x40xi32, #tpu.memory_space<vmem>>)
        tpu.yield
      }) : () -> ()
      "tpu.region"() ({
        %run_scoped3A = tpu.sem_alloc : memref<!tpu.dma_semaphore, #tpu.memory_space<semaphore_mem>>
        %dma_start3A_116 = arith.constant 0 : i32
        %dma_start3A_117 = arith.constant 0 : i32
        %dma_start3A_118 = arith.constant 0 : i32
        %dma_start3A_119 = tpu.memref_slice %arg4[%add3A, %dma_start3A_116, %dma_start3A_117, %dma_start3A_118] : memref<32x5x50x40xi32, #tpu.memory_space<hbm>> -> memref<1x5x50x40xi32, #tpu.memory_space<hbm>>
        %dma_start3A_120 = tpu.memref_squeeze %dma_start3A_119 : memref<1x5x50x40xi32, #tpu.memory_space<hbm>> -> memref<5x50x40xi32, #tpu.memory_space<hbm>>
        %dma_start3A_121 = arith.constant 0 : i32
        %dma_start3A_122 = arith.constant 0 : i32
        %dma_start3A_123 = tpu.memref_slice %dma_start3A_120[%scan3A_82, %dma_start3A_121, %dma_start3A_122] : memref<5x50x40xi32, #tpu.memory_space<hbm>> -> memref<1x50x40xi32, #tpu.memory_space<hbm>>
        %dma_start3A_124 = tpu.memref_squeeze %dma_start3A_123 : memref<1x50x40xi32, #tpu.memory_space<hbm>> -> memref<50x40xi32, #tpu.memory_space<hbm>>
        %dma_start3A_125 = arith.constant 0 : i32
        %dma_start3A_126 = arith.constant 0 : i32
        %dma_start3A_127 = arith.constant 0 : i32
        %dma_start3A_128 = tpu.memref_slice %arg4[%add3A, %dma_start3A_125, %dma_start3A_126, %dma_start3A_127] : memref<32x5x50x40xi32, #tpu.memory_space<hbm>> -> memref<1x5x50x40xi32, #tpu.memory_space<hbm>>
        %dma_start3A_129 = tpu.memref_squeeze %dma_start3A_128 : memref<1x5x50x40xi32, #tpu.memory_space<hbm>> -> memref<5x50x40xi32, #tpu.memory_space<hbm>>
        %dma_start3A_130 = arith.constant 0 : i32
        %dma_start3A_131 = arith.constant 0 : i32
        %dma_start3A_132 = tpu.memref_slice %dma_start3A_129[%scan3A_82, %dma_start3A_130, %dma_start3A_131] : memref<5x50x40xi32, #tpu.memory_space<hbm>> -> memref<1x50x40xi32, #tpu.memory_space<hbm>>
        %dma_start3A_133 = tpu.memref_squeeze %dma_start3A_132 : memref<1x50x40xi32, #tpu.memory_space<hbm>> -> memref<50x40xi32, #tpu.memory_space<hbm>>
        tpu.enqueue_dma source(%dma_start3A_133 : memref<50x40xi32, #tpu.memory_space<hbm>>) target(%arg7 : memref<50x40xi32, #tpu.memory_space<vmem>>) target_semaphore(%run_scoped3A : memref<!tpu.dma_semaphore, #tpu.memory_space<semaphore_mem>>)
        %dma_wait3A = arith.constant 0 : i32
        %dma_wait3A_134 = arith.constant 0 : i32
        %dma_wait3A_135 = arith.constant 0 : i32
        %dma_wait3A_136 = tpu.memref_slice %arg4[%add3A, %dma_wait3A, %dma_wait3A_134, %dma_wait3A_135] : memref<32x5x50x40xi32, #tpu.memory_space<hbm>> -> memref<1x5x50x40xi32, #tpu.memory_space<hbm>>
        %dma_wait3A_137 = tpu.memref_squeeze %dma_wait3A_136 : memref<1x5x50x40xi32, #tpu.memory_space<hbm>> -> memref<5x50x40xi32, #tpu.memory_space<hbm>>
        %dma_wait3A_138 = arith.constant 0 : i32
        %dma_wait3A_139 = arith.constant 0 : i32
        %dma_wait3A_140 = tpu.memref_slice %dma_wait3A_137[%scan3A_82, %dma_wait3A_138, %dma_wait3A_139] : memref<5x50x40xi32, #tpu.memory_space<hbm>> -> memref<1x50x40xi32, #tpu.memory_space<hbm>>
        %dma_wait3A_141 = tpu.memref_squeeze %dma_wait3A_140 : memref<1x50x40xi32, #tpu.memory_space<hbm>> -> memref<50x40xi32, #tpu.memory_space<hbm>>
        %dma_wait3A_142 = arith.constant 0 : i32
        %dma_wait3A_143 = arith.constant 0 : i32
        %dma_wait3A_144 = arith.constant 0 : i32
        %dma_wait3A_145 = tpu.memref_slice %arg4[%add3A, %dma_wait3A_142, %dma_wait3A_143, %dma_wait3A_144] : memref<32x5x50x40xi32, #tpu.memory_space<hbm>> -> memref<1x5x50x40xi32, #tpu.memory_space<hbm>>
        %dma_wait3A_146 = tpu.memref_squeeze %dma_wait3A_145 : memref<1x5x50x40xi32, #tpu.memory_space<hbm>> -> memref<5x50x40xi32, #tpu.memory_space<hbm>>
        %dma_wait3A_147 = arith.constant 0 : i32
        %dma_wait3A_148 = arith.constant 0 : i32
        %dma_wait3A_149 = tpu.memref_slice %dma_wait3A_146[%scan3A_82, %dma_wait3A_147, %dma_wait3A_148] : memref<5x50x40xi32, #tpu.memory_space<hbm>> -> memref<1x50x40xi32, #tpu.memory_space<hbm>>
        %dma_wait3A_150 = tpu.memref_squeeze %dma_wait3A_149 : memref<1x50x40xi32, #tpu.memory_space<hbm>> -> memref<50x40xi32, #tpu.memory_space<hbm>>
        tpu.wait_dma2 semaphore(%run_scoped3A : memref<!tpu.dma_semaphore, #tpu.memory_space<semaphore_mem>>) src(%dma_wait3A_150 : memref<50x40xi32, #tpu.memory_space<hbm>>) dst(%arg7 : memref<50x40xi32, #tpu.memory_space<vmem>>)
        tpu.yield
      }) : () -> ()
      %dma_start3A = arith.constant 0 : i32
      %dma_start3A_83 = arith.constant 0 : i32
      %dma_start3A_84 = tpu.memref_slice %arg6[%dma_start3A, %dma_start3A_83] : memref<50x40xi32, #tpu.memory_space<vmem>> -> memref<1x40xi32, #tpu.memory_space<vmem>>
      %dma_start3A_85 = tpu.memref_squeeze %dma_start3A_84 : memref<1x40xi32, #tpu.memory_space<vmem>> -> memref<40xi32, #tpu.memory_space<vmem>>
      %dma_start3A_86 = arith.constant 0 : i32
      %dma_start3A_87 = arith.constant 0 : i32
      %dma_start3A_88 = tpu.memref_slice %arg2[%dma_start3A_86, %dma_start3A_87] : memref<10000x128xf32, #tpu.memory_space<hbm>> -> memref<10000x128xf32, #tpu.memory_space<hbm>>
      tpu.enqueue_indirect_dma source(%dma_start3A_88 : memref<10000x128xf32, #tpu.memory_space<hbm>>) target(%arg8 : memref<40x128xf32, #tpu.memory_space<vmem>>) offsets(%dma_start3A_85 : memref<40xi32, #tpu.memory_space<vmem>>) semaphore(%arg14 : memref<!tpu.dma_semaphore, #tpu.memory_space<semaphore_mem>>)
      %dma_start3A_89 = arith.constant 1 : i32
      %dma_start3A_90 = arith.constant 0 : i32
      %dma_start3A_91 = tpu.memref_slice %arg6[%dma_start3A_89, %dma_start3A_90] : memref<50x40xi32, #tpu.memory_space<vmem>> -> memref<1x40xi32, #tpu.memory_space<vmem>>
      %dma_start3A_92 = tpu.memref_squeeze %dma_start3A_91 : memref<1x40xi32, #tpu.memory_space<vmem>> -> memref<40xi32, #tpu.memory_space<vmem>>
      %dma_start3A_93 = arith.constant 0 : i32
      %dma_start3A_94 = arith.constant 0 : i32
      %dma_start3A_95 = tpu.memref_slice %arg2[%dma_start3A_93, %dma_start3A_94] : memref<10000x128xf32, #tpu.memory_space<hbm>> -> memref<10000x128xf32, #tpu.memory_space<hbm>>
      tpu.enqueue_indirect_dma source(%dma_start3A_95 : memref<10000x128xf32, #tpu.memory_space<hbm>>) target(%arg9 : memref<40x128xf32, #tpu.memory_space<vmem>>) offsets(%dma_start3A_92 : memref<40xi32, #tpu.memory_space<vmem>>) semaphore(%arg15 : memref<!tpu.dma_semaphore, #tpu.memory_space<semaphore_mem>>)
      %dma_start3A_96 = arith.constant 2 : i32
      %dma_start3A_97 = arith.constant 0 : i32
      %dma_start3A_98 = tpu.memref_slice %arg6[%dma_start3A_96, %dma_start3A_97] : memref<50x40xi32, #tpu.memory_space<vmem>> -> memref<1x40xi32, #tpu.memory_space<vmem>>
      %dma_start3A_99 = tpu.memref_squeeze %dma_start3A_98 : memref<1x40xi32, #tpu.memory_space<vmem>> -> memref<40xi32, #tpu.memory_space<vmem>>
      %dma_start3A_100 = arith.constant 0 : i32
      %dma_start3A_101 = arith.constant 0 : i32
      %dma_start3A_102 = tpu.memref_slice %arg2[%dma_start3A_100, %dma_start3A_101] : memref<10000x128xf32, #tpu.memory_space<hbm>> -> memref<10000x128xf32, #tpu.memory_space<hbm>>
      tpu.enqueue_indirect_dma source(%dma_start3A_102 : memref<10000x128xf32, #tpu.memory_space<hbm>>) target(%arg10 : memref<40x128xf32, #tpu.memory_space<vmem>>) offsets(%dma_start3A_99 : memref<40xi32, #tpu.memory_space<vmem>>) semaphore(%arg16 : memref<!tpu.dma_semaphore, #tpu.memory_space<semaphore_mem>>)
      %dma_start3A_103 = arith.constant 3 : i32
      %dma_start3A_104 = arith.constant 0 : i32
      %dma_start3A_105 = tpu.memref_slice %arg6[%dma_start3A_103, %dma_start3A_104] : memref<50x40xi32, #tpu.memory_space<vmem>> -> memref<1x40xi32, #tpu.memory_space<vmem>>
      %dma_start3A_106 = tpu.memref_squeeze %dma_start3A_105 : memref<1x40xi32, #tpu.memory_space<vmem>> -> memref<40xi32, #tpu.memory_space<vmem>>
      %dma_start3A_107 = arith.constant 0 : i32
      %dma_start3A_108 = arith.constant 0 : i32
      %dma_start3A_109 = tpu.memref_slice %arg2[%dma_start3A_107, %dma_start3A_108] : memref<10000x128xf32, #tpu.memory_space<hbm>> -> memref<10000x128xf32, #tpu.memory_space<hbm>>
      tpu.enqueue_indirect_dma source(%dma_start3A_109 : memref<10000x128xf32, #tpu.memory_space<hbm>>) target(%arg11 : memref<40x128xf32, #tpu.memory_space<vmem>>) offsets(%dma_start3A_106 : memref<40xi32, #tpu.memory_space<vmem>>) semaphore(%arg17 : memref<!tpu.dma_semaphore, #tpu.memory_space<semaphore_mem>>)
      %scan3A_110 = arith.constant 0 : i32
      %scan3A_111 = arith.constant 0 : i32
      %scan3A_112 = arith.constant 50 : i32
      %scan3A_113 = arith.addi %scan3A_111, %scan3A_112 : i32
      %scan3A_114 = arith.constant 1 : i32
      scf.for %scan3A_116 = %scan3A_111 to %scan3A_113 step %scan3A_114  : i32 {
        %jit3A = arith.constant 5 : i32
        %eq3A = arith.constant 0 : i32
        %eq3A_117 = arith.cmpi eq, %jit3A, %eq3A : i32
        %jit3A_118 = arith.constant 1 : i32
        %select_n3A = arith.select %eq3A_117, %jit3A_118, %jit3A : i32
        %rem3A = arith.remsi %scan3A_116, %select_n3A : i32
        %ne3A = arith.constant 0 : i32
        %ne3A_119 = arith.cmpi ne, %rem3A, %ne3A : i32
        %lt3A = arith.constant 0 : i32
        %lt3A_120 = arith.cmpi slt, %rem3A, %lt3A : i32
        %lt3A_121 = arith.constant 0 : i32
        %lt3A_122 = arith.cmpi slt, %select_n3A, %lt3A_121 : i32
        %ne3A_123 = arith.xori %lt3A_120, %lt3A_122 : i1
        %and3A = arith.andi %ne3A_123, %ne3A_119 : i1
        %add3A_124 = arith.addi %rem3A, %select_n3A : i32
        %select_n3A_125 = arith.select %and3A, %add3A_124, %rem3A : i32
        %eq3A_126 = arith.constant 0 : i32
        %eq3A_127 = arith.cmpi eq, %select_n3A_125, %eq3A_126 : i32
        %convert_element_type3A = arith.extui %eq3A_127 : i1 to i32
        %cond3A = arith.constant 0 : i32
        %cond3A_128 = arith.cmpi ne, %convert_element_type3A, %cond3A : i32
        scf.if %cond3A_128 {
          %dma_wait3A = arith.constant 0 : i32
          %dma_wait3A_213 = tpu.memref_slice %arg6[%scan3A_116, %dma_wait3A] : memref<50x40xi32, #tpu.memory_space<vmem>> -> memref<1x40xi32, #tpu.memory_space<vmem>>
          %dma_wait3A_214 = tpu.memref_squeeze %dma_wait3A_213 : memref<1x40xi32, #tpu.memory_space<vmem>> -> memref<40xi32, #tpu.memory_space<vmem>>
          %dma_wait3A_215 = arith.constant 0 : i32
          %dma_wait3A_216 = arith.constant 0 : i32
          %dma_wait3A_217 = tpu.memref_slice %arg2[%dma_wait3A_215, %dma_wait3A_216] : memref<10000x128xf32, #tpu.memory_space<hbm>> -> memref<10000x128xf32, #tpu.memory_space<hbm>>
          tpu.wait_indirect_dma semaphore(%arg14 : memref<!tpu.dma_semaphore, #tpu.memory_space<semaphore_mem>>) src(%dma_wait3A_217 : memref<10000x128xf32, #tpu.memory_space<hbm>>) dst(%arg8 : memref<40x128xf32, #tpu.memory_space<vmem>>)
          %add3A_218 = arith.constant 4 : i32
          %add3A_219 = arith.addi %scan3A_116, %add3A_218 : i32
          %lt3A_220 = arith.constant 50 : i32
          %lt3A_221 = arith.cmpi slt, %add3A_219, %lt3A_220 : i32
          %convert_element_type3A_222 = arith.extui %lt3A_221 : i1 to i32
          %cond3A_223 = arith.constant 0 : i32
          %cond3A_224 = arith.cmpi ne, %convert_element_type3A_222, %cond3A_223 : i32
          scf.if %cond3A_224 {
            %add3A_225 = arith.constant 4 : i32
            %add3A_226 = arith.addi %scan3A_116, %add3A_225 : i32
            %dma_start3A_227 = arith.constant 0 : i32
            %dma_start3A_228 = tpu.memref_slice %arg6[%add3A_226, %dma_start3A_227] : memref<50x40xi32, #tpu.memory_space<vmem>> -> memref<1x40xi32, #tpu.memory_space<vmem>>
            %dma_start3A_229 = tpu.memref_squeeze %dma_start3A_228 : memref<1x40xi32, #tpu.memory_space<vmem>> -> memref<40xi32, #tpu.memory_space<vmem>>
            %dma_start3A_230 = arith.constant 0 : i32
            %dma_start3A_231 = arith.constant 0 : i32
            %dma_start3A_232 = tpu.memref_slice %arg2[%dma_start3A_230, %dma_start3A_231] : memref<10000x128xf32, #tpu.memory_space<hbm>> -> memref<10000x128xf32, #tpu.memory_space<hbm>>
            tpu.enqueue_indirect_dma source(%dma_start3A_232 : memref<10000x128xf32, #tpu.memory_space<hbm>>) target(%arg12 : memref<40x128xf32, #tpu.memory_space<vmem>>) offsets(%dma_start3A_229 : memref<40xi32, #tpu.memory_space<vmem>>) semaphore(%arg18 : memref<!tpu.dma_semaphore, #tpu.memory_space<semaphore_mem>>)
          } else {
          }
          "tpu.region"() ({
            %run_scoped3A = tpu.sem_alloc : memref<!tpu.dma_semaphore, #tpu.memory_space<semaphore_mem>>
            %dma_start3A_225 = arith.constant 0 : i32
            %dma_start3A_226 = tpu.memref_slice %arg7[%scan3A_116, %dma_start3A_225] : memref<50x40xi32, #tpu.memory_space<vmem>> -> memref<1x40xi32, #tpu.memory_space<vmem>>
            %dma_start3A_227 = tpu.memref_squeeze %dma_start3A_226 : memref<1x40xi32, #tpu.memory_space<vmem>> -> memref<40xi32, #tpu.memory_space<vmem>>
            %dma_start3A_228 = arith.constant 0 : i32
            %dma_start3A_229 = arith.constant 0 : i32
            %dma_start3A_230 = tpu.memref_slice %arg13[%dma_start3A_228, %dma_start3A_229] : memref<10240x128xf32, #tpu.memory_space<vmem_shared>> -> memref<10240x128xf32, #tpu.memory_space<vmem_shared>>
            tpu.enqueue_indirect_dma source(%arg8 : memref<40x128xf32, #tpu.memory_space<vmem>>) target(%dma_start3A_230 : memref<10240x128xf32, #tpu.memory_space<vmem_shared>>) offsets(%dma_start3A_227 : memref<40xi32, #tpu.memory_space<vmem>>) semaphore(%run_scoped3A : memref<!tpu.dma_semaphore, #tpu.memory_space<semaphore_mem>>) {add = true}
            %dma_wait3A_231 = arith.constant 0 : i32
            %dma_wait3A_232 = tpu.memref_slice %arg7[%scan3A_116, %dma_wait3A_231] : memref<50x40xi32, #tpu.memory_space<vmem>> -> memref<1x40xi32, #tpu.memory_space<vmem>>
            %dma_wait3A_233 = tpu.memref_squeeze %dma_wait3A_232 : memref<1x40xi32, #tpu.memory_space<vmem>> -> memref<40xi32, #tpu.memory_space<vmem>>
            %dma_wait3A_234 = arith.constant 0 : i32
            %dma_wait3A_235 = arith.constant 0 : i32
            %dma_wait3A_236 = tpu.memref_slice %arg13[%dma_wait3A_234, %dma_wait3A_235] : memref<10240x128xf32, #tpu.memory_space<vmem_shared>> -> memref<10240x128xf32, #tpu.memory_space<vmem_shared>>
            tpu.wait_indirect_dma semaphore(%run_scoped3A : memref<!tpu.dma_semaphore, #tpu.memory_space<semaphore_mem>>) src(%arg8 : memref<40x128xf32, #tpu.memory_space<vmem>>) dst(%dma_wait3A_236 : memref<10240x128xf32, #tpu.memory_space<vmem_shared>>)
            tpu.yield
          }) : () -> ()
        } else {
        }
        %jit3A_129 = arith.constant 5 : i32
        %eq3A_130 = arith.constant 0 : i32
        %eq3A_131 = arith.cmpi eq, %jit3A_129, %eq3A_130 : i32
        %jit3A_132 = arith.constant 1 : i32
        %select_n3A_133 = arith.select %eq3A_131, %jit3A_132, %jit3A_129 : i32
        %rem3A_134 = arith.remsi %scan3A_116, %select_n3A_133 : i32
        %ne3A_135 = arith.constant 0 : i32
        %ne3A_136 = arith.cmpi ne, %rem3A_134, %ne3A_135 : i32
        %lt3A_137 = arith.constant 0 : i32
        %lt3A_138 = arith.cmpi slt, %rem3A_134, %lt3A_137 : i32
        %lt3A_139 = arith.constant 0 : i32
        %lt3A_140 = arith.cmpi slt, %select_n3A_133, %lt3A_139 : i32
        %ne3A_141 = arith.xori %lt3A_138, %lt3A_140 : i1
        %and3A_142 = arith.andi %ne3A_141, %ne3A_136 : i1
        %add3A_143 = arith.addi %rem3A_134, %select_n3A_133 : i32
        %select_n3A_144 = arith.select %and3A_142, %add3A_143, %rem3A_134 : i32
        %eq3A_145 = arith.constant 1 : i32
        %eq3A_146 = arith.cmpi eq, %select_n3A_144, %eq3A_145 : i32
        %convert_element_type3A_147 = arith.extui %eq3A_146 : i1 to i32
        %cond3A_148 = arith.constant 0 : i32
        %cond3A_149 = arith.cmpi ne, %convert_element_type3A_147, %cond3A_148 : i32
        scf.if %cond3A_149 {
          %dma_wait3A = arith.constant 0 : i32
          %dma_wait3A_213 = tpu.memref_slice %arg6[%scan3A_116, %dma_wait3A] : memref<50x40xi32, #tpu.memory_space<vmem>> -> memref<1x40xi32, #tpu.memory_space<vmem>>
          %dma_wait3A_214 = tpu.memref_squeeze %dma_wait3A_213 : memref<1x40xi32, #tpu.memory_space<vmem>> -> memref<40xi32, #tpu.memory_space<vmem>>
          %dma_wait3A_215 = arith.constant 0 : i32
          %dma_wait3A_216 = arith.constant 0 : i32
          %dma_wait3A_217 = tpu.memref_slice %arg2[%dma_wait3A_215, %dma_wait3A_216] : memref<10000x128xf32, #tpu.memory_space<hbm>> -> memref<10000x128xf32, #tpu.memory_space<hbm>>
          tpu.wait_indirect_dma semaphore(%arg15 : memref<!tpu.dma_semaphore, #tpu.memory_space<semaphore_mem>>) src(%dma_wait3A_217 : memref<10000x128xf32, #tpu.memory_space<hbm>>) dst(%arg9 : memref<40x128xf32, #tpu.memory_space<vmem>>)
          %add3A_218 = arith.constant 4 : i32
          %add3A_219 = arith.addi %scan3A_116, %add3A_218 : i32
          %lt3A_220 = arith.constant 50 : i32
          %lt3A_221 = arith.cmpi slt, %add3A_219, %lt3A_220 : i32
          %convert_element_type3A_222 = arith.extui %lt3A_221 : i1 to i32
          %cond3A_223 = arith.constant 0 : i32
          %cond3A_224 = arith.cmpi ne, %convert_element_type3A_222, %cond3A_223 : i32
          scf.if %cond3A_224 {
            %add3A_225 = arith.constant 4 : i32
            %add3A_226 = arith.addi %scan3A_116, %add3A_225 : i32
            %dma_start3A_227 = arith.constant 0 : i32
            %dma_start3A_228 = tpu.memref_slice %arg6[%add3A_226, %dma_start3A_227] : memref<50x40xi32, #tpu.memory_space<vmem>> -> memref<1x40xi32, #tpu.memory_space<vmem>>
            %dma_start3A_229 = tpu.memref_squeeze %dma_start3A_228 : memref<1x40xi32, #tpu.memory_space<vmem>> -> memref<40xi32, #tpu.memory_space<vmem>>
            %dma_start3A_230 = arith.constant 0 : i32
            %dma_start3A_231 = arith.constant 0 : i32
            %dma_start3A_232 = tpu.memref_slice %arg2[%dma_start3A_230, %dma_start3A_231] : memref<10000x128xf32, #tpu.memory_space<hbm>> -> memref<10000x128xf32, #tpu.memory_space<hbm>>
            tpu.enqueue_indirect_dma source(%dma_start3A_232 : memref<10000x128xf32, #tpu.memory_space<hbm>>) target(%arg8 : memref<40x128xf32, #tpu.memory_space<vmem>>) offsets(%dma_start3A_229 : memref<40xi32, #tpu.memory_space<vmem>>) semaphore(%arg14 : memref<!tpu.dma_semaphore, #tpu.memory_space<semaphore_mem>>)
          } else {
          }
          "tpu.region"() ({
            %run_scoped3A = tpu.sem_alloc : memref<!tpu.dma_semaphore, #tpu.memory_space<semaphore_mem>>
            %dma_start3A_225 = arith.constant 0 : i32
            %dma_start3A_226 = tpu.memref_slice %arg7[%scan3A_116, %dma_start3A_225] : memref<50x40xi32, #tpu.memory_space<vmem>> -> memref<1x40xi32, #tpu.memory_space<vmem>>
            %dma_start3A_227 = tpu.memref_squeeze %dma_start3A_226 : memref<1x40xi32, #tpu.memory_space<vmem>> -> memref<40xi32, #tpu.memory_space<vmem>>
            %dma_start3A_228 = arith.constant 0 : i32
            %dma_start3A_229 = arith.constant 0 : i32
            %dma_start3A_230 = tpu.memref_slice %arg13[%dma_start3A_228, %dma_start3A_229] : memref<10240x128xf32, #tpu.memory_space<vmem_shared>> -> memref<10240x128xf32, #tpu.memory_space<vmem_shared>>
            tpu.enqueue_indirect_dma source(%arg9 : memref<40x128xf32, #tpu.memory_space<vmem>>) target(%dma_start3A_230 : memref<10240x128xf32, #tpu.memory_space<vmem_shared>>) offsets(%dma_start3A_227 : memref<40xi32, #tpu.memory_space<vmem>>) semaphore(%run_scoped3A : memref<!tpu.dma_semaphore, #tpu.memory_space<semaphore_mem>>) {add = true}
            %dma_wait3A_231 = arith.constant 0 : i32
            %dma_wait3A_232 = tpu.memref_slice %arg7[%scan3A_116, %dma_wait3A_231] : memref<50x40xi32, #tpu.memory_space<vmem>> -> memref<1x40xi32, #tpu.memory_space<vmem>>
            %dma_wait3A_233 = tpu.memref_squeeze %dma_wait3A_232 : memref<1x40xi32, #tpu.memory_space<vmem>> -> memref<40xi32, #tpu.memory_space<vmem>>
            %dma_wait3A_234 = arith.constant 0 : i32
            %dma_wait3A_235 = arith.constant 0 : i32
            %dma_wait3A_236 = tpu.memref_slice %arg13[%dma_wait3A_234, %dma_wait3A_235] : memref<10240x128xf32, #tpu.memory_space<vmem_shared>> -> memref<10240x128xf32, #tpu.memory_space<vmem_shared>>
            tpu.wait_indirect_dma semaphore(%run_scoped3A : memref<!tpu.dma_semaphore, #tpu.memory_space<semaphore_mem>>) src(%arg9 : memref<40x128xf32, #tpu.memory_space<vmem>>) dst(%dma_wait3A_236 : memref<10240x128xf32, #tpu.memory_space<vmem_shared>>)
            tpu.yield
          }) : () -> ()
        } else {
        }
        %jit3A_150 = arith.constant 5 : i32
        %eq3A_151 = arith.constant 0 : i32
        %eq3A_152 = arith.cmpi eq, %jit3A_150, %eq3A_151 : i32
        %jit3A_153 = arith.constant 1 : i32
        %select_n3A_154 = arith.select %eq3A_152, %jit3A_153, %jit3A_150 : i32
        %rem3A_155 = arith.remsi %scan3A_116, %select_n3A_154 : i32
        %ne3A_156 = arith.constant 0 : i32
        %ne3A_157 = arith.cmpi ne, %rem3A_155, %ne3A_156 : i32
        %lt3A_158 = arith.constant 0 : i32
        %lt3A_159 = arith.cmpi slt, %rem3A_155, %lt3A_158 : i32
        %lt3A_160 = arith.constant 0 : i32
        %lt3A_161 = arith.cmpi slt, %select_n3A_154, %lt3A_160 : i32
        %ne3A_162 = arith.xori %lt3A_159, %lt3A_161 : i1
        %and3A_163 = arith.andi %ne3A_162, %ne3A_157 : i1
        %add3A_164 = arith.addi %rem3A_155, %select_n3A_154 : i32
        %select_n3A_165 = arith.select %and3A_163, %add3A_164, %rem3A_155 : i32
        %eq3A_166 = arith.constant 2 : i32
        %eq3A_167 = arith.cmpi eq, %select_n3A_165, %eq3A_166 : i32
        %convert_element_type3A_168 = arith.extui %eq3A_167 : i1 to i32
        %cond3A_169 = arith.constant 0 : i32
        %cond3A_170 = arith.cmpi ne, %convert_element_type3A_168, %cond3A_169 : i32
        scf.if %cond3A_170 {
          %dma_wait3A = arith.constant 0 : i32
          %dma_wait3A_213 = tpu.memref_slice %arg6[%scan3A_116, %dma_wait3A] : memref<50x40xi32, #tpu.memory_space<vmem>> -> memref<1x40xi32, #tpu.memory_space<vmem>>
          %dma_wait3A_214 = tpu.memref_squeeze %dma_wait3A_213 : memref<1x40xi32, #tpu.memory_space<vmem>> -> memref<40xi32, #tpu.memory_space<vmem>>
          %dma_wait3A_215 = arith.constant 0 : i32
          %dma_wait3A_216 = arith.constant 0 : i32
          %dma_wait3A_217 = tpu.memref_slice %arg2[%dma_wait3A_215, %dma_wait3A_216] : memref<10000x128xf32, #tpu.memory_space<hbm>> -> memref<10000x128xf32, #tpu.memory_space<hbm>>
          tpu.wait_indirect_dma semaphore(%arg16 : memref<!tpu.dma_semaphore, #tpu.memory_space<semaphore_mem>>) src(%dma_wait3A_217 : memref<10000x128xf32, #tpu.memory_space<hbm>>) dst(%arg10 : memref<40x128xf32, #tpu.memory_space<vmem>>)
          %add3A_218 = arith.constant 4 : i32
          %add3A_219 = arith.addi %scan3A_116, %add3A_218 : i32
          %lt3A_220 = arith.constant 50 : i32
          %lt3A_221 = arith.cmpi slt, %add3A_219, %lt3A_220 : i32
          %convert_element_type3A_222 = arith.extui %lt3A_221 : i1 to i32
          %cond3A_223 = arith.constant 0 : i32
          %cond3A_224 = arith.cmpi ne, %convert_element_type3A_222, %cond3A_223 : i32
          scf.if %cond3A_224 {
            %add3A_225 = arith.constant 4 : i32
            %add3A_226 = arith.addi %scan3A_116, %add3A_225 : i32
            %dma_start3A_227 = arith.constant 0 : i32
            %dma_start3A_228 = tpu.memref_slice %arg6[%add3A_226, %dma_start3A_227] : memref<50x40xi32, #tpu.memory_space<vmem>> -> memref<1x40xi32, #tpu.memory_space<vmem>>
            %dma_start3A_229 = tpu.memref_squeeze %dma_start3A_228 : memref<1x40xi32, #tpu.memory_space<vmem>> -> memref<40xi32, #tpu.memory_space<vmem>>
            %dma_start3A_230 = arith.constant 0 : i32
            %dma_start3A_231 = arith.constant 0 : i32
            %dma_start3A_232 = tpu.memref_slice %arg2[%dma_start3A_230, %dma_start3A_231] : memref<10000x128xf32, #tpu.memory_space<hbm>> -> memref<10000x128xf32, #tpu.memory_space<hbm>>
            tpu.enqueue_indirect_dma source(%dma_start3A_232 : memref<10000x128xf32, #tpu.memory_space<hbm>>) target(%arg9 : memref<40x128xf32, #tpu.memory_space<vmem>>) offsets(%dma_start3A_229 : memref<40xi32, #tpu.memory_space<vmem>>) semaphore(%arg15 : memref<!tpu.dma_semaphore, #tpu.memory_space<semaphore_mem>>)
          } else {
          }
          "tpu.region"() ({
            %run_scoped3A = tpu.sem_alloc : memref<!tpu.dma_semaphore, #tpu.memory_space<semaphore_mem>>
            %dma_start3A_225 = arith.constant 0 : i32
            %dma_start3A_226 = tpu.memref_slice %arg7[%scan3A_116, %dma_start3A_225] : memref<50x40xi32, #tpu.memory_space<vmem>> -> memref<1x40xi32, #tpu.memory_space<vmem>>
            %dma_start3A_227 = tpu.memref_squeeze %dma_start3A_226 : memref<1x40xi32, #tpu.memory_space<vmem>> -> memref<40xi32, #tpu.memory_space<vmem>>
            %dma_start3A_228 = arith.constant 0 : i32
            %dma_start3A_229 = arith.constant 0 : i32
            %dma_start3A_230 = tpu.memref_slice %arg13[%dma_start3A_228, %dma_start3A_229] : memref<10240x128xf32, #tpu.memory_space<vmem_shared>> -> memref<10240x128xf32, #tpu.memory_space<vmem_shared>>
            tpu.enqueue_indirect_dma source(%arg10 : memref<40x128xf32, #tpu.memory_space<vmem>>) target(%dma_start3A_230 : memref<10240x128xf32, #tpu.memory_space<vmem_shared>>) offsets(%dma_start3A_227 : memref<40xi32, #tpu.memory_space<vmem>>) semaphore(%run_scoped3A : memref<!tpu.dma_semaphore, #tpu.memory_space<semaphore_mem>>) {add = true}
            %dma_wait3A_231 = arith.constant 0 : i32
            %dma_wait3A_232 = tpu.memref_slice %arg7[%scan3A_116, %dma_wait3A_231] : memref<50x40xi32, #tpu.memory_space<vmem>> -> memref<1x40xi32, #tpu.memory_space<vmem>>
            %dma_wait3A_233 = tpu.memref_squeeze %dma_wait3A_232 : memref<1x40xi32, #tpu.memory_space<vmem>> -> memref<40xi32, #tpu.memory_space<vmem>>
            %dma_wait3A_234 = arith.constant 0 : i32
            %dma_wait3A_235 = arith.constant 0 : i32
            %dma_wait3A_236 = tpu.memref_slice %arg13[%dma_wait3A_234, %dma_wait3A_235] : memref<10240x128xf32, #tpu.memory_space<vmem_shared>> -> memref<10240x128xf32, #tpu.memory_space<vmem_shared>>
            tpu.wait_indirect_dma semaphore(%run_scoped3A : memref<!tpu.dma_semaphore, #tpu.memory_space<semaphore_mem>>) src(%arg10 : memref<40x128xf32, #tpu.memory_space<vmem>>) dst(%dma_wait3A_236 : memref<10240x128xf32, #tpu.memory_space<vmem_shared>>)
            tpu.yield
          }) : () -> ()
        } else {
        }
        %jit3A_171 = arith.constant 5 : i32
        %eq3A_172 = arith.constant 0 : i32
        %eq3A_173 = arith.cmpi eq, %jit3A_171, %eq3A_172 : i32
        %jit3A_174 = arith.constant 1 : i32
        %select_n3A_175 = arith.select %eq3A_173, %jit3A_174, %jit3A_171 : i32
        %rem3A_176 = arith.remsi %scan3A_116, %select_n3A_175 : i32
        %ne3A_177 = arith.constant 0 : i32
        %ne3A_178 = arith.cmpi ne, %rem3A_176, %ne3A_177 : i32
        %lt3A_179 = arith.constant 0 : i32
        %lt3A_180 = arith.cmpi slt, %rem3A_176, %lt3A_179 : i32
        %lt3A_181 = arith.constant 0 : i32
        %lt3A_182 = arith.cmpi slt, %select_n3A_175, %lt3A_181 : i32
        %ne3A_183 = arith.xori %lt3A_180, %lt3A_182 : i1
        %and3A_184 = arith.andi %ne3A_183, %ne3A_178 : i1
        %add3A_185 = arith.addi %rem3A_176, %select_n3A_175 : i32
        %select_n3A_186 = arith.select %and3A_184, %add3A_185, %rem3A_176 : i32
        %eq3A_187 = arith.constant 3 : i32
        %eq3A_188 = arith.cmpi eq, %select_n3A_186, %eq3A_187 : i32
        %convert_element_type3A_189 = arith.extui %eq3A_188 : i1 to i32
        %cond3A_190 = arith.constant 0 : i32
        %cond3A_191 = arith.cmpi ne, %convert_element_type3A_189, %cond3A_190 : i32
        scf.if %cond3A_191 {
          %dma_wait3A = arith.constant 0 : i32
          %dma_wait3A_213 = tpu.memref_slice %arg6[%scan3A_116, %dma_wait3A] : memref<50x40xi32, #tpu.memory_space<vmem>> -> memref<1x40xi32, #tpu.memory_space<vmem>>
          %dma_wait3A_214 = tpu.memref_squeeze %dma_wait3A_213 : memref<1x40xi32, #tpu.memory_space<vmem>> -> memref<40xi32, #tpu.memory_space<vmem>>
          %dma_wait3A_215 = arith.constant 0 : i32
          %dma_wait3A_216 = arith.constant 0 : i32
          %dma_wait3A_217 = tpu.memref_slice %arg2[%dma_wait3A_215, %dma_wait3A_216] : memref<10000x128xf32, #tpu.memory_space<hbm>> -> memref<10000x128xf32, #tpu.memory_space<hbm>>
          tpu.wait_indirect_dma semaphore(%arg17 : memref<!tpu.dma_semaphore, #tpu.memory_space<semaphore_mem>>) src(%dma_wait3A_217 : memref<10000x128xf32, #tpu.memory_space<hbm>>) dst(%arg11 : memref<40x128xf32, #tpu.memory_space<vmem>>)
          %add3A_218 = arith.constant 4 : i32
          %add3A_219 = arith.addi %scan3A_116, %add3A_218 : i32
          %lt3A_220 = arith.constant 50 : i32
          %lt3A_221 = arith.cmpi slt, %add3A_219, %lt3A_220 : i32
          %convert_element_type3A_222 = arith.extui %lt3A_221 : i1 to i32
          %cond3A_223 = arith.constant 0 : i32
          %cond3A_224 = arith.cmpi ne, %convert_element_type3A_222, %cond3A_223 : i32
          scf.if %cond3A_224 {
            %add3A_225 = arith.constant 4 : i32
            %add3A_226 = arith.addi %scan3A_116, %add3A_225 : i32
            %dma_start3A_227 = arith.constant 0 : i32
            %dma_start3A_228 = tpu.memref_slice %arg6[%add3A_226, %dma_start3A_227] : memref<50x40xi32, #tpu.memory_space<vmem>> -> memref<1x40xi32, #tpu.memory_space<vmem>>
            %dma_start3A_229 = tpu.memref_squeeze %dma_start3A_228 : memref<1x40xi32, #tpu.memory_space<vmem>> -> memref<40xi32, #tpu.memory_space<vmem>>
            %dma_start3A_230 = arith.constant 0 : i32
            %dma_start3A_231 = arith.constant 0 : i32
            %dma_start3A_232 = tpu.memref_slice %arg2[%dma_start3A_230, %dma_start3A_231] : memref<10000x128xf32, #tpu.memory_space<hbm>> -> memref<10000x128xf32, #tpu.memory_space<hbm>>
            tpu.enqueue_indirect_dma source(%dma_start3A_232 : memref<10000x128xf32, #tpu.memory_space<hbm>>) target(%arg10 : memref<40x128xf32, #tpu.memory_space<vmem>>) offsets(%dma_start3A_229 : memref<40xi32, #tpu.memory_space<vmem>>) semaphore(%arg16 : memref<!tpu.dma_semaphore, #tpu.memory_space<semaphore_mem>>)
          } else {
          }
          "tpu.region"() ({
            %run_scoped3A = tpu.sem_alloc : memref<!tpu.dma_semaphore, #tpu.memory_space<semaphore_mem>>
            %dma_start3A_225 = arith.constant 0 : i32
            %dma_start3A_226 = tpu.memref_slice %arg7[%scan3A_116, %dma_start3A_225] : memref<50x40xi32, #tpu.memory_space<vmem>> -> memref<1x40xi32, #tpu.memory_space<vmem>>
            %dma_start3A_227 = tpu.memref_squeeze %dma_start3A_226 : memref<1x40xi32, #tpu.memory_space<vmem>> -> memref<40xi32, #tpu.memory_space<vmem>>
            %dma_start3A_228 = arith.constant 0 : i32
            %dma_start3A_229 = arith.constant 0 : i32
            %dma_start3A_230 = tpu.memref_slice %arg13[%dma_start3A_228, %dma_start3A_229] : memref<10240x128xf32, #tpu.memory_space<vmem_shared>> -> memref<10240x128xf32, #tpu.memory_space<vmem_shared>>
            tpu.enqueue_indirect_dma source(%arg11 : memref<40x128xf32, #tpu.memory_space<vmem>>) target(%dma_start3A_230 : memref<10240x128xf32, #tpu.memory_space<vmem_shared>>) offsets(%dma_start3A_227 : memref<40xi32, #tpu.memory_space<vmem>>) semaphore(%run_scoped3A : memref<!tpu.dma_semaphore, #tpu.memory_space<semaphore_mem>>) {add = true}
            %dma_wait3A_231 = arith.constant 0 : i32
            %dma_wait3A_232 = tpu.memref_slice %arg7[%scan3A_116, %dma_wait3A_231] : memref<50x40xi32, #tpu.memory_space<vmem>> -> memref<1x40xi32, #tpu.memory_space<vmem>>
            %dma_wait3A_233 = tpu.memref_squeeze %dma_wait3A_232 : memref<1x40xi32, #tpu.memory_space<vmem>> -> memref<40xi32, #tpu.memory_space<vmem>>
            %dma_wait3A_234 = arith.constant 0 : i32
            %dma_wait3A_235 = arith.constant 0 : i32
            %dma_wait3A_236 = tpu.memref_slice %arg13[%dma_wait3A_234, %dma_wait3A_235] : memref<10240x128xf32, #tpu.memory_space<vmem_shared>> -> memref<10240x128xf32, #tpu.memory_space<vmem_shared>>
            tpu.wait_indirect_dma semaphore(%run_scoped3A : memref<!tpu.dma_semaphore, #tpu.memory_space<semaphore_mem>>) src(%arg11 : memref<40x128xf32, #tpu.memory_space<vmem>>) dst(%dma_wait3A_236 : memref<10240x128xf32, #tpu.memory_space<vmem_shared>>)
            tpu.yield
          }) : () -> ()
        } else {
        }
        %jit3A_192 = arith.constant 5 : i32
        %eq3A_193 = arith.constant 0 : i32
        %eq3A_194 = arith.cmpi eq, %jit3A_192, %eq3A_193 : i32
        %jit3A_195 = arith.constant 1 : i32
        %select_n3A_196 = arith.select %eq3A_194, %jit3A_195, %jit3A_192 : i32
        %rem3A_197 = arith.remsi %scan3A_116, %select_n3A_196 : i32
        %ne3A_198 = arith.constant 0 : i32
        %ne3A_199 = arith.cmpi ne, %rem3A_197, %ne3A_198 : i32
        %lt3A_200 = arith.constant 0 : i32
        %lt3A_201 = arith.cmpi slt, %rem3A_197, %lt3A_200 : i32
        %lt3A_202 = arith.constant 0 : i32
        %lt3A_203 = arith.cmpi slt, %select_n3A_196, %lt3A_202 : i32
        %ne3A_204 = arith.xori %lt3A_201, %lt3A_203 : i1
        %and3A_205 = arith.andi %ne3A_204, %ne3A_199 : i1
        %add3A_206 = arith.addi %rem3A_197, %select_n3A_196 : i32
        %select_n3A_207 = arith.select %and3A_205, %add3A_206, %rem3A_197 : i32
        %eq3A_208 = arith.constant 4 : i32
        %eq3A_209 = arith.cmpi eq, %select_n3A_207, %eq3A_208 : i32
        %convert_element_type3A_210 = arith.extui %eq3A_209 : i1 to i32
        %cond3A_211 = arith.constant 0 : i32
        %cond3A_212 = arith.cmpi ne, %convert_element_type3A_210, %cond3A_211 : i32
        scf.if %cond3A_212 {
          %dma_wait3A = arith.constant 0 : i32
          %dma_wait3A_213 = tpu.memref_slice %arg6[%scan3A_116, %dma_wait3A] : memref<50x40xi32, #tpu.memory_space<vmem>> -> memref<1x40xi32, #tpu.memory_space<vmem>>
          %dma_wait3A_214 = tpu.memref_squeeze %dma_wait3A_213 : memref<1x40xi32, #tpu.memory_space<vmem>> -> memref<40xi32, #tpu.memory_space<vmem>>
          %dma_wait3A_215 = arith.constant 0 : i32
          %dma_wait3A_216 = arith.constant 0 : i32
          %dma_wait3A_217 = tpu.memref_slice %arg2[%dma_wait3A_215, %dma_wait3A_216] : memref<10000x128xf32, #tpu.memory_space<hbm>> -> memref<10000x128xf32, #tpu.memory_space<hbm>>
          tpu.wait_indirect_dma semaphore(%arg18 : memref<!tpu.dma_semaphore, #tpu.memory_space<semaphore_mem>>) src(%dma_wait3A_217 : memref<10000x128xf32, #tpu.memory_space<hbm>>) dst(%arg12 : memref<40x128xf32, #tpu.memory_space<vmem>>)
          %add3A_218 = arith.constant 4 : i32
          %add3A_219 = arith.addi %scan3A_116, %add3A_218 : i32
          %lt3A_220 = arith.constant 50 : i32
          %lt3A_221 = arith.cmpi slt, %add3A_219, %lt3A_220 : i32
          %convert_element_type3A_222 = arith.extui %lt3A_221 : i1 to i32
          %cond3A_223 = arith.constant 0 : i32
          %cond3A_224 = arith.cmpi ne, %convert_element_type3A_222, %cond3A_223 : i32
          scf.if %cond3A_224 {
            %add3A_225 = arith.constant 4 : i32
            %add3A_226 = arith.addi %scan3A_116, %add3A_225 : i32
            %dma_start3A_227 = arith.constant 0 : i32
            %dma_start3A_228 = tpu.memref_slice %arg6[%add3A_226, %dma_start3A_227] : memref<50x40xi32, #tpu.memory_space<vmem>> -> memref<1x40xi32, #tpu.memory_space<vmem>>
            %dma_start3A_229 = tpu.memref_squeeze %dma_start3A_228 : memref<1x40xi32, #tpu.memory_space<vmem>> -> memref<40xi32, #tpu.memory_space<vmem>>
            %dma_start3A_230 = arith.constant 0 : i32
            %dma_start3A_231 = arith.constant 0 : i32
            %dma_start3A_232 = tpu.memref_slice %arg2[%dma_start3A_230, %dma_start3A_231] : memref<10000x128xf32, #tpu.memory_space<hbm>> -> memref<10000x128xf32, #tpu.memory_space<hbm>>
            tpu.enqueue_indirect_dma source(%dma_start3A_232 : memref<10000x128xf32, #tpu.memory_space<hbm>>) target(%arg11 : memref<40x128xf32, #tpu.memory_space<vmem>>) offsets(%dma_start3A_229 : memref<40xi32, #tpu.memory_space<vmem>>) semaphore(%arg17 : memref<!tpu.dma_semaphore, #tpu.memory_space<semaphore_mem>>)
          } else {
          }
          "tpu.region"() ({
            %run_scoped3A = tpu.sem_alloc : memref<!tpu.dma_semaphore, #tpu.memory_space<semaphore_mem>>
            %dma_start3A_225 = arith.constant 0 : i32
            %dma_start3A_226 = tpu.memref_slice %arg7[%scan3A_116, %dma_start3A_225] : memref<50x40xi32, #tpu.memory_space<vmem>> -> memref<1x40xi32, #tpu.memory_space<vmem>>
            %dma_start3A_227 = tpu.memref_squeeze %dma_start3A_226 : memref<1x40xi32, #tpu.memory_space<vmem>> -> memref<40xi32, #tpu.memory_space<vmem>>
            %dma_start3A_228 = arith.constant 0 : i32
            %dma_start3A_229 = arith.constant 0 : i32
            %dma_start3A_230 = tpu.memref_slice %arg13[%dma_start3A_228, %dma_start3A_229] : memref<10240x128xf32, #tpu.memory_space<vmem_shared>> -> memref<10240x128xf32, #tpu.memory_space<vmem_shared>>
            tpu.enqueue_indirect_dma source(%arg12 : memref<40x128xf32, #tpu.memory_space<vmem>>) target(%dma_start3A_230 : memref<10240x128xf32, #tpu.memory_space<vmem_shared>>) offsets(%dma_start3A_227 : memref<40xi32, #tpu.memory_space<vmem>>) semaphore(%run_scoped3A : memref<!tpu.dma_semaphore, #tpu.memory_space<semaphore_mem>>) {add = true}
            %dma_wait3A_231 = arith.constant 0 : i32
            %dma_wait3A_232 = tpu.memref_slice %arg7[%scan3A_116, %dma_wait3A_231] : memref<50x40xi32, #tpu.memory_space<vmem>> -> memref<1x40xi32, #tpu.memory_space<vmem>>
            %dma_wait3A_233 = tpu.memref_squeeze %dma_wait3A_232 : memref<1x40xi32, #tpu.memory_space<vmem>> -> memref<40xi32, #tpu.memory_space<vmem>>
            %dma_wait3A_234 = arith.constant 0 : i32
            %dma_wait3A_235 = arith.constant 0 : i32
            %dma_wait3A_236 = tpu.memref_slice %arg13[%dma_wait3A_234, %dma_wait3A_235] : memref<10240x128xf32, #tpu.memory_space<vmem_shared>> -> memref<10240x128xf32, #tpu.memory_space<vmem_shared>>
            tpu.wait_indirect_dma semaphore(%run_scoped3A : memref<!tpu.dma_semaphore, #tpu.memory_space<semaphore_mem>>) src(%arg12 : memref<40x128xf32, #tpu.memory_space<vmem>>) dst(%dma_wait3A_236 : memref<10240x128xf32, #tpu.memory_space<vmem_shared>>)
            tpu.yield
          }) : () -> ()
        } else {
        }
      }
      %scan3A_115 = arith.constant 50 : i32
    }
    %scan3A_76 = arith.constant 5 : i32
    %barrier3A_77 = arith.constant 0 : index
    tpu.barrier barrier_id(%barrier3A_77)
    %mul3A_78 = arith.constant 640 : i32
    %mul3A_79 = arith.muli %arg1, %mul3A_78 : i32
    %mul3A_80 = arith.constant 640 : i32
    %mul3A_81 = arith.muli %arg1, %mul3A_80 : i32
    "tpu.region"() ({
      %run_scoped3A = tpu.sem_alloc : memref<!tpu.dma_semaphore, #tpu.memory_space<semaphore_mem>>
      %dma_start3A = arith.constant 0 : i32
      %dma_start3A_82 = arith.constant 0 : i32
      %dma_start3A_83 = tpu.memref_slice %arg5[%arg0, %dma_start3A, %dma_start3A_82] : memref<2x10240x128xf32, #tpu.memory_space<hbm>> -> memref<1x10240x128xf32, #tpu.memory_space<hbm>>
      %dma_start3A_84 = tpu.memref_squeeze %dma_start3A_83 : memref<1x10240x128xf32, #tpu.memory_space<hbm>> -> memref<10240x128xf32, #tpu.memory_space<hbm>>
      %dma_start3A_85 = arith.constant 0 : i32
      %dma_start3A_86 = tpu.memref_slice %dma_start3A_84[%mul3A_81, %dma_start3A_85] : memref<10240x128xf32, #tpu.memory_space<hbm>> -> memref<640x128xf32, #tpu.memory_space<hbm>>
      %dma_start3A_87 = arith.constant 0 : i32
      %dma_start3A_88 = tpu.memref_slice %arg13[%mul3A_79, %dma_start3A_87] : memref<10240x128xf32, #tpu.memory_space<vmem_shared>> -> memref<640x128xf32, #tpu.memory_space<vmem_shared>>
      tpu.enqueue_dma source(%dma_start3A_88 : memref<640x128xf32, #tpu.memory_space<vmem_shared>>) target(%dma_start3A_86 : memref<640x128xf32, #tpu.memory_space<hbm>>) target_semaphore(%run_scoped3A : memref<!tpu.dma_semaphore, #tpu.memory_space<semaphore_mem>>)
      %dma_wait3A = arith.constant 0 : i32
      %dma_wait3A_89 = arith.constant 0 : i32
      %dma_wait3A_90 = tpu.memref_slice %arg5[%arg0, %dma_wait3A, %dma_wait3A_89] : memref<2x10240x128xf32, #tpu.memory_space<hbm>> -> memref<1x10240x128xf32, #tpu.memory_space<hbm>>
      %dma_wait3A_91 = tpu.memref_squeeze %dma_wait3A_90 : memref<1x10240x128xf32, #tpu.memory_space<hbm>> -> memref<10240x128xf32, #tpu.memory_space<hbm>>
      %dma_wait3A_92 = arith.constant 0 : i32
      %dma_wait3A_93 = tpu.memref_slice %dma_wait3A_91[%mul3A_81, %dma_wait3A_92] : memref<10240x128xf32, #tpu.memory_space<hbm>> -> memref<640x128xf32, #tpu.memory_space<hbm>>
      %dma_wait3A_94 = arith.constant 0 : i32
      %dma_wait3A_95 = tpu.memref_slice %arg13[%mul3A_79, %dma_wait3A_94] : memref<10240x128xf32, #tpu.memory_space<vmem_shared>> -> memref<640x128xf32, #tpu.memory_space<vmem_shared>>
      tpu.wait_dma2 semaphore(%run_scoped3A : memref<!tpu.dma_semaphore, #tpu.memory_space<semaphore_mem>>) src(%dma_wait3A_95 : memref<640x128xf32, #tpu.memory_space<vmem_shared>>) dst(%dma_wait3A_93 : memref<640x128xf32, #tpu.memory_space<hbm>>)
      tpu.yield
    }) : () -> ()
    return
  }
}

#map = affine_map<(d0, d1) -> (0, 0)>
#map1 = affine_map<(d0, d1) -> (0, 0, 0, 0)>
#map2 = affine_map<(d0, d1) -> (0, 0, 0)>
module attributes {stable_mosaic.version = 14 : i64} {
  func.func @_sc_segsum(%arg0: i32, %arg1: i32, %arg2: memref<10000x128xf32, #tpu.memory_space<hbm>>, %arg3: memref<32x5x50x40xi32, #tpu.memory_space<hbm>>, %arg4: memref<32x5x50x40xi32, #tpu.memory_space<hbm>>, %arg5: memref<2x10240x128xf32, #tpu.memory_space<hbm>>, %arg6: memref<50x40xi32, #tpu.memory_space<vmem>>, %arg7: memref<50x40xi32, #tpu.memory_space<vmem>>, %arg8: memref<40x128xf32, #tpu.memory_space<vmem>>, %arg9: memref<40x128xf32, #tpu.memory_space<vmem>>, %arg10: memref<40x128xf32, #tpu.memory_space<vmem>>, %arg11: memref<40x128xf32, #tpu.memory_space<vmem>>, %arg12: memref<40x128xf32, #tpu.memory_space<vmem>>, %arg13: memref<10240x128xf32, #tpu.memory_space<vmem_shared>>, %arg14: memref<!tpu.dma_semaphore, #tpu.memory_space<semaphore_mem>>, %arg15: memref<!tpu.dma_semaphore, #tpu.memory_space<semaphore_mem>>, %arg16: memref<!tpu.dma_semaphore, #tpu.memory_space<semaphore_mem>>, %arg17: memref<!tpu.dma_semaphore, #tpu.memory_space<semaphore_mem>>, %arg18: memref<!tpu.dma_semaphore, #tpu.memory_space<semaphore_mem>>) attributes {dimension_semantics = [#tpu.dimension_semantics<core_parallel>, #tpu.dimension_semantics<subcore_parallel>], iteration_bounds = array<i64: 2, 16>, scalar_prefetch = 0 : i64, scratch_operands = 13 : i64, tpu.core_type = #tpu.core_type<sc_vector_subcore>, window_params = [{transform_indices = #map}, {transform_indices = #map1}, {transform_indices = #map1}, {transform_indices = #map2}]} {
    %mul3A = arith.constant 2 : i32
    %mul3A_0 = arith.muli %arg1, %mul3A : i32
    %add3A = arith.addi %mul3A_0, %arg0 : i32
    %broadcast_in_dim3A = arith.constant 0.000000e+00 : f32
    %broadcast_in_dim3A_1 = vector.broadcast %broadcast_in_dim3A : f32 to vector<16xf32>
    %scan3A = arith.constant 0 : i32
    %scan3A_2 = arith.constant 0 : i32
    %scan3A_3 = arith.constant 40 : i32
    %scan3A_4 = arith.addi %scan3A_2, %scan3A_3 : i32
    %scan3A_5 = arith.constant 1 : i32
    scf.for %scan3A_82 = %scan3A_2 to %scan3A_4 step %scan3A_5  : i32 {
      %swap3A = arith.index_cast %scan3A_82 : i32 to index
      %swap3A_83 = arith.constant 0 : index
      %swap3A_84 = tpu.vector_load %arg8[%swap3A, %swap3A_83] {strides = array<i32>} : memref<40x128xf32, #tpu.memory_space<vmem>>, vector<1x16xf32>,
      %swap3A_85 = vector.shape_cast %swap3A_84 : vector<1x16xf32> to vector<16xf32>
      %swap3A_86 = vector.shape_cast %broadcast_in_dim3A_1 : vector<16xf32> to vector<1x16xf32>
      tpu.vector_store %arg8[%swap3A, %swap3A_83], %swap3A_86 {strides = array<i32>} : memref<40x128xf32, #tpu.memory_space<vmem>>, vector<1x16xf32>,
      %swap3A_87 = arith.index_cast %scan3A_82 : i32 to index
      %swap3A_88 = arith.constant 16 : index
      %swap3A_89 = tpu.vector_load %arg8[%swap3A_87, %swap3A_88] {strides = array<i32>} : memref<40x128xf32, #tpu.memory_space<vmem>>, vector<1x16xf32>,
      %swap3A_90 = vector.shape_cast %swap3A_89 : vector<1x16xf32> to vector<16xf32>
      %swap3A_91 = vector.shape_cast %broadcast_in_dim3A_1 : vector<16xf32> to vector<1x16xf32>
      tpu.vector_store %arg8[%swap3A_87, %swap3A_88], %swap3A_91 {strides = array<i32>} : memref<40x128xf32, #tpu.memory_space<vmem>>, vector<1x16xf32>,
      %swap3A_92 = arith.index_cast %scan3A_82 : i32 to index
      %swap3A_93 = arith.constant 32 : index
      %swap3A_94 = tpu.vector_load %arg8[%swap3A_92, %swap3A_93] {strides = array<i32>} : memref<40x128xf32, #tpu.memory_space<vmem>>, vector<1x16xf32>,
      %swap3A_95 = vector.shape_cast %swap3A_94 : vector<1x16xf32> to vector<16xf32>
      %swap3A_96 = vector.shape_cast %broadcast_in_dim3A_1 : vector<16xf32> to vector<1x16xf32>
      tpu.vector_store %arg8[%swap3A_92, %swap3A_93], %swap3A_96 {strides = array<i32>} : memref<40x128xf32, #tpu.memory_space<vmem>>, vector<1x16xf32>,
      %swap3A_97 = arith.index_cast %scan3A_82 : i32 to index
      %swap3A_98 = arith.constant 48 : index
      %swap3A_99 = tpu.vector_load %arg8[%swap3A_97, %swap3A_98] {strides = array<i32>} : memref<40x128xf32, #tpu.memory_space<vmem>>, vector<1x16xf32>,
      %swap3A_100 = vector.shape_cast %swap3A_99 : vector<1x16xf32> to vector<16xf32>
      %swap3A_101 = vector.shape_cast %broadcast_in_dim3A_1 : vector<16xf32> to vector<1x16xf32>
      tpu.vector_store %arg8[%swap3A_97, %swap3A_98], %swap3A_101 {strides = array<i32>} : memref<40x128xf32, #tpu.memory_space<vmem>>, vector<1x16xf32>,
      %swap3A_102 = arith.index_cast %scan3A_82 : i32 to index
      %swap3A_103 = arith.constant 64 : index
      %swap3A_104 = tpu.vector_load %arg8[%swap3A_102, %swap3A_103] {strides = array<i32>} : memref<40x128xf32, #tpu.memory_space<vmem>>, vector<1x16xf32>,
      %swap3A_105 = vector.shape_cast %swap3A_104 : vector<1x16xf32> to vector<16xf32>
      %swap3A_106 = vector.shape_cast %broadcast_in_dim3A_1 : vector<16xf32> to vector<1x16xf32>
      tpu.vector_store %arg8[%swap3A_102, %swap3A_103], %swap3A_106 {strides = array<i32>} : memref<40x128xf32, #tpu.memory_space<vmem>>, vector<1x16xf32>,
      %swap3A_107 = arith.index_cast %scan3A_82 : i32 to index
      %swap3A_108 = arith.constant 80 : index
      %swap3A_109 = tpu.vector_load %arg8[%swap3A_107, %swap3A_108] {strides = array<i32>} : memref<40x128xf32, #tpu.memory_space<vmem>>, vector<1x16xf32>,
      %swap3A_110 = vector.shape_cast %swap3A_109 : vector<1x16xf32> to vector<16xf32>
      %swap3A_111 = vector.shape_cast %broadcast_in_dim3A_1 : vector<16xf32> to vector<1x16xf32>
      tpu.vector_store %arg8[%swap3A_107, %swap3A_108], %swap3A_111 {strides = array<i32>} : memref<40x128xf32, #tpu.memory_space<vmem>>, vector<1x16xf32>,
      %swap3A_112 = arith.index_cast %scan3A_82 : i32 to index
      %swap3A_113 = arith.constant 96 : index
      %swap3A_114 = tpu.vector_load %arg8[%swap3A_112, %swap3A_113] {strides = array<i32>} : memref<40x128xf32, #tpu.memory_space<vmem>>, vector<1x16xf32>,
      %swap3A_115 = vector.shape_cast %swap3A_114 : vector<1x16xf32> to vector<16xf32>
      %swap3A_116 = vector.shape_cast %broadcast_in_dim3A_1 : vector<16xf32> to vector<1x16xf32>
      tpu.vector_store %arg8[%swap3A_112, %swap3A_113], %swap3A_116 {strides = array<i32>} : memref<40x128xf32, #tpu.memory_space<vmem>>, vector<1x16xf32>,
      %swap3A_117 = arith.index_cast %scan3A_82 : i32 to index
      %swap3A_118 = arith.constant 112 : index
      %swap3A_119 = tpu.vector_load %arg8[%swap3A_117, %swap3A_118] {strides = array<i32>} : memref<40x128xf32, #tpu.memory_space<vmem>>, vector<1x16xf32>,
      %swap3A_120 = vector.shape_cast %swap3A_119 : vector<1x16xf32> to vector<16xf32>
      %swap3A_121 = vector.shape_cast %broadcast_in_dim3A_1 : vector<16xf32> to vector<1x16xf32>
      tpu.vector_store %arg8[%swap3A_117, %swap3A_118], %swap3A_121 {strides = array<i32>} : memref<40x128xf32, #tpu.memory_space<vmem>>, vector<1x16xf32>,
    }
    %scan3A_6 = arith.constant 40 : i32
    %mul3A_7 = arith.constant 640 : i32
    %mul3A_8 = arith.muli %arg1, %mul3A_7 : i32
    %add3A_9 = arith.constant 0 : i32
    %add3A_10 = arith.addi %mul3A_8, %add3A_9 : i32
    "tpu.region"() ({
      %run_scoped3A = tpu.sem_alloc : memref<!tpu.dma_semaphore, #tpu.memory_space<semaphore_mem>>
      %dma_start3A = arith.constant 0 : i32
      %dma_start3A_82 = tpu.memref_slice %arg13[%add3A_10, %dma_start3A] : memref<10240x128xf32, #tpu.memory_space<vmem_shared>> -> memref<40x128xf32, #tpu.memory_space<vmem_shared>>
      %dma_start3A_83 = arith.constant 0 : i32
      %dma_start3A_84 = tpu.memref_slice %arg13[%add3A_10, %dma_start3A_83] : memref<10240x128xf32, #tpu.memory_space<vmem_shared>> -> memref<40x128xf32, #tpu.memory_space<vmem_shared>>
      tpu.enqueue_dma source(%arg8 : memref<40x128xf32, #tpu.memory_space<vmem>>) target(%dma_start3A_84 : memref<40x128xf32, #tpu.memory_space<vmem_shared>>) target_semaphore(%run_scoped3A : memref<!tpu.dma_semaphore, #tpu.memory_space<semaphore_mem>>)
      %dma_wait3A = arith.constant 0 : i32
      %dma_wait3A_85 = tpu.memref_slice %arg13[%add3A_10, %dma_wait3A] : memref<10240x128xf32, #tpu.memory_space<vmem_shared>> -> memref<40x128xf32, #tpu.memory_space<vmem_shared>>
      %dma_wait3A_86 = arith.constant 0 : i32
      %dma_wait3A_87 = tpu.memref_slice %arg13[%add3A_10, %dma_wait3A_86] : memref<10240x128xf32, #tpu.memory_space<vmem_shared>> -> memref<40x128xf32, #tpu.memory_space<vmem_shared>>
      tpu.wait_dma2 semaphore(%run_scoped3A : memref<!tpu.dma_semaphore, #tpu.memory_space<semaphore_mem>>) src(%arg8 : memref<40x128xf32, #tpu.memory_space<vmem>>) dst(%dma_wait3A_87 : memref<40x128xf32, #tpu.memory_space<vmem_shared>>)
      tpu.yield
    }) : () -> ()
    %mul3A_11 = arith.constant 640 : i32
    %mul3A_12 = arith.muli %arg1, %mul3A_11 : i32
    %add3A_13 = arith.constant 40 : i32
    %add3A_14 = arith.addi %mul3A_12, %add3A_13 : i32
    "tpu.region"() ({
      %run_scoped3A = tpu.sem_alloc : memref<!tpu.dma_semaphore, #tpu.memory_space<semaphore_mem>>
      %dma_start3A = arith.constant 0 : i32
      %dma_start3A_82 = tpu.memref_slice %arg13[%add3A_14, %dma_start3A] : memref<10240x128xf32, #tpu.memory_space<vmem_shared>> -> memref<40x128xf32, #tpu.memory_space<vmem_shared>>
      %dma_start3A_83 = arith.constant 0 : i32
      %dma_start3A_84 = tpu.memref_slice %arg13[%add3A_14, %dma_start3A_83] : memref<10240x128xf32, #tpu.memory_space<vmem_shared>> -> memref<40x128xf32, #tpu.memory_space<vmem_shared>>
      tpu.enqueue_dma source(%arg8 : memref<40x128xf32, #tpu.memory_space<vmem>>) target(%dma_start3A_84 : memref<40x128xf32, #tpu.memory_space<vmem_shared>>) target_semaphore(%run_scoped3A : memref<!tpu.dma_semaphore, #tpu.memory_space<semaphore_mem>>)
      %dma_wait3A = arith.constant 0 : i32
      %dma_wait3A_85 = tpu.memref_slice %arg13[%add3A_14, %dma_wait3A] : memref<10240x128xf32, #tpu.memory_space<vmem_shared>> -> memref<40x128xf32, #tpu.memory_space<vmem_shared>>
      %dma_wait3A_86 = arith.constant 0 : i32
      %dma_wait3A_87 = tpu.memref_slice %arg13[%add3A_14, %dma_wait3A_86] : memref<10240x128xf32, #tpu.memory_space<vmem_shared>> -> memref<40x128xf32, #tpu.memory_space<vmem_shared>>
      tpu.wait_dma2 semaphore(%run_scoped3A : memref<!tpu.dma_semaphore, #tpu.memory_space<semaphore_mem>>) src(%arg8 : memref<40x128xf32, #tpu.memory_space<vmem>>) dst(%dma_wait3A_87 : memref<40x128xf32, #tpu.memory_space<vmem_shared>>)
      tpu.yield
    }) : () -> ()
    %mul3A_15 = arith.constant 640 : i32
    %mul3A_16 = arith.muli %arg1, %mul3A_15 : i32
    %add3A_17 = arith.constant 80 : i32
    %add3A_18 = arith.addi %mul3A_16, %add3A_17 : i32
    "tpu.region"() ({
      %run_scoped3A = tpu.sem_alloc : memref<!tpu.dma_semaphore, #tpu.memory_space<semaphore_mem>>
      %dma_start3A = arith.constant 0 : i32
      %dma_start3A_82 = tpu.memref_slice %arg13[%add3A_18, %dma_start3A] : memref<10240x128xf32, #tpu.memory_space<vmem_shared>> -> memref<40x128xf32, #tpu.memory_space<vmem_shared>>
      %dma_start3A_83 = arith.constant 0 : i32
      %dma_start3A_84 = tpu.memref_slice %arg13[%add3A_18, %dma_start3A_83] : memref<10240x128xf32, #tpu.memory_space<vmem_shared>> -> memref<40x128xf32, #tpu.memory_space<vmem_shared>>
      tpu.enqueue_dma source(%arg8 : memref<40x128xf32, #tpu.memory_space<vmem>>) target(%dma_start3A_84 : memref<40x128xf32, #tpu.memory_space<vmem_shared>>) target_semaphore(%run_scoped3A : memref<!tpu.dma_semaphore, #tpu.memory_space<semaphore_mem>>)
      %dma_wait3A = arith.constant 0 : i32
      %dma_wait3A_85 = tpu.memref_slice %arg13[%add3A_18, %dma_wait3A] : memref<10240x128xf32, #tpu.memory_space<vmem_shared>> -> memref<40x128xf32, #tpu.memory_space<vmem_shared>>
      %dma_wait3A_86 = arith.constant 0 : i32
      %dma_wait3A_87 = tpu.memref_slice %arg13[%add3A_18, %dma_wait3A_86] : memref<10240x128xf32, #tpu.memory_space<vmem_shared>> -> memref<40x128xf32, #tpu.memory_space<vmem_shared>>
      tpu.wait_dma2 semaphore(%run_scoped3A : memref<!tpu.dma_semaphore, #tpu.memory_space<semaphore_mem>>) src(%arg8 : memref<40x128xf32, #tpu.memory_space<vmem>>) dst(%dma_wait3A_87 : memref<40x128xf32, #tpu.memory_space<vmem_shared>>)
      tpu.yield
    }) : () -> ()
    %mul3A_19 = arith.constant 640 : i32
    %mul3A_20 = arith.muli %arg1, %mul3A_19 : i32
    %add3A_21 = arith.constant 120 : i32
    %add3A_22 = arith.addi %mul3A_20, %add3A_21 : i32
    "tpu.region"() ({
      %run_scoped3A = tpu.sem_alloc : memref<!tpu.dma_semaphore, #tpu.memory_space<semaphore_mem>>
      %dma_start3A = arith.constant 0 : i32
      %dma_start3A_82 = tpu.memref_slice %arg13[%add3A_22, %dma_start3A] : memref<10240x128xf32, #tpu.memory_space<vmem_shared>> -> memref<40x128xf32, #tpu.memory_space<vmem_shared>>
      %dma_start3A_83 = arith.constant 0 : i32
      %dma_start3A_84 = tpu.memref_slice %arg13[%add3A_22, %dma_start3A_83] : memref<10240x128xf32, #tpu.memory_space<vmem_shared>> -> memref<40x128xf32, #tpu.memory_space<vmem_shared>>
      tpu.enqueue_dma source(%arg8 : memref<40x128xf32, #tpu.memory_space<vmem>>) target(%dma_start3A_84 : memref<40x128xf32, #tpu.memory_space<vmem_shared>>) target_semaphore(%run_scoped3A : memref<!tpu.dma_semaphore, #tpu.memory_space<semaphore_mem>>)
      %dma_wait3A = arith.constant 0 : i32
      %dma_wait3A_85 = tpu.memref_slice %arg13[%add3A_22, %dma_wait3A] : memref<10240x128xf32, #tpu.memory_space<vmem_shared>> -> memref<40x128xf32, #tpu.memory_space<vmem_shared>>
      %dma_wait3A_86 = arith.constant 0 : i32
      %dma_wait3A_87 = tpu.memref_slice %arg13[%add3A_22, %dma_wait3A_86] : memref<10240x128xf32, #tpu.memory_space<vmem_shared>> -> memref<40x128xf32, #tpu.memory_space<vmem_shared>>
      tpu.wait_dma2 semaphore(%run_scoped3A : memref<!tpu.dma_semaphore, #tpu.memory_space<semaphore_mem>>) src(%arg8 : memref<40x128xf32, #tpu.memory_space<vmem>>) dst(%dma_wait3A_87 : memref<40x128xf32, #tpu.memory_space<vmem_shared>>)
      tpu.yield
    }) : () -> ()
    %mul3A_23 = arith.constant 640 : i32
    %mul3A_24 = arith.muli %arg1, %mul3A_23 : i32
    %add3A_25 = arith.constant 160 : i32
    %add3A_26 = arith.addi %mul3A_24, %add3A_25 : i32
    "tpu.region"() ({
      %run_scoped3A = tpu.sem_alloc : memref<!tpu.dma_semaphore, #tpu.memory_space<semaphore_mem>>
      %dma_start3A = arith.constant 0 : i32
      %dma_start3A_82 = tpu.memref_slice %arg13[%add3A_26, %dma_start3A] : memref<10240x128xf32, #tpu.memory_space<vmem_shared>> -> memref<40x128xf32, #tpu.memory_space<vmem_shared>>
      %dma_start3A_83 = arith.constant 0 : i32
      %dma_start3A_84 = tpu.memref_slice %arg13[%add3A_26, %dma_start3A_83] : memref<10240x128xf32, #tpu.memory_space<vmem_shared>> -> memref<40x128xf32, #tpu.memory_space<vmem_shared>>
      tpu.enqueue_dma source(%arg8 : memref<40x128xf32, #tpu.memory_space<vmem>>) target(%dma_start3A_84 : memref<40x128xf32, #tpu.memory_space<vmem_shared>>) target_semaphore(%run_scoped3A : memref<!tpu.dma_semaphore, #tpu.memory_space<semaphore_mem>>)
      %dma_wait3A = arith.constant 0 : i32
      %dma_wait3A_85 = tpu.memref_slice %arg13[%add3A_26, %dma_wait3A] : memref<10240x128xf32, #tpu.memory_space<vmem_shared>> -> memref<40x128xf32, #tpu.memory_space<vmem_shared>>
      %dma_wait3A_86 = arith.constant 0 : i32
      %dma_wait3A_87 = tpu.memref_slice %arg13[%add3A_26, %dma_wait3A_86] : memref<10240x128xf32, #tpu.memory_space<vmem_shared>> -> memref<40x128xf32, #tpu.memory_space<vmem_shared>>
      tpu.wait_dma2 semaphore(%run_scoped3A : memref<!tpu.dma_semaphore, #tpu.memory_space<semaphore_mem>>) src(%arg8 : memref<40x128xf32, #tpu.memory_space<vmem>>) dst(%dma_wait3A_87 : memref<40x128xf32, #tpu.memory_space<vmem_shared>>)
      tpu.yield
    }) : () -> ()
    %mul3A_27 = arith.constant 640 : i32
    %mul3A_28 = arith.muli %arg1, %mul3A_27 : i32
    %add3A_29 = arith.constant 200 : i32
    %add3A_30 = arith.addi %mul3A_28, %add3A_29 : i32
    "tpu.region"() ({
      %run_scoped3A = tpu.sem_alloc : memref<!tpu.dma_semaphore, #tpu.memory_space<semaphore_mem>>
      %dma_start3A = arith.constant 0 : i32
      %dma_start3A_82 = tpu.memref_slice %arg13[%add3A_30, %dma_start3A] : memref<10240x128xf32, #tpu.memory_space<vmem_shared>> -> memref<40x128xf32, #tpu.memory_space<vmem_shared>>
      %dma_start3A_83 = arith.constant 0 : i32
      %dma_start3A_84 = tpu.memref_slice %arg13[%add3A_30, %dma_start3A_83] : memref<10240x128xf32, #tpu.memory_space<vmem_shared>> -> memref<40x128xf32, #tpu.memory_space<vmem_shared>>
      tpu.enqueue_dma source(%arg8 : memref<40x128xf32, #tpu.memory_space<vmem>>) target(%dma_start3A_84 : memref<40x128xf32, #tpu.memory_space<vmem_shared>>) target_semaphore(%run_scoped3A : memref<!tpu.dma_semaphore, #tpu.memory_space<semaphore_mem>>)
      %dma_wait3A = arith.constant 0 : i32
      %dma_wait3A_85 = tpu.memref_slice %arg13[%add3A_30, %dma_wait3A] : memref<10240x128xf32, #tpu.memory_space<vmem_shared>> -> memref<40x128xf32, #tpu.memory_space<vmem_shared>>
      %dma_wait3A_86 = arith.constant 0 : i32
      %dma_wait3A_87 = tpu.memref_slice %arg13[%add3A_30, %dma_wait3A_86] : memref<10240x128xf32, #tpu.memory_space<vmem_shared>> -> memref<40x128xf32, #tpu.memory_space<vmem_shared>>
      tpu.wait_dma2 semaphore(%run_scoped3A : memref<!tpu.dma_semaphore, #tpu.memory_space<semaphore_mem>>) src(%arg8 : memref<40x128xf32, #tpu.memory_space<vmem>>) dst(%dma_wait3A_87 : memref<40x128xf32, #tpu.memory_space<vmem_shared>>)
      tpu.yield
    }) : () -> ()
    %mul3A_31 = arith.constant 640 : i32
    %mul3A_32 = arith.muli %arg1, %mul3A_31 : i32
    %add3A_33 = arith.constant 240 : i32
    %add3A_34 = arith.addi %mul3A_32, %add3A_33 : i32
    "tpu.region"() ({
      %run_scoped3A = tpu.sem_alloc : memref<!tpu.dma_semaphore, #tpu.memory_space<semaphore_mem>>
      %dma_start3A = arith.constant 0 : i32
      %dma_start3A_82 = tpu.memref_slice %arg13[%add3A_34, %dma_start3A] : memref<10240x128xf32, #tpu.memory_space<vmem_shared>> -> memref<40x128xf32, #tpu.memory_space<vmem_shared>>
      %dma_start3A_83 = arith.constant 0 : i32
      %dma_start3A_84 = tpu.memref_slice %arg13[%add3A_34, %dma_start3A_83] : memref<10240x128xf32, #tpu.memory_space<vmem_shared>> -> memref<40x128xf32, #tpu.memory_space<vmem_shared>>
      tpu.enqueue_dma source(%arg8 : memref<40x128xf32, #tpu.memory_space<vmem>>) target(%dma_start3A_84 : memref<40x128xf32, #tpu.memory_space<vmem_shared>>) target_semaphore(%run_scoped3A : memref<!tpu.dma_semaphore, #tpu.memory_space<semaphore_mem>>)
      %dma_wait3A = arith.constant 0 : i32
      %dma_wait3A_85 = tpu.memref_slice %arg13[%add3A_34, %dma_wait3A] : memref<10240x128xf32, #tpu.memory_space<vmem_shared>> -> memref<40x128xf32, #tpu.memory_space<vmem_shared>>
      %dma_wait3A_86 = arith.constant 0 : i32
      %dma_wait3A_87 = tpu.memref_slice %arg13[%add3A_34, %dma_wait3A_86] : memref<10240x128xf32, #tpu.memory_space<vmem_shared>> -> memref<40x128xf32, #tpu.memory_space<vmem_shared>>
      tpu.wait_dma2 semaphore(%run_scoped3A : memref<!tpu.dma_semaphore, #tpu.memory_space<semaphore_mem>>) src(%arg8 : memref<40x128xf32, #tpu.memory_space<vmem>>) dst(%dma_wait3A_87 : memref<40x128xf32, #tpu.memory_space<vmem_shared>>)
      tpu.yield
    }) : () -> ()
    %mul3A_35 = arith.constant 640 : i32
    %mul3A_36 = arith.muli %arg1, %mul3A_35 : i32
    %add3A_37 = arith.constant 280 : i32
    %add3A_38 = arith.addi %mul3A_36, %add3A_37 : i32
    "tpu.region"() ({
      %run_scoped3A = tpu.sem_alloc : memref<!tpu.dma_semaphore, #tpu.memory_space<semaphore_mem>>
      %dma_start3A = arith.constant 0 : i32
      %dma_start3A_82 = tpu.memref_slice %arg13[%add3A_38, %dma_start3A] : memref<10240x128xf32, #tpu.memory_space<vmem_shared>> -> memref<40x128xf32, #tpu.memory_space<vmem_shared>>
      %dma_start3A_83 = arith.constant 0 : i32
      %dma_start3A_84 = tpu.memref_slice %arg13[%add3A_38, %dma_start3A_83] : memref<10240x128xf32, #tpu.memory_space<vmem_shared>> -> memref<40x128xf32, #tpu.memory_space<vmem_shared>>
      tpu.enqueue_dma source(%arg8 : memref<40x128xf32, #tpu.memory_space<vmem>>) target(%dma_start3A_84 : memref<40x128xf32, #tpu.memory_space<vmem_shared>>) target_semaphore(%run_scoped3A : memref<!tpu.dma_semaphore, #tpu.memory_space<semaphore_mem>>)
      %dma_wait3A = arith.constant 0 : i32
      %dma_wait3A_85 = tpu.memref_slice %arg13[%add3A_38, %dma_wait3A] : memref<10240x128xf32, #tpu.memory_space<vmem_shared>> -> memref<40x128xf32, #tpu.memory_space<vmem_shared>>
      %dma_wait3A_86 = arith.constant 0 : i32
      %dma_wait3A_87 = tpu.memref_slice %arg13[%add3A_38, %dma_wait3A_86] : memref<10240x128xf32, #tpu.memory_space<vmem_shared>> -> memref<40x128xf32, #tpu.memory_space<vmem_shared>>
      tpu.wait_dma2 semaphore(%run_scoped3A : memref<!tpu.dma_semaphore, #tpu.memory_space<semaphore_mem>>) src(%arg8 : memref<40x128xf32, #tpu.memory_space<vmem>>) dst(%dma_wait3A_87 : memref<40x128xf32, #tpu.memory_space<vmem_shared>>)
      tpu.yield
    }) : () -> ()
    %mul3A_39 = arith.constant 640 : i32
    %mul3A_40 = arith.muli %arg1, %mul3A_39 : i32
    %add3A_41 = arith.constant 320 : i32
    %add3A_42 = arith.addi %mul3A_40, %add3A_41 : i32
    "tpu.region"() ({
      %run_scoped3A = tpu.sem_alloc : memref<!tpu.dma_semaphore, #tpu.memory_space<semaphore_mem>>
      %dma_start3A = arith.constant 0 : i32
      %dma_start3A_82 = tpu.memref_slice %arg13[%add3A_42, %dma_start3A] : memref<10240x128xf32, #tpu.memory_space<vmem_shared>> -> memref<40x128xf32, #tpu.memory_space<vmem_shared>>
      %dma_start3A_83 = arith.constant 0 : i32
      %dma_start3A_84 = tpu.memref_slice %arg13[%add3A_42, %dma_start3A_83] : memref<10240x128xf32, #tpu.memory_space<vmem_shared>> -> memref<40x128xf32, #tpu.memory_space<vmem_shared>>
      tpu.enqueue_dma source(%arg8 : memref<40x128xf32, #tpu.memory_space<vmem>>) target(%dma_start3A_84 : memref<40x128xf32, #tpu.memory_space<vmem_shared>>) target_semaphore(%run_scoped3A : memref<!tpu.dma_semaphore, #tpu.memory_space<semaphore_mem>>)
      %dma_wait3A = arith.constant 0 : i32
      %dma_wait3A_85 = tpu.memref_slice %arg13[%add3A_42, %dma_wait3A] : memref<10240x128xf32, #tpu.memory_space<vmem_shared>> -> memref<40x128xf32, #tpu.memory_space<vmem_shared>>
      %dma_wait3A_86 = arith.constant 0 : i32
      %dma_wait3A_87 = tpu.memref_slice %arg13[%add3A_42, %dma_wait3A_86] : memref<10240x128xf32, #tpu.memory_space<vmem_shared>> -> memref<40x128xf32, #tpu.memory_space<vmem_shared>>
      tpu.wait_dma2 semaphore(%run_scoped3A : memref<!tpu.dma_semaphore, #tpu.memory_space<semaphore_mem>>) src(%arg8 : memref<40x128xf32, #tpu.memory_space<vmem>>) dst(%dma_wait3A_87 : memref<40x128xf32, #tpu.memory_space<vmem_shared>>)
      tpu.yield
    }) : () -> ()
    %mul3A_43 = arith.constant 640 : i32
    %mul3A_44 = arith.muli %arg1, %mul3A_43 : i32
    %add3A_45 = arith.constant 360 : i32
    %add3A_46 = arith.addi %mul3A_44, %add3A_45 : i32
    "tpu.region"() ({
      %run_scoped3A = tpu.sem_alloc : memref<!tpu.dma_semaphore, #tpu.memory_space<semaphore_mem>>
      %dma_start3A = arith.constant 0 : i32
      %dma_start3A_82 = tpu.memref_slice %arg13[%add3A_46, %dma_start3A] : memref<10240x128xf32, #tpu.memory_space<vmem_shared>> -> memref<40x128xf32, #tpu.memory_space<vmem_shared>>
      %dma_start3A_83 = arith.constant 0 : i32
      %dma_start3A_84 = tpu.memref_slice %arg13[%add3A_46, %dma_start3A_83] : memref<10240x128xf32, #tpu.memory_space<vmem_shared>> -> memref<40x128xf32, #tpu.memory_space<vmem_shared>>
      tpu.enqueue_dma source(%arg8 : memref<40x128xf32, #tpu.memory_space<vmem>>) target(%dma_start3A_84 : memref<40x128xf32, #tpu.memory_space<vmem_shared>>) target_semaphore(%run_scoped3A : memref<!tpu.dma_semaphore, #tpu.memory_space<semaphore_mem>>)
      %dma_wait3A = arith.constant 0 : i32
      %dma_wait3A_85 = tpu.memref_slice %arg13[%add3A_46, %dma_wait3A] : memref<10240x128xf32, #tpu.memory_space<vmem_shared>> -> memref<40x128xf32, #tpu.memory_space<vmem_shared>>
      %dma_wait3A_86 = arith.constant 0 : i32
      %dma_wait3A_87 = tpu.memref_slice %arg13[%add3A_46, %dma_wait3A_86] : memref<10240x128xf32, #tpu.memory_space<vmem_shared>> -> memref<40x128xf32, #tpu.memory_space<vmem_shared>>
      tpu.wait_dma2 semaphore(%run_scoped3A : memref<!tpu.dma_semaphore, #tpu.memory_space<semaphore_mem>>) src(%arg8 : memref<40x128xf32, #tpu.memory_space<vmem>>) dst(%dma_wait3A_87 : memref<40x128xf32, #tpu.memory_space<vmem_shared>>)
      tpu.yield
    }) : () -> ()
    %mul3A_47 = arith.constant 640 : i32
    %mul3A_48 = arith.muli %arg1, %mul3A_47 : i32
    %add3A_49 = arith.constant 400 : i32
    %add3A_50 = arith.addi %mul3A_48, %add3A_49 : i32
    "tpu.region"() ({
      %run_scoped3A = tpu.sem_alloc : memref<!tpu.dma_semaphore, #tpu.memory_space<semaphore_mem>>
      %dma_start3A = arith.constant 0 : i32
      %dma_start3A_82 = tpu.memref_slice %arg13[%add3A_50, %dma_start3A] : memref<10240x128xf32, #tpu.memory_space<vmem_shared>> -> memref<40x128xf32, #tpu.memory_space<vmem_shared>>
      %dma_start3A_83 = arith.constant 0 : i32
      %dma_start3A_84 = tpu.memref_slice %arg13[%add3A_50, %dma_start3A_83] : memref<10240x128xf32, #tpu.memory_space<vmem_shared>> -> memref<40x128xf32, #tpu.memory_space<vmem_shared>>
      tpu.enqueue_dma source(%arg8 : memref<40x128xf32, #tpu.memory_space<vmem>>) target(%dma_start3A_84 : memref<40x128xf32, #tpu.memory_space<vmem_shared>>) target_semaphore(%run_scoped3A : memref<!tpu.dma_semaphore, #tpu.memory_space<semaphore_mem>>)
      %dma_wait3A = arith.constant 0 : i32
      %dma_wait3A_85 = tpu.memref_slice %arg13[%add3A_50, %dma_wait3A] : memref<10240x128xf32, #tpu.memory_space<vmem_shared>> -> memref<40x128xf32, #tpu.memory_space<vmem_shared>>
      %dma_wait3A_86 = arith.constant 0 : i32
      %dma_wait3A_87 = tpu.memref_slice %arg13[%add3A_50, %dma_wait3A_86] : memref<10240x128xf32, #tpu.memory_space<vmem_shared>> -> memref<40x128xf32, #tpu.memory_space<vmem_shared>>
      tpu.wait_dma2 semaphore(%run_scoped3A : memref<!tpu.dma_semaphore, #tpu.memory_space<semaphore_mem>>) src(%arg8 : memref<40x128xf32, #tpu.memory_space<vmem>>) dst(%dma_wait3A_87 : memref<40x128xf32, #tpu.memory_space<vmem_shared>>)
      tpu.yield
    }) : () -> ()
    %mul3A_51 = arith.constant 640 : i32
    %mul3A_52 = arith.muli %arg1, %mul3A_51 : i32
    %add3A_53 = arith.constant 440 : i32
    %add3A_54 = arith.addi %mul3A_52, %add3A_53 : i32
    "tpu.region"() ({
      %run_scoped3A = tpu.sem_alloc : memref<!tpu.dma_semaphore, #tpu.memory_space<semaphore_mem>>
      %dma_start3A = arith.constant 0 : i32
      %dma_start3A_82 = tpu.memref_slice %arg13[%add3A_54, %dma_start3A] : memref<10240x128xf32, #tpu.memory_space<vmem_shared>> -> memref<40x128xf32, #tpu.memory_space<vmem_shared>>
      %dma_start3A_83 = arith.constant 0 : i32
      %dma_start3A_84 = tpu.memref_slice %arg13[%add3A_54, %dma_start3A_83] : memref<10240x128xf32, #tpu.memory_space<vmem_shared>> -> memref<40x128xf32, #tpu.memory_space<vmem_shared>>
      tpu.enqueue_dma source(%arg8 : memref<40x128xf32, #tpu.memory_space<vmem>>) target(%dma_start3A_84 : memref<40x128xf32, #tpu.memory_space<vmem_shared>>) target_semaphore(%run_scoped3A : memref<!tpu.dma_semaphore, #tpu.memory_space<semaphore_mem>>)
      %dma_wait3A = arith.constant 0 : i32
      %dma_wait3A_85 = tpu.memref_slice %arg13[%add3A_54, %dma_wait3A] : memref<10240x128xf32, #tpu.memory_space<vmem_shared>> -> memref<40x128xf32, #tpu.memory_space<vmem_shared>>
      %dma_wait3A_86 = arith.constant 0 : i32
      %dma_wait3A_87 = tpu.memref_slice %arg13[%add3A_54, %dma_wait3A_86] : memref<10240x128xf32, #tpu.memory_space<vmem_shared>> -> memref<40x128xf32, #tpu.memory_space<vmem_shared>>
      tpu.wait_dma2 semaphore(%run_scoped3A : memref<!tpu.dma_semaphore, #tpu.memory_space<semaphore_mem>>) src(%arg8 : memref<40x128xf32, #tpu.memory_space<vmem>>) dst(%dma_wait3A_87 : memref<40x128xf32, #tpu.memory_space<vmem_shared>>)
      tpu.yield
    }) : () -> ()
    %mul3A_55 = arith.constant 640 : i32
    %mul3A_56 = arith.muli %arg1, %mul3A_55 : i32
    %add3A_57 = arith.constant 480 : i32
    %add3A_58 = arith.addi %mul3A_56, %add3A_57 : i32
    "tpu.region"() ({
      %run_scoped3A = tpu.sem_alloc : memref<!tpu.dma_semaphore, #tpu.memory_space<semaphore_mem>>
      %dma_start3A = arith.constant 0 : i32
      %dma_start3A_82 = tpu.memref_slice %arg13[%add3A_58, %dma_start3A] : memref<10240x128xf32, #tpu.memory_space<vmem_shared>> -> memref<40x128xf32, #tpu.memory_space<vmem_shared>>
      %dma_start3A_83 = arith.constant 0 : i32
      %dma_start3A_84 = tpu.memref_slice %arg13[%add3A_58, %dma_start3A_83] : memref<10240x128xf32, #tpu.memory_space<vmem_shared>> -> memref<40x128xf32, #tpu.memory_space<vmem_shared>>
      tpu.enqueue_dma source(%arg8 : memref<40x128xf32, #tpu.memory_space<vmem>>) target(%dma_start3A_84 : memref<40x128xf32, #tpu.memory_space<vmem_shared>>) target_semaphore(%run_scoped3A : memref<!tpu.dma_semaphore, #tpu.memory_space<semaphore_mem>>)
      %dma_wait3A = arith.constant 0 : i32
      %dma_wait3A_85 = tpu.memref_slice %arg13[%add3A_58, %dma_wait3A] : memref<10240x128xf32, #tpu.memory_space<vmem_shared>> -> memref<40x128xf32, #tpu.memory_space<vmem_shared>>
      %dma_wait3A_86 = arith.constant 0 : i32
      %dma_wait3A_87 = tpu.memref_slice %arg13[%add3A_58, %dma_wait3A_86] : memref<10240x128xf32, #tpu.memory_space<vmem_shared>> -> memref<40x128xf32, #tpu.memory_space<vmem_shared>>
      tpu.wait_dma2 semaphore(%run_scoped3A : memref<!tpu.dma_semaphore, #tpu.memory_space<semaphore_mem>>) src(%arg8 : memref<40x128xf32, #tpu.memory_space<vmem>>) dst(%dma_wait3A_87 : memref<40x128xf32, #tpu.memory_space<vmem_shared>>)
      tpu.yield
    }) : () -> ()
    %mul3A_59 = arith.constant 640 : i32
    %mul3A_60 = arith.muli %arg1, %mul3A_59 : i32
    %add3A_61 = arith.constant 520 : i32
    %add3A_62 = arith.addi %mul3A_60, %add3A_61 : i32
    "tpu.region"() ({
      %run_scoped3A = tpu.sem_alloc : memref<!tpu.dma_semaphore, #tpu.memory_space<semaphore_mem>>
      %dma_start3A = arith.constant 0 : i32
      %dma_start3A_82 = tpu.memref_slice %arg13[%add3A_62, %dma_start3A] : memref<10240x128xf32, #tpu.memory_space<vmem_shared>> -> memref<40x128xf32, #tpu.memory_space<vmem_shared>>
      %dma_start3A_83 = arith.constant 0 : i32
      %dma_start3A_84 = tpu.memref_slice %arg13[%add3A_62, %dma_start3A_83] : memref<10240x128xf32, #tpu.memory_space<vmem_shared>> -> memref<40x128xf32, #tpu.memory_space<vmem_shared>>
      tpu.enqueue_dma source(%arg8 : memref<40x128xf32, #tpu.memory_space<vmem>>) target(%dma_start3A_84 : memref<40x128xf32, #tpu.memory_space<vmem_shared>>) target_semaphore(%run_scoped3A : memref<!tpu.dma_semaphore, #tpu.memory_space<semaphore_mem>>)
      %dma_wait3A = arith.constant 0 : i32
      %dma_wait3A_85 = tpu.memref_slice %arg13[%add3A_62, %dma_wait3A] : memref<10240x128xf32, #tpu.memory_space<vmem_shared>> -> memref<40x128xf32, #tpu.memory_space<vmem_shared>>
      %dma_wait3A_86 = arith.constant 0 : i32
      %dma_wait3A_87 = tpu.memref_slice %arg13[%add3A_62, %dma_wait3A_86] : memref<10240x128xf32, #tpu.memory_space<vmem_shared>> -> memref<40x128xf32, #tpu.memory_space<vmem_shared>>
      tpu.wait_dma2 semaphore(%run_scoped3A : memref<!tpu.dma_semaphore, #tpu.memory_space<semaphore_mem>>) src(%arg8 : memref<40x128xf32, #tpu.memory_space<vmem>>) dst(%dma_wait3A_87 : memref<40x128xf32, #tpu.memory_space<vmem_shared>>)
      tpu.yield
    }) : () -> ()
    %mul3A_63 = arith.constant 640 : i32
    %mul3A_64 = arith.muli %arg1, %mul3A_63 : i32
    %add3A_65 = arith.constant 560 : i32
    %add3A_66 = arith.addi %mul3A_64, %add3A_65 : i32
    "tpu.region"() ({
      %run_scoped3A = tpu.sem_alloc : memref<!tpu.dma_semaphore, #tpu.memory_space<semaphore_mem>>
      %dma_start3A = arith.constant 0 : i32
      %dma_start3A_82 = tpu.memref_slice %arg13[%add3A_66, %dma_start3A] : memref<10240x128xf32, #tpu.memory_space<vmem_shared>> -> memref<40x128xf32, #tpu.memory_space<vmem_shared>>
      %dma_start3A_83 = arith.constant 0 : i32
      %dma_start3A_84 = tpu.memref_slice %arg13[%add3A_66, %dma_start3A_83] : memref<10240x128xf32, #tpu.memory_space<vmem_shared>> -> memref<40x128xf32, #tpu.memory_space<vmem_shared>>
      tpu.enqueue_dma source(%arg8 : memref<40x128xf32, #tpu.memory_space<vmem>>) target(%dma_start3A_84 : memref<40x128xf32, #tpu.memory_space<vmem_shared>>) target_semaphore(%run_scoped3A : memref<!tpu.dma_semaphore, #tpu.memory_space<semaphore_mem>>)
      %dma_wait3A = arith.constant 0 : i32
      %dma_wait3A_85 = tpu.memref_slice %arg13[%add3A_66, %dma_wait3A] : memref<10240x128xf32, #tpu.memory_space<vmem_shared>> -> memref<40x128xf32, #tpu.memory_space<vmem_shared>>
      %dma_wait3A_86 = arith.constant 0 : i32
      %dma_wait3A_87 = tpu.memref_slice %arg13[%add3A_66, %dma_wait3A_86] : memref<10240x128xf32, #tpu.memory_space<vmem_shared>> -> memref<40x128xf32, #tpu.memory_space<vmem_shared>>
      tpu.wait_dma2 semaphore(%run_scoped3A : memref<!tpu.dma_semaphore, #tpu.memory_space<semaphore_mem>>) src(%arg8 : memref<40x128xf32, #tpu.memory_space<vmem>>) dst(%dma_wait3A_87 : memref<40x128xf32, #tpu.memory_space<vmem_shared>>)
      tpu.yield
    }) : () -> ()
    %mul3A_67 = arith.constant 640 : i32
    %mul3A_68 = arith.muli %arg1, %mul3A_67 : i32
    %add3A_69 = arith.constant 600 : i32
    %add3A_70 = arith.addi %mul3A_68, %add3A_69 : i32
    "tpu.region"() ({
      %run_scoped3A = tpu.sem_alloc : memref<!tpu.dma_semaphore, #tpu.memory_space<semaphore_mem>>
      %dma_start3A = arith.constant 0 : i32
      %dma_start3A_82 = tpu.memref_slice %arg13[%add3A_70, %dma_start3A] : memref<10240x128xf32, #tpu.memory_space<vmem_shared>> -> memref<40x128xf32, #tpu.memory_space<vmem_shared>>
      %dma_start3A_83 = arith.constant 0 : i32
      %dma_start3A_84 = tpu.memref_slice %arg13[%add3A_70, %dma_start3A_83] : memref<10240x128xf32, #tpu.memory_space<vmem_shared>> -> memref<40x128xf32, #tpu.memory_space<vmem_shared>>
      tpu.enqueue_dma source(%arg8 : memref<40x128xf32, #tpu.memory_space<vmem>>) target(%dma_start3A_84 : memref<40x128xf32, #tpu.memory_space<vmem_shared>>) target_semaphore(%run_scoped3A : memref<!tpu.dma_semaphore, #tpu.memory_space<semaphore_mem>>)
      %dma_wait3A = arith.constant 0 : i32
      %dma_wait3A_85 = tpu.memref_slice %arg13[%add3A_70, %dma_wait3A] : memref<10240x128xf32, #tpu.memory_space<vmem_shared>> -> memref<40x128xf32, #tpu.memory_space<vmem_shared>>
      %dma_wait3A_86 = arith.constant 0 : i32
      %dma_wait3A_87 = tpu.memref_slice %arg13[%add3A_70, %dma_wait3A_86] : memref<10240x128xf32, #tpu.memory_space<vmem_shared>> -> memref<40x128xf32, #tpu.memory_space<vmem_shared>>
      tpu.wait_dma2 semaphore(%run_scoped3A : memref<!tpu.dma_semaphore, #tpu.memory_space<semaphore_mem>>) src(%arg8 : memref<40x128xf32, #tpu.memory_space<vmem>>) dst(%dma_wait3A_87 : memref<40x128xf32, #tpu.memory_space<vmem_shared>>)
      tpu.yield
    }) : () -> ()
    %barrier3A = arith.constant 0 : index
    tpu.barrier barrier_id(%barrier3A)
    %scan3A_71 = arith.constant 0 : i32
    %scan3A_72 = arith.constant 0 : i32
    %scan3A_73 = arith.constant 5 : i32
    %scan3A_74 = arith.addi %scan3A_72, %scan3A_73 : i32
    %scan3A_75 = arith.constant 1 : i32
    scf.for %scan3A_82 = %scan3A_72 to %scan3A_74 step %scan3A_75  : i32 {
      "tpu.region"() ({
        %run_scoped3A = tpu.sem_alloc : memref<!tpu.dma_semaphore, #tpu.memory_space<semaphore_mem>>
        %dma_start3A_116 = arith.constant 0 : i32
        %dma_start3A_117 = arith.constant 0 : i32
        %dma_start3A_118 = arith.constant 0 : i32
        %dma_start3A_119 = tpu.memref_slice %arg3[%add3A, %dma_start3A_116, %dma_start3A_117, %dma_start3A_118] : memref<32x5x50x40xi32, #tpu.memory_space<hbm>> -> memref<1x5x50x40xi32, #tpu.memory_space<hbm>>
        %dma_start3A_120 = tpu.memref_squeeze %dma_start3A_119 : memref<1x5x50x40xi32, #tpu.memory_space<hbm>> -> memref<5x50x40xi32, #tpu.memory_space<hbm>>
        %dma_start3A_121 = arith.constant 0 : i32
        %dma_start3A_122 = arith.constant 0 : i32
        %dma_start3A_123 = tpu.memref_slice %dma_start3A_120[%scan3A_82, %dma_start3A_121, %dma_start3A_122] : memref<5x50x40xi32, #tpu.memory_space<hbm>> -> memref<1x50x40xi32, #tpu.memory_space<hbm>>
        %dma_start3A_124 = tpu.memref_squeeze %dma_start3A_123 : memref<1x50x40xi32, #tpu.memory_space<hbm>> -> memref<50x40xi32, #tpu.memory_space<hbm>>
        %dma_start3A_125 = arith.constant 0 : i32
        %dma_start3A_126 = arith.constant 0 : i32
        %dma_start3A_127 = arith.constant 0 : i32
        %dma_start3A_128 = tpu.memref_slice %arg3[%add3A, %dma_start3A_125, %dma_start3A_126, %dma_start3A_127] : memref<32x5x50x40xi32, #tpu.memory_space<hbm>> -> memref<1x5x50x40xi32, #tpu.memory_space<hbm>>
        %dma_start3A_129 = tpu.memref_squeeze %dma_start3A_128 : memref<1x5x50x40xi32, #tpu.memory_space<hbm>> -> memref<5x50x40xi32, #tpu.memory_space<hbm>>
        %dma_start3A_130 = arith.constant 0 : i32
        %dma_start3A_131 = arith.constant 0 : i32
        %dma_start3A_132 = tpu.memref_slice %dma_start3A_129[%scan3A_82, %dma_start3A_130, %dma_start3A_131] : memref<5x50x40xi32, #tpu.memory_space<hbm>> -> memref<1x50x40xi32, #tpu.memory_space<hbm>>
        %dma_start3A_133 = tpu.memref_squeeze %dma_start3A_132 : memref<1x50x40xi32, #tpu.memory_space<hbm>> -> memref<50x40xi32, #tpu.memory_space<hbm>>
        tpu.enqueue_dma source(%dma_start3A_133 : memref<50x40xi32, #tpu.memory_space<hbm>>) target(%arg6 : memref<50x40xi32, #tpu.memory_space<vmem>>) target_semaphore(%run_scoped3A : memref<!tpu.dma_semaphore, #tpu.memory_space<semaphore_mem>>)
        %dma_wait3A = arith.constant 0 : i32
        %dma_wait3A_134 = arith.constant 0 : i32
        %dma_wait3A_135 = arith.constant 0 : i32
        %dma_wait3A_136 = tpu.memref_slice %arg3[%add3A, %dma_wait3A, %dma_wait3A_134, %dma_wait3A_135] : memref<32x5x50x40xi32, #tpu.memory_space<hbm>> -> memref<1x5x50x40xi32, #tpu.memory_space<hbm>>
        %dma_wait3A_137 = tpu.memref_squeeze %dma_wait3A_136 : memref<1x5x50x40xi32, #tpu.memory_space<hbm>> -> memref<5x50x40xi32, #tpu.memory_space<hbm>>
        %dma_wait3A_138 = arith.constant 0 : i32
        %dma_wait3A_139 = arith.constant 0 : i32
        %dma_wait3A_140 = tpu.memref_slice %dma_wait3A_137[%scan3A_82, %dma_wait3A_138, %dma_wait3A_139] : memref<5x50x40xi32, #tpu.memory_space<hbm>> -> memref<1x50x40xi32, #tpu.memory_space<hbm>>
        %dma_wait3A_141 = tpu.memref_squeeze %dma_wait3A_140 : memref<1x50x40xi32, #tpu.memory_space<hbm>> -> memref<50x40xi32, #tpu.memory_space<hbm>>
        %dma_wait3A_142 = arith.constant 0 : i32
        %dma_wait3A_143 = arith.constant 0 : i32
        %dma_wait3A_144 = arith.constant 0 : i32
        %dma_wait3A_145 = tpu.memref_slice %arg3[%add3A, %dma_wait3A_142, %dma_wait3A_143, %dma_wait3A_144] : memref<32x5x50x40xi32, #tpu.memory_space<hbm>> -> memref<1x5x50x40xi32, #tpu.memory_space<hbm>>
        %dma_wait3A_146 = tpu.memref_squeeze %dma_wait3A_145 : memref<1x5x50x40xi32, #tpu.memory_space<hbm>> -> memref<5x50x40xi32, #tpu.memory_space<hbm>>
        %dma_wait3A_147 = arith.constant 0 : i32
        %dma_wait3A_148 = arith.constant 0 : i32
        %dma_wait3A_149 = tpu.memref_slice %dma_wait3A_146[%scan3A_82, %dma_wait3A_147, %dma_wait3A_148] : memref<5x50x40xi32, #tpu.memory_space<hbm>> -> memref<1x50x40xi32, #tpu.memory_space<hbm>>
        %dma_wait3A_150 = tpu.memref_squeeze %dma_wait3A_149 : memref<1x50x40xi32, #tpu.memory_space<hbm>> -> memref<50x40xi32, #tpu.memory_space<hbm>>
        tpu.wait_dma2 semaphore(%run_scoped3A : memref<!tpu.dma_semaphore, #tpu.memory_space<semaphore_mem>>) src(%dma_wait3A_150 : memref<50x40xi32, #tpu.memory_space<hbm>>) dst(%arg6 : memref<50x40xi32, #tpu.memory_space<vmem>>)
        tpu.yield
      }) : () -> ()
      "tpu.region"() ({
        %run_scoped3A = tpu.sem_alloc : memref<!tpu.dma_semaphore, #tpu.memory_space<semaphore_mem>>
        %dma_start3A_116 = arith.constant 0 : i32
        %dma_start3A_117 = arith.constant 0 : i32
        %dma_start3A_118 = arith.constant 0 : i32
        %dma_start3A_119 = tpu.memref_slice %arg4[%add3A, %dma_start3A_116, %dma_start3A_117, %dma_start3A_118] : memref<32x5x50x40xi32, #tpu.memory_space<hbm>> -> memref<1x5x50x40xi32, #tpu.memory_space<hbm>>
        %dma_start3A_120 = tpu.memref_squeeze %dma_start3A_119 : memref<1x5x50x40xi32, #tpu.memory_space<hbm>> -> memref<5x50x40xi32, #tpu.memory_space<hbm>>
        %dma_start3A_121 = arith.constant 0 : i32
        %dma_start3A_122 = arith.constant 0 : i32
        %dma_start3A_123 = tpu.memref_slice %dma_start3A_120[%scan3A_82, %dma_start3A_121, %dma_start3A_122] : memref<5x50x40xi32, #tpu.memory_space<hbm>> -> memref<1x50x40xi32, #tpu.memory_space<hbm>>
        %dma_start3A_124 = tpu.memref_squeeze %dma_start3A_123 : memref<1x50x40xi32, #tpu.memory_space<hbm>> -> memref<50x40xi32, #tpu.memory_space<hbm>>
        %dma_start3A_125 = arith.constant 0 : i32
        %dma_start3A_126 = arith.constant 0 : i32
        %dma_start3A_127 = arith.constant 0 : i32
        %dma_start3A_128 = tpu.memref_slice %arg4[%add3A, %dma_start3A_125, %dma_start3A_126, %dma_start3A_127] : memref<32x5x50x40xi32, #tpu.memory_space<hbm>> -> memref<1x5x50x40xi32, #tpu.memory_space<hbm>>
        %dma_start3A_129 = tpu.memref_squeeze %dma_start3A_128 : memref<1x5x50x40xi32, #tpu.memory_space<hbm>> -> memref<5x50x40xi32, #tpu.memory_space<hbm>>
        %dma_start3A_130 = arith.constant 0 : i32
        %dma_start3A_131 = arith.constant 0 : i32
        %dma_start3A_132 = tpu.memref_slice %dma_start3A_129[%scan3A_82, %dma_start3A_130, %dma_start3A_131] : memref<5x50x40xi32, #tpu.memory_space<hbm>> -> memref<1x50x40xi32, #tpu.memory_space<hbm>>
        %dma_start3A_133 = tpu.memref_squeeze %dma_start3A_132 : memref<1x50x40xi32, #tpu.memory_space<hbm>> -> memref<50x40xi32, #tpu.memory_space<hbm>>
        tpu.enqueue_dma source(%dma_start3A_133 : memref<50x40xi32, #tpu.memory_space<hbm>>) target(%arg7 : memref<50x40xi32, #tpu.memory_space<vmem>>) target_semaphore(%run_scoped3A : memref<!tpu.dma_semaphore, #tpu.memory_space<semaphore_mem>>)
        %dma_wait3A = arith.constant 0 : i32
        %dma_wait3A_134 = arith.constant 0 : i32
        %dma_wait3A_135 = arith.constant 0 : i32
        %dma_wait3A_136 = tpu.memref_slice %arg4[%add3A, %dma_wait3A, %dma_wait3A_134, %dma_wait3A_135] : memref<32x5x50x40xi32, #tpu.memory_space<hbm>> -> memref<1x5x50x40xi32, #tpu.memory_space<hbm>>
        %dma_wait3A_137 = tpu.memref_squeeze %dma_wait3A_136 : memref<1x5x50x40xi32, #tpu.memory_space<hbm>> -> memref<5x50x40xi32, #tpu.memory_space<hbm>>
        %dma_wait3A_138 = arith.constant 0 : i32
        %dma_wait3A_139 = arith.constant 0 : i32
        %dma_wait3A_140 = tpu.memref_slice %dma_wait3A_137[%scan3A_82, %dma_wait3A_138, %dma_wait3A_139] : memref<5x50x40xi32, #tpu.memory_space<hbm>> -> memref<1x50x40xi32, #tpu.memory_space<hbm>>
        %dma_wait3A_141 = tpu.memref_squeeze %dma_wait3A_140 : memref<1x50x40xi32, #tpu.memory_space<hbm>> -> memref<50x40xi32, #tpu.memory_space<hbm>>
        %dma_wait3A_142 = arith.constant 0 : i32
        %dma_wait3A_143 = arith.constant 0 : i32
        %dma_wait3A_144 = arith.constant 0 : i32
        %dma_wait3A_145 = tpu.memref_slice %arg4[%add3A, %dma_wait3A_142, %dma_wait3A_143, %dma_wait3A_144] : memref<32x5x50x40xi32, #tpu.memory_space<hbm>> -> memref<1x5x50x40xi32, #tpu.memory_space<hbm>>
        %dma_wait3A_146 = tpu.memref_squeeze %dma_wait3A_145 : memref<1x5x50x40xi32, #tpu.memory_space<hbm>> -> memref<5x50x40xi32, #tpu.memory_space<hbm>>
        %dma_wait3A_147 = arith.constant 0 : i32
        %dma_wait3A_148 = arith.constant 0 : i32
        %dma_wait3A_149 = tpu.memref_slice %dma_wait3A_146[%scan3A_82, %dma_wait3A_147, %dma_wait3A_148] : memref<5x50x40xi32, #tpu.memory_space<hbm>> -> memref<1x50x40xi32, #tpu.memory_space<hbm>>
        %dma_wait3A_150 = tpu.memref_squeeze %dma_wait3A_149 : memref<1x50x40xi32, #tpu.memory_space<hbm>> -> memref<50x40xi32, #tpu.memory_space<hbm>>
        tpu.wait_dma2 semaphore(%run_scoped3A : memref<!tpu.dma_semaphore, #tpu.memory_space<semaphore_mem>>) src(%dma_wait3A_150 : memref<50x40xi32, #tpu.memory_space<hbm>>) dst(%arg7 : memref<50x40xi32, #tpu.memory_space<vmem>>)
        tpu.yield
      }) : () -> ()
      %dma_start3A = arith.constant 0 : i32
      %dma_start3A_83 = arith.constant 0 : i32
      %dma_start3A_84 = tpu.memref_slice %arg6[%dma_start3A, %dma_start3A_83] : memref<50x40xi32, #tpu.memory_space<vmem>> -> memref<1x40xi32, #tpu.memory_space<vmem>>
      %dma_start3A_85 = tpu.memref_squeeze %dma_start3A_84 : memref<1x40xi32, #tpu.memory_space<vmem>> -> memref<40xi32, #tpu.memory_space<vmem>>
      %dma_start3A_86 = arith.constant 0 : i32
      %dma_start3A_87 = arith.constant 0 : i32
      %dma_start3A_88 = tpu.memref_slice %arg2[%dma_start3A_86, %dma_start3A_87] : memref<10000x128xf32, #tpu.memory_space<hbm>> -> memref<10000x128xf32, #tpu.memory_space<hbm>>
      tpu.enqueue_indirect_dma source(%dma_start3A_88 : memref<10000x128xf32, #tpu.memory_space<hbm>>) target(%arg8 : memref<40x128xf32, #tpu.memory_space<vmem>>) offsets(%dma_start3A_85 : memref<40xi32, #tpu.memory_space<vmem>>) semaphore(%arg14 : memref<!tpu.dma_semaphore, #tpu.memory_space<semaphore_mem>>)
      %dma_start3A_89 = arith.constant 1 : i32
      %dma_start3A_90 = arith.constant 0 : i32
      %dma_start3A_91 = tpu.memref_slice %arg6[%dma_start3A_89, %dma_start3A_90] : memref<50x40xi32, #tpu.memory_space<vmem>> -> memref<1x40xi32, #tpu.memory_space<vmem>>
      %dma_start3A_92 = tpu.memref_squeeze %dma_start3A_91 : memref<1x40xi32, #tpu.memory_space<vmem>> -> memref<40xi32, #tpu.memory_space<vmem>>
      %dma_start3A_93 = arith.constant 0 : i32
      %dma_start3A_94 = arith.constant 0 : i32
      %dma_start3A_95 = tpu.memref_slice %arg2[%dma_start3A_93, %dma_start3A_94] : memref<10000x128xf32, #tpu.memory_space<hbm>> -> memref<10000x128xf32, #tpu.memory_space<hbm>>
      tpu.enqueue_indirect_dma source(%dma_start3A_95 : memref<10000x128xf32, #tpu.memory_space<hbm>>) target(%arg9 : memref<40x128xf32, #tpu.memory_space<vmem>>) offsets(%dma_start3A_92 : memref<40xi32, #tpu.memory_space<vmem>>) semaphore(%arg15 : memref<!tpu.dma_semaphore, #tpu.memory_space<semaphore_mem>>)
      %dma_start3A_96 = arith.constant 2 : i32
      %dma_start3A_97 = arith.constant 0 : i32
      %dma_start3A_98 = tpu.memref_slice %arg6[%dma_start3A_96, %dma_start3A_97] : memref<50x40xi32, #tpu.memory_space<vmem>> -> memref<1x40xi32, #tpu.memory_space<vmem>>
      %dma_start3A_99 = tpu.memref_squeeze %dma_start3A_98 : memref<1x40xi32, #tpu.memory_space<vmem>> -> memref<40xi32, #tpu.memory_space<vmem>>
      %dma_start3A_100 = arith.constant 0 : i32
      %dma_start3A_101 = arith.constant 0 : i32
      %dma_start3A_102 = tpu.memref_slice %arg2[%dma_start3A_100, %dma_start3A_101] : memref<10000x128xf32, #tpu.memory_space<hbm>> -> memref<10000x128xf32, #tpu.memory_space<hbm>>
      tpu.enqueue_indirect_dma source(%dma_start3A_102 : memref<10000x128xf32, #tpu.memory_space<hbm>>) target(%arg10 : memref<40x128xf32, #tpu.memory_space<vmem>>) offsets(%dma_start3A_99 : memref<40xi32, #tpu.memory_space<vmem>>) semaphore(%arg16 : memref<!tpu.dma_semaphore, #tpu.memory_space<semaphore_mem>>)
      %dma_start3A_103 = arith.constant 3 : i32
      %dma_start3A_104 = arith.constant 0 : i32
      %dma_start3A_105 = tpu.memref_slice %arg6[%dma_start3A_103, %dma_start3A_104] : memref<50x40xi32, #tpu.memory_space<vmem>> -> memref<1x40xi32, #tpu.memory_space<vmem>>
      %dma_start3A_106 = tpu.memref_squeeze %dma_start3A_105 : memref<1x40xi32, #tpu.memory_space<vmem>> -> memref<40xi32, #tpu.memory_space<vmem>>
      %dma_start3A_107 = arith.constant 0 : i32
      %dma_start3A_108 = arith.constant 0 : i32
      %dma_start3A_109 = tpu.memref_slice %arg2[%dma_start3A_107, %dma_start3A_108] : memref<10000x128xf32, #tpu.memory_space<hbm>> -> memref<10000x128xf32, #tpu.memory_space<hbm>>
      tpu.enqueue_indirect_dma source(%dma_start3A_109 : memref<10000x128xf32, #tpu.memory_space<hbm>>) target(%arg11 : memref<40x128xf32, #tpu.memory_space<vmem>>) offsets(%dma_start3A_106 : memref<40xi32, #tpu.memory_space<vmem>>) semaphore(%arg17 : memref<!tpu.dma_semaphore, #tpu.memory_space<semaphore_mem>>)
      %scan3A_110 = arith.constant 0 : i32
      %scan3A_111 = arith.constant 0 : i32
      %scan3A_112 = arith.constant 50 : i32
      %scan3A_113 = arith.addi %scan3A_111, %scan3A_112 : i32
      %scan3A_114 = arith.constant 1 : i32
      scf.for %scan3A_116 = %scan3A_111 to %scan3A_113 step %scan3A_114  : i32 {
        %jit3A = arith.constant 5 : i32
        %eq3A = arith.constant 0 : i32
        %eq3A_117 = arith.cmpi eq, %jit3A, %eq3A : i32
        %jit3A_118 = arith.constant 1 : i32
        %select_n3A = arith.select %eq3A_117, %jit3A_118, %jit3A : i32
        %rem3A = arith.remsi %scan3A_116, %select_n3A : i32
        %ne3A = arith.constant 0 : i32
        %ne3A_119 = arith.cmpi ne, %rem3A, %ne3A : i32
        %lt3A = arith.constant 0 : i32
        %lt3A_120 = arith.cmpi slt, %rem3A, %lt3A : i32
        %lt3A_121 = arith.constant 0 : i32
        %lt3A_122 = arith.cmpi slt, %select_n3A, %lt3A_121 : i32
        %ne3A_123 = arith.xori %lt3A_120, %lt3A_122 : i1
        %and3A = arith.andi %ne3A_123, %ne3A_119 : i1
        %add3A_124 = arith.addi %rem3A, %select_n3A : i32
        %select_n3A_125 = arith.select %and3A, %add3A_124, %rem3A : i32
        %eq3A_126 = arith.constant 0 : i32
        %eq3A_127 = arith.cmpi eq, %select_n3A_125, %eq3A_126 : i32
        %convert_element_type3A = arith.extui %eq3A_127 : i1 to i32
        %cond3A = arith.constant 0 : i32
        %cond3A_128 = arith.cmpi ne, %convert_element_type3A, %cond3A : i32
        scf.if %cond3A_128 {
          %dma_wait3A = arith.constant 0 : i32
          %dma_wait3A_213 = tpu.memref_slice %arg6[%scan3A_116, %dma_wait3A] : memref<50x40xi32, #tpu.memory_space<vmem>> -> memref<1x40xi32, #tpu.memory_space<vmem>>
          %dma_wait3A_214 = tpu.memref_squeeze %dma_wait3A_213 : memref<1x40xi32, #tpu.memory_space<vmem>> -> memref<40xi32, #tpu.memory_space<vmem>>
          %dma_wait3A_215 = arith.constant 0 : i32
          %dma_wait3A_216 = arith.constant 0 : i32
          %dma_wait3A_217 = tpu.memref_slice %arg2[%dma_wait3A_215, %dma_wait3A_216] : memref<10000x128xf32, #tpu.memory_space<hbm>> -> memref<10000x128xf32, #tpu.memory_space<hbm>>
          tpu.wait_indirect_dma semaphore(%arg14 : memref<!tpu.dma_semaphore, #tpu.memory_space<semaphore_mem>>) src(%dma_wait3A_217 : memref<10000x128xf32, #tpu.memory_space<hbm>>) dst(%arg8 : memref<40x128xf32, #tpu.memory_space<vmem>>)
          %add3A_218 = arith.constant 4 : i32
          %add3A_219 = arith.addi %scan3A_116, %add3A_218 : i32
          %lt3A_220 = arith.constant 50 : i32
          %lt3A_221 = arith.cmpi slt, %add3A_219, %lt3A_220 : i32
          %convert_element_type3A_222 = arith.extui %lt3A_221 : i1 to i32
          %cond3A_223 = arith.constant 0 : i32
          %cond3A_224 = arith.cmpi ne, %convert_element_type3A_222, %cond3A_223 : i32
          scf.if %cond3A_224 {
            %add3A_225 = arith.constant 4 : i32
            %add3A_226 = arith.addi %scan3A_116, %add3A_225 : i32
            %dma_start3A_227 = arith.constant 0 : i32
            %dma_start3A_228 = tpu.memref_slice %arg6[%add3A_226, %dma_start3A_227] : memref<50x40xi32, #tpu.memory_space<vmem>> -> memref<1x40xi32, #tpu.memory_space<vmem>>
            %dma_start3A_229 = tpu.memref_squeeze %dma_start3A_228 : memref<1x40xi32, #tpu.memory_space<vmem>> -> memref<40xi32, #tpu.memory_space<vmem>>
            %dma_start3A_230 = arith.constant 0 : i32
            %dma_start3A_231 = arith.constant 0 : i32
            %dma_start3A_232 = tpu.memref_slice %arg2[%dma_start3A_230, %dma_start3A_231] : memref<10000x128xf32, #tpu.memory_space<hbm>> -> memref<10000x128xf32, #tpu.memory_space<hbm>>
            tpu.enqueue_indirect_dma source(%dma_start3A_232 : memref<10000x128xf32, #tpu.memory_space<hbm>>) target(%arg12 : memref<40x128xf32, #tpu.memory_space<vmem>>) offsets(%dma_start3A_229 : memref<40xi32, #tpu.memory_space<vmem>>) semaphore(%arg18 : memref<!tpu.dma_semaphore, #tpu.memory_space<semaphore_mem>>)
          } else {
          }
          "tpu.region"() ({
            %run_scoped3A = tpu.sem_alloc : memref<!tpu.dma_semaphore, #tpu.memory_space<semaphore_mem>>
            %dma_start3A_225 = arith.constant 0 : i32
            %dma_start3A_226 = tpu.memref_slice %arg7[%scan3A_116, %dma_start3A_225] : memref<50x40xi32, #tpu.memory_space<vmem>> -> memref<1x40xi32, #tpu.memory_space<vmem>>
            %dma_start3A_227 = tpu.memref_squeeze %dma_start3A_226 : memref<1x40xi32, #tpu.memory_space<vmem>> -> memref<40xi32, #tpu.memory_space<vmem>>
            %dma_start3A_228 = arith.constant 0 : i32
            %dma_start3A_229 = arith.constant 0 : i32
            %dma_start3A_230 = tpu.memref_slice %arg13[%dma_start3A_228, %dma_start3A_229] : memref<10240x128xf32, #tpu.memory_space<vmem_shared>> -> memref<10240x128xf32, #tpu.memory_space<vmem_shared>>
            tpu.enqueue_indirect_dma source(%arg8 : memref<40x128xf32, #tpu.memory_space<vmem>>) target(%dma_start3A_230 : memref<10240x128xf32, #tpu.memory_space<vmem_shared>>) offsets(%dma_start3A_227 : memref<40xi32, #tpu.memory_space<vmem>>) semaphore(%run_scoped3A : memref<!tpu.dma_semaphore, #tpu.memory_space<semaphore_mem>>) {add = true}
            %dma_wait3A_231 = arith.constant 0 : i32
            %dma_wait3A_232 = tpu.memref_slice %arg7[%scan3A_116, %dma_wait3A_231] : memref<50x40xi32, #tpu.memory_space<vmem>> -> memref<1x40xi32, #tpu.memory_space<vmem>>
            %dma_wait3A_233 = tpu.memref_squeeze %dma_wait3A_232 : memref<1x40xi32, #tpu.memory_space<vmem>> -> memref<40xi32, #tpu.memory_space<vmem>>
            %dma_wait3A_234 = arith.constant 0 : i32
            %dma_wait3A_235 = arith.constant 0 : i32
            %dma_wait3A_236 = tpu.memref_slice %arg13[%dma_wait3A_234, %dma_wait3A_235] : memref<10240x128xf32, #tpu.memory_space<vmem_shared>> -> memref<10240x128xf32, #tpu.memory_space<vmem_shared>>
            tpu.wait_indirect_dma semaphore(%run_scoped3A : memref<!tpu.dma_semaphore, #tpu.memory_space<semaphore_mem>>) src(%arg8 : memref<40x128xf32, #tpu.memory_space<vmem>>) dst(%dma_wait3A_236 : memref<10240x128xf32, #tpu.memory_space<vmem_shared>>)
            tpu.yield
          }) : () -> ()
        } else {
        }
        %jit3A_129 = arith.constant 5 : i32
        %eq3A_130 = arith.constant 0 : i32
        %eq3A_131 = arith.cmpi eq, %jit3A_129, %eq3A_130 : i32
        %jit3A_132 = arith.constant 1 : i32
        %select_n3A_133 = arith.select %eq3A_131, %jit3A_132, %jit3A_129 : i32
        %rem3A_134 = arith.remsi %scan3A_116, %select_n3A_133 : i32
        %ne3A_135 = arith.constant 0 : i32
        %ne3A_136 = arith.cmpi ne, %rem3A_134, %ne3A_135 : i32
        %lt3A_137 = arith.constant 0 : i32
        %lt3A_138 = arith.cmpi slt, %rem3A_134, %lt3A_137 : i32
        %lt3A_139 = arith.constant 0 : i32
        %lt3A_140 = arith.cmpi slt, %select_n3A_133, %lt3A_139 : i32
        %ne3A_141 = arith.xori %lt3A_138, %lt3A_140 : i1
        %and3A_142 = arith.andi %ne3A_141, %ne3A_136 : i1
        %add3A_143 = arith.addi %rem3A_134, %select_n3A_133 : i32
        %select_n3A_144 = arith.select %and3A_142, %add3A_143, %rem3A_134 : i32
        %eq3A_145 = arith.constant 1 : i32
        %eq3A_146 = arith.cmpi eq, %select_n3A_144, %eq3A_145 : i32
        %convert_element_type3A_147 = arith.extui %eq3A_146 : i1 to i32
        %cond3A_148 = arith.constant 0 : i32
        %cond3A_149 = arith.cmpi ne, %convert_element_type3A_147, %cond3A_148 : i32
        scf.if %cond3A_149 {
          %dma_wait3A = arith.constant 0 : i32
          %dma_wait3A_213 = tpu.memref_slice %arg6[%scan3A_116, %dma_wait3A] : memref<50x40xi32, #tpu.memory_space<vmem>> -> memref<1x40xi32, #tpu.memory_space<vmem>>
          %dma_wait3A_214 = tpu.memref_squeeze %dma_wait3A_213 : memref<1x40xi32, #tpu.memory_space<vmem>> -> memref<40xi32, #tpu.memory_space<vmem>>
          %dma_wait3A_215 = arith.constant 0 : i32
          %dma_wait3A_216 = arith.constant 0 : i32
          %dma_wait3A_217 = tpu.memref_slice %arg2[%dma_wait3A_215, %dma_wait3A_216] : memref<10000x128xf32, #tpu.memory_space<hbm>> -> memref<10000x128xf32, #tpu.memory_space<hbm>>
          tpu.wait_indirect_dma semaphore(%arg15 : memref<!tpu.dma_semaphore, #tpu.memory_space<semaphore_mem>>) src(%dma_wait3A_217 : memref<10000x128xf32, #tpu.memory_space<hbm>>) dst(%arg9 : memref<40x128xf32, #tpu.memory_space<vmem>>)
          %add3A_218 = arith.constant 4 : i32
          %add3A_219 = arith.addi %scan3A_116, %add3A_218 : i32
          %lt3A_220 = arith.constant 50 : i32
          %lt3A_221 = arith.cmpi slt, %add3A_219, %lt3A_220 : i32
          %convert_element_type3A_222 = arith.extui %lt3A_221 : i1 to i32
          %cond3A_223 = arith.constant 0 : i32
          %cond3A_224 = arith.cmpi ne, %convert_element_type3A_222, %cond3A_223 : i32
          scf.if %cond3A_224 {
            %add3A_225 = arith.constant 4 : i32
            %add3A_226 = arith.addi %scan3A_116, %add3A_225 : i32
            %dma_start3A_227 = arith.constant 0 : i32
            %dma_start3A_228 = tpu.memref_slice %arg6[%add3A_226, %dma_start3A_227] : memref<50x40xi32, #tpu.memory_space<vmem>> -> memref<1x40xi32, #tpu.memory_space<vmem>>
            %dma_start3A_229 = tpu.memref_squeeze %dma_start3A_228 : memref<1x40xi32, #tpu.memory_space<vmem>> -> memref<40xi32, #tpu.memory_space<vmem>>
            %dma_start3A_230 = arith.constant 0 : i32
            %dma_start3A_231 = arith.constant 0 : i32
            %dma_start3A_232 = tpu.memref_slice %arg2[%dma_start3A_230, %dma_start3A_231] : memref<10000x128xf32, #tpu.memory_space<hbm>> -> memref<10000x128xf32, #tpu.memory_space<hbm>>
            tpu.enqueue_indirect_dma source(%dma_start3A_232 : memref<10000x128xf32, #tpu.memory_space<hbm>>) target(%arg8 : memref<40x128xf32, #tpu.memory_space<vmem>>) offsets(%dma_start3A_229 : memref<40xi32, #tpu.memory_space<vmem>>) semaphore(%arg14 : memref<!tpu.dma_semaphore, #tpu.memory_space<semaphore_mem>>)
          } else {
          }
          "tpu.region"() ({
            %run_scoped3A = tpu.sem_alloc : memref<!tpu.dma_semaphore, #tpu.memory_space<semaphore_mem>>
            %dma_start3A_225 = arith.constant 0 : i32
            %dma_start3A_226 = tpu.memref_slice %arg7[%scan3A_116, %dma_start3A_225] : memref<50x40xi32, #tpu.memory_space<vmem>> -> memref<1x40xi32, #tpu.memory_space<vmem>>
            %dma_start3A_227 = tpu.memref_squeeze %dma_start3A_226 : memref<1x40xi32, #tpu.memory_space<vmem>> -> memref<40xi32, #tpu.memory_space<vmem>>
            %dma_start3A_228 = arith.constant 0 : i32
            %dma_start3A_229 = arith.constant 0 : i32
            %dma_start3A_230 = tpu.memref_slice %arg13[%dma_start3A_228, %dma_start3A_229] : memref<10240x128xf32, #tpu.memory_space<vmem_shared>> -> memref<10240x128xf32, #tpu.memory_space<vmem_shared>>
            tpu.enqueue_indirect_dma source(%arg9 : memref<40x128xf32, #tpu.memory_space<vmem>>) target(%dma_start3A_230 : memref<10240x128xf32, #tpu.memory_space<vmem_shared>>) offsets(%dma_start3A_227 : memref<40xi32, #tpu.memory_space<vmem>>) semaphore(%run_scoped3A : memref<!tpu.dma_semaphore, #tpu.memory_space<semaphore_mem>>) {add = true}
            %dma_wait3A_231 = arith.constant 0 : i32
            %dma_wait3A_232 = tpu.memref_slice %arg7[%scan3A_116, %dma_wait3A_231] : memref<50x40xi32, #tpu.memory_space<vmem>> -> memref<1x40xi32, #tpu.memory_space<vmem>>
            %dma_wait3A_233 = tpu.memref_squeeze %dma_wait3A_232 : memref<1x40xi32, #tpu.memory_space<vmem>> -> memref<40xi32, #tpu.memory_space<vmem>>
            %dma_wait3A_234 = arith.constant 0 : i32
            %dma_wait3A_235 = arith.constant 0 : i32
            %dma_wait3A_236 = tpu.memref_slice %arg13[%dma_wait3A_234, %dma_wait3A_235] : memref<10240x128xf32, #tpu.memory_space<vmem_shared>> -> memref<10240x128xf32, #tpu.memory_space<vmem_shared>>
            tpu.wait_indirect_dma semaphore(%run_scoped3A : memref<!tpu.dma_semaphore, #tpu.memory_space<semaphore_mem>>) src(%arg9 : memref<40x128xf32, #tpu.memory_space<vmem>>) dst(%dma_wait3A_236 : memref<10240x128xf32, #tpu.memory_space<vmem_shared>>)
            tpu.yield
          }) : () -> ()
        } else {
        }
        %jit3A_150 = arith.constant 5 : i32
        %eq3A_151 = arith.constant 0 : i32
        %eq3A_152 = arith.cmpi eq, %jit3A_150, %eq3A_151 : i32
        %jit3A_153 = arith.constant 1 : i32
        %select_n3A_154 = arith.select %eq3A_152, %jit3A_153, %jit3A_150 : i32
        %rem3A_155 = arith.remsi %scan3A_116, %select_n3A_154 : i32
        %ne3A_156 = arith.constant 0 : i32
        %ne3A_157 = arith.cmpi ne, %rem3A_155, %ne3A_156 : i32
        %lt3A_158 = arith.constant 0 : i32
        %lt3A_159 = arith.cmpi slt, %rem3A_155, %lt3A_158 : i32
        %lt3A_160 = arith.constant 0 : i32
        %lt3A_161 = arith.cmpi slt, %select_n3A_154, %lt3A_160 : i32
        %ne3A_162 = arith.xori %lt3A_159, %lt3A_161 : i1
        %and3A_163 = arith.andi %ne3A_162, %ne3A_157 : i1
        %add3A_164 = arith.addi %rem3A_155, %select_n3A_154 : i32
        %select_n3A_165 = arith.select %and3A_163, %add3A_164, %rem3A_155 : i32
        %eq3A_166 = arith.constant 2 : i32
        %eq3A_167 = arith.cmpi eq, %select_n3A_165, %eq3A_166 : i32
        %convert_element_type3A_168 = arith.extui %eq3A_167 : i1 to i32
        %cond3A_169 = arith.constant 0 : i32
        %cond3A_170 = arith.cmpi ne, %convert_element_type3A_168, %cond3A_169 : i32
        scf.if %cond3A_170 {
          %dma_wait3A = arith.constant 0 : i32
          %dma_wait3A_213 = tpu.memref_slice %arg6[%scan3A_116, %dma_wait3A] : memref<50x40xi32, #tpu.memory_space<vmem>> -> memref<1x40xi32, #tpu.memory_space<vmem>>
          %dma_wait3A_214 = tpu.memref_squeeze %dma_wait3A_213 : memref<1x40xi32, #tpu.memory_space<vmem>> -> memref<40xi32, #tpu.memory_space<vmem>>
          %dma_wait3A_215 = arith.constant 0 : i32
          %dma_wait3A_216 = arith.constant 0 : i32
          %dma_wait3A_217 = tpu.memref_slice %arg2[%dma_wait3A_215, %dma_wait3A_216] : memref<10000x128xf32, #tpu.memory_space<hbm>> -> memref<10000x128xf32, #tpu.memory_space<hbm>>
          tpu.wait_indirect_dma semaphore(%arg16 : memref<!tpu.dma_semaphore, #tpu.memory_space<semaphore_mem>>) src(%dma_wait3A_217 : memref<10000x128xf32, #tpu.memory_space<hbm>>) dst(%arg10 : memref<40x128xf32, #tpu.memory_space<vmem>>)
          %add3A_218 = arith.constant 4 : i32
          %add3A_219 = arith.addi %scan3A_116, %add3A_218 : i32
          %lt3A_220 = arith.constant 50 : i32
          %lt3A_221 = arith.cmpi slt, %add3A_219, %lt3A_220 : i32
          %convert_element_type3A_222 = arith.extui %lt3A_221 : i1 to i32
          %cond3A_223 = arith.constant 0 : i32
          %cond3A_224 = arith.cmpi ne, %convert_element_type3A_222, %cond3A_223 : i32
          scf.if %cond3A_224 {
            %add3A_225 = arith.constant 4 : i32
            %add3A_226 = arith.addi %scan3A_116, %add3A_225 : i32
            %dma_start3A_227 = arith.constant 0 : i32
            %dma_start3A_228 = tpu.memref_slice %arg6[%add3A_226, %dma_start3A_227] : memref<50x40xi32, #tpu.memory_space<vmem>> -> memref<1x40xi32, #tpu.memory_space<vmem>>
            %dma_start3A_229 = tpu.memref_squeeze %dma_start3A_228 : memref<1x40xi32, #tpu.memory_space<vmem>> -> memref<40xi32, #tpu.memory_space<vmem>>
            %dma_start3A_230 = arith.constant 0 : i32
            %dma_start3A_231 = arith.constant 0 : i32
            %dma_start3A_232 = tpu.memref_slice %arg2[%dma_start3A_230, %dma_start3A_231] : memref<10000x128xf32, #tpu.memory_space<hbm>> -> memref<10000x128xf32, #tpu.memory_space<hbm>>
            tpu.enqueue_indirect_dma source(%dma_start3A_232 : memref<10000x128xf32, #tpu.memory_space<hbm>>) target(%arg9 : memref<40x128xf32, #tpu.memory_space<vmem>>) offsets(%dma_start3A_229 : memref<40xi32, #tpu.memory_space<vmem>>) semaphore(%arg15 : memref<!tpu.dma_semaphore, #tpu.memory_space<semaphore_mem>>)
          } else {
          }
          "tpu.region"() ({
            %run_scoped3A = tpu.sem_alloc : memref<!tpu.dma_semaphore, #tpu.memory_space<semaphore_mem>>
            %dma_start3A_225 = arith.constant 0 : i32
            %dma_start3A_226 = tpu.memref_slice %arg7[%scan3A_116, %dma_start3A_225] : memref<50x40xi32, #tpu.memory_space<vmem>> -> memref<1x40xi32, #tpu.memory_space<vmem>>
            %dma_start3A_227 = tpu.memref_squeeze %dma_start3A_226 : memref<1x40xi32, #tpu.memory_space<vmem>> -> memref<40xi32, #tpu.memory_space<vmem>>
            %dma_start3A_228 = arith.constant 0 : i32
            %dma_start3A_229 = arith.constant 0 : i32
            %dma_start3A_230 = tpu.memref_slice %arg13[%dma_start3A_228, %dma_start3A_229] : memref<10240x128xf32, #tpu.memory_space<vmem_shared>> -> memref<10240x128xf32, #tpu.memory_space<vmem_shared>>
            tpu.enqueue_indirect_dma source(%arg10 : memref<40x128xf32, #tpu.memory_space<vmem>>) target(%dma_start3A_230 : memref<10240x128xf32, #tpu.memory_space<vmem_shared>>) offsets(%dma_start3A_227 : memref<40xi32, #tpu.memory_space<vmem>>) semaphore(%run_scoped3A : memref<!tpu.dma_semaphore, #tpu.memory_space<semaphore_mem>>) {add = true}
            %dma_wait3A_231 = arith.constant 0 : i32
            %dma_wait3A_232 = tpu.memref_slice %arg7[%scan3A_116, %dma_wait3A_231] : memref<50x40xi32, #tpu.memory_space<vmem>> -> memref<1x40xi32, #tpu.memory_space<vmem>>
            %dma_wait3A_233 = tpu.memref_squeeze %dma_wait3A_232 : memref<1x40xi32, #tpu.memory_space<vmem>> -> memref<40xi32, #tpu.memory_space<vmem>>
            %dma_wait3A_234 = arith.constant 0 : i32
            %dma_wait3A_235 = arith.constant 0 : i32
            %dma_wait3A_236 = tpu.memref_slice %arg13[%dma_wait3A_234, %dma_wait3A_235] : memref<10240x128xf32, #tpu.memory_space<vmem_shared>> -> memref<10240x128xf32, #tpu.memory_space<vmem_shared>>
            tpu.wait_indirect_dma semaphore(%run_scoped3A : memref<!tpu.dma_semaphore, #tpu.memory_space<semaphore_mem>>) src(%arg10 : memref<40x128xf32, #tpu.memory_space<vmem>>) dst(%dma_wait3A_236 : memref<10240x128xf32, #tpu.memory_space<vmem_shared>>)
            tpu.yield
          }) : () -> ()
        } else {
        }
        %jit3A_171 = arith.constant 5 : i32
        %eq3A_172 = arith.constant 0 : i32
        %eq3A_173 = arith.cmpi eq, %jit3A_171, %eq3A_172 : i32
        %jit3A_174 = arith.constant 1 : i32
        %select_n3A_175 = arith.select %eq3A_173, %jit3A_174, %jit3A_171 : i32
        %rem3A_176 = arith.remsi %scan3A_116, %select_n3A_175 : i32
        %ne3A_177 = arith.constant 0 : i32
        %ne3A_178 = arith.cmpi ne, %rem3A_176, %ne3A_177 : i32
        %lt3A_179 = arith.constant 0 : i32
        %lt3A_180 = arith.cmpi slt, %rem3A_176, %lt3A_179 : i32
        %lt3A_181 = arith.constant 0 : i32
        %lt3A_182 = arith.cmpi slt, %select_n3A_175, %lt3A_181 : i32
        %ne3A_183 = arith.xori %lt3A_180, %lt3A_182 : i1
        %and3A_184 = arith.andi %ne3A_183, %ne3A_178 : i1
        %add3A_185 = arith.addi %rem3A_176, %select_n3A_175 : i32
        %select_n3A_186 = arith.select %and3A_184, %add3A_185, %rem3A_176 : i32
        %eq3A_187 = arith.constant 3 : i32
        %eq3A_188 = arith.cmpi eq, %select_n3A_186, %eq3A_187 : i32
        %convert_element_type3A_189 = arith.extui %eq3A_188 : i1 to i32
        %cond3A_190 = arith.constant 0 : i32
        %cond3A_191 = arith.cmpi ne, %convert_element_type3A_189, %cond3A_190 : i32
        scf.if %cond3A_191 {
          %dma_wait3A = arith.constant 0 : i32
          %dma_wait3A_213 = tpu.memref_slice %arg6[%scan3A_116, %dma_wait3A] : memref<50x40xi32, #tpu.memory_space<vmem>> -> memref<1x40xi32, #tpu.memory_space<vmem>>
          %dma_wait3A_214 = tpu.memref_squeeze %dma_wait3A_213 : memref<1x40xi32, #tpu.memory_space<vmem>> -> memref<40xi32, #tpu.memory_space<vmem>>
          %dma_wait3A_215 = arith.constant 0 : i32
          %dma_wait3A_216 = arith.constant 0 : i32
          %dma_wait3A_217 = tpu.memref_slice %arg2[%dma_wait3A_215, %dma_wait3A_216] : memref<10000x128xf32, #tpu.memory_space<hbm>> -> memref<10000x128xf32, #tpu.memory_space<hbm>>
          tpu.wait_indirect_dma semaphore(%arg17 : memref<!tpu.dma_semaphore, #tpu.memory_space<semaphore_mem>>) src(%dma_wait3A_217 : memref<10000x128xf32, #tpu.memory_space<hbm>>) dst(%arg11 : memref<40x128xf32, #tpu.memory_space<vmem>>)
          %add3A_218 = arith.constant 4 : i32
          %add3A_219 = arith.addi %scan3A_116, %add3A_218 : i32
          %lt3A_220 = arith.constant 50 : i32
          %lt3A_221 = arith.cmpi slt, %add3A_219, %lt3A_220 : i32
          %convert_element_type3A_222 = arith.extui %lt3A_221 : i1 to i32
          %cond3A_223 = arith.constant 0 : i32
          %cond3A_224 = arith.cmpi ne, %convert_element_type3A_222, %cond3A_223 : i32
          scf.if %cond3A_224 {
            %add3A_225 = arith.constant 4 : i32
            %add3A_226 = arith.addi %scan3A_116, %add3A_225 : i32
            %dma_start3A_227 = arith.constant 0 : i32
            %dma_start3A_228 = tpu.memref_slice %arg6[%add3A_226, %dma_start3A_227] : memref<50x40xi32, #tpu.memory_space<vmem>> -> memref<1x40xi32, #tpu.memory_space<vmem>>
            %dma_start3A_229 = tpu.memref_squeeze %dma_start3A_228 : memref<1x40xi32, #tpu.memory_space<vmem>> -> memref<40xi32, #tpu.memory_space<vmem>>
            %dma_start3A_230 = arith.constant 0 : i32
            %dma_start3A_231 = arith.constant 0 : i32
            %dma_start3A_232 = tpu.memref_slice %arg2[%dma_start3A_230, %dma_start3A_231] : memref<10000x128xf32, #tpu.memory_space<hbm>> -> memref<10000x128xf32, #tpu.memory_space<hbm>>
            tpu.enqueue_indirect_dma source(%dma_start3A_232 : memref<10000x128xf32, #tpu.memory_space<hbm>>) target(%arg10 : memref<40x128xf32, #tpu.memory_space<vmem>>) offsets(%dma_start3A_229 : memref<40xi32, #tpu.memory_space<vmem>>) semaphore(%arg16 : memref<!tpu.dma_semaphore, #tpu.memory_space<semaphore_mem>>)
          } else {
          }
          "tpu.region"() ({
            %run_scoped3A = tpu.sem_alloc : memref<!tpu.dma_semaphore, #tpu.memory_space<semaphore_mem>>
            %dma_start3A_225 = arith.constant 0 : i32
            %dma_start3A_226 = tpu.memref_slice %arg7[%scan3A_116, %dma_start3A_225] : memref<50x40xi32, #tpu.memory_space<vmem>> -> memref<1x40xi32, #tpu.memory_space<vmem>>
            %dma_start3A_227 = tpu.memref_squeeze %dma_start3A_226 : memref<1x40xi32, #tpu.memory_space<vmem>> -> memref<40xi32, #tpu.memory_space<vmem>>
            %dma_start3A_228 = arith.constant 0 : i32
            %dma_start3A_229 = arith.constant 0 : i32
            %dma_start3A_230 = tpu.memref_slice %arg13[%dma_start3A_228, %dma_start3A_229] : memref<10240x128xf32, #tpu.memory_space<vmem_shared>> -> memref<10240x128xf32, #tpu.memory_space<vmem_shared>>
            tpu.enqueue_indirect_dma source(%arg11 : memref<40x128xf32, #tpu.memory_space<vmem>>) target(%dma_start3A_230 : memref<10240x128xf32, #tpu.memory_space<vmem_shared>>) offsets(%dma_start3A_227 : memref<40xi32, #tpu.memory_space<vmem>>) semaphore(%run_scoped3A : memref<!tpu.dma_semaphore, #tpu.memory_space<semaphore_mem>>) {add = true}
            %dma_wait3A_231 = arith.constant 0 : i32
            %dma_wait3A_232 = tpu.memref_slice %arg7[%scan3A_116, %dma_wait3A_231] : memref<50x40xi32, #tpu.memory_space<vmem>> -> memref<1x40xi32, #tpu.memory_space<vmem>>
            %dma_wait3A_233 = tpu.memref_squeeze %dma_wait3A_232 : memref<1x40xi32, #tpu.memory_space<vmem>> -> memref<40xi32, #tpu.memory_space<vmem>>
            %dma_wait3A_234 = arith.constant 0 : i32
            %dma_wait3A_235 = arith.constant 0 : i32
            %dma_wait3A_236 = tpu.memref_slice %arg13[%dma_wait3A_234, %dma_wait3A_235] : memref<10240x128xf32, #tpu.memory_space<vmem_shared>> -> memref<10240x128xf32, #tpu.memory_space<vmem_shared>>
            tpu.wait_indirect_dma semaphore(%run_scoped3A : memref<!tpu.dma_semaphore, #tpu.memory_space<semaphore_mem>>) src(%arg11 : memref<40x128xf32, #tpu.memory_space<vmem>>) dst(%dma_wait3A_236 : memref<10240x128xf32, #tpu.memory_space<vmem_shared>>)
            tpu.yield
          }) : () -> ()
        } else {
        }
        %jit3A_192 = arith.constant 5 : i32
        %eq3A_193 = arith.constant 0 : i32
        %eq3A_194 = arith.cmpi eq, %jit3A_192, %eq3A_193 : i32
        %jit3A_195 = arith.constant 1 : i32
        %select_n3A_196 = arith.select %eq3A_194, %jit3A_195, %jit3A_192 : i32
        %rem3A_197 = arith.remsi %scan3A_116, %select_n3A_196 : i32
        %ne3A_198 = arith.constant 0 : i32
        %ne3A_199 = arith.cmpi ne, %rem3A_197, %ne3A_198 : i32
        %lt3A_200 = arith.constant 0 : i32
        %lt3A_201 = arith.cmpi slt, %rem3A_197, %lt3A_200 : i32
        %lt3A_202 = arith.constant 0 : i32
        %lt3A_203 = arith.cmpi slt, %select_n3A_196, %lt3A_202 : i32
        %ne3A_204 = arith.xori %lt3A_201, %lt3A_203 : i1
        %and3A_205 = arith.andi %ne3A_204, %ne3A_199 : i1
        %add3A_206 = arith.addi %rem3A_197, %select_n3A_196 : i32
        %select_n3A_207 = arith.select %and3A_205, %add3A_206, %rem3A_197 : i32
        %eq3A_208 = arith.constant 4 : i32
        %eq3A_209 = arith.cmpi eq, %select_n3A_207, %eq3A_208 : i32
        %convert_element_type3A_210 = arith.extui %eq3A_209 : i1 to i32
        %cond3A_211 = arith.constant 0 : i32
        %cond3A_212 = arith.cmpi ne, %convert_element_type3A_210, %cond3A_211 : i32
        scf.if %cond3A_212 {
          %dma_wait3A = arith.constant 0 : i32
          %dma_wait3A_213 = tpu.memref_slice %arg6[%scan3A_116, %dma_wait3A] : memref<50x40xi32, #tpu.memory_space<vmem>> -> memref<1x40xi32, #tpu.memory_space<vmem>>
          %dma_wait3A_214 = tpu.memref_squeeze %dma_wait3A_213 : memref<1x40xi32, #tpu.memory_space<vmem>> -> memref<40xi32, #tpu.memory_space<vmem>>
          %dma_wait3A_215 = arith.constant 0 : i32
          %dma_wait3A_216 = arith.constant 0 : i32
          %dma_wait3A_217 = tpu.memref_slice %arg2[%dma_wait3A_215, %dma_wait3A_216] : memref<10000x128xf32, #tpu.memory_space<hbm>> -> memref<10000x128xf32, #tpu.memory_space<hbm>>
          tpu.wait_indirect_dma semaphore(%arg18 : memref<!tpu.dma_semaphore, #tpu.memory_space<semaphore_mem>>) src(%dma_wait3A_217 : memref<10000x128xf32, #tpu.memory_space<hbm>>) dst(%arg12 : memref<40x128xf32, #tpu.memory_space<vmem>>)
          %add3A_218 = arith.constant 4 : i32
          %add3A_219 = arith.addi %scan3A_116, %add3A_218 : i32
          %lt3A_220 = arith.constant 50 : i32
          %lt3A_221 = arith.cmpi slt, %add3A_219, %lt3A_220 : i32
          %convert_element_type3A_222 = arith.extui %lt3A_221 : i1 to i32
          %cond3A_223 = arith.constant 0 : i32
          %cond3A_224 = arith.cmpi ne, %convert_element_type3A_222, %cond3A_223 : i32
          scf.if %cond3A_224 {
            %add3A_225 = arith.constant 4 : i32
            %add3A_226 = arith.addi %scan3A_116, %add3A_225 : i32
            %dma_start3A_227 = arith.constant 0 : i32
            %dma_start3A_228 = tpu.memref_slice %arg6[%add3A_226, %dma_start3A_227] : memref<50x40xi32, #tpu.memory_space<vmem>> -> memref<1x40xi32, #tpu.memory_space<vmem>>
            %dma_start3A_229 = tpu.memref_squeeze %dma_start3A_228 : memref<1x40xi32, #tpu.memory_space<vmem>> -> memref<40xi32, #tpu.memory_space<vmem>>
            %dma_start3A_230 = arith.constant 0 : i32
            %dma_start3A_231 = arith.constant 0 : i32
            %dma_start3A_232 = tpu.memref_slice %arg2[%dma_start3A_230, %dma_start3A_231] : memref<10000x128xf32, #tpu.memory_space<hbm>> -> memref<10000x128xf32, #tpu.memory_space<hbm>>
            tpu.enqueue_indirect_dma source(%dma_start3A_232 : memref<10000x128xf32, #tpu.memory_space<hbm>>) target(%arg11 : memref<40x128xf32, #tpu.memory_space<vmem>>) offsets(%dma_start3A_229 : memref<40xi32, #tpu.memory_space<vmem>>) semaphore(%arg17 : memref<!tpu.dma_semaphore, #tpu.memory_space<semaphore_mem>>)
          } else {
          }
          "tpu.region"() ({
            %run_scoped3A = tpu.sem_alloc : memref<!tpu.dma_semaphore, #tpu.memory_space<semaphore_mem>>
            %dma_start3A_225 = arith.constant 0 : i32
            %dma_start3A_226 = tpu.memref_slice %arg7[%scan3A_116, %dma_start3A_225] : memref<50x40xi32, #tpu.memory_space<vmem>> -> memref<1x40xi32, #tpu.memory_space<vmem>>
            %dma_start3A_227 = tpu.memref_squeeze %dma_start3A_226 : memref<1x40xi32, #tpu.memory_space<vmem>> -> memref<40xi32, #tpu.memory_space<vmem>>
            %dma_start3A_228 = arith.constant 0 : i32
            %dma_start3A_229 = arith.constant 0 : i32
            %dma_start3A_230 = tpu.memref_slice %arg13[%dma_start3A_228, %dma_start3A_229] : memref<10240x128xf32, #tpu.memory_space<vmem_shared>> -> memref<10240x128xf32, #tpu.memory_space<vmem_shared>>
            tpu.enqueue_indirect_dma source(%arg12 : memref<40x128xf32, #tpu.memory_space<vmem>>) target(%dma_start3A_230 : memref<10240x128xf32, #tpu.memory_space<vmem_shared>>) offsets(%dma_start3A_227 : memref<40xi32, #tpu.memory_space<vmem>>) semaphore(%run_scoped3A : memref<!tpu.dma_semaphore, #tpu.memory_space<semaphore_mem>>) {add = true}
            %dma_wait3A_231 = arith.constant 0 : i32
            %dma_wait3A_232 = tpu.memref_slice %arg7[%scan3A_116, %dma_wait3A_231] : memref<50x40xi32, #tpu.memory_space<vmem>> -> memref<1x40xi32, #tpu.memory_space<vmem>>
            %dma_wait3A_233 = tpu.memref_squeeze %dma_wait3A_232 : memref<1x40xi32, #tpu.memory_space<vmem>> -> memref<40xi32, #tpu.memory_space<vmem>>
            %dma_wait3A_234 = arith.constant 0 : i32
            %dma_wait3A_235 = arith.constant 0 : i32
            %dma_wait3A_236 = tpu.memref_slice %arg13[%dma_wait3A_234, %dma_wait3A_235] : memref<10240x128xf32, #tpu.memory_space<vmem_shared>> -> memref<10240x128xf32, #tpu.memory_space<vmem_shared>>
            tpu.wait_indirect_dma semaphore(%run_scoped3A : memref<!tpu.dma_semaphore, #tpu.memory_space<semaphore_mem>>) src(%arg12 : memref<40x128xf32, #tpu.memory_space<vmem>>) dst(%dma_wait3A_236 : memref<10240x128xf32, #tpu.memory_space<vmem_shared>>)
            tpu.yield
          }) : () -> ()
        } else {
        }
      }
      %scan3A_115 = arith.constant 50 : i32
    }
    %scan3A_76 = arith.constant 5 : i32
    %barrier3A_77 = arith.constant 0 : index
    tpu.barrier barrier_id(%barrier3A_77)
    %mul3A_78 = arith.constant 640 : i32
    %mul3A_79 = arith.muli %arg1, %mul3A_78 : i32
    %mul3A_80 = arith.constant 640 : i32
    %mul3A_81 = arith.muli %arg1, %mul3A_80 : i32
    "tpu.region"() ({
      %run_scoped3A = tpu.sem_alloc : memref<!tpu.dma_semaphore, #tpu.memory_space<semaphore_mem>>
      %dma_start3A = arith.constant 0 : i32
      %dma_start3A_82 = arith.constant 0 : i32
      %dma_start3A_83 = tpu.memref_slice %arg5[%arg0, %dma_start3A, %dma_start3A_82] : memref<2x10240x128xf32, #tpu.memory_space<hbm>> -> memref<1x10240x128xf32, #tpu.memory_space<hbm>>
      %dma_start3A_84 = tpu.memref_squeeze %dma_start3A_83 : memref<1x10240x128xf32, #tpu.memory_space<hbm>> -> memref<10240x128xf32, #tpu.memory_space<hbm>>
      %dma_start3A_85 = arith.constant 0 : i32
      %dma_start3A_86 = tpu.memref_slice %dma_start3A_84[%mul3A_81, %dma_start3A_85] : memref<10240x128xf32, #tpu.memory_space<hbm>> -> memref<640x128xf32, #tpu.memory_space<hbm>>
      %dma_start3A_87 = arith.constant 0 : i32
      %dma_start3A_88 = tpu.memref_slice %arg13[%mul3A_79, %dma_start3A_87] : memref<10240x128xf32, #tpu.memory_space<vmem_shared>> -> memref<640x128xf32, #tpu.memory_space<vmem_shared>>
      tpu.enqueue_dma source(%dma_start3A_88 : memref<640x128xf32, #tpu.memory_space<vmem_shared>>) target(%dma_start3A_86 : memref<640x128xf32, #tpu.memory_space<hbm>>) target_semaphore(%run_scoped3A : memref<!tpu.dma_semaphore, #tpu.memory_space<semaphore_mem>>)
      %dma_wait3A = arith.constant 0 : i32
      %dma_wait3A_89 = arith.constant 0 : i32
      %dma_wait3A_90 = tpu.memref_slice %arg5[%arg0, %dma_wait3A, %dma_wait3A_89] : memref<2x10240x128xf32, #tpu.memory_space<hbm>> -> memref<1x10240x128xf32, #tpu.memory_space<hbm>>
      %dma_wait3A_91 = tpu.memref_squeeze %dma_wait3A_90 : memref<1x10240x128xf32, #tpu.memory_space<hbm>> -> memref<10240x128xf32, #tpu.memory_space<hbm>>
      %dma_wait3A_92 = arith.constant 0 : i32
      %dma_wait3A_93 = tpu.memref_slice %dma_wait3A_91[%mul3A_81, %dma_wait3A_92] : memref<10240x128xf32, #tpu.memory_space<hbm>> -> memref<640x128xf32, #tpu.memory_space<hbm>>
      %dma_wait3A_94 = arith.constant 0 : i32
      %dma_wait3A_95 = tpu.memref_slice %arg13[%mul3A_79, %dma_wait3A_94] : memref<10240x128xf32, #tpu.memory_space<vmem_shared>> -> memref<640x128xf32, #tpu.memory_space<vmem_shared>>
      tpu.wait_dma2 semaphore(%run_scoped3A : memref<!tpu.dma_semaphore, #tpu.memory_space<semaphore_mem>>) src(%dma_wait3A_95 : memref<640x128xf32, #tpu.memory_space<vmem_shared>>) dst(%dma_wait3A_93 : memref<640x128xf32, #tpu.memory_space<hbm>>)
      tpu.yield
    }) : () -> ()
    return
  }
}

module attributes {stable_mosaic.version = 14 : i64} {
  func.func @_tc0_body(%arg0: memref<10000x128xf32, #tpu.memory_space<vmem>>, %arg1: memref<128x128xf32, #tpu.memory_space<vmem>>, %arg2: memref<2x10240x128xf32, #tpu.memory_space<vmem>>, %arg3: memref<10000x128xf32, #tpu.memory_space<vmem>>, %arg4: memref<10000x1xf32, #tpu.memory_space<vmem>>) attributes {dimension_semantics = [], scalar_prefetch = 0 : i64, scratch_operands = 0 : i64, tpu.core_type = #tpu.core_type<tc>} {
    %get3A = arith.constant 0 : index
    %get3A_0 = arith.constant 0 : index
    %get3A_1 = arith.constant 0 : index
    %get3A_2 = vector.load %arg2[%get3A, %get3A_0, %get3A_1] : memref<2x10240x128xf32, #tpu.memory_space<vmem>>, vector<1x10000x1xf32>
    %get3A_3 = vector.shape_cast %get3A_2 : vector<1x10000x1xf32> to vector<10000x1xf32>
    %add3A = arith.constant 1.000000e+00 : f32
    %add3A_4 = vector.broadcast %add3A : f32 to vector<10000x1xf32>
    %add3A_5 = arith.addf %add3A_4, %get3A_3 : vector<10000x1xf32>
    %get3A_6 = arith.constant 1 : index
    %get3A_7 = arith.constant 0 : index
    %get3A_8 = arith.constant 0 : index
    %get3A_9 = vector.load %arg2[%get3A_6, %get3A_7, %get3A_8] : memref<2x10240x128xf32, #tpu.memory_space<vmem>>, vector<1x10000x1xf32>
    %get3A_10 = vector.shape_cast %get3A_9 : vector<1x10000x1xf32> to vector<10000x1xf32>
    %add3A_11 = arith.addf %add3A_5, %get3A_10 : vector<10000x1xf32>
    %rsqrt3A = math.rsqrt %add3A_11 : vector<10000x1xf32>
    %swap3A = arith.constant 0 : index
    %swap3A_12 = arith.constant 0 : index
    %swap3A_13 = vector.load %arg4[%swap3A, %swap3A_12] : memref<10000x1xf32, #tpu.memory_space<vmem>>, vector<10000x1xf32>
    tpu.vector_store %arg4[%swap3A, %swap3A_12], %rsqrt3A {strides = array<i32>} : memref<10000x1xf32, #tpu.memory_space<vmem>>, vector<10000x1xf32>,
    %get3A_14 = arith.constant 0 : index
    %get3A_15 = arith.constant 0 : index
    %get3A_16 = vector.load %arg0[%get3A_14, %get3A_15] : memref<10000x128xf32, #tpu.memory_space<vmem>>, vector<10000x128xf32>
    %get3A_17 = arith.constant 0 : index
    %get3A_18 = arith.constant 0 : index
    %get3A_19 = vector.load %arg1[%get3A_17, %get3A_18] : memref<128x128xf32, #tpu.memory_space<vmem>>, vector<128x128xf32>
    %dot_general3A = arith.constant dense<0.000000e+00> : vector<10000x128xf32>
    %dot_general3A_20 = tpu.matmul %get3A_16, %get3A_19, %dot_general3A {dimension_numbers = #tpu.dot_dimension_numbers<[1], [0], [0], [1], [0, 0, 1, 1], [], []>, transpose_lhs_hint = false} : vector<10000x128xf32>, vector<128x128xf32>, vector<10000x128xf32> -> vector<10000x128xf32>
    %mul3A = vector.broadcast %rsqrt3A : vector<10000x1xf32> to vector<10000x128xf32>
    %mul3A_21 = arith.mulf %dot_general3A_20, %mul3A : vector<10000x128xf32>
    %swap3A_22 = arith.constant 0 : index
    %swap3A_23 = arith.constant 0 : index
    %swap3A_24 = vector.load %arg3[%swap3A_22, %swap3A_23] : memref<10000x128xf32, #tpu.memory_space<vmem>>, vector<10000x128xf32>
    tpu.vector_store %arg3[%swap3A_22, %swap3A_23], %mul3A_21 {strides = array<i32>} : memref<10000x128xf32, #tpu.memory_space<vmem>>, vector<10000x128xf32>,
    return
  }
}

module attributes {stable_mosaic.version = 14 : i64} {
  func.func @_tc_mid_body(%arg0: memref<2x10240x128xf32, #tpu.memory_space<vmem>>, %arg1: memref<10000x128xf32, #tpu.memory_space<vmem>>, %arg2: memref<10000x1xf32, #tpu.memory_space<vmem>>, %arg3: memref<1x128xf32, #tpu.memory_space<vmem>>, %arg4: memref<1x128xf32, #tpu.memory_space<vmem>>, %arg5: memref<1x128xf32, #tpu.memory_space<vmem>>, %arg6: memref<128x128xf32, #tpu.memory_space<vmem>>, %arg7: memref<10000x128xf32, #tpu.memory_space<vmem>>, %arg8: memref<10000x128xf32, #tpu.memory_space<vmem>>) attributes {dimension_semantics = [], scalar_prefetch = 0 : i64, scratch_operands = 0 : i64, tpu.core_type = #tpu.core_type<tc>} {
    %get3A = arith.constant 0 : index
    %get3A_0 = arith.constant 0 : index
    %get3A_1 = vector.load %arg2[%get3A, %get3A_0] : memref<10000x1xf32, #tpu.memory_space<vmem>>, vector<10000x1xf32>
    %get3A_2 = arith.constant 0 : index
    %get3A_3 = arith.constant 0 : index
    %get3A_4 = arith.constant 0 : index
    %get3A_5 = vector.load %arg0[%get3A_2, %get3A_3, %get3A_4] : memref<2x10240x128xf32, #tpu.memory_space<vmem>>, vector<1x10000x128xf32>
    %get3A_6 = vector.shape_cast %get3A_5 : vector<1x10000x128xf32> to vector<10000x128xf32>
    %get3A_7 = arith.constant 1 : index
    %get3A_8 = arith.constant 0 : index
    %get3A_9 = arith.constant 0 : index
    %get3A_10 = vector.load %arg0[%get3A_7, %get3A_8, %get3A_9] : memref<2x10240x128xf32, #tpu.memory_space<vmem>>, vector<1x10000x128xf32>
    %get3A_11 = vector.shape_cast %get3A_10 : vector<1x10000x128xf32> to vector<10000x128xf32>
    %add3A = arith.addf %get3A_6, %get3A_11 : vector<10000x128xf32>
    %get3A_12 = arith.constant 0 : index
    %get3A_13 = arith.constant 0 : index
    %get3A_14 = vector.load %arg1[%get3A_12, %get3A_13] : memref<10000x128xf32, #tpu.memory_space<vmem>>, vector<10000x128xf32>
    %add3A_15 = arith.addf %add3A, %get3A_14 : vector<10000x128xf32>
    %mul3A = vector.broadcast %get3A_1 : vector<10000x1xf32> to vector<10000x128xf32>
    %mul3A_16 = arith.mulf %add3A_15, %mul3A : vector<10000x128xf32>
    %get3A_17 = arith.constant 0 : index
    %get3A_18 = arith.constant 0 : index
    %get3A_19 = vector.load %arg3[%get3A_17, %get3A_18] : memref<1x128xf32, #tpu.memory_space<vmem>>, vector<1x128xf32>
    %add3A_20 = vector.broadcast %get3A_19 : vector<1x128xf32> to vector<10000x128xf32>
    %add3A_21 = arith.addf %mul3A_16, %add3A_20 : vector<10000x128xf32>
    %reduce_sum3A = vector.shape_cast %add3A_21 : vector<10000x128xf32> to vector<1x10000x128xf32>
    %reduce_sum3A_22 = arith.constant dense<0.000000e+00> : vector<1xf32>
    %reduce_sum3A_23 = vector.multi_reduction <add>, %reduce_sum3A, %reduce_sum3A_22 [1, 2] : vector<1x10000x128xf32> to vector<1xf32>
    %reduce_sum3A_24 = vector.shape_cast %reduce_sum3A_23 : vector<1xf32> to vector<1x1x1xf32>
    %reduce_sum3A_25 = vector.extract %reduce_sum3A_24[0, 0, 0] : f32 from vector<1x1x1xf32>
    %div3A = arith.constant 1.280000e+06 : f32
    %div3A_26 = arith.divf %reduce_sum3A_25, %div3A : f32
    %sub3A = vector.broadcast %div3A_26 : f32 to vector<10000x128xf32>
    %sub3A_27 = arith.subf %add3A_21, %sub3A : vector<10000x128xf32>
    %integer_pow3A = arith.mulf %sub3A_27, %sub3A_27 : vector<10000x128xf32>
    %reduce_sum3A_28 = vector.shape_cast %integer_pow3A : vector<10000x128xf32> to vector<1x10000x128xf32>
    %reduce_sum3A_29 = arith.constant dense<0.000000e+00> : vector<1xf32>
    %reduce_sum3A_30 = vector.multi_reduction <add>, %reduce_sum3A_28, %reduce_sum3A_29 [1, 2] : vector<1x10000x128xf32> to vector<1xf32>
    %reduce_sum3A_31 = vector.shape_cast %reduce_sum3A_30 : vector<1xf32> to vector<1x1x1xf32>
    %reduce_sum3A_32 = vector.extract %reduce_sum3A_31[0, 0, 0] : f32 from vector<1x1x1xf32>
    %div3A_33 = arith.constant 1.280000e+06 : f32
    %div3A_34 = arith.divf %reduce_sum3A_32, %div3A_33 : f32
    %sub3A_35 = vector.broadcast %div3A_26 : f32 to vector<10000x128xf32>
    %sub3A_36 = arith.subf %add3A_21, %sub3A_35 : vector<10000x128xf32>
    %add3A_37 = arith.constant 9.99999974E-6 : f32
    %add3A_38 = arith.addf %div3A_34, %add3A_37 : f32
    %rsqrt3A = math.rsqrt %add3A_38 : f32
    %mul3A_39 = vector.broadcast %rsqrt3A : f32 to vector<10000x128xf32>
    %mul3A_40 = arith.mulf %sub3A_36, %mul3A_39 : vector<10000x128xf32>
    %get3A_41 = arith.constant 0 : index
    %get3A_42 = arith.constant 0 : index
    %get3A_43 = vector.load %arg4[%get3A_41, %get3A_42] : memref<1x128xf32, #tpu.memory_space<vmem>>, vector<1x128xf32>
    %mul3A_44 = vector.broadcast %get3A_43 : vector<1x128xf32> to vector<10000x128xf32>
    %mul3A_45 = arith.mulf %mul3A_40, %mul3A_44 : vector<10000x128xf32>
    %get3A_46 = arith.constant 0 : index
    %get3A_47 = arith.constant 0 : index
    %get3A_48 = vector.load %arg5[%get3A_46, %get3A_47] : memref<1x128xf32, #tpu.memory_space<vmem>>, vector<1x128xf32>
    %add3A_49 = vector.broadcast %get3A_48 : vector<1x128xf32> to vector<10000x128xf32>
    %add3A_50 = arith.addf %mul3A_45, %add3A_49 : vector<10000x128xf32>
    %max3A = arith.constant 0.000000e+00 : f32
    %max3A_51 = vector.broadcast %max3A : f32 to vector<10000x128xf32>
    %max3A_52 = arith.maximumf %add3A_50, %max3A_51 : vector<10000x128xf32>
    %swap3A = arith.constant 0 : index
    %swap3A_53 = arith.constant 0 : index
    %swap3A_54 = vector.load %arg7[%swap3A, %swap3A_53] : memref<10000x128xf32, #tpu.memory_space<vmem>>, vector<10000x128xf32>
    tpu.vector_store %arg7[%swap3A, %swap3A_53], %max3A_52 {strides = array<i32>} : memref<10000x128xf32, #tpu.memory_space<vmem>>, vector<10000x128xf32>,
    %get3A_55 = arith.constant 0 : index
    %get3A_56 = arith.constant 0 : index
    %get3A_57 = vector.load %arg6[%get3A_55, %get3A_56] : memref<128x128xf32, #tpu.memory_space<vmem>>, vector<128x128xf32>
    %dot_general3A = arith.constant dense<0.000000e+00> : vector<10000x128xf32>
    %dot_general3A_58 = tpu.matmul %max3A_52, %get3A_57, %dot_general3A {dimension_numbers = #tpu.dot_dimension_numbers<[1], [0], [0], [1], [0, 0, 1, 1], [], []>, transpose_lhs_hint = false} : vector<10000x128xf32>, vector<128x128xf32>, vector<10000x128xf32> -> vector<10000x128xf32>
    %mul3A_59 = vector.broadcast %get3A_1 : vector<10000x1xf32> to vector<10000x128xf32>
    %mul3A_60 = arith.mulf %dot_general3A_58, %mul3A_59 : vector<10000x128xf32>
    %swap3A_61 = arith.constant 0 : index
    %swap3A_62 = arith.constant 0 : index
    %swap3A_63 = vector.load %arg8[%swap3A_61, %swap3A_62] : memref<10000x128xf32, #tpu.memory_space<vmem>>, vector<10000x128xf32>
    tpu.vector_store %arg8[%swap3A_61, %swap3A_62], %mul3A_60 {strides = array<i32>} : memref<10000x128xf32, #tpu.memory_space<vmem>>, vector<10000x128xf32>,
    return
  }
}

module attributes {stable_mosaic.version = 14 : i64} {
  func.func @_tc_last_body(%arg0: memref<2x10240x128xf32, #tpu.memory_space<vmem>>, %arg1: memref<10000x128xf32, #tpu.memory_space<vmem>>, %arg2: memref<10000x1xf32, #tpu.memory_space<vmem>>, %arg3: memref<1x128xf32, #tpu.memory_space<vmem>>, %arg4: memref<1x128xf32, #tpu.memory_space<vmem>>, %arg5: memref<1x128xf32, #tpu.memory_space<vmem>>, %arg6: memref<10000x128xf32, #tpu.memory_space<vmem>>) attributes {dimension_semantics = [], scalar_prefetch = 0 : i64, scratch_operands = 0 : i64, tpu.core_type = #tpu.core_type<tc>} {
    %get3A = arith.constant 0 : index
    %get3A_0 = arith.constant 0 : index
    %get3A_1 = arith.constant 0 : index
    %get3A_2 = vector.load %arg0[%get3A, %get3A_0, %get3A_1] : memref<2x10240x128xf32, #tpu.memory_space<vmem>>, vector<1x10000x128xf32>
    %get3A_3 = vector.shape_cast %get3A_2 : vector<1x10000x128xf32> to vector<10000x128xf32>
    %get3A_4 = arith.constant 1 : index
    %get3A_5 = arith.constant 0 : index
    %get3A_6 = arith.constant 0 : index
    %get3A_7 = vector.load %arg0[%get3A_4, %get3A_5, %get3A_6] : memref<2x10240x128xf32, #tpu.memory_space<vmem>>, vector<1x10000x128xf32>
    %get3A_8 = vector.shape_cast %get3A_7 : vector<1x10000x128xf32> to vector<10000x128xf32>
    %add3A = arith.addf %get3A_3, %get3A_8 : vector<10000x128xf32>
    %get3A_9 = arith.constant 0 : index
    %get3A_10 = arith.constant 0 : index
    %get3A_11 = vector.load %arg1[%get3A_9, %get3A_10] : memref<10000x128xf32, #tpu.memory_space<vmem>>, vector<10000x128xf32>
    %add3A_12 = arith.addf %add3A, %get3A_11 : vector<10000x128xf32>
    %get3A_13 = arith.constant 0 : index
    %get3A_14 = arith.constant 0 : index
    %get3A_15 = vector.load %arg2[%get3A_13, %get3A_14] : memref<10000x1xf32, #tpu.memory_space<vmem>>, vector<10000x1xf32>
    %mul3A = vector.broadcast %get3A_15 : vector<10000x1xf32> to vector<10000x128xf32>
    %mul3A_16 = arith.mulf %add3A_12, %mul3A : vector<10000x128xf32>
    %get3A_17 = arith.constant 0 : index
    %get3A_18 = arith.constant 0 : index
    %get3A_19 = vector.load %arg3[%get3A_17, %get3A_18] : memref<1x128xf32, #tpu.memory_space<vmem>>, vector<1x128xf32>
    %add3A_20 = vector.broadcast %get3A_19 : vector<1x128xf32> to vector<10000x128xf32>
    %add3A_21 = arith.addf %mul3A_16, %add3A_20 : vector<10000x128xf32>
    %reduce_sum3A = vector.shape_cast %add3A_21 : vector<10000x128xf32> to vector<1x10000x128xf32>
    %reduce_sum3A_22 = arith.constant dense<0.000000e+00> : vector<1xf32>
    %reduce_sum3A_23 = vector.multi_reduction <add>, %reduce_sum3A, %reduce_sum3A_22 [1, 2] : vector<1x10000x128xf32> to vector<1xf32>
    %reduce_sum3A_24 = vector.shape_cast %reduce_sum3A_23 : vector<1xf32> to vector<1x1x1xf32>
    %reduce_sum3A_25 = vector.extract %reduce_sum3A_24[0, 0, 0] : f32 from vector<1x1x1xf32>
    %div3A = arith.constant 1.280000e+06 : f32
    %div3A_26 = arith.divf %reduce_sum3A_25, %div3A : f32
    %sub3A = vector.broadcast %div3A_26 : f32 to vector<10000x128xf32>
    %sub3A_27 = arith.subf %add3A_21, %sub3A : vector<10000x128xf32>
    %integer_pow3A = arith.mulf %sub3A_27, %sub3A_27 : vector<10000x128xf32>
    %reduce_sum3A_28 = vector.shape_cast %integer_pow3A : vector<10000x128xf32> to vector<1x10000x128xf32>
    %reduce_sum3A_29 = arith.constant dense<0.000000e+00> : vector<1xf32>
    %reduce_sum3A_30 = vector.multi_reduction <add>, %reduce_sum3A_28, %reduce_sum3A_29 [1, 2] : vector<1x10000x128xf32> to vector<1xf32>
    %reduce_sum3A_31 = vector.shape_cast %reduce_sum3A_30 : vector<1xf32> to vector<1x1x1xf32>
    %reduce_sum3A_32 = vector.extract %reduce_sum3A_31[0, 0, 0] : f32 from vector<1x1x1xf32>
    %div3A_33 = arith.constant 1.280000e+06 : f32
    %div3A_34 = arith.divf %reduce_sum3A_32, %div3A_33 : f32
    %sub3A_35 = vector.broadcast %div3A_26 : f32 to vector<10000x128xf32>
    %sub3A_36 = arith.subf %add3A_21, %sub3A_35 : vector<10000x128xf32>
    %add3A_37 = arith.constant 9.99999974E-6 : f32
    %add3A_38 = arith.addf %div3A_34, %add3A_37 : f32
    %rsqrt3A = math.rsqrt %add3A_38 : f32
    %mul3A_39 = vector.broadcast %rsqrt3A : f32 to vector<10000x128xf32>
    %mul3A_40 = arith.mulf %sub3A_36, %mul3A_39 : vector<10000x128xf32>
    %get3A_41 = arith.constant 0 : index
    %get3A_42 = arith.constant 0 : index
    %get3A_43 = vector.load %arg4[%get3A_41, %get3A_42] : memref<1x128xf32, #tpu.memory_space<vmem>>, vector<1x128xf32>
    %mul3A_44 = vector.broadcast %get3A_43 : vector<1x128xf32> to vector<10000x128xf32>
    %mul3A_45 = arith.mulf %mul3A_40, %mul3A_44 : vector<10000x128xf32>
    %get3A_46 = arith.constant 0 : index
    %get3A_47 = arith.constant 0 : index
    %get3A_48 = vector.load %arg5[%get3A_46, %get3A_47] : memref<1x128xf32, #tpu.memory_space<vmem>>, vector<1x128xf32>
    %add3A_49 = vector.broadcast %get3A_48 : vector<1x128xf32> to vector<10000x128xf32>
    %add3A_50 = arith.addf %mul3A_45, %add3A_49 : vector<10000x128xf32>
    %max3A = arith.constant 0.000000e+00 : f32
    %max3A_51 = vector.broadcast %max3A : f32 to vector<10000x128xf32>
    %max3A_52 = arith.maximumf %add3A_50, %max3A_51 : vector<10000x128xf32>
    %swap3A = arith.constant 0 : index
    %swap3A_53 = arith.constant 0 : index
    %swap3A_54 = vector.load %arg6[%swap3A, %swap3A_53] : memref<10000x128xf32, #tpu.memory_space<vmem>>, vector<10000x128xf32>
    tpu.vector_store %arg6[%swap3A, %swap3A_53], %max3A_52 {strides = array<i32>} : memref<10000x128xf32, #tpu.memory_space<vmem>>, vector<10000x128xf32>,
    return
  }
}

module attributes {stable_mosaic.version = 14 : i64} {
  func.func @_tc_head_body(%arg0: memref<10000x128xf32, #tpu.memory_space<vmem>>, %arg1: memref<10000x128xf32, #tpu.memory_space<vmem>>, %arg2: memref<10000x128xf32, #tpu.memory_space<vmem>>, %arg3: memref<10000x1xf32, #tpu.memory_space<vmem>>, %arg4: memref<384x128xf32, #tpu.memory_space<vmem>>, %arg5: memref<1x128xf32, #tpu.memory_space<vmem>>, %arg6: memref<128x64xf32, #tpu.memory_space<vmem>>, %arg7: memref<1x64xf32, #tpu.memory_space<vmem>>, %arg8: memref<64x1xf32, #tpu.memory_space<vmem>>, %arg9: memref<1x1xf32, #tpu.memory_space<vmem>>, %arg10: memref<10000x1xf32, #tpu.memory_space<vmem>>) attributes {dimension_semantics = [], scalar_prefetch = 0 : i64, scratch_operands = 0 : i64, tpu.core_type = #tpu.core_type<tc>} {
    %get3A = arith.constant 0 : index
    %get3A_0 = arith.constant 0 : index
    %get3A_1 = vector.load %arg0[%get3A, %get3A_0] : memref<10000x128xf32, #tpu.memory_space<vmem>>, vector<10000x128xf32>
    %get3A_2 = arith.constant 0 : index
    %get3A_3 = arith.constant 0 : index
    %get3A_4 = vector.load %arg4[%get3A_2, %get3A_3] : memref<384x128xf32, #tpu.memory_space<vmem>>, vector<128x128xf32>
    %dot_general3A = arith.constant dense<0.000000e+00> : vector<10000x128xf32>
    %dot_general3A_5 = tpu.matmul %get3A_1, %get3A_4, %dot_general3A {dimension_numbers = #tpu.dot_dimension_numbers<[1], [0], [0], [1], [0, 0, 1, 1], [], []>, transpose_lhs_hint = false} : vector<10000x128xf32>, vector<128x128xf32>, vector<10000x128xf32> -> vector<10000x128xf32>
    %get3A_6 = arith.constant 0 : index
    %get3A_7 = arith.constant 0 : index
    %get3A_8 = vector.load %arg1[%get3A_6, %get3A_7] : memref<10000x128xf32, #tpu.memory_space<vmem>>, vector<10000x128xf32>
    %get3A_9 = arith.constant 128 : index
    %get3A_10 = arith.constant 0 : index
    %get3A_11 = vector.load %arg4[%get3A_9, %get3A_10] : memref<384x128xf32, #tpu.memory_space<vmem>>, vector<128x128xf32>
    %dot_general3A_12 = arith.constant dense<0.000000e+00> : vector<10000x128xf32>
    %dot_general3A_13 = tpu.matmul %get3A_8, %get3A_11, %dot_general3A_12 {dimension_numbers = #tpu.dot_dimension_numbers<[1], [0], [0], [1], [0, 0, 1, 1], [], []>, transpose_lhs_hint = false} : vector<10000x128xf32>, vector<128x128xf32>, vector<10000x128xf32> -> vector<10000x128xf32>
    %add3A = arith.addf %dot_general3A_5, %dot_general3A_13 : vector<10000x128xf32>
    %get3A_14 = arith.constant 0 : index
    %get3A_15 = arith.constant 0 : index
    %get3A_16 = vector.load %arg2[%get3A_14, %get3A_15] : memref<10000x128xf32, #tpu.memory_space<vmem>>, vector<10000x128xf32>
    %get3A_17 = arith.constant 256 : index
    %get3A_18 = arith.constant 0 : index
    %get3A_19 = vector.load %arg4[%get3A_17, %get3A_18] : memref<384x128xf32, #tpu.memory_space<vmem>>, vector<128x128xf32>
    %dot_general3A_20 = arith.constant dense<0.000000e+00> : vector<10000x128xf32>
    %dot_general3A_21 = tpu.matmul %get3A_16, %get3A_19, %dot_general3A_20 {dimension_numbers = #tpu.dot_dimension_numbers<[1], [0], [0], [1], [0, 0, 1, 1], [], []>, transpose_lhs_hint = false} : vector<10000x128xf32>, vector<128x128xf32>, vector<10000x128xf32> -> vector<10000x128xf32>
    %add3A_22 = arith.addf %add3A, %dot_general3A_21 : vector<10000x128xf32>
    %get3A_23 = arith.constant 0 : index
    %get3A_24 = arith.constant 0 : index
    %get3A_25 = vector.load %arg5[%get3A_23, %get3A_24] : memref<1x128xf32, #tpu.memory_space<vmem>>, vector<1x128xf32>
    %add3A_26 = vector.broadcast %get3A_25 : vector<1x128xf32> to vector<10000x128xf32>
    %add3A_27 = arith.addf %add3A_22, %add3A_26 : vector<10000x128xf32>
    %get3A_28 = arith.constant 0 : index
    %get3A_29 = arith.constant 0 : index
    %get3A_30 = vector.load %arg6[%get3A_28, %get3A_29] : memref<128x64xf32, #tpu.memory_space<vmem>>, vector<128x64xf32>
    %dot_general3A_31 = arith.constant dense<0.000000e+00> : vector<10000x64xf32>
    %dot_general3A_32 = tpu.matmul %add3A_27, %get3A_30, %dot_general3A_31 {dimension_numbers = #tpu.dot_dimension_numbers<[1], [0], [0], [1], [0, 0, 1, 1], [], []>, transpose_lhs_hint = false} : vector<10000x128xf32>, vector<128x64xf32>, vector<10000x64xf32> -> vector<10000x64xf32>
    %get3A_33 = arith.constant 0 : index
    %get3A_34 = arith.constant 0 : index
    %get3A_35 = vector.load %arg7[%get3A_33, %get3A_34] : memref<1x64xf32, #tpu.memory_space<vmem>>, vector<1x64xf32>
    %add3A_36 = vector.broadcast %get3A_35 : vector<1x64xf32> to vector<10000x64xf32>
    %add3A_37 = arith.addf %dot_general3A_32, %add3A_36 : vector<10000x64xf32>
    %tanh3A = math.tanh %add3A_37 : vector<10000x64xf32>
    %get3A_38 = arith.constant 0 : index
    %get3A_39 = arith.constant 0 : index
    %get3A_40 = vector.load %arg8[%get3A_38, %get3A_39] : memref<64x1xf32, #tpu.memory_space<vmem>>, vector<64x1xf32>
    %dot_general3A_41 = arith.constant dense<0.000000e+00> : vector<10000x1xf32>
    %dot_general3A_42 = tpu.matmul %tanh3A, %get3A_40, %dot_general3A_41 {dimension_numbers = #tpu.dot_dimension_numbers<[1], [0], [0], [1], [0, 0, 1, 1], [], []>, transpose_lhs_hint = false} : vector<10000x64xf32>, vector<64x1xf32>, vector<10000x1xf32> -> vector<10000x1xf32>
    %get3A_43 = arith.constant 0 : index
    %get3A_44 = arith.constant 0 : index
    %get3A_45 = vector.load %arg9[%get3A_43, %get3A_44] : memref<1x1xf32, #tpu.memory_space<vmem>>, vector<1x1xf32>
    %add3A_46 = vector.broadcast %get3A_45 : vector<1x1xf32> to vector<10000x1xf32>
    %add3A_47 = arith.addf %dot_general3A_42, %add3A_46 : vector<10000x1xf32>
    %get3A_48 = arith.constant 0 : index
    %get3A_49 = arith.constant 0 : index
    %get3A_50 = vector.load %arg3[%get3A_48, %get3A_49] : memref<10000x1xf32, #tpu.memory_space<vmem>>, vector<10000x1xf32>
    %mul3A = arith.constant -1.000000e+09 : f32
    %mul3A_51 = vector.broadcast %mul3A : f32 to vector<10000x1xf32>
    %mul3A_52 = arith.mulf %get3A_50, %mul3A_51 : vector<10000x1xf32>
    %add3A_53 = arith.addf %add3A_47, %mul3A_52 : vector<10000x1xf32>
    %reduce_max3A = vector.shape_cast %add3A_53 : vector<10000x1xf32> to vector<1x10000x1xf32>
    %reduce_max3A_54 = arith.constant dense<0xFF800000> : vector<1xf32>
    %reduce_max3A_55 = vector.multi_reduction <maximumf>, %reduce_max3A, %reduce_max3A_54 [1, 2] : vector<1x10000x1xf32> to vector<1xf32>
    %reduce_max3A_56 = vector.shape_cast %reduce_max3A_55 : vector<1xf32> to vector<1x1x1xf32>
    %reduce_max3A_57 = vector.extract %reduce_max3A_56[0, 0, 0] : f32 from vector<1x1x1xf32>
    %sub3A = vector.broadcast %reduce_max3A_57 : f32 to vector<10000x1xf32>
    %sub3A_58 = arith.subf %add3A_53, %sub3A : vector<10000x1xf32>
    %exp3A = math.exp %sub3A_58 : vector<10000x1xf32>
    %reduce_sum3A = vector.shape_cast %exp3A : vector<10000x1xf32> to vector<1x10000x1xf32>
    %reduce_sum3A_59 = arith.constant dense<0.000000e+00> : vector<1xf32>
    %reduce_sum3A_60 = vector.multi_reduction <add>, %reduce_sum3A, %reduce_sum3A_59 [1, 2] : vector<1x10000x1xf32> to vector<1xf32>
    %reduce_sum3A_61 = vector.shape_cast %reduce_sum3A_60 : vector<1xf32> to vector<1x1x1xf32>
    %reduce_sum3A_62 = vector.extract %reduce_sum3A_61[0, 0, 0] : f32 from vector<1x1x1xf32>
    %div3A = vector.broadcast %reduce_sum3A_62 : f32 to vector<10000x1xf32>
    %div3A_63 = arith.divf %exp3A, %div3A : vector<10000x1xf32>
    %swap3A = arith.constant 0 : index
    %swap3A_64 = arith.constant 0 : index
    %swap3A_65 = vector.load %arg10[%swap3A, %swap3A_64] : memref<10000x1xf32, #tpu.memory_space<vmem>>, vector<10000x1xf32>
    tpu.vector_store %arg10[%swap3A, %swap3A_64], %div3A_63 {strides = array<i32>} : memref<10000x1xf32, #tpu.memory_space<vmem>>, vector<10000x1xf32>,
    return
  }
}

</mosaic_0001>

<sc_bundles>
// kernel: kernel.11.cloned.1.call-start
scs
__scs_entry_jumppad:
0x0: {  	(pc) =	sbr.rel $0x88, $3  }
0x1: {  	(tag) =	ssettag $0x0;
	lr =	simm.s32 $0x1  }
0x2: {  	[smem:$0x3F8C] =	sst lr;
	_ =	strace $0xD0000000  }
0x3: {  	_ = 	snop  }
0x4: {  	_ = 	snop  }
0x5: {  	_ = 	snop  }
0x6: {  	_ = 	snop  }
0x7: {  	_ = 	snop  }
__scs_overlays_trampoline_lowered:
0x8: {  	[smem:$0x3F9B] =	sst s0  }
0x9: {  	[smem:$0x3F9C] =	sst s1  }
0xa: {  	[smem:$0x3F9D] =	sst s2  }
0xb: {  	[smem:$0x3F9E] =	sst s3  }
0xc: {  	[smem:$0x3F9F] =	sst s4  }
0xd: {  	[smem:$0x3FA0] =	sst s5  }
0xe: {  	[smem:$0x3FA1] =	sst s6  }
0xf: {  	[smem:$0x3FA2] =	sst s7  }
0x10: {  	[smem:$0x3FA3] =	sst s8  }
0x11: {  	[smem:$0x3FA4] =	sst s9;
	s0 =	simm.s32 @!p0 $0x0  }
0x12: {  	s1 =	sld [smem:$0x3F8A];
	s0 =	simm.s32 @p0 $0x1  }
0x13: {  	[smem:$0x3FA5] =	sst s0;
	s0 =	simm.s32 @!p1 $0x0  }
0x14: {  	s2 =	sld [smem:$0x3F89];
	s0 =	simm.s32 @p1 $0x1  }
0x15: {  	[smem:$0x3FA6] =	sst s0;
	s0 =	simm.s32 @!p2 $0x0  }
0x16: {  	s3 =	sld [smem:$0x3FDB];
	s0 =	simm.s32 @p2 $0x1  }
0x17: {  	s4 =	simm.s32 $0x1BF5;
	[smem:$0x3FA8] =	sst s0  }
0x18: {  	s0 =	sld [smem:$0x3F8B];
	_ =	swait.ge [sflag:s4], $0x0  }
0x19: {  	s7 =	sld [smem:$0x3F8C]  }
0x1a: {  	s8 =	sadd.s32 $0xFFFFE003, lr  }
0x1b: {  	s9 =	sadd.s32 $0xFFFFFEF7, lr;
	s5 =	simm.s32 $0xFFFFFFFF;
	p2 =	slt.u32 s8, $0xFFFFF086  }
0x1c: {  	p1 =	slt.u32 s9, $0xF7A;
	s5 =	simm.s32 @!p2 $0x0  }
0x1d: {  	s5 =	simm.s32 @p1 $0x1;
	p0 =	seq.s32 s7, s2  }
0x1e: {  	s7 =	smul.u32 @!p0 $0xF7A, s2;
	p2 =	seq.s32 @!p0 s5, $0x0  }
0x1f: {  	s9 =	smul.u32 $0xF7A, s1;
	s8 =	simm.s32 @!p0 $0x1BF5;
	p2 =	por !p2, p0  }
0x20: {  	[sflag:s8] =	ssyncset.s32 @!p0 $0xFFFFF086;
	s6 =	sadd.s32 @!p0 s3, s7;
	s7 =	simm.s32 @!p0 $0x108  }
0x21: {  	s3 =	sadd.s32 s3, s9;
	s6 =	sadd.s32 @!p0 $0x88, s6;
	s7 =	simm.s32 @p2 $0x1082  }
0x22: {  	[simem:s7], [sflag:s8] =	dma.local @!p0 [hbm:s6], $0xF7A  }
0x23: {  	s9 =	sor.u32 $0xD0000000, s2;
	s6 =	simm.s32 $0x108;
	_ =	swait.ge @!p0 [sflag:s8], $0x0  }
0x24: {  	s3 =	sadd.s32 $0x88, s3;
	s6 =	simm.s32 @!p1 $0x1082;
	[sflag:s4] =	ssyncset.s32 $0xFFFFF086  }
0x25: {  	[simem:s6], [sflag:s4] =	dma.local [hbm:s3], $0xF7A  }
0x26: {  	[smem:$0x3F8C] =	sst s1;
	(tag) =	ssettag s2;
	_ =	strace s9  }
0x27: {  	s1 =	sld [smem:$0x3F9C]  }
0x28: {  	s2 =	sld [smem:$0x3F9D]  }
0x29: {  	s4 =	sld [smem:$0x3F9F]  }
0x2a: {  	p0 =	seq.s32 s5, $0x0;
	s5 =	sld [smem:$0x3FA0]  }
0x2b: {  	s6 =	sld [smem:$0x3FA1]  }
0x2c: {  	s7 =	sld [smem:$0x3FA2]  }
0x2d: {  	s3 =	simm.s32 $0x108;
	s8 =	sld [smem:$0x3FA3]  }
0x2e: {  	s3 =	simm.s32 @!p0 $0x1082;
	s9 =	sld [smem:$0x3FA4]  }
0x2f: {  	lr =	sadd.s32 s0, s3;
	s0 =	sld [smem:$0x3F9B]  }
0x30: {  	s3 =	sld [smem:$0x3F9E]  }
0x31: {  	[smem:$0x3FA7] =	sst s10  }
0x32: {  	s10 =	sld [smem:$0x3FA5];
	_ =	sdelay $0x3  }
0x33: {  	p0 =	seq.s32 s10, $0x1;
	s10 =	sld [smem:$0x3FA7];
	_ =	sdelay $0x3  }
0x34: {  	[smem:$0x3FA7] =	sst s10  }
0x35: {  	s10 =	sld [smem:$0x3FA6];
	_ =	sdelay $0x3  }
0x36: {  	p1 =	seq.s32 s10, $0x1;
	s10 =	sld [smem:$0x3FA7];
	_ =	sdelay $0x3  }
0x37: {  	[smem:$0x3FA7] =	sst s10  }
0x38: {  	s10 =	sld [smem:$0x3FA8]  }
0x39: {  	_ = 	snop;
	(pc) =	sbr.ind lr, $3  }
0x3a: {  	_ = 	snop  }
0x3b: {  	_ = 	snop  }
0x3c: {  	p2 =	seq.s32 s10, $0x1;
	s10 =	sld [smem:$0x3FA7]  }
0x3d: {  	_ =	shalt  }
0x3e: {  	_ =	shalt  }
0x3f: {  	_ =	shalt  }
0x40: {  	_ =	shalt  }
0x41: {  	_ =	shalt  }
0x42: {  	_ =	shalt  }
0x43: {  	_ =	shalt  }
0x44: {  	_ =	shalt  }
0x45: {  	_ =	shalt  }
0x46: {  	_ =	shalt  }
0x47: {  	_ =	shalt  }
0x48: {  	_ =	shalt  }
0x49: {  	_ =	shalt  }
0x4a: {  	_ =	shalt  }
0x4b: {  	_ =	shalt  }
0x4c: {  	_ =	shalt  }
0x4d: {  	_ =	shalt  }
0x4e: {  	_ =	shalt  }
0x4f: {  	_ =	shalt  }
0x50: {  	_ =	shalt  }
0x51: {  	_ =	shalt  }
0x52: {  	_ =	shalt  }
0x53: {  	_ =	shalt  }
0x54: {  	_ =	shalt  }
0x55: {  	_ =	shalt  }
0x56: {  	_ =	shalt  }
0x57: {  	_ =	shalt  }
0x58: {  	_ =	shalt  }
0x59: {  	_ =	shalt  }
0x5a: {  	_ =	shalt  }
0x5b: {  	_ =	shalt  }
0x5c: {  	_ =	shalt  }
0x5d: {  	_ =	shalt  }
0x5e: {  	_ =	shalt  }
0x5f: {  	_ =	shalt  }
0x60: {  	_ =	shalt  }
0x61: {  	_ =	shalt  }
0x62: {  	_ =	shalt  }
0x63: {  	_ =	shalt  }
0x64: {  	_ =	shalt  }
0x65: {  	_ =	shalt  }
0x66: {  	_ =	shalt  }
0x67: {  	_ =	shalt  }
0x68: {  	_ =	shalt  }
0x69: {  	_ =	shalt  }
0x6a: {  	_ =	shalt  }
0x6b: {  	_ =	shalt  }
0x6c: {  	_ =	shalt  }
0x6d: {  	_ =	shalt  }
0x6e: {  	_ =	shalt  }
0x6f: {  	_ =	shalt  }
0x70: {  	_ =	shalt  }
0x71: {  	_ =	shalt  }
0x72: {  	_ =	shalt  }
0x73: {  	_ =	shalt  }
0x74: {  	_ =	shalt  }
0x75: {  	_ =	shalt  }
0x76: {  	_ =	shalt  }
0x77: {  	_ =	shalt  }
0x78: {  	_ =	shalt  }
0x79: {  	_ =	shalt  }
0x7a: {  	_ =	shalt  }
0x7b: {  	_ =	shalt  }
0x7c: {  	_ =	shalt  }
0x7d: {  	_ =	shalt  }
0x7e: {  	_ =	shalt  }
0x7f: {  	_ =	shalt  }
0x80: {  	_ =	shalt  }
0x81: {  	_ =	shalt  }
0x82: {  	_ =	shalt  }
0x83: {  	_ =	shalt  }
0x84: {  	_ =	shalt  }
0x85: {  	_ =	shalt  }
0x86: {  	_ =	shalt  }
0x87: {  	_ =	shalt  }
.Lfunc_end0:
.L_simem_size_0:
called_computation_lowered:
.L_overlay_start_0:
0x88: {  	s2 =	sld [smem:$0x3FD9]  }
0x89: {  	s3 =	sld [smem:$0x3FFE];
	_ =	sdelay $0x1  }
0x8a: {  	s1 =	srdreg.scid  }
0x8b: {  	s0 =	sand.u32 $0x1, s1  }
0x8c: {  	s17 =	sshll.u32 s0, $0xA;
	s2 =	sadd.s32 s3, s2  }
0x8d: {  	s2 =	sadd.s32 s2, s17  }
0x8e: {  	[smem:$0x3FB3] =	sst s2  }
0x8f: {  	_ = 	snop  }
0x90: {  	s2 =	sld [smem:$0x3FD0];
	(tm) =	ssettm $0x1  }
0x91: {  	s18 =	sld [smem:$0x3FFB];
	_ =	sdelay $0x3  }
0x92: {  	_ =	strace s18  }
0x93: {  	s3 =	sld [smem:$0x3FFC];
	_ =	sdelay $0x3  }
0x94: {  	_ =	strace s3  }
0x95: {  	s3 =	sld [smem:$0x3FFD];
	_ =	sdelay $0x3  }
0x96: {  	_ =	strace s3  }
0x97: {  	_ =	strace $0x8FFFFFFF  }
0x98: {  	s19 =	sld [smem:$0x3FDB];
	_ =	sdelay $0x1  }
0x99: {  	s4 =	simm.s32 $_scs_section_size  }
0x9a: {  	s5 =	simm.s32 $_size__tile_overlayer_lowered;
	s6 =	simm.s32 $_tile_overlayer_lowered  }
0x9b: {  	s22 =	simm.s32 $0x1BFF;
	s21 =	sshll.u32 s6, $0x1;
	s3 =	sadd.s32 s4, s19  }
0x9c: {  	s7 =	simm.s32 $0x0;
	s20 =	sshll.u32 s5, $0x1;
	s5 =	sadd.s32 s21, s3  }
0x9d: {  	[timem:s7], [sflag:s22] =	dma.local [hbm:s5], s20  }
0x9e: {  	_ =	swait.ge [sflag:s22], s20  }
0x9f: {  	s4 =	ssub.s32 $0x0, s20;
	[sflag:s22] =	ssyncset.done $0x0  }
0xa0: {  	[sflag:s22] =	ssyncadd.s32 s4;
	_ =	sdelay $0x1  }
0xa1: {  	s23 =	simm.s32 $0x1B8B  }
0xa2: {  	_ =	swait.ge [sflag:s23], $0x1  }
0xa3: {  	[sflag:s23] =	ssyncset.done $0x0  }
0xa4: {  	s25 =	simm.s32 $0x1B8E;
	s24 =	sld [smem:$0x3FFE];
	[sflag:s23] =	ssyncadd.s32 $0xFFFFFFFF  }
0xa5: {  	s26 =	simm.s32 $execute0_lowered;
	[smem:$0x3FD2] =	sst s25  }
0xa6: {  	s5 =	sshll.u32 s26, $0x1;
	_ =	strace $0x80000046;
	[dreg:$0x1] =	wrdreg $0xFFFFFFFF  }
0xa7: {  	s28 =	simm.s32 $_size_execute0_lowered;
	s3 =	sadd.s32 s3, s5;
	[dreg:$0x0] =	wrdreg $0x0  }
0xa8: {  	s5 =	sshll.u32 s28, $0x1;
	[dreg:$0x2] =	wrdreg s3  }
0xa9: {  	[dreg:$0x3] =	wrdreg s5  }
0xaa: {  	[dreg:$0x4] =	wrdreg $0xC0  }
0xab: {  	_ =	task [dreg:s7], $0x5FFFF  }
0xac: {  	[dreg:$0x1] =	wrdreg $0xFFFFFFFF  }
0xad: {  	[dreg:$0x0] =	wrdreg $0x60  }
0xae: {  	[dreg:$0x2] =	wrdreg s24  }
0xaf: {  	[dreg:$0x3] =	wrdreg s2  }
0xb0: {  	[dreg:$0x4] =	wrdreg $0x30000  }
0xb1: {  	[dreg:$0x5] =	wrdreg $0x9  }
0xb2: {  	_ =	task.clear_ibuf [dreg:s7], $0x6FFFF;
	_ =	strace $0x90000046  }
0xb3: {  	s29 =	simm.s32 $0x9;
	_ =	strace $0x80000048  }
0xb4: {  	_ =	swait.ge [sflag:s29], $0x1  }
0xb5: {  	[sflag:s29] =	ssyncadd.s32 $0xFFFFFFFF  }
0xb6: {  	_ =	strace $0x90000048  }
0xb7: {  	_ =	sfence  }
0xb8: {  	s30 =	sld [smem:$0x0];
	_ =	sdelay $0x2  }
0xb9: {  	s31 =	sshll.u32 s1, $0xD;
	s1 =	sshrl.u32 s1, $0x2  }
0xba: {  	s3 =	sand.u32 $0x4000, s31;
	s1 =	sadd.s32 s1, s30  }
0xbb: {  	s0 =	sor.u32 s3, s0;
	s1 =	sshll.u32 s1, $0x11  }
0xbc: {  	s0 =	sor.u32 s1, s0  }
0xbd: {  	s0 =	sadd.s32 $0x8F2B, s0  }
0xbe: {  	[sflag:s0] =	ssyncadd.remote.s32 $0x1  }
0xbf: {  	_ =	sfence.sel $0xFFFF  }
0xc0: {  	[dreg:$0x0] =	wrdreg $0xFFFFFFFF;
	(pc) =	sbr.abs _section_cstart, $3  }
0xc1: {  	[dreg:$0x1] =	wrdreg $0xFFFFFFFF  }
0xc2: {  	_ =	task.clear_ibuf [dreg:s7], $0x2FFFF;
	_ =	strace $0x9FFFFFFF  }
0xc3: {  	(tm) =	ssettm $0x7FFFFFFF  }
tec
execute0_lowered:
.L_overlay_start_1:
0x0: {  	(tag) =	ssettag $0x1  }
0x1: {  	s5 =	rddreg [dreg:$0x0]  }
0x2: {  	s1 =	srdreg.scid;
	s2 =	rddreg [dreg:$0x1]  }
0x3: {  	s0 =	stileid.u32;
	s3 =	rddreg [dreg:$0x2];
	s4 =	simm.s32 $0x0  }
0x4: {  	s26 =	simm.s32 $0x28;
	s6 =	sand.u32 $0x1, s1;
	s8 =	smul.u32 $0x50000, s0  }
0x5: {  	s29 =	sshll.u32 s0, $0x1;
	s1 =	rddreg [dreg:$0x3];
	s24 =	smul.u32 $0x2800, s0  }
0x6: {  	[smem:$0x7FF] =	sst s4;
	s7 =	sor.u32 s6, s29;
	s9 =	smul.u32 $0x28000, s6  }
0x7: {  	_ =	strace $0x80000047;
	s6 =	ssub.s32 $0x2, s6;
	s7 =	smul.u32 $0x1180, s7  }
0x8: {  	s30 =	sshrl.u32 s8, $0x2;
	s31 =	sshrl.u32 s6, $0x1;
	s22 =	sadd.s32 s9, s5  }
0x9: {  	s23 =	ssub.s32 s6, s31;
	s21 =	sadd.s32 s7, s5;
	s5 =	sadd.s32 s30, s3  }
0xa: {  	s25 =	sadd.s32 $0x27E00, s22;
	s22 =	smax.u32 s23, $0x1;
	s23 =	simm.s32 $0x1C00  }
0xb: {  	s6 =	sadd.s32 $0x1400, s5;
	s7 =	sadd.s32 $0x2800, s5;
	s8 =	sadd.s32 $0x3C00, s5  }
0xc: {  	s9 =	sadd.s32 $0x5000, s5;
	s10 =	sadd.s32 $0x6400, s5;
	s11 =	sadd.s32 $0x7800, s5  }
0xd: {  	s12 =	sadd.s32 $0x8C00, s5;
	s13 =	sadd.s32 $0xA000, s5;
	s14 =	sadd.s32 $0xB400, s5  }
0xe: {  	s15 =	sadd.s32 $0xC800, s5;
	s16 =	sadd.s32 $0xDC00, s5;
	s17 =	sadd.s32 $0xF000, s5  }
0xf: {  	s18 =	sadd.s32 $0x10400, s5;
	s19 =	sadd.s32 $0x11800, s5;
	s20 =	sadd.s32 $0x12C00, s5  }
0x10: {  	v0 =	vimm.f32 $0.0e+00;
	s21 =	sadd.s32 $0x4E00, s21;
	s24 =	sadd.s32 s24, s25;
	s25 =	simm.s32 $0x1  }
.LBB2_1:
0x11: {  	s28 =	simm.s32 $0x0;
	s29 =	simm.s32 $0x200  }
.LBB2_2:
0x12: {  	p0 =	sne.s32 s29, $0x4E00;
	[tilespmem:s28+$0x1C70] =	vst v0  }
0x13: {  	[tilespmem:s28+$0x1C00] =	vst v0  }
0x14: {  	[tilespmem:s28+$0x1C10] =	vst v0  }
.Ltmp0:
0x15: {  	[tilespmem:s28+$0x1C20] =	vst v0;
	(pc) =	sbr.rel @p0 .LBB2_2-.Ltmp0, $4  }
0x16: {  	[tilespmem:s28+$0x1C30] =	vst v0  }
0x17: {  	[tilespmem:s28+$0x1C40] =	vst v0  }
0x18: {  	[tilespmem:s28+$0x1C50] =	vst v0  }
0x19: {  	[tilespmem:s28+$0x1C60] =	vst v0;
	s28 =	sshra.s32 s29, $0x2;
	s29 =	sadd.s32 $0x200, s29  }
0x1a: {  	[tilespmem:s28+$0x1C70] =	vst v0  }
0x1b: {  	[tilespmem:s28+$0x1C00] =	vst v0  }
0x1c: {  	[tilespmem:s28+$0x1C10] =	vst v0  }
0x1d: {  	[tilespmem:s28+$0x1C20] =	vst v0  }
0x1e: {  	[tilespmem:s28+$0x1C30] =	vst v0  }
0x1f: {  	[tilespmem:s28+$0x1C40] =	vst v0  }
0x20: {  	[tilespmem:s28+$0x1C50] =	vst v0  }
0x21: {  	[tilespmem:s28+$0x1C60] =	vst v0  }
0x22: {  	[spmem:s5] =	stream.linear.scatter [tilespmem:s23], [sflag:$0x1], $0x1400, $0x38;
	[tilespmem:$0x17000] =	vst v63  }
0x23: {  	_ =	swait.ge [sflag:s25], $0x1400  }
0x24: {  	[sflag:s25] =	ssyncset.done $0x0  }
0x25: {  	[sflag:s25] =	ssyncadd.s32 $0xFFFFEC00  }
0x26: {  	[spmem:s6] =	stream.linear.scatter [tilespmem:s23], [sflag:$0x1], $0x1400, $0x38;
	[tilespmem:$0x17000] =	vst v63  }
0x27: {  	_ =	swait.ge [sflag:s25], $0x1400  }
0x28: {  	[sflag:s25] =	ssyncset.done $0x0  }
0x29: {  	[sflag:s25] =	ssyncadd.s32 $0xFFFFEC00  }
0x2a: {  	[spmem:s7] =	stream.linear.scatter [tilespmem:s23], [sflag:$0x1], $0x1400, $0x38;
	[tilespmem:$0x17000] =	vst v63  }
0x2b: {  	_ =	swait.ge [sflag:s25], $0x1400  }
0x2c: {  	[sflag:s25] =	ssyncset.done $0x0  }
0x2d: {  	[sflag:s25] =	ssyncadd.s32 $0xFFFFEC00  }
0x2e: {  	[spmem:s8] =	stream.linear.scatter [tilespmem:s23], [sflag:$0x1], $0x1400, $0x38;
	[tilespmem:$0x17000] =	vst v63  }
0x2f: {  	_ =	swait.ge [sflag:s25], $0x1400  }
0x30: {  	[sflag:s25] =	ssyncset.done $0x0  }
0x31: {  	[sflag:s25] =	ssyncadd.s32 $0xFFFFEC00  }
0x32: {  	[spmem:s9] =	stream.linear.scatter [tilespmem:s23], [sflag:$0x1], $0x1400, $0x38;
	[tilespmem:$0x17000] =	vst v63  }
0x33: {  	_ =	swait.ge [sflag:s25], $0x1400  }
0x34: {  	[sflag:s25] =	ssyncset.done $0x0  }
0x35: {  	[sflag:s25] =	ssyncadd.s32 $0xFFFFEC00  }
0x36: {  	[spmem:s10] =	stream.linear.scatter [tilespmem:s23], [sflag:$0x1], $0x1400, $0x38;
	[tilespmem:$0x17000] =	vst v63  }
0x37: {  	_ =	swait.ge [sflag:s25], $0x1400  }
0x38: {  	[sflag:s25] =	ssyncset.done $0x0  }
0x39: {  	[sflag:s25] =	ssyncadd.s32 $0xFFFFEC00  }
0x3a: {  	[spmem:s11] =	stream.linear.scatter [tilespmem:s23], [sflag:$0x1], $0x1400, $0x38;
	[tilespmem:$0x17000] =	vst v63  }
0x3b: {  	_ =	swait.ge [sflag:s25], $0x1400  }
0x3c: {  	[sflag:s25] =	ssyncset.done $0x0  }
0x3d: {  	[sflag:s25] =	ssyncadd.s32 $0xFFFFEC00  }
0x3e: {  	[spmem:s12] =	stream.linear.scatter [tilespmem:s23], [sflag:$0x1], $0x1400, $0x38;
	[tilespmem:$0x17000] =	vst v63  }
0x3f: {  	_ =	swait.ge [sflag:s25], $0x1400  }
0x40: {  	[sflag:s25] =	ssyncset.done $0x0  }
0x41: {  	[sflag:s25] =	ssyncadd.s32 $0xFFFFEC00  }
0x42: {  	[spmem:s13] =	stream.linear.scatter [tilespmem:s23], [sflag:$0x1], $0x1400, $0x38;
	[tilespmem:$0x17000] =	vst v63  }
0x43: {  	_ =	swait.ge [sflag:s25], $0x1400  }
0x44: {  	[sflag:s25] =	ssyncset.done $0x0  }
0x45: {  	[sflag:s25] =	ssyncadd.s32 $0xFFFFEC00  }
0x46: {  	[spmem:s14] =	stream.linear.scatter [tilespmem:s23], [sflag:$0x1], $0x1400, $0x38;
	[tilespmem:$0x17000] =	vst v63  }
0x47: {  	_ =	swait.ge [sflag:s25], $0x1400  }
0x48: {  	[sflag:s25] =	ssyncset.done $0x0  }
0x49: {  	[sflag:s25] =	ssyncadd.s32 $0xFFFFEC00  }
0x4a: {  	[spmem:s15] =	stream.linear.scatter [tilespmem:s23], [sflag:$0x1], $0x1400, $0x38;
	[tilespmem:$0x17000] =	vst v63  }
0x4b: {  	_ =	swait.ge [sflag:s25], $0x1400  }
0x4c: {  	[sflag:s25] =	ssyncset.done $0x0  }
0x4d: {  	[sflag:s25] =	ssyncadd.s32 $0xFFFFEC00  }
0x4e: {  	[spmem:s16] =	stream.linear.scatter [tilespmem:s23], [sflag:$0x1], $0x1400, $0x38;
	[tilespmem:$0x17000] =	vst v63  }
0x4f: {  	_ =	swait.ge [sflag:s25], $0x1400  }
0x50: {  	[sflag:s25] =	ssyncset.done $0x0  }
0x51: {  	[sflag:s25] =	ssyncadd.s32 $0xFFFFEC00  }
0x52: {  	[spmem:s17] =	stream.linear.scatter [tilespmem:s23], [sflag:$0x1], $0x1400, $0x38;
	[tilespmem:$0x17000] =	vst v63  }
0x53: {  	_ =	swait.ge [sflag:s25], $0x1400  }
0x54: {  	[sflag:s25] =	ssyncset.done $0x0  }
0x55: {  	[sflag:s25] =	ssyncadd.s32 $0xFFFFEC00  }
0x56: {  	[spmem:s18] =	stream.linear.scatter [tilespmem:s23], [sflag:$0x1], $0x1400, $0x38;
	[tilespmem:$0x17000] =	vst v63  }
0x57: {  	_ =	swait.ge [sflag:s25], $0x1400  }
0x58: {  	[sflag:s25] =	ssyncset.done $0x0  }
0x59: {  	[sflag:s25] =	ssyncadd.s32 $0xFFFFEC00  }
0x5a: {  	[spmem:s19] =	stream.linear.scatter [tilespmem:s23], [sflag:$0x1], $0x1400, $0x38;
	[tilespmem:$0x17000] =	vst v63  }
0x5b: {  	_ =	swait.ge [sflag:s25], $0x1400  }
0x5c: {  	[sflag:s25] =	ssyncset.done $0x0  }
0x5d: {  	[sflag:s25] =	ssyncadd.s32 $0xFFFFEC00  }
0x5e: {  	[spmem:s20] =	stream.linear.scatter [tilespmem:s23], [sflag:$0x1], $0x1400, $0x38;
	[tilespmem:$0x17000] =	vst v63  }
0x5f: {  	_ =	swait.ge [sflag:s25], $0x1400  }
0x60: {  	[sflag:s25] =	ssyncset.done $0x0  }
0x61: {  	s28 =	simm.s32 $0x0;
	[sflag:s25] =	ssyncadd.s32 $0xFFFFEC00  }
0x62: {  	[tilespmem:s23], [sflag:$0x1] =	stream.linear.gather [hbm4b:s2+s28], $0x1400, $0x38;
	[tilespmem:$0x17000] =	vst v63  }
0x63: {  	_ =	swait.ge [sflag:s25], $0x1400  }
0x64: {  	[sflag:s25] =	ssyncset.done $0x0  }
0x65: {  	[sflag:s25] =	ssyncadd.s32 $0xFFFFEC00  }
0x66: {  	[bflag:$0x0] =	sbarrier.arrive $0xFFFF  }
0x67: {  	[tilespmem:s28], [sflag:$0x1] =	stream.linear.gather [hbm4b:s21+s28], $0x1900, $0x38;
	[tilespmem:$0x17000] =	vst v63  }
0x68: {  	_ =	swait.ge [sflag:s25], $0x1900  }
0x69: {  	[sflag:s25] =	ssyncset.done $0x0  }
0x6a: {  	s28 =	simm.s32 $0x0;
	[sflag:s25] =	ssyncadd.s32 $0xFFFFE700  }
0x6b: {  	[spmem:s3] =	stream.indirect.scatter.add.f32 [tilespmem:s23], [sflag:$0x1], $0x80, s28, s26, $0xb8;
	[tilespmem:$0x17000] =	vst v63  }
0x6c: {  	_ =	swait.ge [sflag:s25], $0x1400  }
0x6d: {  	s28 =	simm.s32 $0x200;
	[sflag:s25] =	ssyncset.done $0x0  }
.LBB2_4:
0x6e: {  	s29 =	sshra.s32 s28, $0x2;
	[sflag:s25] =	ssyncadd.s32 $0xFFFFEC00;
	p0 =	sne.s32 s28, $0x6200  }
0x6f: {  	[spmem:s3] =	stream.indirect.scatter.add.f32 [tilespmem:s23], [sflag:$0x1], $0x80, s29, s26, $0xb8;
	[tilespmem:$0x17000] =	vst v63  }
.Ltmp1:
0x70: {  	_ = 	snop;
	(pc) =	sbr.rel @p0 .LBB2_4-.Ltmp1, $4  }
0x71: {  	_ = 	snop  }
0x72: {  	s28 =	sadd.s32 $0x200, s28  }
0x73: {  	_ =	swait.ge [sflag:s25], $0x1400  }
0x74: {  	[sflag:s25] =	ssyncset.done $0x0  }
0x75: {  	[sflag:s25] =	ssyncadd.s32 $0xFFFFEC00;
	s28 =	sadd.s32 $0x380, s21;
	s29 =	simm.s32 $0x0  }
0x76: {  	[tilespmem:s29], [sflag:$0x1] =	stream.linear.gather [hbm4b:s28+s29], $0x1900, $0x38;
	[tilespmem:$0x17000] =	vst v63  }
0x77: {  	_ =	swait.ge [sflag:s25], $0x1900  }
0x78: {  	[sflag:s25] =	ssyncset.done $0x0  }
0x79: {  	s28 =	simm.s32 $0x0;
	[sflag:s25] =	ssyncadd.s32 $0xFFFFE700  }
0x7a: {  	[spmem:s3] =	stream.indirect.scatter.add.f32 [tilespmem:s23], [sflag:$0x1], $0x80, s28, s26, $0xb8;
	[tilespmem:$0x17000] =	vst v63  }
0x7b: {  	_ =	swait.ge [sflag:s25], $0x1400  }
0x7c: {  	s28 =	simm.s32 $0x200;
	[sflag:s25] =	ssyncset.done $0x0  }
.LBB2_6:
0x7d: {  	s29 =	sshra.s32 s28, $0x2;
	[sflag:s25] =	ssyncadd.s32 $0xFFFFEC00;
	p0 =	sne.s32 s28, $0x6200  }
0x7e: {  	[spmem:s3] =	stream.indirect.scatter.add.f32 [tilespmem:s23], [sflag:$0x1], $0x80, s29, s26, $0xb8;
	[tilespmem:$0x17000] =	vst v63  }
.Ltmp2:
0x7f: {  	_ = 	snop;
	(pc) =	sbr.rel @p0 .LBB2_6-.Ltmp2, $4  }
0x80: {  	_ = 	snop  }
0x81: {  	s28 =	sadd.s32 $0x200, s28  }
0x82: {  	_ =	swait.ge [sflag:s25], $0x1400  }
0x83: {  	[sflag:s25] =	ssyncset.done $0x0  }
0x84: {  	[sflag:s25] =	ssyncadd.s32 $0xFFFFEC00;
	s28 =	sadd.s32 $0x700, s21;
	s29 =	simm.s32 $0x0  }
0x85: {  	[tilespmem:s29], [sflag:$0x1] =	stream.linear.gather [hbm4b:s28+s29], $0x1900, $0x38;
	[tilespmem:$0x17000] =	vst v63  }
0x86: {  	_ =	swait.ge [sflag:s25], $0x1900  }
0x87: {  	[sflag:s25] =	ssyncset.done $0x0  }
0x88: {  	s28 =	simm.s32 $0x0;
	[sflag:s25] =	ssyncadd.s32 $0xFFFFE700  }
0x89: {  	[spmem:s3] =	stream.indirect.scatter.add.f32 [tilespmem:s23], [sflag:$0x1], $0x80, s28, s26, $0xb8;
	[tilespmem:$0x17000] =	vst v63  }
0x8a: {  	_ =	swait.ge [sflag:s25], $0x1400  }
0x8b: {  	s28 =	simm.s32 $0x200;
	[sflag:s25] =	ssyncset.done $0x0  }
.LBB2_8:
0x8c: {  	s29 =	sshra.s32 s28, $0x2;
	[sflag:s25] =	ssyncadd.s32 $0xFFFFEC00;
	p0 =	sne.s32 s28, $0x6200  }
0x8d: {  	[spmem:s3] =	stream.indirect.scatter.add.f32 [tilespmem:s23], [sflag:$0x1], $0x80, s29, s26, $0xb8;
	[tilespmem:$0x17000] =	vst v63  }
.Ltmp3:
0x8e: {  	_ = 	snop;
	(pc) =	sbr.rel @p0 .LBB2_8-.Ltmp3, $4  }
0x8f: {  	_ = 	snop  }
0x90: {  	s28 =	sadd.s32 $0x200, s28  }
0x91: {  	_ =	swait.ge [sflag:s25], $0x1400  }
0x92: {  	[sflag:s25] =	ssyncset.done $0x0  }
0x93: {  	[sflag:s25] =	ssyncadd.s32 $0xFFFFEC00;
	s28 =	sadd.s32 $0xA80, s21;
	s29 =	simm.s32 $0x0  }
0x94: {  	[tilespmem:s29], [sflag:$0x1] =	stream.linear.gather [hbm4b:s28+s29], $0x1900, $0x38;
	[tilespmem:$0x17000] =	vst v63  }
0x95: {  	_ =	swait.ge [sflag:s25], $0x1900  }
0x96: {  	[sflag:s25] =	ssyncset.done $0x0  }
0x97: {  	s28 =	simm.s32 $0x0;
	[sflag:s25] =	ssyncadd.s32 $0xFFFFE700  }
0x98: {  	[spmem:s3] =	stream.indirect.scatter.add.f32 [tilespmem:s23], [sflag:$0x1], $0x80, s28, s26, $0xb8;
	[tilespmem:$0x17000] =	vst v63  }
0x99: {  	_ =	swait.ge [sflag:s25], $0x1400  }
0x9a: {  	s28 =	simm.s32 $0x200;
	[sflag:s25] =	ssyncset.done $0x0  }
.LBB2_10:
0x9b: {  	s29 =	sshra.s32 s28, $0x2;
	[sflag:s25] =	ssyncadd.s32 $0xFFFFEC00;
	p0 =	sne.s32 s28, $0x6200  }
0x9c: {  	[spmem:s3] =	stream.indirect.scatter.add.f32 [tilespmem:s23], [sflag:$0x1], $0x80, s29, s26, $0xb8;
	[tilespmem:$0x17000] =	vst v63  }
.Ltmp4:
0x9d: {  	_ = 	snop;
	(pc) =	sbr.rel @p0 .LBB2_10-.Ltmp4, $4  }
0x9e: {  	_ = 	snop  }
0x9f: {  	s28 =	sadd.s32 $0x200, s28  }
0xa0: {  	_ =	swait.ge [sflag:s25], $0x1400  }
0xa1: {  	[sflag:s25] =	ssyncset.done $0x0  }
0xa2: {  	[sflag:s25] =	ssyncadd.s32 $0xFFFFEC00;
	s28 =	sadd.s32 $0xE00, s21;
	s29 =	simm.s32 $0x0  }
0xa3: {  	[tilespmem:s29], [sflag:$0x1] =	stream.linear.gather [hbm4b:s28+s29], $0x1900, $0x38;
	[tilespmem:$0x17000] =	vst v63  }
0xa4: {  	_ =	swait.ge [sflag:s25], $0x1900  }
0xa5: {  	[sflag:s25] =	ssyncset.done $0x0  }
0xa6: {  	s28 =	simm.s32 $0x0;
	[sflag:s25] =	ssyncadd.s32 $0xFFFFE700  }
0xa7: {  	[spmem:s3] =	stream.indirect.scatter.add.f32 [tilespmem:s23], [sflag:$0x1], $0x80, s28, s26, $0xb8;
	[tilespmem:$0x17000] =	vst v63  }
0xa8: {  	_ =	swait.ge [sflag:s25], $0x1400  }
0xa9: {  	s28 =	simm.s32 $0x200;
	[sflag:s25] =	ssyncset.done $0x0  }
.LBB2_12:
0xaa: {  	s29 =	sshra.s32 s28, $0x2;
	[sflag:s25] =	ssyncadd.s32 $0xFFFFEC00;
	p0 =	sne.s32 s28, $0x6200  }
0xab: {  	[spmem:s3] =	stream.indirect.scatter.add.f32 [tilespmem:s23], [sflag:$0x1], $0x80, s29, s26, $0xb8;
	[tilespmem:$0x17000] =	vst v63  }
.Ltmp5:
0xac: {  	_ = 	snop;
	(pc) =	sbr.rel @p0 .LBB2_12-.Ltmp5, $4  }
0xad: {  	_ = 	snop  }
0xae: {  	s28 =	sadd.s32 $0x200, s28  }
0xaf: {  	_ =	swait.ge [sflag:s25], $0x1400  }
0xb0: {  	[sflag:s25] =	ssyncset.done $0x0  }
0xb1: {  	[sflag:s25] =	ssyncadd.s32 $0xFFFFEC00;
	s4 =	sadd.s32 $0x1, s4  }
0xb2: {  	s28 =	sshll.u32 s0, $0x6;
	s29 =	sshrl.u32 s5, $0x3;
	p0 =	sne.s32 s4, s22  }
.Ltmp6:
0xb3: {  	[bflag:$0x0] =	sbarrier.arrive $0xFFFF;
	s28 =	sor.u32 $0x1C01, s28;
	(pc) =	sbr.rel @p0 .LBB2_1-.Ltmp6, $4  }
0xb4: {  	[hbm:s24], [sflag:s28] =	dma.local [spmem:s29], $0x2800  }
0xb5: {  	_ =	swait.ge [sflag:s25], $0x2800  }
0xb6: {  	[sflag:s25] =	ssyncset.done $0x0  }
0xb7: {  	[sflag:s25] =	ssyncadd.s32 $0xFFFFD800  }
0xb8: {  	_ =	sfence.sel $0x180000  }
0xb9: {  	[bflag:$0x0] =	sbarrier.arrive $0xFFFF  }
0xba: {  	p0 =	sne.s32 s0, $0x0;
	_ =	strace $0x90000047  }
0xbb: {  	s0 =	sadd.s32 @!p0 $0x100000, s1;
	[bflag:$0x2] =	sbarrier.arrive $0xFFFF  }
0xbc: {  	[sflag:s0] =	ssyncadd.tile.s32 @!p0 $0x1;
	_ =	shalt  }
.Lfunc_end2:
_tile_overlayer_lowered:
.L_overlay_start_2:
0xbd: {  	(tag) =	ssettag $0x2  }
0xbe: {  	s0 =	rddreg [dreg:$0x0];
	s2 =	stileid.u32  }
0xbf: {  	s1 =	rddreg [dreg:$0x1];
	p0 =	sne.s32 s2, $0x0  }
0xc0: {  	s3 =	rddreg [dreg:$0x2];
	[bflag:$0x3] =	sbarrier.arrive $0xFFFF;
	s2 =	simm.s32 @!p0 $0x1C01  }
0xc1: {  	[timem:s3], [sflag:s2] =	dma.local @!p0 [hbm:s0], s1  }
0xc2: {  	s0 =	simm.s32 @!p0 $0x1  }
0xc3: {  	_ =	swait.ge @!p0 [sflag:s0], s1  }
0xc4: {  	s1 =	ssub.s32 @!p0 $0x0, s1;
	[sflag:s0] =	ssyncset.done @!p0 $0x0  }
0xc5: {  	[sflag:s0] =	ssyncadd.s32 @!p0 s1  }
0xc6: {  	[bflag:$0x3] =	sbarrier.arrive $0xFFFF  }
0xc7: {  	_ =	shalt  }

// kernel: kernel.14.cloned.1.call-start
scs
__scs_entry_jumppad:
0x0: {  	(pc) =	sbr.rel $0x88, $3  }
0x1: {  	(tag) =	ssettag $0x0;
	lr =	simm.s32 $0x1  }
0x2: {  	[smem:$0x3F8C] =	sst lr;
	_ =	strace $0xD0000000  }
0x3: {  	_ = 	snop  }
0x4: {  	_ = 	snop  }
0x5: {  	_ = 	snop  }
0x6: {  	_ = 	snop  }
0x7: {  	_ = 	snop  }
__scs_overlays_trampoline_lowered:
0x8: {  	[smem:$0x3F9B] =	sst s0  }
0x9: {  	[smem:$0x3F9C] =	sst s1  }
0xa: {  	[smem:$0x3F9D] =	sst s2  }
0xb: {  	[smem:$0x3F9E] =	sst s3  }
0xc: {  	[smem:$0x3F9F] =	sst s4  }
0xd: {  	[smem:$0x3FA0] =	sst s5  }
0xe: {  	[smem:$0x3FA1] =	sst s6  }
0xf: {  	[smem:$0x3FA2] =	sst s7  }
0x10: {  	[smem:$0x3FA3] =	sst s8  }
0x11: {  	[smem:$0x3FA4] =	sst s9;
	s0 =	simm.s32 @!p0 $0x0  }
0x12: {  	s1 =	sld [smem:$0x3F8A];
	s0 =	simm.s32 @p0 $0x1  }
0x13: {  	[smem:$0x3FA5] =	sst s0;
	s0 =	simm.s32 @!p1 $0x0  }
0x14: {  	s2 =	sld [smem:$0x3F89];
	s0 =	simm.s32 @p1 $0x1  }
0x15: {  	[smem:$0x3FA6] =	sst s0;
	s0 =	simm.s32 @!p2 $0x0  }
0x16: {  	s3 =	sld [smem:$0x3FDB];
	s0 =	simm.s32 @p2 $0x1  }
0x17: {  	s4 =	simm.s32 $0x1BF5;
	[smem:$0x3FA8] =	sst s0  }
0x18: {  	s0 =	sld [smem:$0x3F8B];
	_ =	swait.ge [sflag:s4], $0x0  }
0x19: {  	s7 =	sld [smem:$0x3F8C]  }
0x1a: {  	s8 =	sadd.s32 $0xFFFFE003, lr  }
0x1b: {  	s9 =	sadd.s32 $0xFFFFFEF7, lr;
	s5 =	simm.s32 $0xFFFFFFFF;
	p2 =	slt.u32 s8, $0xFFFFF086  }
0x1c: {  	p1 =	slt.u32 s9, $0xF7A;
	s5 =	simm.s32 @!p2 $0x0  }
0x1d: {  	s5 =	simm.s32 @p1 $0x1;
	p0 =	seq.s32 s7, s2  }
0x1e: {  	s7 =	smul.u32 @!p0 $0xF7A, s2;
	p2 =	seq.s32 @!p0 s5, $0x0  }
0x1f: {  	s9 =	smul.u32 $0xF7A, s1;
	s8 =	simm.s32 @!p0 $0x1BF5;
	p2 =	por !p2, p0  }
0x20: {  	[sflag:s8] =	ssyncset.s32 @!p0 $0xFFFFF086;
	s6 =	sadd.s32 @!p0 s3, s7;
	s7 =	simm.s32 @!p0 $0x108  }
0x21: {  	s3 =	sadd.s32 s3, s9;
	s6 =	sadd.s32 @!p0 $0x88, s6;
	s7 =	simm.s32 @p2 $0x1082  }
0x22: {  	[simem:s7], [sflag:s8] =	dma.local @!p0 [hbm:s6], $0xF7A  }
0x23: {  	s9 =	sor.u32 $0xD0000000, s2;
	s6 =	simm.s32 $0x108;
	_ =	swait.ge @!p0 [sflag:s8], $0x0  }
0x24: {  	s3 =	sadd.s32 $0x88, s3;
	s6 =	simm.s32 @!p1 $0x1082;
	[sflag:s4] =	ssyncset.s32 $0xFFFFF086  }
0x25: {  	[simem:s6], [sflag:s4] =	dma.local [hbm:s3], $0xF7A  }
0x26: {  	[smem:$0x3F8C] =	sst s1;
	(tag) =	ssettag s2;
	_ =	strace s9  }
0x27: {  	s1 =	sld [smem:$0x3F9C]  }
0x28: {  	s2 =	sld [smem:$0x3F9D]  }
0x29: {  	s4 =	sld [smem:$0x3F9F]  }
0x2a: {  	p0 =	seq.s32 s5, $0x0;
	s5 =	sld [smem:$0x3FA0]  }
0x2b: {  	s6 =	sld [smem:$0x3FA1]  }
0x2c: {  	s7 =	sld [smem:$0x3FA2]  }
0x2d: {  	s3 =	simm.s32 $0x108;
	s8 =	sld [smem:$0x3FA3]  }
0x2e: {  	s3 =	simm.s32 @!p0 $0x1082;
	s9 =	sld [smem:$0x3FA4]  }
0x2f: {  	lr =	sadd.s32 s0, s3;
	s0 =	sld [smem:$0x3F9B]  }
0x30: {  	s3 =	sld [smem:$0x3F9E]  }
0x31: {  	[smem:$0x3FA7] =	sst s10  }
0x32: {  	s10 =	sld [smem:$0x3FA5];
	_ =	sdelay $0x3  }
0x33: {  	p0 =	seq.s32 s10, $0x1;
	s10 =	sld [smem:$0x3FA7];
	_ =	sdelay $0x3  }
0x34: {  	[smem:$0x3FA7] =	sst s10  }
0x35: {  	s10 =	sld [smem:$0x3FA6];
	_ =	sdelay $0x3  }
0x36: {  	p1 =	seq.s32 s10, $0x1;
	s10 =	sld [smem:$0x3FA7];
	_ =	sdelay $0x3  }
0x37: {  	[smem:$0x3FA7] =	sst s10  }
0x38: {  	s10 =	sld [smem:$0x3FA8]  }
0x39: {  	_ = 	snop;
	(pc) =	sbr.ind lr, $3  }
0x3a: {  	_ = 	snop  }
0x3b: {  	_ = 	snop  }
0x3c: {  	p2 =	seq.s32 s10, $0x1;
	s10 =	sld [smem:$0x3FA7]  }
0x3d: {  	_ =	shalt  }
0x3e: {  	_ =	shalt  }
0x3f: {  	_ =	shalt  }
0x40: {  	_ =	shalt  }
0x41: {  	_ =	shalt  }
0x42: {  	_ =	shalt  }
0x43: {  	_ =	shalt  }
0x44: {  	_ =	shalt  }
0x45: {  	_ =	shalt  }
0x46: {  	_ =	shalt  }
0x47: {  	_ =	shalt  }
0x48: {  	_ =	shalt  }
0x49: {  	_ =	shalt  }
0x4a: {  	_ =	shalt  }
0x4b: {  	_ =	shalt  }
0x4c: {  	_ =	shalt  }
0x4d: {  	_ =	shalt  }
0x4e: {  	_ =	shalt  }
0x4f: {  	_ =	shalt  }
0x50: {  	_ =	shalt  }
0x51: {  	_ =	shalt  }
0x52: {  	_ =	shalt  }
0x53: {  	_ =	shalt  }
0x54: {  	_ =	shalt  }
0x55: {  	_ =	shalt  }
0x56: {  	_ =	shalt  }
0x57: {  	_ =	shalt  }
0x58: {  	_ =	shalt  }
0x59: {  	_ =	shalt  }
0x5a: {  	_ =	shalt  }
0x5b: {  	_ =	shalt  }
0x5c: {  	_ =	shalt  }
0x5d: {  	_ =	shalt  }
0x5e: {  	_ =	shalt  }
0x5f: {  	_ =	shalt  }
0x60: {  	_ =	shalt  }
0x61: {  	_ =	shalt  }
0x62: {  	_ =	shalt  }
0x63: {  	_ =	shalt  }
0x64: {  	_ =	shalt  }
0x65: {  	_ =	shalt  }
0x66: {  	_ =	shalt  }
0x67: {  	_ =	shalt  }
0x68: {  	_ =	shalt  }
0x69: {  	_ =	shalt  }
0x6a: {  	_ =	shalt  }
0x6b: {  	_ =	shalt  }
0x6c: {  	_ =	shalt  }
0x6d: {  	_ =	shalt  }
0x6e: {  	_ =	shalt  }
0x6f: {  	_ =	shalt  }
0x70: {  	_ =	shalt  }
0x71: {  	_ =	shalt  }
0x72: {  	_ =	shalt  }
0x73: {  	_ =	shalt  }
0x74: {  	_ =	shalt  }
0x75: {  	_ =	shalt  }
0x76: {  	_ =	shalt  }
0x77: {  	_ =	shalt  }
0x78: {  	_ =	shalt  }
0x79: {  	_ =	shalt  }
0x7a: {  	_ =	shalt  }
0x7b: {  	_ =	shalt  }
0x7c: {  	_ =	shalt  }
0x7d: {  	_ =	shalt  }
0x7e: {  	_ =	shalt  }
0x7f: {  	_ =	shalt  }
0x80: {  	_ =	shalt  }
0x81: {  	_ =	shalt  }
0x82: {  	_ =	shalt  }
0x83: {  	_ =	shalt  }
0x84: {  	_ =	shalt  }
0x85: {  	_ =	shalt  }
0x86: {  	_ =	shalt  }
0x87: {  	_ =	shalt  }
.Lfunc_end0:
.L_simem_size_0:
called_computation.1_lowered:
.L_overlay_start_0:
0x88: {  	s2 =	sld [smem:$0x3FD9]  }
0x89: {  	s3 =	sld [smem:$0x3FFE];
	_ =	sdelay $0x1  }
0x8a: {  	s1 =	srdreg.scid  }
0x8b: {  	s0 =	sand.u32 $0x1, s1  }
0x8c: {  	s16 =	sshll.u32 s0, $0xA;
	s2 =	sadd.s32 s3, s2  }
0x8d: {  	s2 =	sadd.s32 s2, s16  }
0x8e: {  	[smem:$0x3FB3] =	sst s2  }
0x8f: {  	_ = 	snop  }
0x90: {  	(tm) =	ssettm $0x1  }
0x91: {  	s17 =	sld [smem:$0x3FFB];
	_ =	sdelay $0x3  }
0x92: {  	_ =	strace s17  }
0x93: {  	s2 =	sld [smem:$0x3FFC];
	_ =	sdelay $0x3  }
0x94: {  	_ =	strace s2  }
0x95: {  	s2 =	sld [smem:$0x3FFD];
	_ =	sdelay $0x3  }
0x96: {  	_ =	strace s2  }
0x97: {  	_ =	strace $0x8FFFFFFF  }
0x98: {  	s18 =	sld [smem:$0x3FDB];
	_ =	sdelay $0x1  }
0x99: {  	s19 =	simm.s32 $_scs_section_size  }
0x9a: {  	s4 =	simm.s32 $_size__tile_overlayer_lowered;
	s5 =	simm.s32 $_tile_overlayer_lowered  }
0x9b: {  	s22 =	simm.s32 $0x1BFF;
	s21 =	sshll.u32 s5, $0x1;
	s2 =	sadd.s32 s19, s18  }
0x9c: {  	s6 =	simm.s32 $0x0;
	s20 =	sshll.u32 s4, $0x1;
	s4 =	sadd.s32 s21, s2  }
0x9d: {  	[timem:s6], [sflag:s22] =	dma.local [hbm:s4], s20  }
0x9e: {  	_ =	swait.ge [sflag:s22], s20  }
0x9f: {  	s3 =	ssub.s32 $0x0, s20;
	[sflag:s22] =	ssyncset.done $0x0  }
0xa0: {  	[sflag:s22] =	ssyncadd.s32 s3;
	_ =	sdelay $0x1  }
0xa1: {  	s23 =	simm.s32 $0x1B8B  }
0xa2: {  	_ =	swait.ge [sflag:s23], $0x1  }
0xa3: {  	[sflag:s23] =	ssyncset.done $0x0  }
0xa4: {  	s25 =	simm.s32 $0x1B8E;
	s24 =	sld [smem:$0x3FFE];
	[sflag:s23] =	ssyncadd.s32 $0xFFFFFFFF  }
0xa5: {  	s26 =	simm.s32 $execute0_lowered;
	[smem:$0x3FD2] =	sst s25  }
0xa6: {  	s4 =	sshll.u32 s26, $0x1;
	_ =	strace $0x80000049;
	[dreg:$0x1] =	wrdreg $0xFFFFFFFF  }
0xa7: {  	s28 =	simm.s32 $_size_execute0_lowered;
	s2 =	sadd.s32 s2, s4;
	[dreg:$0x0] =	wrdreg $0x0  }
0xa8: {  	s4 =	sshll.u32 s28, $0x1;
	[dreg:$0x2] =	wrdreg s2  }
0xa9: {  	[dreg:$0x3] =	wrdreg s4  }
0xaa: {  	[dreg:$0x4] =	wrdreg $0xC0  }
0xab: {  	_ =	task [dreg:s6], $0x5FFFF  }
0xac: {  	[dreg:$0x1] =	wrdreg $0xFFFFFFFF  }
0xad: {  	[dreg:$0x0] =	wrdreg $0x60  }
0xae: {  	[dreg:$0x2] =	wrdreg s24  }
0xaf: {  	[dreg:$0x3] =	wrdreg $0x9C000  }
0xb0: {  	[dreg:$0x4] =	wrdreg $0x9  }
0xb1: {  	_ =	task.clear_ibuf [dreg:s6], $0x5FFFF;
	_ =	strace $0x90000049  }
0xb2: {  	s29 =	simm.s32 $0x9;
	_ =	strace $0x8000004B  }
0xb3: {  	_ =	swait.ge [sflag:s29], $0x1  }
0xb4: {  	[sflag:s29] =	ssyncadd.s32 $0xFFFFFFFF  }
0xb5: {  	_ =	strace $0x9000004B  }
0xb6: {  	_ =	sfence  }
0xb7: {  	s30 =	sld [smem:$0x0];
	_ =	sdelay $0x2  }
0xb8: {  	s31 =	sshll.u32 s1, $0xD;
	s1 =	sshrl.u32 s1, $0x2  }
0xb9: {  	s3 =	sand.u32 $0x4000, s31;
	s1 =	sadd.s32 s1, s30  }
0xba: {  	s0 =	sor.u32 s3, s0;
	s1 =	sshll.u32 s1, $0x11  }
0xbb: {  	s0 =	sor.u32 s1, s0  }
0xbc: {  	s0 =	sadd.s32 $0x8F2B, s0  }
0xbd: {  	[sflag:s0] =	ssyncadd.remote.s32 $0x1  }
0xbe: {  	_ =	sfence.sel $0xFFFF  }
0xbf: {  	[dreg:$0x0] =	wrdreg $0xFFFFFFFF;
	(pc) =	sbr.abs _section_cstart, $3  }
0xc0: {  	[dreg:$0x1] =	wrdreg $0xFFFFFFFF  }
0xc1: {  	_ =	task.clear_ibuf [dreg:s6], $0x2FFFF;
	_ =	strace $0x9FFFFFFF  }
0xc2: {  	(tm) =	ssettm $0x7FFFFFFF  }
0xc3: {  	_ =	shalt  }
tec
execute0_lowered:
.L_overlay_start_1:
0x0: {  	(tag) =	ssettag $0x1  }
0x1: {  	s0 =	rddreg [dreg:$0x0];
	s1 =	srdreg.scid  }
0x2: {  	s9 =	stileid.u32;
	s2 =	rddreg [dreg:$0x1]  }
0x3: {  	s3 =	simm.s32 $0x0;
	s1 =	sand.u32 $0x1, s1;
	s4 =	sshll.u32 s9, $0x1  }
0x4: {  	s28 =	simm.s32 $0x28;
	s6 =	smul.u32 $0x50000, s9;
	s4 =	sor.u32 s1, s4  }
0x5: {  	s29 =	simm.s32 $0x80;
	s30 =	simm.s32 $0x4C00;
	s5 =	smul.u32 $0x1180, s4  }
0x6: {  	s31 =	simm.s32 $0x100;
	[smem:$0x7FF] =	sst s3;
	s6 =	sshrl.u32 s6, $0x2  }
0x7: {  	s26 =	smul.u32 $0x2800, s9;
	s8 =	sadd.s32 s5, s0;
	s5 =	sadd.s32 s6, s2  }
0x8: {  	_ =	strace $0x8000004A;
	s7 =	smul.u32 $0x28000, s1;
	s6 =	sadd.s32 $0x1400, s5  }
0x9: {  	s1 =	ssub.s32 $0x2, s1;
	s18 =	sadd.s32 $0x2800, s5;
	[dreg:$0x3] =	wrdreg s6  }
0xa: {  	s4 =	sadd.s32 $0x27E00, s0;
	s19 =	sadd.s32 $0x3C00, s5;
	[dreg:$0x4] =	wrdreg s18  }
0xb: {  	s17 =	sshrl.u32 s1, $0x1;
	s20 =	sadd.s32 $0x5000, s5;
	[dreg:$0x5] =	wrdreg s19  }
0xc: {  	s1 =	ssub.s32 s1, s17;
	s21 =	sadd.s32 $0x6400, s5;
	[dreg:$0x6] =	wrdreg s20  }
0xd: {  	s0 =	sadd.s32 s7, s0;
	s22 =	sadd.s32 $0x7800, s5;
	[dreg:$0x7] =	wrdreg s21  }
0xe: {  	s23 =	sadd.s32 $0x8C00, s5;
	s24 =	sadd.s32 $0xA000, s5;
	[dreg:$0x8] =	wrdreg s22  }
0xf: {  	s25 =	sadd.s32 $0xB400, s5;
	s15 =	sadd.s32 $0xC800, s5;
	[dreg:$0x9] =	wrdreg s23  }
0x10: {  	s16 =	sadd.s32 $0xDC00, s5;
	s17 =	sadd.s32 $0xF000, s5;
	[dreg:$0xa] =	wrdreg s24  }
.Ltmp0:
0x11: {  	s0 =	sadd.s32 $0x9AE00, s0;
	[dreg:$0xb] =	wrdreg s25;
	(pc) =	sbr.rel .LBB2_1-.Ltmp0, $4  }
0x12: {  	s18 =	sadd.s32 $0x10400, s5;
	s19 =	sadd.s32 $0x11800, s5;
	s20 =	sadd.s32 $0x12C00, s5  }
0x13: {  	s21 =	sadd.s32 $0x77E00, s8;
	s22 =	sadd.s32 $0x4E00, s8;
	s23 =	smax.u32 s1, $0x1  }
0x14: {  	s24 =	sadd.s32 s26, s0;
	s25 =	simm.s32 $0x3800;
	s26 =	simm.s32 $0x6  }
0x15: {  	v0 =	vimm.f32 $0.0e+00;
	s1 =	simm.s32 $0x6000;
	s0 =	simm.s32 $0x180;
	s6 =	simm.s32 $0x7400  }
.LBB2_10:
0x16: {  	s7 =	stileid.u32;
	s3 =	sadd.s32 $0x1, s3  }
0x17: {  	[bflag:$0x0] =	sbarrier.arrive $0xFFFF;
	s7 =	sshll.u32 s7, $0x6;
	p0 =	sne.s32 s3, s23  }
.Ltmp1:
0x18: {  	s8 =	sshrl.u32 s5, $0x3;
	s7 =	sor.u32 $0x1C06, s7;
	(pc) =	sbr.rel @!p0 .LBB2_11-.Ltmp1, $4  }
0x19: {  	[hbm:s24], [sflag:s7] =	dma.local [spmem:s8], $0x2800  }
0x1a: {  	_ =	swait.ge [sflag:s26], $0x2800  }
0x1b: {  	[sflag:s26] =	ssyncset.done $0x0  }
0x1c: {  	[sflag:s26] =	ssyncadd.s32 $0xFFFFD800  }
.LBB2_1:
0x1d: {  	s7 =	simm.s32 $0x0;
	s8 =	simm.s32 $0x200  }
.LBB2_2:
0x1e: {  	p0 =	sne.s32 s8, $0x4E00;
	[tilespmem:s7+$0x3870] =	vst v0  }
0x1f: {  	[tilespmem:s7+$0x3800] =	vst v0  }
0x20: {  	[tilespmem:s7+$0x3810] =	vst v0  }
.Ltmp2:
0x21: {  	[tilespmem:s7+$0x3820] =	vst v0;
	(pc) =	sbr.rel @p0 .LBB2_2-.Ltmp2, $4  }
0x22: {  	[tilespmem:s7+$0x3830] =	vst v0  }
0x23: {  	[tilespmem:s7+$0x3840] =	vst v0  }
0x24: {  	[tilespmem:s7+$0x3850] =	vst v0  }
0x25: {  	[tilespmem:s7+$0x3860] =	vst v0;
	s7 =	sshra.s32 s8, $0x2;
	s8 =	sadd.s32 $0x200, s8  }
0x26: {  	[tilespmem:s7+$0x3870] =	vst v0  }
0x27: {  	[tilespmem:s7+$0x3800] =	vst v0  }
0x28: {  	[tilespmem:s7+$0x3810] =	vst v0  }
0x29: {  	[tilespmem:s7+$0x3820] =	vst v0  }
0x2a: {  	[tilespmem:s7+$0x3830] =	vst v0  }
0x2b: {  	[tilespmem:s7+$0x3840] =	vst v0  }
0x2c: {  	[tilespmem:s7+$0x3850] =	vst v0  }
0x2d: {  	[tilespmem:s7+$0x3860] =	vst v0  }
0x2e: {  	[spmem:s5] =	stream.linear.scatter [tilespmem:s25], [sflag:$0x6], $0x1400, $0x38;
	[tilespmem:$0x1DC00] =	vst v63  }
0x2f: {  	_ =	swait.ge [sflag:s26], $0x1400  }
0x30: {  	[sflag:s26] =	ssyncset.done $0x0  }
0x31: {  	s13 =	rddreg [dreg:$0x3];
	[sflag:s26] =	ssyncadd.s32 $0xFFFFEC00  }
0x32: {  	[spmem:s13] =	stream.linear.scatter [tilespmem:s25], [sflag:$0x6], $0x1400, $0x38;
	[tilespmem:$0x1DC00] =	vst v63  }
0x33: {  	_ =	swait.ge [sflag:s26], $0x1400  }
0x34: {  	[sflag:s26] =	ssyncset.done $0x0  }
0x35: {  	s14 =	rddreg [dreg:$0x4];
	[sflag:s26] =	ssyncadd.s32 $0xFFFFEC00  }
0x36: {  	[spmem:s14] =	stream.linear.scatter [tilespmem:s25], [sflag:$0x6], $0x1400, $0x38;
	[tilespmem:$0x1DC00] =	vst v63  }
0x37: {  	_ =	swait.ge [sflag:s26], $0x1400  }
0x38: {  	[sflag:s26] =	ssyncset.done $0x0  }
0x39: {  	s8 =	rddreg [dreg:$0x5];
	[sflag:s26] =	ssyncadd.s32 $0xFFFFEC00  }
0x3a: {  	[spmem:s8] =	stream.linear.scatter [tilespmem:s25], [sflag:$0x6], $0x1400, $0x38;
	[tilespmem:$0x1DC00] =	vst v63  }
0x3b: {  	_ =	swait.ge [sflag:s26], $0x1400  }
0x3c: {  	[sflag:s26] =	ssyncset.done $0x0  }
0x3d: {  	s9 =	rddreg [dreg:$0x6];
	[sflag:s26] =	ssyncadd.s32 $0xFFFFEC00  }
0x3e: {  	[spmem:s9] =	stream.linear.scatter [tilespmem:s25], [sflag:$0x6], $0x1400, $0x38;
	[tilespmem:$0x1DC00] =	vst v63  }
0x3f: {  	_ =	swait.ge [sflag:s26], $0x1400  }
0x40: {  	[sflag:s26] =	ssyncset.done $0x0  }
0x41: {  	s10 =	rddreg [dreg:$0x7];
	[sflag:s26] =	ssyncadd.s32 $0xFFFFEC00  }
0x42: {  	[spmem:s10] =	stream.linear.scatter [tilespmem:s25], [sflag:$0x6], $0x1400, $0x38;
	[tilespmem:$0x1DC00] =	vst v63  }
0x43: {  	_ =	swait.ge [sflag:s26], $0x1400  }
0x44: {  	[sflag:s26] =	ssyncset.done $0x0  }
0x45: {  	s11 =	rddreg [dreg:$0x8];
	[sflag:s26] =	ssyncadd.s32 $0xFFFFEC00  }
0x46: {  	[spmem:s11] =	stream.linear.scatter [tilespmem:s25], [sflag:$0x6], $0x1400, $0x38;
	[tilespmem:$0x1DC00] =	vst v63  }
0x47: {  	_ =	swait.ge [sflag:s26], $0x1400  }
0x48: {  	[sflag:s26] =	ssyncset.done $0x0  }
0x49: {  	s12 =	rddreg [dreg:$0x9];
	[sflag:s26] =	ssyncadd.s32 $0xFFFFEC00  }
0x4a: {  	[spmem:s12] =	stream.linear.scatter [tilespmem:s25], [sflag:$0x6], $0x1400, $0x38;
	[tilespmem:$0x1DC00] =	vst v63  }
0x4b: {  	_ =	swait.ge [sflag:s26], $0x1400  }
0x4c: {  	[sflag:s26] =	ssyncset.done $0x0  }
0x4d: {  	s13 =	rddreg [dreg:$0xa];
	[sflag:s26] =	ssyncadd.s32 $0xFFFFEC00  }
0x4e: {  	[spmem:s13] =	stream.linear.scatter [tilespmem:s25], [sflag:$0x6], $0x1400, $0x38;
	[tilespmem:$0x1DC00] =	vst v63  }
0x4f: {  	_ =	swait.ge [sflag:s26], $0x1400  }
0x50: {  	[sflag:s26] =	ssyncset.done $0x0  }
0x51: {  	s14 =	rddreg [dreg:$0xb];
	[sflag:s26] =	ssyncadd.s32 $0xFFFFEC00  }
0x52: {  	[spmem:s14] =	stream.linear.scatter [tilespmem:s25], [sflag:$0x6], $0x1400, $0x38;
	[tilespmem:$0x1DC00] =	vst v63  }
0x53: {  	_ =	swait.ge [sflag:s26], $0x1400  }
0x54: {  	[sflag:s26] =	ssyncset.done $0x0  }
0x55: {  	[sflag:s26] =	ssyncadd.s32 $0xFFFFEC00  }
0x56: {  	[spmem:s15] =	stream.linear.scatter [tilespmem:s25], [sflag:$0x6], $0x1400, $0x38;
	[tilespmem:$0x1DC00] =	vst v63  }
0x57: {  	_ =	swait.ge [sflag:s26], $0x1400  }
0x58: {  	[sflag:s26] =	ssyncset.done $0x0  }
0x59: {  	[sflag:s26] =	ssyncadd.s32 $0xFFFFEC00  }
0x5a: {  	[spmem:s16] =	stream.linear.scatter [tilespmem:s25], [sflag:$0x6], $0x1400, $0x38;
	[tilespmem:$0x1DC00] =	vst v63  }
0x5b: {  	_ =	swait.ge [sflag:s26], $0x1400  }
0x5c: {  	[sflag:s26] =	ssyncset.done $0x0  }
0x5d: {  	[sflag:s26] =	ssyncadd.s32 $0xFFFFEC00  }
0x5e: {  	[spmem:s17] =	stream.linear.scatter [tilespmem:s25], [sflag:$0x6], $0x1400, $0x38;
	[tilespmem:$0x1DC00] =	vst v63  }
0x5f: {  	_ =	swait.ge [sflag:s26], $0x1400  }
0x60: {  	[sflag:s26] =	ssyncset.done $0x0  }
0x61: {  	[sflag:s26] =	ssyncadd.s32 $0xFFFFEC00  }
0x62: {  	[spmem:s18] =	stream.linear.scatter [tilespmem:s25], [sflag:$0x6], $0x1400, $0x38;
	[tilespmem:$0x1DC00] =	vst v63  }
0x63: {  	_ =	swait.ge [sflag:s26], $0x1400  }
0x64: {  	[sflag:s26] =	ssyncset.done $0x0  }
0x65: {  	[sflag:s26] =	ssyncadd.s32 $0xFFFFEC00  }
0x66: {  	[spmem:s19] =	stream.linear.scatter [tilespmem:s25], [sflag:$0x6], $0x1400, $0x38;
	[tilespmem:$0x1DC00] =	vst v63  }
0x67: {  	_ =	swait.ge [sflag:s26], $0x1400  }
0x68: {  	[sflag:s26] =	ssyncset.done $0x0  }
0x69: {  	[sflag:s26] =	ssyncadd.s32 $0xFFFFEC00  }
0x6a: {  	[spmem:s20] =	stream.linear.scatter [tilespmem:s25], [sflag:$0x6], $0x1400, $0x38;
	[tilespmem:$0x1DC00] =	vst v63  }
.Ltmp3:
0x6b: {  	_ =	swait.ge [sflag:s26], $0x1400;
	(pc) =	sbr.rel .LBB2_4-.Ltmp3, $4  }
0x6c: {  	[sflag:s26] =	ssyncset.done $0x0  }
0x6d: {  	[sflag:s26] =	ssyncadd.s32 $0xFFFFEC00  }
0x6e: {  	[bflag:$0x0] =	sbarrier.arrive $0xFFFF  }
0x6f: {  	s7 =	simm.s32 $0x0;
	s8 =	simm.s32 $0x0  }
.LBB2_9:
0x70: {  	s8 =	sadd.s32 $0x1, s8  }
0x71: {  	p0 =	sne.s32 s8, $0x5  }
.Ltmp4:
0x72: {  	_ = 	snop;
	(pc) =	sbr.rel @!p0 .LBB2_10-.Ltmp4, $1  }
0x73: {  	_ =	sdelay $0x3  }
.LBB2_4:
0x74: {  	s9 =	smul.u32 $0x380, s8;
	_ =	sdelay $0x1  }
0x75: {  	s10 =	sadd.s32 s9, s21  }
0x76: {  	[tilespmem:s7], [sflag:$0x6] =	stream.linear.gather [hbm4b:s10+s7], $0x1900, $0x38;
	[tilespmem:$0x1DC00] =	vst v63  }
0x77: {  	_ =	swait.ge [sflag:s26], $0x1900  }
0x78: {  	[sflag:s26] =	ssyncset.done $0x0  }
0x79: {  	s14 =	sadd.s32 s9, s22;
	s9 =	simm.s32 $0x1C00;
	[sflag:s26] =	ssyncadd.s32 $0xFFFFE700  }
0x7a: {  	[tilespmem:s9], [sflag:$0x6] =	stream.linear.gather [hbm4b:s14+s7], $0x1900, $0x38;
	[tilespmem:$0x1DC00] =	vst v63  }
0x7b: {  	_ =	swait.ge [sflag:s26], $0x1900  }
0x7c: {  	[sflag:s26] =	ssyncset.done $0x0  }
0x7d: {  	[sflag:s26] =	ssyncadd.s32 $0xFFFFE700  }
0x7e: {  	[tilespmem:s25], [sflag:$0x1] =	stream.indirect.gather [hbm4b:s4+s28], $0x80, s7, s28, $0xb8;
	[tilespmem:$0x1DC00] =	vst v63  }
0x7f: {  	_ = 	snop  }
0x80: {  	[tilespmem:s30], [sflag:$0x2] =	stream.indirect.gather [hbm4b:s4+s28], $0x80, s29, s28, $0xb8;
	[tilespmem:$0x1DC00] =	vst v63  }
.Ltmp5:
0x81: {  	_ = 	snop;
	(pc) =	sbr.rel .LBB2_5-.Ltmp5, $4  }
0x82: {  	_ = 	snop  }
0x83: {  	[tilespmem:s1], [sflag:$0x3] =	stream.indirect.gather [hbm4b:s4+s28], $0x80, s31, s28, $0xb8;
	[tilespmem:$0x1DC00] =	vst v63  }
0x84: {  	s11 =	simm.s32 $0x0;
	s10 =	simm.s32 $0x200  }
0x85: {  	[tilespmem:s6], [sflag:$0x4] =	stream.indirect.gather [hbm4b:s4+s28], $0x80, s0, s28, $0xb8;
	[tilespmem:$0x1DC00] =	vst v63  }
.LBB2_7:
0x86: {  	p0 =	seq.s32 s12, $0x2  }
0x87: {  	s13 =	simm.s32 @p0 $0x3  }
0x88: {  	p1 =	sgt.u32 @p0 s11, $0x2D;
	_ =	swait.ge @p0 [sflag:s13], $0x1400  }
0x89: {  	p2 =	seq.s32 @!p0 s12, $0x3;
	p1 =	por p1, !p0;
	[sflag:s13] =	ssyncset.done @p0 $0x0  }
0x8a: {  	s14 =	simm.s32 @!p1 $0x4C00;
	[sflag:s13] =	ssyncadd.s32 @p0 $0xFFFFEC00;
	s13 =	simm.s32 @!p1 $0x28  }
0x8b: {  	[tilespmem:s14], [sflag:$0x2] =	stream.indirect.gather @!p1 [hbm4b:s4+s13], $0x80, s10, s13, $0xb8;
	[tilespmem:$0x1DC00] =	vst v63  }
0x8c: {  	s13 =	simm.s32 @p0 $0x28;
	p1 =	por !p2, p0  }
0x8d: {  	s14 =	simm.s32 @p0 $0x6000;
	p3 =	sgt.u32 @!p1 s11, $0x2D;
	s12 =	simm.s32 @!p1 $0x4  }
0x8e: {  	[spmem:s2] =	stream.indirect.scatter.add.f32 @p0 [tilespmem:s14], [sflag:$0x7], $0x80, s9, s13, $0xb8;
	[tilespmem:$0x1DC00] =	vst v63  }
0x8f: {  	p3 =	por @!p0 p3, !p2;
	_ =	swait.ge @!p1 [sflag:s12], $0x1400  }
0x90: {  	p3 =	por p3, p0;
	[sflag:s12] =	ssyncset.done @!p1 $0x0  }
0x91: {  	s13 =	simm.s32 @!p3 $0x6000;
	[sflag:s12] =	ssyncadd.s32 @!p1 $0xFFFFEC00;
	s12 =	simm.s32 @!p3 $0x28  }
0x92: {  	[tilespmem:s13], [sflag:$0x3] =	stream.indirect.gather @!p3 [hbm4b:s4+s12], $0x80, s10, s12, $0xb8;
	[tilespmem:$0x1DC00] =	vst v63  }
0x93: {  	s12 =	simm.s32 @!p1 $0x28;
	s13 =	simm.s32 @!p1 $0x7400;
	p3 =	por p2, p0  }
0x94: {  	[spmem:s2] =	stream.indirect.scatter.add.f32 @!p1 [tilespmem:s13], [sflag:$0x7], $0x80, s9, s12, $0xb8;
	[tilespmem:$0x1DC00] =	vst v63  }
0x95: {  	p4 =	sgt.u32 @!p3 s11, $0x2D;
	s12 =	simm.s32 @!p3 $0x5  }
0x96: {  	p2 =	por @!p0 p4, p2;
	_ =	swait.ge @!p3 [sflag:s12], $0x1400  }
0x97: {  	p2 =	por p2, p0;
	[sflag:s12] =	ssyncset.done @!p3 $0x0  }
0x98: {  	s13 =	simm.s32 @!p2 $0x7400;
	[sflag:s12] =	ssyncadd.s32 @!p3 $0xFFFFEC00;
	s12 =	simm.s32 @!p2 $0x28  }
0x99: {  	[tilespmem:s13], [sflag:$0x4] =	stream.indirect.gather @!p2 [hbm4b:s4+s12], $0x80, s10, s12, $0xb8;
	[tilespmem:$0x1DC00] =	vst v63  }
0x9a: {  	s12 =	simm.s32 @!p1 $0x7  }
0x9b: {  	s14 =	simm.s32 @!p3 $0x8800;
	s13 =	simm.s32 @!p3 $0x28;
	s12 =	simm.s32 @p1 $0x6  }
0x9c: {  	[spmem:s2] =	stream.indirect.scatter.add.f32 @!p3 [tilespmem:s14], [sflag:$0x6], $0x80, s9, s13, $0xb8;
	[tilespmem:$0x1DC00] =	vst v63  }
0x9d: {  	s12 =	simm.s32 @p0 $0x7  }
.LBB2_8:
0x9e: {  	s11 =	sadd.s32 $0x1, s11  }
0x9f: {  	p0 =	sne.s32 s11, $0x32  }
.Ltmp6:
0xa0: {  	_ = 	snop;
	(pc) =	sbr.rel @!p0 .LBB2_9-.Ltmp6, $4  }
0xa1: {  	_ = 	snop  }
0xa2: {  	_ =	swait.ge [sflag:s12], $0x1400  }
0xa3: {  	[sflag:s12] =	ssyncset.done $0x0  }
0xa4: {  	s10 =	sadd.s32 $0x80, s10;
	s9 =	sadd.s32 $0x80, s9;
	[sflag:s12] =	ssyncadd.s32 $0xFFFFEC00  }
.LBB2_5:
0xa5: {  	s12 =	smul.u32 $0xCD, s11;
	_ =	sdelay $0x1  }
0xa6: {  	s12 =	sshrl.u32 s12, $0xA  }
0xa7: {  	s12 =	sand.u32 $0x3F, s12  }
0xa8: {  	s12 =	smul.u32 $0x5, s12;
	_ =	sdelay $0x1  }
0xa9: {  	s12 =	ssub.s32 s11, s12  }
0xaa: {  	s12 =	sand.u32 $0xFF, s12  }
0xab: {  	p0 =	sgt.s32 s12, $0x1  }
.Ltmp7:
0xac: {  	_ = 	snop;
	(pc) =	sbr.rel @p0 .LBB2_7-.Ltmp7, $1  }
0xad: {  	_ =	sdelay $0x3  }
0xae: {  	p0 =	seq.s32 s12, $0x0  }
0xaf: {  	s12 =	simm.s32 @p0 $0x1  }
0xb0: {  	p1 =	sgt.u32 @p0 s11, $0x2D;
	_ =	swait.ge @p0 [sflag:s12], $0x1400  }
0xb1: {  	p1 =	por p1, !p0;
	[sflag:s12] =	ssyncset.done @p0 $0x0  }
0xb2: {  	s13 =	simm.s32 @!p1 $0x8800;
	[sflag:s12] =	ssyncadd.s32 @p0 $0xFFFFEC00;
	s12 =	simm.s32 @!p1 $0x28  }
0xb3: {  	[tilespmem:s13], [sflag:$0x5] =	stream.indirect.gather @!p1 [hbm4b:s4+s12], $0x80, s10, s12, $0xb8;
	[tilespmem:$0x1DC00] =	vst v63  }
0xb4: {  	s12 =	simm.s32 @p0 $0x28;
	s13 =	simm.s32 @p0 $0x3800  }
0xb5: {  	[spmem:s2] =	stream.indirect.scatter.add.f32 @p0 [tilespmem:s13], [sflag:$0x7], $0x80, s9, s12, $0xb8;
	[tilespmem:$0x1DC00] =	vst v63  }
0xb6: {  	s12 =	simm.s32 @!p0 $0x2  }
0xb7: {  	p1 =	sgt.u32 @!p0 s11, $0x2D;
	_ =	swait.ge @!p0 [sflag:s12], $0x1400  }
0xb8: {  	p1 =	por p1, p0;
	[sflag:s12] =	ssyncset.done @!p0 $0x0  }
0xb9: {  	s13 =	simm.s32 @!p1 $0x3800;
	[sflag:s12] =	ssyncadd.s32 @!p0 $0xFFFFEC00;
	s12 =	simm.s32 @!p1 $0x28  }
0xba: {  	[tilespmem:s13], [sflag:$0x1] =	stream.indirect.gather @!p1 [hbm4b:s4+s12], $0x80, s10, s12, $0xb8;
	[tilespmem:$0x1DC00] =	vst v63  }
.Ltmp8:
0xbb: {  	_ = 	snop;
	(pc) =	sbr.rel .LBB2_8-.Ltmp8, $4  }
0xbc: {  	s12 =	simm.s32 @!p0 $0x28;
	s13 =	simm.s32 @!p0 $0x4C00  }
0xbd: {  	[spmem:s2] =	stream.indirect.scatter.add.f32 @!p0 [tilespmem:s13], [sflag:$0x7], $0x80, s9, s12, $0xb8;
	[tilespmem:$0x1DC00] =	vst v63  }
0xbe: {  	s12 =	simm.s32 @!p0 $0x7  }
0xbf: {  	s12 =	simm.s32 @p0 $0x7  }
.LBB2_11:
0xc0: {  	_ =	sfence.sel $0x180000  }
0xc1: {  	[bflag:$0x0] =	sbarrier.arrive $0xFFFF  }
0xc2: {  	_ =	strace $0x9000004A  }
0xc3: {  	s0 =	stileid.u32;
	[bflag:$0x2] =	sbarrier.arrive $0xFFFF  }
0xc4: {  	p0 =	sne.s32 s0, $0x0;
	s0 =	rddreg [dreg:$0x2]  }
0xc5: {  	s0 =	sadd.s32 @!p0 $0x100000, s0  }
0xc6: {  	[sflag:s0] =	ssyncadd.tile.s32 @!p0 $0x1;
	_ =	shalt  }
.Lfunc_end2:
_tile_overlayer_lowered:
.L_overlay_start_2:
0xc7: {  	(tag) =	ssettag $0x2  }
0xc8: {  	s0 =	rddreg [dreg:$0x0];
	s2 =	stileid.u32  }
0xc9: {  	s1 =	rddreg [dreg:$0x1];
	p0 =	sne.s32 s2, $0x0  }
0xca: {  	s3 =	rddreg [dreg:$0x2];
	[bflag:$0x3] =	sbarrier.arrive $0xFFFF;
	s2 =	simm.s32 @!p0 $0x1C06  }
0xcb: {  	[timem:s3], [sflag:s2] =	dma.local @!p0 [hbm:s0], s1  }
0xcc: {  	s0 =	simm.s32 @!p0 $0x6  }
0xcd: {  	_ =	swait.ge @!p0 [sflag:s0], s1  }
0xce: {  	s1 =	ssub.s32 @!p0 $0x0, s1;
	[sflag:s0] =	ssyncset.done @!p0 $0x0  }
0xcf: {  	[sflag:s0] =	ssyncadd.s32 @!p0 s1  }
0xd0: {  	[bflag:$0x3] =	sbarrier.arrive $0xFFFF  }
0xd1: {  	_ =	shalt  }

// kernel: kernel.17.cloned.1.call-start
scs
__scs_entry_jumppad:
0x0: {  	(pc) =	sbr.rel $0x88, $3  }
0x1: {  	(tag) =	ssettag $0x0;
	lr =	simm.s32 $0x1  }
0x2: {  	[smem:$0x3F8C] =	sst lr;
	_ =	strace $0xD0000000  }
0x3: {  	_ = 	snop  }
0x4: {  	_ = 	snop  }
0x5: {  	_ = 	snop  }
0x6: {  	_ = 	snop  }
0x7: {  	_ = 	snop  }
__scs_overlays_trampoline_lowered:
0x8: {  	[smem:$0x3F9B] =	sst s0  }
0x9: {  	[smem:$0x3F9C] =	sst s1  }
0xa: {  	[smem:$0x3F9D] =	sst s2  }
0xb: {  	[smem:$0x3F9E] =	sst s3  }
0xc: {  	[smem:$0x3F9F] =	sst s4  }
0xd: {  	[smem:$0x3FA0] =	sst s5  }
0xe: {  	[smem:$0x3FA1] =	sst s6  }
0xf: {  	[smem:$0x3FA2] =	sst s7  }
0x10: {  	[smem:$0x3FA3] =	sst s8  }
0x11: {  	[smem:$0x3FA4] =	sst s9;
	s0 =	simm.s32 @!p0 $0x0  }
0x12: {  	s1 =	sld [smem:$0x3F8A];
	s0 =	simm.s32 @p0 $0x1  }
0x13: {  	[smem:$0x3FA5] =	sst s0;
	s0 =	simm.s32 @!p1 $0x0  }
0x14: {  	s2 =	sld [smem:$0x3F89];
	s0 =	simm.s32 @p1 $0x1  }
0x15: {  	[smem:$0x3FA6] =	sst s0;
	s0 =	simm.s32 @!p2 $0x0  }
0x16: {  	s3 =	sld [smem:$0x3FDB];
	s0 =	simm.s32 @p2 $0x1  }
0x17: {  	s4 =	simm.s32 $0x1BF5;
	[smem:$0x3FA8] =	sst s0  }
0x18: {  	s0 =	sld [smem:$0x3F8B];
	_ =	swait.ge [sflag:s4], $0x0  }
0x19: {  	s7 =	sld [smem:$0x3F8C]  }
0x1a: {  	s8 =	sadd.s32 $0xFFFFE003, lr  }
0x1b: {  	s9 =	sadd.s32 $0xFFFFFEF7, lr;
	s5 =	simm.s32 $0xFFFFFFFF;
	p2 =	slt.u32 s8, $0xFFFFF086  }
0x1c: {  	p1 =	slt.u32 s9, $0xF7A;
	s5 =	simm.s32 @!p2 $0x0  }
0x1d: {  	s5 =	simm.s32 @p1 $0x1;
	p0 =	seq.s32 s7, s2  }
0x1e: {  	s7 =	smul.u32 @!p0 $0xF7A, s2;
	p2 =	seq.s32 @!p0 s5, $0x0  }
0x1f: {  	s9 =	smul.u32 $0xF7A, s1;
	s8 =	simm.s32 @!p0 $0x1BF5;
	p2 =	por !p2, p0  }
0x20: {  	[sflag:s8] =	ssyncset.s32 @!p0 $0xFFFFF086;
	s6 =	sadd.s32 @!p0 s3, s7;
	s7 =	simm.s32 @!p0 $0x108  }
0x21: {  	s3 =	sadd.s32 s3, s9;
	s6 =	sadd.s32 @!p0 $0x88, s6;
	s7 =	simm.s32 @p2 $0x1082  }
0x22: {  	[simem:s7], [sflag:s8] =	dma.local @!p0 [hbm:s6], $0xF7A  }
0x23: {  	s9 =	sor.u32 $0xD0000000, s2;
	s6 =	simm.s32 $0x108;
	_ =	swait.ge @!p0 [sflag:s8], $0x0  }
0x24: {  	s3 =	sadd.s32 $0x88, s3;
	s6 =	simm.s32 @!p1 $0x1082;
	[sflag:s4] =	ssyncset.s32 $0xFFFFF086  }
0x25: {  	[simem:s6], [sflag:s4] =	dma.local [hbm:s3], $0xF7A  }
0x26: {  	[smem:$0x3F8C] =	sst s1;
	(tag) =	ssettag s2;
	_ =	strace s9  }
0x27: {  	s1 =	sld [smem:$0x3F9C]  }
0x28: {  	s2 =	sld [smem:$0x3F9D]  }
0x29: {  	s4 =	sld [smem:$0x3F9F]  }
0x2a: {  	p0 =	seq.s32 s5, $0x0;
	s5 =	sld [smem:$0x3FA0]  }
0x2b: {  	s6 =	sld [smem:$0x3FA1]  }
0x2c: {  	s7 =	sld [smem:$0x3FA2]  }
0x2d: {  	s3 =	simm.s32 $0x108;
	s8 =	sld [smem:$0x3FA3]  }
0x2e: {  	s3 =	simm.s32 @!p0 $0x1082;
	s9 =	sld [smem:$0x3FA4]  }
0x2f: {  	lr =	sadd.s32 s0, s3;
	s0 =	sld [smem:$0x3F9B]  }
0x30: {  	s3 =	sld [smem:$0x3F9E]  }
0x31: {  	[smem:$0x3FA7] =	sst s10  }
0x32: {  	s10 =	sld [smem:$0x3FA5];
	_ =	sdelay $0x3  }
0x33: {  	p0 =	seq.s32 s10, $0x1;
	s10 =	sld [smem:$0x3FA7];
	_ =	sdelay $0x3  }
0x34: {  	[smem:$0x3FA7] =	sst s10  }
0x35: {  	s10 =	sld [smem:$0x3FA6];
	_ =	sdelay $0x3  }
0x36: {  	p1 =	seq.s32 s10, $0x1;
	s10 =	sld [smem:$0x3FA7];
	_ =	sdelay $0x3  }
0x37: {  	[smem:$0x3FA7] =	sst s10  }
0x38: {  	s10 =	sld [smem:$0x3FA8]  }
0x39: {  	_ = 	snop;
	(pc) =	sbr.ind lr, $3  }
0x3a: {  	_ = 	snop  }
0x3b: {  	_ = 	snop  }
0x3c: {  	p2 =	seq.s32 s10, $0x1;
	s10 =	sld [smem:$0x3FA7]  }
0x3d: {  	_ =	shalt  }
0x3e: {  	_ =	shalt  }
0x3f: {  	_ =	shalt  }
0x40: {  	_ =	shalt  }
0x41: {  	_ =	shalt  }
0x42: {  	_ =	shalt  }
0x43: {  	_ =	shalt  }
0x44: {  	_ =	shalt  }
0x45: {  	_ =	shalt  }
0x46: {  	_ =	shalt  }
0x47: {  	_ =	shalt  }
0x48: {  	_ =	shalt  }
0x49: {  	_ =	shalt  }
0x4a: {  	_ =	shalt  }
0x4b: {  	_ =	shalt  }
0x4c: {  	_ =	shalt  }
0x4d: {  	_ =	shalt  }
0x4e: {  	_ =	shalt  }
0x4f: {  	_ =	shalt  }
0x50: {  	_ =	shalt  }
0x51: {  	_ =	shalt  }
0x52: {  	_ =	shalt  }
0x53: {  	_ =	shalt  }
0x54: {  	_ =	shalt  }
0x55: {  	_ =	shalt  }
0x56: {  	_ =	shalt  }
0x57: {  	_ =	shalt  }
0x58: {  	_ =	shalt  }
0x59: {  	_ =	shalt  }
0x5a: {  	_ =	shalt  }
0x5b: {  	_ =	shalt  }
0x5c: {  	_ =	shalt  }
0x5d: {  	_ =	shalt  }
0x5e: {  	_ =	shalt  }
0x5f: {  	_ =	shalt  }
0x60: {  	_ =	shalt  }
0x61: {  	_ =	shalt  }
0x62: {  	_ =	shalt  }
0x63: {  	_ =	shalt  }
0x64: {  	_ =	shalt  }
0x65: {  	_ =	shalt  }
0x66: {  	_ =	shalt  }
0x67: {  	_ =	shalt  }
0x68: {  	_ =	shalt  }
0x69: {  	_ =	shalt  }
0x6a: {  	_ =	shalt  }
0x6b: {  	_ =	shalt  }
0x6c: {  	_ =	shalt  }
0x6d: {  	_ =	shalt  }
0x6e: {  	_ =	shalt  }
0x6f: {  	_ =	shalt  }
0x70: {  	_ =	shalt  }
0x71: {  	_ =	shalt  }
0x72: {  	_ =	shalt  }
0x73: {  	_ =	shalt  }
0x74: {  	_ =	shalt  }
0x75: {  	_ =	shalt  }
0x76: {  	_ =	shalt  }
0x77: {  	_ =	shalt  }
0x78: {  	_ =	shalt  }
0x79: {  	_ =	shalt  }
0x7a: {  	_ =	shalt  }
0x7b: {  	_ =	shalt  }
0x7c: {  	_ =	shalt  }
0x7d: {  	_ =	shalt  }
0x7e: {  	_ =	shalt  }
0x7f: {  	_ =	shalt  }
0x80: {  	_ =	shalt  }
0x81: {  	_ =	shalt  }
0x82: {  	_ =	shalt  }
0x83: {  	_ =	shalt  }
0x84: {  	_ =	shalt  }
0x85: {  	_ =	shalt  }
0x86: {  	_ =	shalt  }
0x87: {  	_ =	shalt  }
.Lfunc_end0:
.L_simem_size_0:
called_computation.2_lowered:
.L_overlay_start_0:
0x88: {  	s2 =	sld [smem:$0x3FD9]  }
0x89: {  	s3 =	sld [smem:$0x3FFE];
	_ =	sdelay $0x1  }
0x8a: {  	s1 =	srdreg.scid  }
0x8b: {  	s0 =	sand.u32 $0x1, s1  }
0x8c: {  	s16 =	sshll.u32 s0, $0xA;
	s2 =	sadd.s32 s3, s2  }
0x8d: {  	s2 =	sadd.s32 s2, s16  }
0x8e: {  	[smem:$0x3FB3] =	sst s2  }
0x8f: {  	_ = 	snop  }
0x90: {  	(tm) =	ssettm $0x1  }
0x91: {  	s17 =	sld [smem:$0x3FFB];
	_ =	sdelay $0x3  }
0x92: {  	_ =	strace s17  }
0x93: {  	s2 =	sld [smem:$0x3FFC];
	_ =	sdelay $0x3  }
0x94: {  	_ =	strace s2  }
0x95: {  	s2 =	sld [smem:$0x3FFD];
	_ =	sdelay $0x3  }
0x96: {  	_ =	strace s2  }
0x97: {  	_ =	strace $0x8FFFFFFF  }
0x98: {  	s18 =	sld [smem:$0x3FDB];
	_ =	sdelay $0x1  }
0x99: {  	s19 =	simm.s32 $_scs_section_size  }
0x9a: {  	s4 =	simm.s32 $_size__tile_overlayer_lowered;
	s5 =	simm.s32 $_tile_overlayer_lowered  }
0x9b: {  	s22 =	simm.s32 $0x1BFF;
	s21 =	sshll.u32 s5, $0x1;
	s2 =	sadd.s32 s19, s18  }
0x9c: {  	s6 =	simm.s32 $0x0;
	s20 =	sshll.u32 s4, $0x1;
	s4 =	sadd.s32 s21, s2  }
0x9d: {  	[timem:s6], [sflag:s22] =	dma.local [hbm:s4], s20  }
0x9e: {  	_ =	swait.ge [sflag:s22], s20  }
0x9f: {  	s3 =	ssub.s32 $0x0, s20;
	[sflag:s22] =	ssyncset.done $0x0  }
0xa0: {  	[sflag:s22] =	ssyncadd.s32 s3;
	_ =	sdelay $0x1  }
0xa1: {  	s23 =	simm.s32 $0x1B8B  }
0xa2: {  	_ =	swait.ge [sflag:s23], $0x1  }
0xa3: {  	[sflag:s23] =	ssyncset.done $0x0  }
0xa4: {  	s25 =	simm.s32 $0x1B8E;
	s24 =	sld [smem:$0x3FFE];
	[sflag:s23] =	ssyncadd.s32 $0xFFFFFFFF  }
0xa5: {  	s26 =	simm.s32 $execute0_lowered;
	[smem:$0x3FD2] =	sst s25  }
0xa6: {  	s4 =	sshll.u32 s26, $0x1;
	_ =	strace $0x8000004C;
	[dreg:$0x1] =	wrdreg $0xFFFFFFFF  }
0xa7: {  	s28 =	simm.s32 $_size_execute0_lowered;
	s2 =	sadd.s32 s2, s4;
	[dreg:$0x0] =	wrdreg $0x0  }
0xa8: {  	s4 =	sshll.u32 s28, $0x1;
	[dreg:$0x2] =	wrdreg s2  }
0xa9: {  	[dreg:$0x3] =	wrdreg s4  }
0xaa: {  	[dreg:$0x4] =	wrdreg $0xC0  }
0xab: {  	_ =	task [dreg:s6], $0x5FFFF  }
0xac: {  	[dreg:$0x1] =	wrdreg $0xFFFFFFFF  }
0xad: {  	[dreg:$0x0] =	wrdreg $0x60  }
0xae: {  	[dreg:$0x2] =	wrdreg s24  }
0xaf: {  	[dreg:$0x3] =	wrdreg $0x9C000  }
0xb0: {  	[dreg:$0x4] =	wrdreg $0x9  }
0xb1: {  	_ =	task.clear_ibuf [dreg:s6], $0x5FFFF;
	_ =	strace $0x9000004C  }
0xb2: {  	s29 =	simm.s32 $0x9;
	_ =	strace $0x8000004E  }
0xb3: {  	_ =	swait.ge [sflag:s29], $0x1  }
0xb4: {  	[sflag:s29] =	ssyncadd.s32 $0xFFFFFFFF  }
0xb5: {  	_ =	strace $0x9000004E  }
0xb6: {  	_ =	sfence  }
0xb7: {  	s30 =	sld [smem:$0x0];
	_ =	sdelay $0x2  }
0xb8: {  	s31 =	sshll.u32 s1, $0xD;
	s1 =	sshrl.u32 s1, $0x2  }
0xb9: {  	s3 =	sand.u32 $0x4000, s31;
	s1 =	sadd.s32 s1, s30  }
0xba: {  	s0 =	sor.u32 s3, s0;
	s1 =	sshll.u32 s1, $0x11  }
0xbb: {  	s0 =	sor.u32 s1, s0  }
0xbc: {  	s0 =	sadd.s32 $0x8F2B, s0  }
0xbd: {  	[sflag:s0] =	ssyncadd.remote.s32 $0x1  }
0xbe: {  	_ =	sfence.sel $0xFFFF  }
0xbf: {  	[dreg:$0x0] =	wrdreg $0xFFFFFFFF;
	(pc) =	sbr.abs _section_cstart, $3  }
0xc0: {  	[dreg:$0x1] =	wrdreg $0xFFFFFFFF  }
0xc1: {  	_ =	task.clear_ibuf [dreg:s6], $0x2FFFF;
	_ =	strace $0x9FFFFFFF  }
0xc2: {  	(tm) =	ssettm $0x7FFFFFFF  }
0xc3: {  	_ =	shalt  }
tec
execute0_lowered:
.L_overlay_start_1:
0x0: {  	(tag) =	ssettag $0x1  }
0x1: {  	s0 =	rddreg [dreg:$0x0];
	s1 =	srdreg.scid  }
0x2: {  	s9 =	stileid.u32;
	s2 =	rddreg [dreg:$0x1]  }
0x3: {  	s3 =	simm.s32 $0x0;
	s1 =	sand.u32 $0x1, s1;
	s4 =	sshll.u32 s9, $0x1  }
0x4: {  	s28 =	simm.s32 $0x28;
	s6 =	smul.u32 $0x50000, s9;
	s4 =	sor.u32 s1, s4  }
0x5: {  	s29 =	simm.s32 $0x80;
	s30 =	simm.s32 $0x4C00;
	s5 =	smul.u32 $0x1180, s4  }
0x6: {  	s31 =	simm.s32 $0x100;
	[smem:$0x7FF] =	sst s3;
	s6 =	sshrl.u32 s6, $0x2  }
0x7: {  	s26 =	smul.u32 $0x2800, s9;
	s8 =	sadd.s32 s5, s0;
	s5 =	sadd.s32 s6, s2  }
0x8: {  	_ =	strace $0x8000004D;
	s7 =	smul.u32 $0x28000, s1;
	s6 =	sadd.s32 $0x1400, s5  }
0x9: {  	s1 =	ssub.s32 $0x2, s1;
	s18 =	sadd.s32 $0x2800, s5;
	[dreg:$0x3] =	wrdreg s6  }
0xa: {  	s4 =	sadd.s32 $0x27E00, s0;
	s19 =	sadd.s32 $0x3C00, s5;
	[dreg:$0x4] =	wrdreg s18  }
0xb: {  	s17 =	sshrl.u32 s1, $0x1;
	s20 =	sadd.s32 $0x5000, s5;
	[dreg:$0x5] =	wrdreg s19  }
0xc: {  	s1 =	ssub.s32 s1, s17;
	s21 =	sadd.s32 $0x6400, s5;
	[dreg:$0x6] =	wrdreg s20  }
0xd: {  	s0 =	sadd.s32 s7, s0;
	s22 =	sadd.s32 $0x7800, s5;
	[dreg:$0x7] =	wrdreg s21  }
0xe: {  	s23 =	sadd.s32 $0x8C00, s5;
	s24 =	sadd.s32 $0xA000, s5;
	[dreg:$0x8] =	wrdreg s22  }
0xf: {  	s25 =	sadd.s32 $0xB400, s5;
	s15 =	sadd.s32 $0xC800, s5;
	[dreg:$0x9] =	wrdreg s23  }
0x10: {  	s16 =	sadd.s32 $0xDC00, s5;
	s17 =	sadd.s32 $0xF000, s5;
	[dreg:$0xa] =	wrdreg s24  }
.Ltmp0:
0x11: {  	s0 =	sadd.s32 $0x9AE00, s0;
	[dreg:$0xb] =	wrdreg s25;
	(pc) =	sbr.rel .LBB2_1-.Ltmp0, $4  }
0x12: {  	s18 =	sadd.s32 $0x10400, s5;
	s19 =	sadd.s32 $0x11800, s5;
	s20 =	sadd.s32 $0x12C00, s5  }
0x13: {  	s21 =	sadd.s32 $0x77E00, s8;
	s22 =	sadd.s32 $0x4E00, s8;
	s23 =	smax.u32 s1, $0x1  }
0x14: {  	s24 =	sadd.s32 s26, s0;
	s25 =	simm.s32 $0x3800;
	s26 =	simm.s32 $0x6  }
0x15: {  	v0 =	vimm.f32 $0.0e+00;
	s1 =	simm.s32 $0x6000;
	s0 =	simm.s32 $0x180;
	s6 =	simm.s32 $0x7400  }
.LBB2_10:
0x16: {  	s7 =	stileid.u32;
	s3 =	sadd.s32 $0x1, s3  }
0x17: {  	[bflag:$0x0] =	sbarrier.arrive $0xFFFF;
	s7 =	sshll.u32 s7, $0x6;
	p0 =	sne.s32 s3, s23  }
.Ltmp1:
0x18: {  	s8 =	sshrl.u32 s5, $0x3;
	s7 =	sor.u32 $0x1C06, s7;
	(pc) =	sbr.rel @!p0 .LBB2_11-.Ltmp1, $4  }
0x19: {  	[hbm:s24], [sflag:s7] =	dma.local [spmem:s8], $0x2800  }
0x1a: {  	_ =	swait.ge [sflag:s26], $0x2800  }
0x1b: {  	[sflag:s26] =	ssyncset.done $0x0  }
0x1c: {  	[sflag:s26] =	ssyncadd.s32 $0xFFFFD800  }
.LBB2_1:
0x1d: {  	s7 =	simm.s32 $0x0;
	s8 =	simm.s32 $0x200  }
.LBB2_2:
0x1e: {  	p0 =	sne.s32 s8, $0x4E00;
	[tilespmem:s7+$0x3870] =	vst v0  }
0x1f: {  	[tilespmem:s7+$0x3800] =	vst v0  }
0x20: {  	[tilespmem:s7+$0x3810] =	vst v0  }
.Ltmp2:
0x21: {  	[tilespmem:s7+$0x3820] =	vst v0;
	(pc) =	sbr.rel @p0 .LBB2_2-.Ltmp2, $4  }
0x22: {  	[tilespmem:s7+$0x3830] =	vst v0  }
0x23: {  	[tilespmem:s7+$0x3840] =	vst v0  }
0x24: {  	[tilespmem:s7+$0x3850] =	vst v0  }
0x25: {  	[tilespmem:s7+$0x3860] =	vst v0;
	s7 =	sshra.s32 s8, $0x2;
	s8 =	sadd.s32 $0x200, s8  }
0x26: {  	[tilespmem:s7+$0x3870] =	vst v0  }
0x27: {  	[tilespmem:s7+$0x3800] =	vst v0  }
0x28: {  	[tilespmem:s7+$0x3810] =	vst v0  }
0x29: {  	[tilespmem:s7+$0x3820] =	vst v0  }
0x2a: {  	[tilespmem:s7+$0x3830] =	vst v0  }
0x2b: {  	[tilespmem:s7+$0x3840] =	vst v0  }
0x2c: {  	[tilespmem:s7+$0x3850] =	vst v0  }
0x2d: {  	[tilespmem:s7+$0x3860] =	vst v0  }
0x2e: {  	[spmem:s5] =	stream.linear.scatter [tilespmem:s25], [sflag:$0x6], $0x1400, $0x38;
	[tilespmem:$0x1DC00] =	vst v63  }
0x2f: {  	_ =	swait.ge [sflag:s26], $0x1400  }
0x30: {  	[sflag:s26] =	ssyncset.done $0x0  }
0x31: {  	s13 =	rddreg [dreg:$0x3];
	[sflag:s26] =	ssyncadd.s32 $0xFFFFEC00  }
0x32: {  	[spmem:s13] =	stream.linear.scatter [tilespmem:s25], [sflag:$0x6], $0x1400, $0x38;
	[tilespmem:$0x1DC00] =	vst v63  }
0x33: {  	_ =	swait.ge [sflag:s26], $0x1400  }
0x34: {  	[sflag:s26] =	ssyncset.done $0x0  }
0x35: {  	s14 =	rddreg [dreg:$0x4];
	[sflag:s26] =	ssyncadd.s32 $0xFFFFEC00  }
0x36: {  	[spmem:s14] =	stream.linear.scatter [tilespmem:s25], [sflag:$0x6], $0x1400, $0x38;
	[tilespmem:$0x1DC00] =	vst v63  }
0x37: {  	_ =	swait.ge [sflag:s26], $0x1400  }
0x38: {  	[sflag:s26] =	ssyncset.done $0x0  }
0x39: {  	s8 =	rddreg [dreg:$0x5];
	[sflag:s26] =	ssyncadd.s32 $0xFFFFEC00  }
0x3a: {  	[spmem:s8] =	stream.linear.scatter [tilespmem:s25], [sflag:$0x6], $0x1400, $0x38;
	[tilespmem:$0x1DC00] =	vst v63  }
0x3b: {  	_ =	swait.ge [sflag:s26], $0x1400  }
0x3c: {  	[sflag:s26] =	ssyncset.done $0x0  }
0x3d: {  	s9 =	rddreg [dreg:$0x6];
	[sflag:s26] =	ssyncadd.s32 $0xFFFFEC00  }
0x3e: {  	[spmem:s9] =	stream.linear.scatter [tilespmem:s25], [sflag:$0x6], $0x1400, $0x38;
	[tilespmem:$0x1DC00] =	vst v63  }
0x3f: {  	_ =	swait.ge [sflag:s26], $0x1400  }
0x40: {  	[sflag:s26] =	ssyncset.done $0x0  }
0x41: {  	s10 =	rddreg [dreg:$0x7];
	[sflag:s26] =	ssyncadd.s32 $0xFFFFEC00  }
0x42: {  	[spmem:s10] =	stream.linear.scatter [tilespmem:s25], [sflag:$0x6], $0x1400, $0x38;
	[tilespmem:$0x1DC00] =	vst v63  }
0x43: {  	_ =	swait.ge [sflag:s26], $0x1400  }
0x44: {  	[sflag:s26] =	ssyncset.done $0x0  }
0x45: {  	s11 =	rddreg [dreg:$0x8];
	[sflag:s26] =	ssyncadd.s32 $0xFFFFEC00  }
0x46: {  	[spmem:s11] =	stream.linear.scatter [tilespmem:s25], [sflag:$0x6], $0x1400, $0x38;
	[tilespmem:$0x1DC00] =	vst v63  }
0x47: {  	_ =	swait.ge [sflag:s26], $0x1400  }
0x48: {  	[sflag:s26] =	ssyncset.done $0x0  }
0x49: {  	s12 =	rddreg [dreg:$0x9];
	[sflag:s26] =	ssyncadd.s32 $0xFFFFEC00  }
0x4a: {  	[spmem:s12] =	stream.linear.scatter [tilespmem:s25], [sflag:$0x6], $0x1400, $0x38;
	[tilespmem:$0x1DC00] =	vst v63  }
0x4b: {  	_ =	swait.ge [sflag:s26], $0x1400  }
0x4c: {  	[sflag:s26] =	ssyncset.done $0x0  }
0x4d: {  	s13 =	rddreg [dreg:$0xa];
	[sflag:s26] =	ssyncadd.s32 $0xFFFFEC00  }
0x4e: {  	[spmem:s13] =	stream.linear.scatter [tilespmem:s25], [sflag:$0x6], $0x1400, $0x38;
	[tilespmem:$0x1DC00] =	vst v63  }
0x4f: {  	_ =	swait.ge [sflag:s26], $0x1400  }
0x50: {  	[sflag:s26] =	ssyncset.done $0x0  }
0x51: {  	s14 =	rddreg [dreg:$0xb];
	[sflag:s26] =	ssyncadd.s32 $0xFFFFEC00  }
0x52: {  	[spmem:s14] =	stream.linear.scatter [tilespmem:s25], [sflag:$0x6], $0x1400, $0x38;
	[tilespmem:$0x1DC00] =	vst v63  }
0x53: {  	_ =	swait.ge [sflag:s26], $0x1400  }
0x54: {  	[sflag:s26] =	ssyncset.done $0x0  }
0x55: {  	[sflag:s26] =	ssyncadd.s32 $0xFFFFEC00  }
0x56: {  	[spmem:s15] =	stream.linear.scatter [tilespmem:s25], [sflag:$0x6], $0x1400, $0x38;
	[tilespmem:$0x1DC00] =	vst v63  }
0x57: {  	_ =	swait.ge [sflag:s26], $0x1400  }
0x58: {  	[sflag:s26] =	ssyncset.done $0x0  }
0x59: {  	[sflag:s26] =	ssyncadd.s32 $0xFFFFEC00  }
0x5a: {  	[spmem:s16] =	stream.linear.scatter [tilespmem:s25], [sflag:$0x6], $0x1400, $0x38;
	[tilespmem:$0x1DC00] =	vst v63  }
0x5b: {  	_ =	swait.ge [sflag:s26], $0x1400  }
0x5c: {  	[sflag:s26] =	ssyncset.done $0x0  }
0x5d: {  	[sflag:s26] =	ssyncadd.s32 $0xFFFFEC00  }
0x5e: {  	[spmem:s17] =	stream.linear.scatter [tilespmem:s25], [sflag:$0x6], $0x1400, $0x38;
	[tilespmem:$0x1DC00] =	vst v63  }
0x5f: {  	_ =	swait.ge [sflag:s26], $0x1400  }
0x60: {  	[sflag:s26] =	ssyncset.done $0x0  }
0x61: {  	[sflag:s26] =	ssyncadd.s32 $0xFFFFEC00  }
0x62: {  	[spmem:s18] =	stream.linear.scatter [tilespmem:s25], [sflag:$0x6], $0x1400, $0x38;
	[tilespmem:$0x1DC00] =	vst v63  }
0x63: {  	_ =	swait.ge [sflag:s26], $0x1400  }
0x64: {  	[sflag:s26] =	ssyncset.done $0x0  }
0x65: {  	[sflag:s26] =	ssyncadd.s32 $0xFFFFEC00  }
0x66: {  	[spmem:s19] =	stream.linear.scatter [tilespmem:s25], [sflag:$0x6], $0x1400, $0x38;
	[tilespmem:$0x1DC00] =	vst v63  }
0x67: {  	_ =	swait.ge [sflag:s26], $0x1400  }
0x68: {  	[sflag:s26] =	ssyncset.done $0x0  }
0x69: {  	[sflag:s26] =	ssyncadd.s32 $0xFFFFEC00  }
0x6a: {  	[spmem:s20] =	stream.linear.scatter [tilespmem:s25], [sflag:$0x6], $0x1400, $0x38;
	[tilespmem:$0x1DC00] =	vst v63  }
.Ltmp3:
0x6b: {  	_ =	swait.ge [sflag:s26], $0x1400;
	(pc) =	sbr.rel .LBB2_4-.Ltmp3, $4  }
0x6c: {  	[sflag:s26] =	ssyncset.done $0x0  }
0x6d: {  	[sflag:s26] =	ssyncadd.s32 $0xFFFFEC00  }
0x6e: {  	[bflag:$0x0] =	sbarrier.arrive $0xFFFF  }
0x6f: {  	s7 =	simm.s32 $0x0;
	s8 =	simm.s32 $0x0  }
.LBB2_9:
0x70: {  	s8 =	sadd.s32 $0x1, s8  }
0x71: {  	p0 =	sne.s32 s8, $0x5  }
.Ltmp4:
0x72: {  	_ = 	snop;
	(pc) =	sbr.rel @!p0 .LBB2_10-.Ltmp4, $1  }
0x73: {  	_ =	sdelay $0x3  }
.LBB2_4:
0x74: {  	s9 =	smul.u32 $0x380, s8;
	_ =	sdelay $0x1  }
0x75: {  	s10 =	sadd.s32 s9, s21  }
0x76: {  	[tilespmem:s7], [sflag:$0x6] =	stream.linear.gather [hbm4b:s10+s7], $0x1900, $0x38;
	[tilespmem:$0x1DC00] =	vst v63  }
0x77: {  	_ =	swait.ge [sflag:s26], $0x1900  }
0x78: {  	[sflag:s26] =	ssyncset.done $0x0  }
0x79: {  	s14 =	sadd.s32 s9, s22;
	s9 =	simm.s32 $0x1C00;
	[sflag:s26] =	ssyncadd.s32 $0xFFFFE700  }
0x7a: {  	[tilespmem:s9], [sflag:$0x6] =	stream.linear.gather [hbm4b:s14+s7], $0x1900, $0x38;
	[tilespmem:$0x1DC00] =	vst v63  }
0x7b: {  	_ =	swait.ge [sflag:s26], $0x1900  }
0x7c: {  	[sflag:s26] =	ssyncset.done $0x0  }
0x7d: {  	[sflag:s26] =	ssyncadd.s32 $0xFFFFE700  }
0x7e: {  	[tilespmem:s25], [sflag:$0x1] =	stream.indirect.gather [hbm4b:s4+s28], $0x80, s7, s28, $0xb8;
	[tilespmem:$0x1DC00] =	vst v63  }
0x7f: {  	_ = 	snop  }
0x80: {  	[tilespmem:s30], [sflag:$0x2] =	stream.indirect.gather [hbm4b:s4+s28], $0x80, s29, s28, $0xb8;
	[tilespmem:$0x1DC00] =	vst v63  }
.Ltmp5:
0x81: {  	_ = 	snop;
	(pc) =	sbr.rel .LBB2_5-.Ltmp5, $4  }
0x82: {  	_ = 	snop  }
0x83: {  	[tilespmem:s1], [sflag:$0x3] =	stream.indirect.gather [hbm4b:s4+s28], $0x80, s31, s28, $0xb8;
	[tilespmem:$0x1DC00] =	vst v63  }
0x84: {  	s11 =	simm.s32 $0x0;
	s10 =	simm.s32 $0x200  }
0x85: {  	[tilespmem:s6], [sflag:$0x4] =	stream.indirect.gather [hbm4b:s4+s28], $0x80, s0, s28, $0xb8;
	[tilespmem:$0x1DC00] =	vst v63  }
.LBB2_7:
0x86: {  	p0 =	seq.s32 s12, $0x2  }
0x87: {  	s13 =	simm.s32 @p0 $0x3  }
0x88: {  	p1 =	sgt.u32 @p0 s11, $0x2D;
	_ =	swait.ge @p0 [sflag:s13], $0x1400  }
0x89: {  	p2 =	seq.s32 @!p0 s12, $0x3;
	p1 =	por p1, !p0;
	[sflag:s13] =	ssyncset.done @p0 $0x0  }
0x8a: {  	s14 =	simm.s32 @!p1 $0x4C00;
	[sflag:s13] =	ssyncadd.s32 @p0 $0xFFFFEC00;
	s13 =	simm.s32 @!p1 $0x28  }
0x8b: {  	[tilespmem:s14], [sflag:$0x2] =	stream.indirect.gather @!p1 [hbm4b:s4+s13], $0x80, s10, s13, $0xb8;
	[tilespmem:$0x1DC00] =	vst v63  }
0x8c: {  	s13 =	simm.s32 @p0 $0x28;
	p1 =	por !p2, p0  }
0x8d: {  	s14 =	simm.s32 @p0 $0x6000;
	p3 =	sgt.u32 @!p1 s11, $0x2D;
	s12 =	simm.s32 @!p1 $0x4  }
0x8e: {  	[spmem:s2] =	stream.indirect.scatter.add.f32 @p0 [tilespmem:s14], [sflag:$0x7], $0x80, s9, s13, $0xb8;
	[tilespmem:$0x1DC00] =	vst v63  }
0x8f: {  	p3 =	por @!p0 p3, !p2;
	_ =	swait.ge @!p1 [sflag:s12], $0x1400  }
0x90: {  	p3 =	por p3, p0;
	[sflag:s12] =	ssyncset.done @!p1 $0x0  }
0x91: {  	s13 =	simm.s32 @!p3 $0x6000;
	[sflag:s12] =	ssyncadd.s32 @!p1 $0xFFFFEC00;
	s12 =	simm.s32 @!p3 $0x28  }
0x92: {  	[tilespmem:s13], [sflag:$0x3] =	stream.indirect.gather @!p3 [hbm4b:s4+s12], $0x80, s10, s12, $0xb8;
	[tilespmem:$0x1DC00] =	vst v63  }
0x93: {  	s12 =	simm.s32 @!p1 $0x28;
	s13 =	simm.s32 @!p1 $0x7400;
	p3 =	por p2, p0  }
0x94: {  	[spmem:s2] =	stream.indirect.scatter.add.f32 @!p1 [tilespmem:s13], [sflag:$0x7], $0x80, s9, s12, $0xb8;
	[tilespmem:$0x1DC00] =	vst v63  }
0x95: {  	p4 =	sgt.u32 @!p3 s11, $0x2D;
	s12 =	simm.s32 @!p3 $0x5  }
0x96: {  	p2 =	por @!p0 p4, p2;
	_ =	swait.ge @!p3 [sflag:s12], $0x1400  }
0x97: {  	p2 =	por p2, p0;
	[sflag:s12] =	ssyncset.done @!p3 $0x0  }
0x98: {  	s13 =	simm.s32 @!p2 $0x7400;
	[sflag:s12] =	ssyncadd.s32 @!p3 $0xFFFFEC00;
	s12 =	simm.s32 @!p2 $0x28  }
0x99: {  	[tilespmem:s13], [sflag:$0x4] =	stream.indirect.gather @!p2 [hbm4b:s4+s12], $0x80, s10, s12, $0xb8;
	[tilespmem:$0x1DC00] =	vst v63  }
0x9a: {  	s12 =	simm.s32 @!p1 $0x7  }
0x9b: {  	s14 =	simm.s32 @!p3 $0x8800;
	s13 =	simm.s32 @!p3 $0x28;
	s12 =	simm.s32 @p1 $0x6  }
0x9c: {  	[spmem:s2] =	stream.indirect.scatter.add.f32 @!p3 [tilespmem:s14], [sflag:$0x6], $0x80, s9, s13, $0xb8;
	[tilespmem:$0x1DC00] =	vst v63  }
0x9d: {  	s12 =	simm.s32 @p0 $0x7  }
.LBB2_8:
0x9e: {  	s11 =	sadd.s32 $0x1, s11  }
0x9f: {  	p0 =	sne.s32 s11, $0x32  }
.Ltmp6:
0xa0: {  	_ = 	snop;
	(pc) =	sbr.rel @!p0 .LBB2_9-.Ltmp6, $4  }
0xa1: {  	_ = 	snop  }
0xa2: {  	_ =	swait.ge [sflag:s12], $0x1400  }
0xa3: {  	[sflag:s12] =	ssyncset.done $0x0  }
0xa4: {  	s10 =	sadd.s32 $0x80, s10;
	s9 =	sadd.s32 $0x80, s9;
	[sflag:s12] =	ssyncadd.s32 $0xFFFFEC00  }
.LBB2_5:
0xa5: {  	s12 =	smul.u32 $0xCD, s11;
	_ =	sdelay $0x1  }
0xa6: {  	s12 =	sshrl.u32 s12, $0xA  }
0xa7: {  	s12 =	sand.u32 $0x3F, s12  }
0xa8: {  	s12 =	smul.u32 $0x5, s12;
	_ =	sdelay $0x1  }
0xa9: {  	s12 =	ssub.s32 s11, s12  }
0xaa: {  	s12 =	sand.u32 $0xFF, s12  }
0xab: {  	p0 =	sgt.s32 s12, $0x1  }
.Ltmp7:
0xac: {  	_ = 	snop;
	(pc) =	sbr.rel @p0 .LBB2_7-.Ltmp7, $1  }
0xad: {  	_ =	sdelay $0x3  }
0xae: {  	p0 =	seq.s32 s12, $0x0  }
0xaf: {  	s12 =	simm.s32 @p0 $0x1  }
0xb0: {  	p1 =	sgt.u32 @p0 s11, $0x2D;
	_ =	swait.ge @p0 [sflag:s12], $0x1400  }
0xb1: {  	p1 =	por p1, !p0;
	[sflag:s12] =	ssyncset.done @p0 $0x0  }
0xb2: {  	s13 =	simm.s32 @!p1 $0x8800;
	[sflag:s12] =	ssyncadd.s32 @p0 $0xFFFFEC00;
	s12 =	simm.s32 @!p1 $0x28  }
0xb3: {  	[tilespmem:s13], [sflag:$0x5] =	stream.indirect.gather @!p1 [hbm4b:s4+s12], $0x80, s10, s12, $0xb8;
	[tilespmem:$0x1DC00] =	vst v63  }
0xb4: {  	s12 =	simm.s32 @p0 $0x28;
	s13 =	simm.s32 @p0 $0x3800  }
0xb5: {  	[spmem:s2] =	stream.indirect.scatter.add.f32 @p0 [tilespmem:s13], [sflag:$0x7], $0x80, s9, s12, $0xb8;
	[tilespmem:$0x1DC00] =	vst v63  }
0xb6: {  	s12 =	simm.s32 @!p0 $0x2  }
0xb7: {  	p1 =	sgt.u32 @!p0 s11, $0x2D;
	_ =	swait.ge @!p0 [sflag:s12], $0x1400  }
0xb8: {  	p1 =	por p1, p0;
	[sflag:s12] =	ssyncset.done @!p0 $0x0  }
0xb9: {  	s13 =	simm.s32 @!p1 $0x3800;
	[sflag:s12] =	ssyncadd.s32 @!p0 $0xFFFFEC00;
	s12 =	simm.s32 @!p1 $0x28  }
0xba: {  	[tilespmem:s13], [sflag:$0x1] =	stream.indirect.gather @!p1 [hbm4b:s4+s12], $0x80, s10, s12, $0xb8;
	[tilespmem:$0x1DC00] =	vst v63  }
.Ltmp8:
0xbb: {  	_ = 	snop;
	(pc) =	sbr.rel .LBB2_8-.Ltmp8, $4  }
0xbc: {  	s12 =	simm.s32 @!p0 $0x28;
	s13 =	simm.s32 @!p0 $0x4C00  }
0xbd: {  	[spmem:s2] =	stream.indirect.scatter.add.f32 @!p0 [tilespmem:s13], [sflag:$0x7], $0x80, s9, s12, $0xb8;
	[tilespmem:$0x1DC00] =	vst v63  }
0xbe: {  	s12 =	simm.s32 @!p0 $0x7  }
0xbf: {  	s12 =	simm.s32 @p0 $0x7  }
.LBB2_11:
0xc0: {  	_ =	sfence.sel $0x180000  }
0xc1: {  	[bflag:$0x0] =	sbarrier.arrive $0xFFFF  }
0xc2: {  	_ =	strace $0x9000004D  }
0xc3: {  	s0 =	stileid.u32;
	[bflag:$0x2] =	sbarrier.arrive $0xFFFF  }
0xc4: {  	p0 =	sne.s32 s0, $0x0;
	s0 =	rddreg [dreg:$0x2]  }
0xc5: {  	s0 =	sadd.s32 @!p0 $0x100000, s0  }
0xc6: {  	[sflag:s0] =	ssyncadd.tile.s32 @!p0 $0x1;
	_ =	shalt  }
.Lfunc_end2:
_tile_overlayer_lowered:
.L_overlay_start_2:
0xc7: {  	(tag) =	ssettag $0x2  }
0xc8: {  	s0 =	rddreg [dreg:$0x0];
	s2 =	stileid.u32  }
0xc9: {  	s1 =	rddreg [dreg:$0x1];
	p0 =	sne.s32 s2, $0x0  }
0xca: {  	s3 =	rddreg [dreg:$0x2];
	[bflag:$0x3] =	sbarrier.arrive $0xFFFF;
	s2 =	simm.s32 @!p0 $0x1C06  }
0xcb: {  	[timem:s3], [sflag:s2] =	dma.local @!p0 [hbm:s0], s1  }
0xcc: {  	s0 =	simm.s32 @!p0 $0x6  }
0xcd: {  	_ =	swait.ge @!p0 [sflag:s0], s1  }
0xce: {  	s1 =	ssub.s32 @!p0 $0x0, s1;
	[sflag:s0] =	ssyncset.done @!p0 $0x0  }
0xcf: {  	[sflag:s0] =	ssyncadd.s32 @!p0 s1  }
0xd0: {  	[bflag:$0x3] =	sbarrier.arrive $0xFFFF  }
0xd1: {  	_ =	shalt  }

// kernel: kernel.20.cloned.1.call-start
scs
__scs_entry_jumppad:
0x0: {  	(pc) =	sbr.rel $0x88, $3  }
0x1: {  	(tag) =	ssettag $0x0;
	lr =	simm.s32 $0x1  }
0x2: {  	[smem:$0x3F8C] =	sst lr;
	_ =	strace $0xD0000000  }
0x3: {  	_ = 	snop  }
0x4: {  	_ = 	snop  }
0x5: {  	_ = 	snop  }
0x6: {  	_ = 	snop  }
0x7: {  	_ = 	snop  }
__scs_overlays_trampoline_lowered:
0x8: {  	[smem:$0x3F9B] =	sst s0  }
0x9: {  	[smem:$0x3F9C] =	sst s1  }
0xa: {  	[smem:$0x3F9D] =	sst s2  }
0xb: {  	[smem:$0x3F9E] =	sst s3  }
0xc: {  	[smem:$0x3F9F] =	sst s4  }
0xd: {  	[smem:$0x3FA0] =	sst s5  }
0xe: {  	[smem:$0x3FA1] =	sst s6  }
0xf: {  	[smem:$0x3FA2] =	sst s7  }
0x10: {  	[smem:$0x3FA3] =	sst s8  }
0x11: {  	[smem:$0x3FA4] =	sst s9;
	s0 =	simm.s32 @!p0 $0x0  }
0x12: {  	s1 =	sld [smem:$0x3F8A];
	s0 =	simm.s32 @p0 $0x1  }
0x13: {  	[smem:$0x3FA5] =	sst s0;
	s0 =	simm.s32 @!p1 $0x0  }
0x14: {  	s2 =	sld [smem:$0x3F89];
	s0 =	simm.s32 @p1 $0x1  }
0x15: {  	[smem:$0x3FA6] =	sst s0;
	s0 =	simm.s32 @!p2 $0x0  }
0x16: {  	s3 =	sld [smem:$0x3FDB];
	s0 =	simm.s32 @p2 $0x1  }
0x17: {  	s4 =	simm.s32 $0x1BF5;
	[smem:$0x3FA8] =	sst s0  }
0x18: {  	s0 =	sld [smem:$0x3F8B];
	_ =	swait.ge [sflag:s4], $0x0  }
0x19: {  	s7 =	sld [smem:$0x3F8C]  }
0x1a: {  	s8 =	sadd.s32 $0xFFFFE003, lr  }
0x1b: {  	s9 =	sadd.s32 $0xFFFFFEF7, lr;
	s5 =	simm.s32 $0xFFFFFFFF;
	p2 =	slt.u32 s8, $0xFFFFF086  }
0x1c: {  	p1 =	slt.u32 s9, $0xF7A;
	s5 =	simm.s32 @!p2 $0x0  }
0x1d: {  	s5 =	simm.s32 @p1 $0x1;
	p0 =	seq.s32 s7, s2  }
0x1e: {  	s7 =	smul.u32 @!p0 $0xF7A, s2;
	p2 =	seq.s32 @!p0 s5, $0x0  }
0x1f: {  	s9 =	smul.u32 $0xF7A, s1;
	s8 =	simm.s32 @!p0 $0x1BF5;
	p2 =	por !p2, p0  }
0x20: {  	[sflag:s8] =	ssyncset.s32 @!p0 $0xFFFFF086;
	s6 =	sadd.s32 @!p0 s3, s7;
	s7 =	simm.s32 @!p0 $0x108  }
0x21: {  	s3 =	sadd.s32 s3, s9;
	s6 =	sadd.s32 @!p0 $0x88, s6;
	s7 =	simm.s32 @p2 $0x1082  }
0x22: {  	[simem:s7], [sflag:s8] =	dma.local @!p0 [hbm:s6], $0xF7A  }
0x23: {  	s9 =	sor.u32 $0xD0000000, s2;
	s6 =	simm.s32 $0x108;
	_ =	swait.ge @!p0 [sflag:s8], $0x0  }
0x24: {  	s3 =	sadd.s32 $0x88, s3;
	s6 =	simm.s32 @!p1 $0x1082;
	[sflag:s4] =	ssyncset.s32 $0xFFFFF086  }
0x25: {  	[simem:s6], [sflag:s4] =	dma.local [hbm:s3], $0xF7A  }
0x26: {  	[smem:$0x3F8C] =	sst s1;
	(tag) =	ssettag s2;
	_ =	strace s9  }
0x27: {  	s1 =	sld [smem:$0x3F9C]  }
0x28: {  	s2 =	sld [smem:$0x3F9D]  }
0x29: {  	s4 =	sld [smem:$0x3F9F]  }
0x2a: {  	p0 =	seq.s32 s5, $0x0;
	s5 =	sld [smem:$0x3FA0]  }
0x2b: {  	s6 =	sld [smem:$0x3FA1]  }
0x2c: {  	s7 =	sld [smem:$0x3FA2]  }
0x2d: {  	s3 =	simm.s32 $0x108;
	s8 =	sld [smem:$0x3FA3]  }
0x2e: {  	s3 =	simm.s32 @!p0 $0x1082;
	s9 =	sld [smem:$0x3FA4]  }
0x2f: {  	lr =	sadd.s32 s0, s3;
	s0 =	sld [smem:$0x3F9B]  }
0x30: {  	s3 =	sld [smem:$0x3F9E]  }
0x31: {  	[smem:$0x3FA7] =	sst s10  }
0x32: {  	s10 =	sld [smem:$0x3FA5];
	_ =	sdelay $0x3  }
0x33: {  	p0 =	seq.s32 s10, $0x1;
	s10 =	sld [smem:$0x3FA7];
	_ =	sdelay $0x3  }
0x34: {  	[smem:$0x3FA7] =	sst s10  }
0x35: {  	s10 =	sld [smem:$0x3FA6];
	_ =	sdelay $0x3  }
0x36: {  	p1 =	seq.s32 s10, $0x1;
	s10 =	sld [smem:$0x3FA7];
	_ =	sdelay $0x3  }
0x37: {  	[smem:$0x3FA7] =	sst s10  }
0x38: {  	s10 =	sld [smem:$0x3FA8]  }
0x39: {  	_ = 	snop;
	(pc) =	sbr.ind lr, $3  }
0x3a: {  	_ = 	snop  }
0x3b: {  	_ = 	snop  }
0x3c: {  	p2 =	seq.s32 s10, $0x1;
	s10 =	sld [smem:$0x3FA7]  }
0x3d: {  	_ =	shalt  }
0x3e: {  	_ =	shalt  }
0x3f: {  	_ =	shalt  }
0x40: {  	_ =	shalt  }
0x41: {  	_ =	shalt  }
0x42: {  	_ =	shalt  }
0x43: {  	_ =	shalt  }
0x44: {  	_ =	shalt  }
0x45: {  	_ =	shalt  }
0x46: {  	_ =	shalt  }
0x47: {  	_ =	shalt  }
0x48: {  	_ =	shalt  }
0x49: {  	_ =	shalt  }
0x4a: {  	_ =	shalt  }
0x4b: {  	_ =	shalt  }
0x4c: {  	_ =	shalt  }
0x4d: {  	_ =	shalt  }
0x4e: {  	_ =	shalt  }
0x4f: {  	_ =	shalt  }
0x50: {  	_ =	shalt  }
0x51: {  	_ =	shalt  }
0x52: {  	_ =	shalt  }
0x53: {  	_ =	shalt  }
0x54: {  	_ =	shalt  }
0x55: {  	_ =	shalt  }
0x56: {  	_ =	shalt  }
0x57: {  	_ =	shalt  }
0x58: {  	_ =	shalt  }
0x59: {  	_ =	shalt  }
0x5a: {  	_ =	shalt  }
0x5b: {  	_ =	shalt  }
0x5c: {  	_ =	shalt  }
0x5d: {  	_ =	shalt  }
0x5e: {  	_ =	shalt  }
0x5f: {  	_ =	shalt  }
0x60: {  	_ =	shalt  }
0x61: {  	_ =	shalt  }
0x62: {  	_ =	shalt  }
0x63: {  	_ =	shalt  }
0x64: {  	_ =	shalt  }
0x65: {  	_ =	shalt  }
0x66: {  	_ =	shalt  }
0x67: {  	_ =	shalt  }
0x68: {  	_ =	shalt  }
0x69: {  	_ =	shalt  }
0x6a: {  	_ =	shalt  }
0x6b: {  	_ =	shalt  }
0x6c: {  	_ =	shalt  }
0x6d: {  	_ =	shalt  }
0x6e: {  	_ =	shalt  }
0x6f: {  	_ =	shalt  }
0x70: {  	_ =	shalt  }
0x71: {  	_ =	shalt  }
0x72: {  	_ =	shalt  }
0x73: {  	_ =	shalt  }
0x74: {  	_ =	shalt  }
0x75: {  	_ =	shalt  }
0x76: {  	_ =	shalt  }
0x77: {  	_ =	shalt  }
0x78: {  	_ =	shalt  }
0x79: {  	_ =	shalt  }
0x7a: {  	_ =	shalt  }
0x7b: {  	_ =	shalt  }
0x7c: {  	_ =	shalt  }
0x7d: {  	_ =	shalt  }
0x7e: {  	_ =	shalt  }
0x7f: {  	_ =	shalt  }
0x80: {  	_ =	shalt  }
0x81: {  	_ =	shalt  }
0x82: {  	_ =	shalt  }
0x83: {  	_ =	shalt  }
0x84: {  	_ =	shalt  }
0x85: {  	_ =	shalt  }
0x86: {  	_ =	shalt  }
0x87: {  	_ =	shalt  }
.Lfunc_end0:
.L_simem_size_0:
called_computation.3_lowered:
.L_overlay_start_0:
0x88: {  	s2 =	sld [smem:$0x3FD9]  }
0x89: {  	s3 =	sld [smem:$0x3FFE];
	_ =	sdelay $0x1  }
0x8a: {  	s1 =	srdreg.scid  }
0x8b: {  	s0 =	sand.u32 $0x1, s1  }
0x8c: {  	s16 =	sshll.u32 s0, $0xA;
	s2 =	sadd.s32 s3, s2  }
0x8d: {  	s2 =	sadd.s32 s2, s16  }
0x8e: {  	[smem:$0x3FB3] =	sst s2  }
0x8f: {  	_ = 	snop  }
0x90: {  	(tm) =	ssettm $0x1  }
0x91: {  	s17 =	sld [smem:$0x3FFB];
	_ =	sdelay $0x3  }
0x92: {  	_ =	strace s17  }
0x93: {  	s2 =	sld [smem:$0x3FFC];
	_ =	sdelay $0x3  }
0x94: {  	_ =	strace s2  }
0x95: {  	s2 =	sld [smem:$0x3FFD];
	_ =	sdelay $0x3  }
0x96: {  	_ =	strace s2  }
0x97: {  	_ =	strace $0x8FFFFFFF  }
0x98: {  	s18 =	sld [smem:$0x3FDB];
	_ =	sdelay $0x1  }
0x99: {  	s19 =	simm.s32 $_scs_section_size  }
0x9a: {  	s4 =	simm.s32 $_size__tile_overlayer_lowered;
	s5 =	simm.s32 $_tile_overlayer_lowered  }
0x9b: {  	s22 =	simm.s32 $0x1BFF;
	s21 =	sshll.u32 s5, $0x1;
	s2 =	sadd.s32 s19, s18  }
0x9c: {  	s6 =	simm.s32 $0x0;
	s20 =	sshll.u32 s4, $0x1;
	s4 =	sadd.s32 s21, s2  }
0x9d: {  	[timem:s6], [sflag:s22] =	dma.local [hbm:s4], s20  }
0x9e: {  	_ =	swait.ge [sflag:s22], s20  }
0x9f: {  	s3 =	ssub.s32 $0x0, s20;
	[sflag:s22] =	ssyncset.done $0x0  }
0xa0: {  	[sflag:s22] =	ssyncadd.s32 s3;
	_ =	sdelay $0x1  }
0xa1: {  	s23 =	simm.s32 $0x1B8B  }
0xa2: {  	_ =	swait.ge [sflag:s23], $0x1  }
0xa3: {  	[sflag:s23] =	ssyncset.done $0x0  }
0xa4: {  	s25 =	simm.s32 $0x1B8E;
	s24 =	sld [smem:$0x3FFE];
	[sflag:s23] =	ssyncadd.s32 $0xFFFFFFFF  }
0xa5: {  	s26 =	simm.s32 $execute0_lowered;
	[smem:$0x3FD2] =	sst s25  }
0xa6: {  	s4 =	sshll.u32 s26, $0x1;
	_ =	strace $0x8000004F;
	[dreg:$0x1] =	wrdreg $0xFFFFFFFF  }
0xa7: {  	s28 =	simm.s32 $_size_execute0_lowered;
	s2 =	sadd.s32 s2, s4;
	[dreg:$0x0] =	wrdreg $0x0  }
0xa8: {  	s4 =	sshll.u32 s28, $0x1;
	[dreg:$0x2] =	wrdreg s2  }
0xa9: {  	[dreg:$0x3] =	wrdreg s4  }
0xaa: {  	[dreg:$0x4] =	wrdreg $0xC0  }
0xab: {  	_ =	task [dreg:s6], $0x5FFFF  }
0xac: {  	[dreg:$0x1] =	wrdreg $0xFFFFFFFF  }
0xad: {  	[dreg:$0x0] =	wrdreg $0x60  }
0xae: {  	[dreg:$0x2] =	wrdreg s24  }
0xaf: {  	[dreg:$0x3] =	wrdreg $0x9C000  }
0xb0: {  	[dreg:$0x4] =	wrdreg $0x9  }
0xb1: {  	_ =	task.clear_ibuf [dreg:s6], $0x5FFFF;
	_ =	strace $0x9000004F  }
0xb2: {  	s29 =	simm.s32 $0x9;
	_ =	strace $0x80000051  }
0xb3: {  	_ =	swait.ge [sflag:s29], $0x1  }
0xb4: {  	[sflag:s29] =	ssyncadd.s32 $0xFFFFFFFF  }
0xb5: {  	_ =	strace $0x90000051  }
0xb6: {  	_ =	sfence  }
0xb7: {  	s30 =	sld [smem:$0x0];
	_ =	sdelay $0x2  }
0xb8: {  	s31 =	sshll.u32 s1, $0xD;
	s1 =	sshrl.u32 s1, $0x2  }
0xb9: {  	s3 =	sand.u32 $0x4000, s31;
	s1 =	sadd.s32 s1, s30  }
0xba: {  	s0 =	sor.u32 s3, s0;
	s1 =	sshll.u32 s1, $0x11  }
0xbb: {  	s0 =	sor.u32 s1, s0  }
0xbc: {  	s0 =	sadd.s32 $0x8F2B, s0  }
0xbd: {  	[sflag:s0] =	ssyncadd.remote.s32 $0x1  }
0xbe: {  	_ =	sfence.sel $0xFFFF  }
0xbf: {  	[dreg:$0x0] =	wrdreg $0xFFFFFFFF;
	(pc) =	sbr.abs _section_cstart, $3  }
0xc0: {  	[dreg:$0x1] =	wrdreg $0xFFFFFFFF  }
0xc1: {  	_ =	task.clear_ibuf [dreg:s6], $0x2FFFF;
	_ =	strace $0x9FFFFFFF  }
0xc2: {  	(tm) =	ssettm $0x7FFFFFFF  }
0xc3: {  	_ =	shalt  }
tec
execute0_lowered:
.L_overlay_start_1:
0x0: {  	(tag) =	ssettag $0x1  }
0x1: {  	s0 =	rddreg [dreg:$0x0];
	s1 =	srdreg.scid  }
0x2: {  	s9 =	stileid.u32;
	s2 =	rddreg [dreg:$0x1]  }
0x3: {  	s3 =	simm.s32 $0x0;
	s1 =	sand.u32 $0x1, s1;
	s4 =	sshll.u32 s9, $0x1  }
0x4: {  	s28 =	simm.s32 $0x28;
	s6 =	smul.u32 $0x50000, s9;
	s4 =	sor.u32 s1, s4  }
0x5: {  	s29 =	simm.s32 $0x80;
	s30 =	simm.s32 $0x4C00;
	s5 =	smul.u32 $0x1180, s4  }
0x6: {  	s31 =	simm.s32 $0x100;
	[smem:$0x7FF] =	sst s3;
	s6 =	sshrl.u32 s6, $0x2  }
0x7: {  	s26 =	smul.u32 $0x2800, s9;
	s8 =	sadd.s32 s5, s0;
	s5 =	sadd.s32 s6, s2  }
0x8: {  	_ =	strace $0x80000050;
	s7 =	smul.u32 $0x28000, s1;
	s6 =	sadd.s32 $0x1400, s5  }
0x9: {  	s1 =	ssub.s32 $0x2, s1;
	s18 =	sadd.s32 $0x2800, s5;
	[dreg:$0x3] =	wrdreg s6  }
0xa: {  	s4 =	sadd.s32 $0x27E00, s0;
	s19 =	sadd.s32 $0x3C00, s5;
	[dreg:$0x4] =	wrdreg s18  }
0xb: {  	s17 =	sshrl.u32 s1, $0x1;
	s20 =	sadd.s32 $0x5000, s5;
	[dreg:$0x5] =	wrdreg s19  }
0xc: {  	s1 =	ssub.s32 s1, s17;
	s21 =	sadd.s32 $0x6400, s5;
	[dreg:$0x6] =	wrdreg s20  }
0xd: {  	s0 =	sadd.s32 s7, s0;
	s22 =	sadd.s32 $0x7800, s5;
	[dreg:$0x7] =	wrdreg s21  }
0xe: {  	s23 =	sadd.s32 $0x8C00, s5;
	s24 =	sadd.s32 $0xA000, s5;
	[dreg:$0x8] =	wrdreg s22  }
0xf: {  	s25 =	sadd.s32 $0xB400, s5;
	s15 =	sadd.s32 $0xC800, s5;
	[dreg:$0x9] =	wrdreg s23  }
0x10: {  	s16 =	sadd.s32 $0xDC00, s5;
	s17 =	sadd.s32 $0xF000, s5;
	[dreg:$0xa] =	wrdreg s24  }
.Ltmp0:
0x11: {  	s0 =	sadd.s32 $0xC2000, s0;
	[dreg:$0xb] =	wrdreg s25;
	(pc) =	sbr.rel .LBB2_1-.Ltmp0, $4  }
0x12: {  	s18 =	sadd.s32 $0x10400, s5;
	s19 =	sadd.s32 $0x11800, s5;
	s20 =	sadd.s32 $0x12C00, s5  }
0x13: {  	s21 =	sadd.s32 $0x77E00, s8;
	s22 =	sadd.s32 $0x4E00, s8;
	s23 =	smax.u32 s1, $0x1  }
0x14: {  	s24 =	sadd.s32 s26, s0;
	s25 =	simm.s32 $0x3800;
	s26 =	simm.s32 $0x6  }
0x15: {  	v0 =	vimm.f32 $0.0e+00;
	s1 =	simm.s32 $0x6000;
	s0 =	simm.s32 $0x180;
	s6 =	simm.s32 $0x7400  }
.LBB2_10:
0x16: {  	s7 =	stileid.u32;
	s3 =	sadd.s32 $0x1, s3  }
0x17: {  	[bflag:$0x0] =	sbarrier.arrive $0xFFFF;
	s7 =	sshll.u32 s7, $0x6;
	p0 =	sne.s32 s3, s23  }
.Ltmp1:
0x18: {  	s8 =	sshrl.u32 s5, $0x3;
	s7 =	sor.u32 $0x1C06, s7;
	(pc) =	sbr.rel @!p0 .LBB2_11-.Ltmp1, $4  }
0x19: {  	[hbm:s24], [sflag:s7] =	dma.local [spmem:s8], $0x2800  }
0x1a: {  	_ =	swait.ge [sflag:s26], $0x2800  }
0x1b: {  	[sflag:s26] =	ssyncset.done $0x0  }
0x1c: {  	[sflag:s26] =	ssyncadd.s32 $0xFFFFD800  }
.LBB2_1:
0x1d: {  	s7 =	simm.s32 $0x0;
	s8 =	simm.s32 $0x200  }
.LBB2_2:
0x1e: {  	p0 =	sne.s32 s8, $0x4E00;
	[tilespmem:s7+$0x3870] =	vst v0  }
0x1f: {  	[tilespmem:s7+$0x3800] =	vst v0  }
0x20: {  	[tilespmem:s7+$0x3810] =	vst v0  }
.Ltmp2:
0x21: {  	[tilespmem:s7+$0x3820] =	vst v0;
	(pc) =	sbr.rel @p0 .LBB2_2-.Ltmp2, $4  }
0x22: {  	[tilespmem:s7+$0x3830] =	vst v0  }
0x23: {  	[tilespmem:s7+$0x3840] =	vst v0  }
0x24: {  	[tilespmem:s7+$0x3850] =	vst v0  }
0x25: {  	[tilespmem:s7+$0x3860] =	vst v0;
	s7 =	sshra.s32 s8, $0x2;
	s8 =	sadd.s32 $0x200, s8  }
0x26: {  	[tilespmem:s7+$0x3870] =	vst v0  }
0x27: {  	[tilespmem:s7+$0x3800] =	vst v0  }
0x28: {  	[tilespmem:s7+$0x3810] =	vst v0  }
0x29: {  	[tilespmem:s7+$0x3820] =	vst v0  }
0x2a: {  	[tilespmem:s7+$0x3830] =	vst v0  }
0x2b: {  	[tilespmem:s7+$0x3840] =	vst v0  }
0x2c: {  	[tilespmem:s7+$0x3850] =	vst v0  }
0x2d: {  	[tilespmem:s7+$0x3860] =	vst v0  }
0x2e: {  	[spmem:s5] =	stream.linear.scatter [tilespmem:s25], [sflag:$0x6], $0x1400, $0x38;
	[tilespmem:$0x1DC00] =	vst v63  }
0x2f: {  	_ =	swait.ge [sflag:s26], $0x1400  }
0x30: {  	[sflag:s26] =	ssyncset.done $0x0  }
0x31: {  	s13 =	rddreg [dreg:$0x3];
	[sflag:s26] =	ssyncadd.s32 $0xFFFFEC00  }
0x32: {  	[spmem:s13] =	stream.linear.scatter [tilespmem:s25], [sflag:$0x6], $0x1400, $0x38;
	[tilespmem:$0x1DC00] =	vst v63  }
0x33: {  	_ =	swait.ge [sflag:s26], $0x1400  }
0x34: {  	[sflag:s26] =	ssyncset.done $0x0  }
0x35: {  	s14 =	rddreg [dreg:$0x4];
	[sflag:s26] =	ssyncadd.s32 $0xFFFFEC00  }
0x36: {  	[spmem:s14] =	stream.linear.scatter [tilespmem:s25], [sflag:$0x6], $0x1400, $0x38;
	[tilespmem:$0x1DC00] =	vst v63  }
0x37: {  	_ =	swait.ge [sflag:s26], $0x1400  }
0x38: {  	[sflag:s26] =	ssyncset.done $0x0  }
0x39: {  	s8 =	rddreg [dreg:$0x5];
	[sflag:s26] =	ssyncadd.s32 $0xFFFFEC00  }
0x3a: {  	[spmem:s8] =	stream.linear.scatter [tilespmem:s25], [sflag:$0x6], $0x1400, $0x38;
	[tilespmem:$0x1DC00] =	vst v63  }
0x3b: {  	_ =	swait.ge [sflag:s26], $0x1400  }
0x3c: {  	[sflag:s26] =	ssyncset.done $0x0  }
0x3d: {  	s9 =	rddreg [dreg:$0x6];
	[sflag:s26] =	ssyncadd.s32 $0xFFFFEC00  }
0x3e: {  	[spmem:s9] =	stream.linear.scatter [tilespmem:s25], [sflag:$0x6], $0x1400, $0x38;
	[tilespmem:$0x1DC00] =	vst v63  }
0x3f: {  	_ =	swait.ge [sflag:s26], $0x1400  }
0x40: {  	[sflag:s26] =	ssyncset.done $0x0  }
0x41: {  	s10 =	rddreg [dreg:$0x7];
	[sflag:s26] =	ssyncadd.s32 $0xFFFFEC00  }
0x42: {  	[spmem:s10] =	stream.linear.scatter [tilespmem:s25], [sflag:$0x6], $0x1400, $0x38;
	[tilespmem:$0x1DC00] =	vst v63  }
0x43: {  	_ =	swait.ge [sflag:s26], $0x1400  }
0x44: {  	[sflag:s26] =	ssyncset.done $0x0  }
0x45: {  	s11 =	rddreg [dreg:$0x8];
	[sflag:s26] =	ssyncadd.s32 $0xFFFFEC00  }
0x46: {  	[spmem:s11] =	stream.linear.scatter [tilespmem:s25], [sflag:$0x6], $0x1400, $0x38;
	[tilespmem:$0x1DC00] =	vst v63  }
0x47: {  	_ =	swait.ge [sflag:s26], $0x1400  }
0x48: {  	[sflag:s26] =	ssyncset.done $0x0  }
0x49: {  	s12 =	rddreg [dreg:$0x9];
	[sflag:s26] =	ssyncadd.s32 $0xFFFFEC00  }
0x4a: {  	[spmem:s12] =	stream.linear.scatter [tilespmem:s25], [sflag:$0x6], $0x1400, $0x38;
	[tilespmem:$0x1DC00] =	vst v63  }
0x4b: {  	_ =	swait.ge [sflag:s26], $0x1400  }
0x4c: {  	[sflag:s26] =	ssyncset.done $0x0  }
0x4d: {  	s13 =	rddreg [dreg:$0xa];
	[sflag:s26] =	ssyncadd.s32 $0xFFFFEC00  }
0x4e: {  	[spmem:s13] =	stream.linear.scatter [tilespmem:s25], [sflag:$0x6], $0x1400, $0x38;
	[tilespmem:$0x1DC00] =	vst v63  }
0x4f: {  	_ =	swait.ge [sflag:s26], $0x1400  }
0x50: {  	[sflag:s26] =	ssyncset.done $0x0  }
0x51: {  	s14 =	rddreg [dreg:$0xb];
	[sflag:s26] =	ssyncadd.s32 $0xFFFFEC00  }
0x52: {  	[spmem:s14] =	stream.linear.scatter [tilespmem:s25], [sflag:$0x6], $0x1400, $0x38;
	[tilespmem:$0x1DC00] =	vst v63  }
0x53: {  	_ =	swait.ge [sflag:s26], $0x1400  }
0x54: {  	[sflag:s26] =	ssyncset.done $0x0  }
0x55: {  	[sflag:s26] =	ssyncadd.s32 $0xFFFFEC00  }
0x56: {  	[spmem:s15] =	stream.linear.scatter [tilespmem:s25], [sflag:$0x6], $0x1400, $0x38;
	[tilespmem:$0x1DC00] =	vst v63  }
0x57: {  	_ =	swait.ge [sflag:s26], $0x1400  }
0x58: {  	[sflag:s26] =	ssyncset.done $0x0  }
0x59: {  	[sflag:s26] =	ssyncadd.s32 $0xFFFFEC00  }
0x5a: {  	[spmem:s16] =	stream.linear.scatter [tilespmem:s25], [sflag:$0x6], $0x1400, $0x38;
	[tilespmem:$0x1DC00] =	vst v63  }
0x5b: {  	_ =	swait.ge [sflag:s26], $0x1400  }
0x5c: {  	[sflag:s26] =	ssyncset.done $0x0  }
0x5d: {  	[sflag:s26] =	ssyncadd.s32 $0xFFFFEC00  }
0x5e: {  	[spmem:s17] =	stream.linear.scatter [tilespmem:s25], [sflag:$0x6], $0x1400, $0x38;
	[tilespmem:$0x1DC00] =	vst v63  }
0x5f: {  	_ =	swait.ge [sflag:s26], $0x1400  }
0x60: {  	[sflag:s26] =	ssyncset.done $0x0  }
0x61: {  	[sflag:s26] =	ssyncadd.s32 $0xFFFFEC00  }
0x62: {  	[spmem:s18] =	stream.linear.scatter [tilespmem:s25], [sflag:$0x6], $0x1400, $0x38;
	[tilespmem:$0x1DC00] =	vst v63  }
0x63: {  	_ =	swait.ge [sflag:s26], $0x1400  }
0x64: {  	[sflag:s26] =	ssyncset.done $0x0  }
0x65: {  	[sflag:s26] =	ssyncadd.s32 $0xFFFFEC00  }
0x66: {  	[spmem:s19] =	stream.linear.scatter [tilespmem:s25], [sflag:$0x6], $0x1400, $0x38;
	[tilespmem:$0x1DC00] =	vst v63  }
0x67: {  	_ =	swait.ge [sflag:s26], $0x1400  }
0x68: {  	[sflag:s26] =	ssyncset.done $0x0  }
0x69: {  	[sflag:s26] =	ssyncadd.s32 $0xFFFFEC00  }
0x6a: {  	[spmem:s20] =	stream.linear.scatter [tilespmem:s25], [sflag:$0x6], $0x1400, $0x38;
	[tilespmem:$0x1DC00] =	vst v63  }
.Ltmp3:
0x6b: {  	_ =	swait.ge [sflag:s26], $0x1400;
	(pc) =	sbr.rel .LBB2_4-.Ltmp3, $4  }
0x6c: {  	[sflag:s26] =	ssyncset.done $0x0  }
0x6d: {  	[sflag:s26] =	ssyncadd.s32 $0xFFFFEC00  }
0x6e: {  	[bflag:$0x0] =	sbarrier.arrive $0xFFFF  }
0x6f: {  	s7 =	simm.s32 $0x0;
	s8 =	simm.s32 $0x0  }
.LBB2_9:
0x70: {  	s8 =	sadd.s32 $0x1, s8  }
0x71: {  	p0 =	sne.s32 s8, $0x5  }
.Ltmp4:
0x72: {  	_ = 	snop;
	(pc) =	sbr.rel @!p0 .LBB2_10-.Ltmp4, $1  }
0x73: {  	_ =	sdelay $0x3  }
.LBB2_4:
0x74: {  	s9 =	smul.u32 $0x380, s8;
	_ =	sdelay $0x1  }
0x75: {  	s10 =	sadd.s32 s9, s21  }
0x76: {  	[tilespmem:s7], [sflag:$0x6] =	stream.linear.gather [hbm4b:s10+s7], $0x1900, $0x38;
	[tilespmem:$0x1DC00] =	vst v63  }
0x77: {  	_ =	swait.ge [sflag:s26], $0x1900  }
0x78: {  	[sflag:s26] =	ssyncset.done $0x0  }
0x79: {  	s14 =	sadd.s32 s9, s22;
	s9 =	simm.s32 $0x1C00;
	[sflag:s26] =	ssyncadd.s32 $0xFFFFE700  }
0x7a: {  	[tilespmem:s9], [sflag:$0x6] =	stream.linear.gather [hbm4b:s14+s7], $0x1900, $0x38;
	[tilespmem:$0x1DC00] =	vst v63  }
0x7b: {  	_ =	swait.ge [sflag:s26], $0x1900  }
0x7c: {  	[sflag:s26] =	ssyncset.done $0x0  }
0x7d: {  	[sflag:s26] =	ssyncadd.s32 $0xFFFFE700  }
0x7e: {  	[tilespmem:s25], [sflag:$0x1] =	stream.indirect.gather [hbm4b:s4+s28], $0x80, s7, s28, $0xb8;
	[tilespmem:$0x1DC00] =	vst v63  }
0x7f: {  	_ = 	snop  }
0x80: {  	[tilespmem:s30], [sflag:$0x2] =	stream.indirect.gather [hbm4b:s4+s28], $0x80, s29, s28, $0xb8;
	[tilespmem:$0x1DC00] =	vst v63  }
.Ltmp5:
0x81: {  	_ = 	snop;
	(pc) =	sbr.rel .LBB2_5-.Ltmp5, $4  }
0x82: {  	_ = 	snop  }
0x83: {  	[tilespmem:s1], [sflag:$0x3] =	stream.indirect.gather [hbm4b:s4+s28], $0x80, s31, s28, $0xb8;
	[tilespmem:$0x1DC00] =	vst v63  }
0x84: {  	s11 =	simm.s32 $0x0;
	s10 =	simm.s32 $0x200  }
0x85: {  	[tilespmem:s6], [sflag:$0x4] =	stream.indirect.gather [hbm4b:s4+s28], $0x80, s0, s28, $0xb8;
	[tilespmem:$0x1DC00] =	vst v63  }
.LBB2_7:
0x86: {  	p0 =	seq.s32 s12, $0x2  }
0x87: {  	s13 =	simm.s32 @p0 $0x3  }
0x88: {  	p1 =	sgt.u32 @p0 s11, $0x2D;
	_ =	swait.ge @p0 [sflag:s13], $0x1400  }
0x89: {  	p2 =	seq.s32 @!p0 s12, $0x3;
	p1 =	por p1, !p0;
	[sflag:s13] =	ssyncset.done @p0 $0x0  }
0x8a: {  	s14 =	simm.s32 @!p1 $0x4C00;
	[sflag:s13] =	ssyncadd.s32 @p0 $0xFFFFEC00;
	s13 =	simm.s32 @!p1 $0x28  }
0x8b: {  	[tilespmem:s14], [sflag:$0x2] =	stream.indirect.gather @!p1 [hbm4b:s4+s13], $0x80, s10, s13, $0xb8;
	[tilespmem:$0x1DC00] =	vst v63  }
0x8c: {  	s13 =	simm.s32 @p0 $0x28;
	p1 =	por !p2, p0  }
0x8d: {  	s14 =	simm.s32 @p0 $0x6000;
	p3 =	sgt.u32 @!p1 s11, $0x2D;
	s12 =	simm.s32 @!p1 $0x4  }
0x8e: {  	[spmem:s2] =	stream.indirect.scatter.add.f32 @p0 [tilespmem:s14], [sflag:$0x7], $0x80, s9, s13, $0xb8;
	[tilespmem:$0x1DC00] =	vst v63  }
0x8f: {  	p3 =	por @!p0 p3, !p2;
	_ =	swait.ge @!p1 [sflag:s12], $0x1400  }
0x90: {  	p3 =	por p3, p0;
	[sflag:s12] =	ssyncset.done @!p1 $0x0  }
0x91: {  	s13 =	simm.s32 @!p3 $0x6000;
	[sflag:s12] =	ssyncadd.s32 @!p1 $0xFFFFEC00;
	s12 =	simm.s32 @!p3 $0x28  }
0x92: {  	[tilespmem:s13], [sflag:$0x3] =	stream.indirect.gather @!p3 [hbm4b:s4+s12], $0x80, s10, s12, $0xb8;
	[tilespmem:$0x1DC00] =	vst v63  }
0x93: {  	s12 =	simm.s32 @!p1 $0x28;
	s13 =	simm.s32 @!p1 $0x7400;
	p3 =	por p2, p0  }
0x94: {  	[spmem:s2] =	stream.indirect.scatter.add.f32 @!p1 [tilespmem:s13], [sflag:$0x7], $0x80, s9, s12, $0xb8;
	[tilespmem:$0x1DC00] =	vst v63  }
0x95: {  	p4 =	sgt.u32 @!p3 s11, $0x2D;
	s12 =	simm.s32 @!p3 $0x5  }
0x96: {  	p2 =	por @!p0 p4, p2;
	_ =	swait.ge @!p3 [sflag:s12], $0x1400  }
0x97: {  	p2 =	por p2, p0;
	[sflag:s12] =	ssyncset.done @!p3 $0x0  }
0x98: {  	s13 =	simm.s32 @!p2 $0x7400;
	[sflag:s12] =	ssyncadd.s32 @!p3 $0xFFFFEC00;
	s12 =	simm.s32 @!p2 $0x28  }
0x99: {  	[tilespmem:s13], [sflag:$0x4] =	stream.indirect.gather @!p2 [hbm4b:s4+s12], $0x80, s10, s12, $0xb8;
	[tilespmem:$0x1DC00] =	vst v63  }
0x9a: {  	s12 =	simm.s32 @!p1 $0x7  }
0x9b: {  	s14 =	simm.s32 @!p3 $0x8800;
	s13 =	simm.s32 @!p3 $0x28;
	s12 =	simm.s32 @p1 $0x6  }
0x9c: {  	[spmem:s2] =	stream.indirect.scatter.add.f32 @!p3 [tilespmem:s14], [sflag:$0x6], $0x80, s9, s13, $0xb8;
	[tilespmem:$0x1DC00] =	vst v63  }
0x9d: {  	s12 =	simm.s32 @p0 $0x7  }
.LBB2_8:
0x9e: {  	s11 =	sadd.s32 $0x1, s11  }
0x9f: {  	p0 =	sne.s32 s11, $0x32  }
.Ltmp6:
0xa0: {  	_ = 	snop;
	(pc) =	sbr.rel @!p0 .LBB2_9-.Ltmp6, $4  }
0xa1: {  	_ = 	snop  }
0xa2: {  	_ =	swait.ge [sflag:s12], $0x1400  }
0xa3: {  	[sflag:s12] =	ssyncset.done $0x0  }
0xa4: {  	s10 =	sadd.s32 $0x80, s10;
	s9 =	sadd.s32 $0x80, s9;
	[sflag:s12] =	ssyncadd.s32 $0xFFFFEC00  }
.LBB2_5:
0xa5: {  	s12 =	smul.u32 $0xCD, s11;
	_ =	sdelay $0x1  }
0xa6: {  	s12 =	sshrl.u32 s12, $0xA  }
0xa7: {  	s12 =	sand.u32 $0x3F, s12  }
0xa8: {  	s12 =	smul.u32 $0x5, s12;
	_ =	sdelay $0x1  }
0xa9: {  	s12 =	ssub.s32 s11, s12  }
0xaa: {  	s12 =	sand.u32 $0xFF, s12  }
0xab: {  	p0 =	sgt.s32 s12, $0x1  }
.Ltmp7:
0xac: {  	_ = 	snop;
	(pc) =	sbr.rel @p0 .LBB2_7-.Ltmp7, $1  }
0xad: {  	_ =	sdelay $0x3  }
0xae: {  	p0 =	seq.s32 s12, $0x0  }
0xaf: {  	s12 =	simm.s32 @p0 $0x1  }
0xb0: {  	p1 =	sgt.u32 @p0 s11, $0x2D;
	_ =	swait.ge @p0 [sflag:s12], $0x1400  }
0xb1: {  	p1 =	por p1, !p0;
	[sflag:s12] =	ssyncset.done @p0 $0x0  }
0xb2: {  	s13 =	simm.s32 @!p1 $0x8800;
	[sflag:s12] =	ssyncadd.s32 @p0 $0xFFFFEC00;
	s12 =	simm.s32 @!p1 $0x28  }
0xb3: {  	[tilespmem:s13], [sflag:$0x5] =	stream.indirect.gather @!p1 [hbm4b:s4+s12], $0x80, s10, s12, $0xb8;
	[tilespmem:$0x1DC00] =	vst v63  }
0xb4: {  	s12 =	simm.s32 @p0 $0x28;
	s13 =	simm.s32 @p0 $0x3800  }
0xb5: {  	[spmem:s2] =	stream.indirect.scatter.add.f32 @p0 [tilespmem:s13], [sflag:$0x7], $0x80, s9, s12, $0xb8;
	[tilespmem:$0x1DC00] =	vst v63  }
0xb6: {  	s12 =	simm.s32 @!p0 $0x2  }
0xb7: {  	p1 =	sgt.u32 @!p0 s11, $0x2D;
	_ =	swait.ge @!p0 [sflag:s12], $0x1400  }
0xb8: {  	p1 =	por p1, p0;
	[sflag:s12] =	ssyncset.done @!p0 $0x0  }
0xb9: {  	s13 =	simm.s32 @!p1 $0x3800;
	[sflag:s12] =	ssyncadd.s32 @!p0 $0xFFFFEC00;
	s12 =	simm.s32 @!p1 $0x28  }
0xba: {  	[tilespmem:s13], [sflag:$0x1] =	stream.indirect.gather @!p1 [hbm4b:s4+s12], $0x80, s10, s12, $0xb8;
	[tilespmem:$0x1DC00] =	vst v63  }
.Ltmp8:
0xbb: {  	_ = 	snop;
	(pc) =	sbr.rel .LBB2_8-.Ltmp8, $4  }
0xbc: {  	s12 =	simm.s32 @!p0 $0x28;
	s13 =	simm.s32 @!p0 $0x4C00  }
0xbd: {  	[spmem:s2] =	stream.indirect.scatter.add.f32 @!p0 [tilespmem:s13], [sflag:$0x7], $0x80, s9, s12, $0xb8;
	[tilespmem:$0x1DC00] =	vst v63  }
0xbe: {  	s12 =	simm.s32 @!p0 $0x7  }
0xbf: {  	s12 =	simm.s32 @p0 $0x7  }
.LBB2_11:
0xc0: {  	_ =	sfence.sel $0x180000  }
0xc1: {  	[bflag:$0x0] =	sbarrier.arrive $0xFFFF  }
0xc2: {  	_ =	strace $0x90000050  }
0xc3: {  	s0 =	stileid.u32;
	[bflag:$0x2] =	sbarrier.arrive $0xFFFF  }
0xc4: {  	p0 =	sne.s32 s0, $0x0;
	s0 =	rddreg [dreg:$0x2]  }
0xc5: {  	s0 =	sadd.s32 @!p0 $0x100000, s0  }
0xc6: {  	[sflag:s0] =	ssyncadd.tile.s32 @!p0 $0x1;
	_ =	shalt  }
.Lfunc_end2:
_tile_overlayer_lowered:
.L_overlay_start_2:
0xc7: {  	(tag) =	ssettag $0x2  }
0xc8: {  	s0 =	rddreg [dreg:$0x0];
	s2 =	stileid.u32  }
0xc9: {  	s1 =	rddreg [dreg:$0x1];
	p0 =	sne.s32 s2, $0x0  }
0xca: {  	s3 =	rddreg [dreg:$0x2];
	[bflag:$0x3] =	sbarrier.arrive $0xFFFF;
	s2 =	simm.s32 @!p0 $0x1C06  }
0xcb: {  	[timem:s3], [sflag:s2] =	dma.local @!p0 [hbm:s0], s1  }
0xcc: {  	s0 =	simm.s32 @!p0 $0x6  }
0xcd: {  	_ =	swait.ge @!p0 [sflag:s0], s1  }
0xce: {  	s1 =	ssub.s32 @!p0 $0x0, s1;
	[sflag:s0] =	ssyncset.done @!p0 $0x0  }
0xcf: {  	[sflag:s0] =	ssyncadd.s32 @!p0 s1  }
0xd0: {  	[bflag:$0x3] =	sbarrier.arrive $0xFFFF  }
0xd1: {  	_ =	shalt  }

</sc_bundles>
